<compile_context>
chip_gen: v7x
topology: tpu7x:2x2x1
jax: 0.10.2.dev20260603
libtpu: 0.0.44.dev20260713+nightly
codegen_flags: <defaults>
</compile_context>

<pallas_src>
import functools

import jax
import jax.numpy as jnp
from jax import lax
from jax.experimental import pallas as pl
from jax.experimental.pallas import tpu as pltpu
from jax.experimental.pallas import tpu_sc as plsc

_D = 32
_V = 257
_S = 2048
_MAXP = (_V - 1) // 2

_NC = 2
_NS = 16
_ROWS_PER_W = _S // (_NC * _NS)
_EPAD = 33
_STRIPE = 384
_NTILES = (_S - _STRIPE) // 128


def _band_body(emb_hbm, out_hbm, tmp, epad, bigbuf, sb0, sb1, sem_s, sem_c):
    c = lax.axis_index("c")
    s = lax.axis_index("s")
    base = (s * _NC + c) * _ROWS_PER_W

    pltpu.sync_copy(emb_hbm, tmp)
    lanes = lax.iota(jnp.int32, 16)

    def stage(pos, carry):
        epad[pl.ds(pos * _EPAD, 16)] = tmp[pl.ds(pos * _D, 16)]
        epad[pl.ds(pos * _EPAD + 16, 16)] = tmp[pl.ds(pos * _D + 16, 16)]
        return carry

    lax.fori_loop(0, _V, stage, 0)

    def gather_chunk(buf, i, j0, x0):
        pos = jnp.clip(j0 + lanes - i + _MAXP, 0, _V - 1) * _EPAD
        for d in range(_D):
            buf[d, pl.ds(x0, 16)] = plsc.load_gather(epad, [pos + d])

    def full_chunk(ci, carry):
        gather_chunk(bigbuf, base, ci * 16, ci * 16)
        return carry

    lax.fori_loop(0, _S // 16, full_chunk, 0)

    a_col = jnp.clip(((base - _MAXP) >> 7) << 7, 0, _S - _STRIPE)
    a_col = pl.multiple_of(a_col, 128)
    aidx = a_col >> 7

    def row(k, sb):
        i = base + k

        @pl.when(k >= 2)
        def _():
            pltpu.make_async_copy(
                sb, out_hbm.at[base, :, pl.ds(a_col, _STRIPE)], sem_s
            ).wait()

        def upd(u, carry):
            gather_chunk(sb, i, a_col + u * 16, u * 16)
            return carry

        lax.fori_loop(0, _STRIPE // 16, upd, 0)
        pltpu.async_copy(sb, out_hbm.at[i, :, pl.ds(a_col, _STRIPE)], sem_s)
        for t in range(_NTILES):
            @pl.when(t < aidx)
            def _():
                pltpu.async_copy(
                    bigbuf.at[:, pl.ds(128 * t, 128)],
                    out_hbm.at[i, :, pl.ds(128 * t, 128)],
                    sem_c,
                )

            @pl.when(t >= aidx)
            def _():
                pltpu.async_copy(
                    bigbuf.at[:, pl.ds(128 * t + _STRIPE, 128)],
                    out_hbm.at[i, :, pl.ds(128 * t + _STRIPE, 128)],
                    sem_c,
                )

        @pl.when(k >= 2)
        def _():
            for t in range(_NTILES):
                pltpu.make_async_copy(
                    bigbuf.at[:, pl.ds(0, 128)],
                    out_hbm.at[base, :, pl.ds(0, 128)],
                    sem_c,
                ).wait()

    def row_pair(k2, carry):
        row(2 * k2, sb0)
        row(2 * k2 + 1, sb1)
        return carry

    lax.fori_loop(0, _ROWS_PER_W // 2, row_pair, 0)

    for t in range(2 * _NTILES):
        pltpu.make_async_copy(
            bigbuf.at[:, pl.ds(0, 128)],
            out_hbm.at[base, :, pl.ds(0, 128)],
            sem_c,
        ).wait()
    for sb in (sb0, sb1):
        pltpu.make_async_copy(
            sb, out_hbm.at[base, :, pl.ds(a_col, _STRIPE)], sem_s
        ).wait()


@jax.jit
def _expand(emb_flat):
    mesh = plsc.VectorSubcoreMesh(core_axis_name="c", subcore_axis_name="s")
    call = functools.partial(
        pl.kernel,
        out_type=jax.ShapeDtypeStruct((_S, _D, _S), jnp.float32),
        mesh=mesh,
        compiler_params=pltpu.CompilerParams(needs_layout_passes=False),
        scratch_types=[
            pltpu.VMEM((_V * _D,), jnp.float32),
            pltpu.VMEM((_V * _EPAD,), jnp.float32),
            pltpu.VMEM((_D, _S), jnp.float32),
            pltpu.VMEM((_D, _STRIPE), jnp.float32),
            pltpu.VMEM((_D, _STRIPE), jnp.float32),
            pltpu.SemaphoreType.DMA,
            pltpu.SemaphoreType.DMA,
        ],
    )(_band_body)
    return call(emb_flat)


def kernel(q, v, embeddings):
    assert q.shape[1] == _S and v.shape[1] == _S
    assert embeddings.shape == (_V, _D)
    out_t = _expand(embeddings.reshape(-1))
    return jnp.swapaxes(out_t, 1, 2)

# --- scband reference (transcript-rebuilt; emitter-appended) ---
"""Pipeline reference for scband-relative-position-embedding-17248588661436 (READ-ONLY COPY).

The authoritative reference and input builder live on the scoring server;
editing this copy changes nothing except your own understanding.
"""

import jax, jax.numpy as jnp
import numpy as np


def setup_inputs(seed: int = 0) -> dict:
    key = jax.random.key(seed)
    kq, kv, ke = jax.random.split(key, 3)
    q = jax.random.normal(kq, (1, 2048, 768), dtype=jnp.float32)
    v = jax.random.normal(kv, (1, 2048, 768), dtype=jnp.float32)
    embeddings = jax.random.normal(ke, (257, 32), dtype=jnp.float32) * 0.02
    return {"q": q, "v": v, "embeddings": embeddings}


def reference(q, v, embeddings):
    # compute_position_ids: relative positions clipped to window, shifted to be >= 0
    input_dim = embeddings.shape[0]
    q_len = q.shape[1]
    v_len = v.shape[1]
    q_idxs = jnp.arange(q_len, dtype=jnp.int32)[:, None]   # [q_len, 1]
    v_idxs = jnp.arange(v_len, dtype=jnp.int32)[None, :]   # [1, v_len]
    pos_ids = v_idxs - q_idxs                               # [q_len, v_len]
    max_position = (input_dim - 1) // 2
    pos_ids = jnp.clip(pos_ids, -max_position, max_position)
    pos_ids = pos_ids + max_position
    # K.gather(embeddings, pos_ids) -> [q_len, v_len, output_dim]
    return jnp.take(embeddings, pos_ids, axis=0)

if __name__ == "__main__":
    import jax
    _d = setup_inputs()
    print(jax.jit(kernel)(*tuple(_d.values())))

</pallas_src>

<mosaic_0001>
#map = affine_map<(d0, d1) -> (0)>
#map1 = affine_map<(d0, d1) -> (0, 0, 0)>
module attributes {stable_mosaic.version = 14 : i64} {
  func.func @_band_body(%arg0: i32, %arg1: i32, %arg2: memref<8224xf32, #tpu.memory_space<hbm>>, %arg3: memref<2048x32x2048xf32, #tpu.memory_space<hbm>>, %arg4: memref<8224xf32, #tpu.memory_space<vmem>>, %arg5: memref<8481xf32, #tpu.memory_space<vmem>>, %arg6: memref<32x2048xf32, #tpu.memory_space<vmem>>, %arg7: memref<32x384xf32, #tpu.memory_space<vmem>>, %arg8: memref<32x384xf32, #tpu.memory_space<vmem>>, %arg9: memref<!tpu.dma_semaphore, #tpu.memory_space<semaphore_mem>>, %arg10: memref<!tpu.dma_semaphore, #tpu.memory_space<semaphore_mem>>) attributes {dimension_semantics = [#tpu.dimension_semantics<core_parallel>, #tpu.dimension_semantics<subcore_parallel>], iteration_bounds = array<i64: 2, 16>, scalar_prefetch = 0 : i64, scratch_operands = 7 : i64, tpu.core_type = #tpu.core_type<sc_vector_subcore>, window_params = [{transform_indices = #map}, {transform_indices = #map1}]} {
    %mul3A = arith.constant 2 : i32
    %mul3A_0 = arith.muli %arg1, %mul3A : i32
    %add3A = arith.addi %mul3A_0, %arg0 : i32
    %mul3A_1 = arith.constant 64 : i32
    %mul3A_2 = arith.muli %add3A, %mul3A_1 : i32
    "tpu.region"() ({
      %run_scoped3A = tpu.sem_alloc : memref<!tpu.dma_semaphore, #tpu.memory_space<semaphore_mem>>
      tpu.enqueue_dma source(%arg2 : memref<8224xf32, #tpu.memory_space<hbm>>) target(%arg4 : memref<8224xf32, #tpu.memory_space<vmem>>) target_semaphore(%run_scoped3A : memref<!tpu.dma_semaphore, #tpu.memory_space<semaphore_mem>>)
      tpu.wait_dma2 semaphore(%run_scoped3A : memref<!tpu.dma_semaphore, #tpu.memory_space<semaphore_mem>>) src(%arg2 : memref<8224xf32, #tpu.memory_space<hbm>>) dst(%arg4 : memref<8224xf32, #tpu.memory_space<vmem>>)
      tpu.yield
    }) : () -> ()
    %iota3A = tpu.iota {dimensions = array<i32: 0>} : vector<16xi32>
    %scan3A = arith.constant 0 : i32
    %scan3A_3 = arith.constant 0 : i32
    %scan3A_4 = arith.constant 257 : i32
    %scan3A_5 = arith.addi %scan3A_3, %scan3A_4 : i32
    %scan3A_6 = arith.constant 1 : i32
    scf.for %scan3A_401 = %scan3A_3 to %scan3A_5 step %scan3A_6  : i32 {
      %mul3A_402 = arith.constant 32 : i32
      %mul3A_403 = arith.muli %scan3A_401, %mul3A_402 : i32
      %get3A = arith.index_cast %mul3A_403 : i32 to index
      %get3A_404 = tpu.vector_load %arg4[%get3A] {strides = array<i32>} : memref<8224xf32, #tpu.memory_space<vmem>>, vector<16xf32>,
      %mul3A_405 = arith.constant 33 : i32
      %mul3A_406 = arith.muli %scan3A_401, %mul3A_405 : i32
      %swap3A = arith.index_cast %mul3A_406 : i32 to index
      %swap3A_407 = tpu.vector_load %arg5[%swap3A] {strides = array<i32>} : memref<8481xf32, #tpu.memory_space<vmem>>, vector<16xf32>,
      tpu.vector_store %arg5[%swap3A], %get3A_404 {strides = array<i32>} : memref<8481xf32, #tpu.memory_space<vmem>>, vector<16xf32>,
      %mul3A_408 = arith.constant 32 : i32
      %mul3A_409 = arith.muli %scan3A_401, %mul3A_408 : i32
      %add3A_410 = arith.constant 16 : i32
      %add3A_411 = arith.addi %mul3A_409, %add3A_410 : i32
      %get3A_412 = arith.index_cast %add3A_411 : i32 to index
      %get3A_413 = tpu.vector_load %arg4[%get3A_412] {strides = array<i32>} : memref<8224xf32, #tpu.memory_space<vmem>>, vector<16xf32>,
      %mul3A_414 = arith.constant 33 : i32
      %mul3A_415 = arith.muli %scan3A_401, %mul3A_414 : i32
      %add3A_416 = arith.constant 16 : i32
      %add3A_417 = arith.addi %mul3A_415, %add3A_416 : i32
      %swap3A_418 = arith.index_cast %add3A_417 : i32 to index
      %swap3A_419 = tpu.vector_load %arg5[%swap3A_418] {strides = array<i32>} : memref<8481xf32, #tpu.memory_space<vmem>>, vector<16xf32>,
      tpu.vector_store %arg5[%swap3A_418], %get3A_413 {strides = array<i32>} : memref<8481xf32, #tpu.memory_space<vmem>>, vector<16xf32>,
    }
    %scan3A_7 = arith.constant 257 : i32
    %scan3A_8 = arith.constant 0 : i32
    %scan3A_9 = arith.constant 0 : i32
    %scan3A_10 = arith.constant 128 : i32
    %scan3A_11 = arith.addi %scan3A_9, %scan3A_10 : i32
    %scan3A_12 = arith.constant 1 : i32
    scf.for %scan3A_401 = %scan3A_9 to %scan3A_11 step %scan3A_12  : i32 {
      %mul3A_402 = arith.constant 16 : i32
      %mul3A_403 = arith.muli %scan3A_401, %mul3A_402 : i32
      %mul3A_404 = arith.constant 16 : i32
      %mul3A_405 = arith.muli %scan3A_401, %mul3A_404 : i32
      %add3A_406 = vector.broadcast %mul3A_403 : i32 to vector<16xi32>
      %add3A_407 = arith.addi %add3A_406, %iota3A : vector<16xi32>
      %sub3A_408 = vector.broadcast %mul3A_2 : i32 to vector<16xi32>
      %sub3A_409 = arith.subi %add3A_407, %sub3A_408 : vector<16xi32>
      %add3A_410 = arith.constant 128 : i32
      %add3A_411 = vector.broadcast %add3A_410 : i32 to vector<16xi32>
      %add3A_412 = arith.addi %sub3A_409, %add3A_411 : vector<16xi32>
      %jit3A_413 = arith.constant 0 : i32
      %jit3A_414 = arith.constant 256 : i32
      %max3A_415 = vector.broadcast %jit3A_413 : i32 to vector<16xi32>
      %max3A_416 = arith.maxsi %max3A_415, %add3A_412 : vector<16xi32>
      %min3A_417 = vector.broadcast %jit3A_414 : i32 to vector<16xi32>
      %min3A_418 = arith.minsi %min3A_417, %max3A_416 : vector<16xi32>
      %mul3A_419 = arith.constant 33 : i32
      %mul3A_420 = vector.broadcast %mul3A_419 : i32 to vector<16xi32>
      %mul3A_421 = arith.muli %min3A_418, %mul3A_420 : vector<16xi32>
      %add3A_422 = arith.constant 0 : i32
      %add3A_423 = vector.broadcast %add3A_422 : i32 to vector<16xi32>
      %add3A_424 = arith.addi %mul3A_421, %add3A_423 : vector<16xi32>
      %gather3A = tpu.vector_load_idx %arg5[%add3A_424] : memref<8481xf32, #tpu.memory_space<vmem>>[vector<16xi32>], vector<16xf32>,
      %swap3A = arith.constant 0 : i32
      %swap3A_425 = arith.index_cast %swap3A : i32 to index
      %swap3A_426 = arith.index_cast %mul3A_405 : i32 to index
      %swap3A_427 = tpu.vector_load %arg6[%swap3A_425, %swap3A_426] {strides = array<i32>} : memref<32x2048xf32, #tpu.memory_space<vmem>>, vector<16xf32>,
      tpu.vector_store %arg6[%swap3A_425, %swap3A_426], %gather3A {strides = array<i32>} : memref<32x2048xf32, #tpu.memory_space<vmem>>, vector<16xf32>,
      %add3A_428 = arith.constant 1 : i32
      %add3A_429 = vector.broadcast %add3A_428 : i32 to vector<16xi32>
      %add3A_430 = arith.addi %mul3A_421, %add3A_429 : vector<16xi32>
      %gather3A_431 = tpu.vector_load_idx %arg5[%add3A_430] : memref<8481xf32, #tpu.memory_space<vmem>>[vector<16xi32>], vector<16xf32>,
      %swap3A_432 = arith.constant 1 : i32
      %swap3A_433 = arith.index_cast %swap3A_432 : i32 to index
      %swap3A_434 = arith.index_cast %mul3A_405 : i32 to index
      %swap3A_435 = tpu.vector_load %arg6[%swap3A_433, %swap3A_434] {strides = array<i32>} : memref<32x2048xf32, #tpu.memory_space<vmem>>, vector<16xf32>,
      tpu.vector_store %arg6[%swap3A_433, %swap3A_434], %gather3A_431 {strides = array<i32>} : memref<32x2048xf32, #tpu.memory_space<vmem>>, vector<16xf32>,
      %add3A_436 = arith.constant 2 : i32
      %add3A_437 = vector.broadcast %add3A_436 : i32 to vector<16xi32>
      %add3A_438 = arith.addi %mul3A_421, %add3A_437 : vector<16xi32>
      %gather3A_439 = tpu.vector_load_idx %arg5[%add3A_438] : memref<8481xf32, #tpu.memory_space<vmem>>[vector<16xi32>], vector<16xf32>,
      %swap3A_440 = arith.constant 2 : i32
      %swap3A_441 = arith.index_cast %swap3A_440 : i32 to index
      %swap3A_442 = arith.index_cast %mul3A_405 : i32 to index
      %swap3A_443 = tpu.vector_load %arg6[%swap3A_441, %swap3A_442] {strides = array<i32>} : memref<32x2048xf32, #tpu.memory_space<vmem>>, vector<16xf32>,
      tpu.vector_store %arg6[%swap3A_441, %swap3A_442], %gather3A_439 {strides = array<i32>} : memref<32x2048xf32, #tpu.memory_space<vmem>>, vector<16xf32>,
      %add3A_444 = arith.constant 3 : i32
      %add3A_445 = vector.broadcast %add3A_444 : i32 to vector<16xi32>
      %add3A_446 = arith.addi %mul3A_421, %add3A_445 : vector<16xi32>
      %gather3A_447 = tpu.vector_load_idx %arg5[%add3A_446] : memref<8481xf32, #tpu.memory_space<vmem>>[vector<16xi32>], vector<16xf32>,
      %swap3A_448 = arith.constant 3 : i32
      %swap3A_449 = arith.index_cast %swap3A_448 : i32 to index
      %swap3A_450 = arith.index_cast %mul3A_405 : i32 to index
      %swap3A_451 = tpu.vector_load %arg6[%swap3A_449, %swap3A_450] {strides = array<i32>} : memref<32x2048xf32, #tpu.memory_space<vmem>>, vector<16xf32>,
      tpu.vector_store %arg6[%swap3A_449, %swap3A_450], %gather3A_447 {strides = array<i32>} : memref<32x2048xf32, #tpu.memory_space<vmem>>, vector<16xf32>,
      %add3A_452 = arith.constant 4 : i32
      %add3A_453 = vector.broadcast %add3A_452 : i32 to vector<16xi32>
      %add3A_454 = arith.addi %mul3A_421, %add3A_453 : vector<16xi32>
      %gather3A_455 = tpu.vector_load_idx %arg5[%add3A_454] : memref<8481xf32, #tpu.memory_space<vmem>>[vector<16xi32>], vector<16xf32>,
      %swap3A_456 = arith.constant 4 : i32
      %swap3A_457 = arith.index_cast %swap3A_456 : i32 to index
      %swap3A_458 = arith.index_cast %mul3A_405 : i32 to index
      %swap3A_459 = tpu.vector_load %arg6[%swap3A_457, %swap3A_458] {strides = array<i32>} : memref<32x2048xf32, #tpu.memory_space<vmem>>, vector<16xf32>,
      tpu.vector_store %arg6[%swap3A_457, %swap3A_458], %gather3A_455 {strides = array<i32>} : memref<32x2048xf32, #tpu.memory_space<vmem>>, vector<16xf32>,
      %add3A_460 = arith.constant 5 : i32
      %add3A_461 = vector.broadcast %add3A_460 : i32 to vector<16xi32>
      %add3A_462 = arith.addi %mul3A_421, %add3A_461 : vector<16xi32>
      %gather3A_463 = tpu.vector_load_idx %arg5[%add3A_462] : memref<8481xf32, #tpu.memory_space<vmem>>[vector<16xi32>], vector<16xf32>,
      %swap3A_464 = arith.constant 5 : i32
      %swap3A_465 = arith.index_cast %swap3A_464 : i32 to index
      %swap3A_466 = arith.index_cast %mul3A_405 : i32 to index
      %swap3A_467 = tpu.vector_load %arg6[%swap3A_465, %swap3A_466] {strides = array<i32>} : memref<32x2048xf32, #tpu.memory_space<vmem>>, vector<16xf32>,
      tpu.vector_store %arg6[%swap3A_465, %swap3A_466], %gather3A_463 {strides = array<i32>} : memref<32x2048xf32, #tpu.memory_space<vmem>>, vector<16xf32>,
      %add3A_468 = arith.constant 6 : i32
      %add3A_469 = vector.broadcast %add3A_468 : i32 to vector<16xi32>
      %add3A_470 = arith.addi %mul3A_421, %add3A_469 : vector<16xi32>
      %gather3A_471 = tpu.vector_load_idx %arg5[%add3A_470] : memref<8481xf32, #tpu.memory_space<vmem>>[vector<16xi32>], vector<16xf32>,
      %swap3A_472 = arith.constant 6 : i32
      %swap3A_473 = arith.index_cast %swap3A_472 : i32 to index
      %swap3A_474 = arith.index_cast %mul3A_405 : i32 to index
      %swap3A_475 = tpu.vector_load %arg6[%swap3A_473, %swap3A_474] {strides = array<i32>} : memref<32x2048xf32, #tpu.memory_space<vmem>>, vector<16xf32>,
      tpu.vector_store %arg6[%swap3A_473, %swap3A_474], %gather3A_471 {strides = array<i32>} : memref<32x2048xf32, #tpu.memory_space<vmem>>, vector<16xf32>,
      %add3A_476 = arith.constant 7 : i32
      %add3A_477 = vector.broadcast %add3A_476 : i32 to vector<16xi32>
      %add3A_478 = arith.addi %mul3A_421, %add3A_477 : vector<16xi32>
      %gather3A_479 = tpu.vector_load_idx %arg5[%add3A_478] : memref<8481xf32, #tpu.memory_space<vmem>>[vector<16xi32>], vector<16xf32>,
      %swap3A_480 = arith.constant 7 : i32
      %swap3A_481 = arith.index_cast %swap3A_480 : i32 to index
      %swap3A_482 = arith.index_cast %mul3A_405 : i32 to index
      %swap3A_483 = tpu.vector_load %arg6[%swap3A_481, %swap3A_482] {strides = array<i32>} : memref<32x2048xf32, #tpu.memory_space<vmem>>, vector<16xf32>,
      tpu.vector_store %arg6[%swap3A_481, %swap3A_482], %gather3A_479 {strides = array<i32>} : memref<32x2048xf32, #tpu.memory_space<vmem>>, vector<16xf32>,
      %add3A_484 = arith.constant 8 : i32
      %add3A_485 = vector.broadcast %add3A_484 : i32 to vector<16xi32>
      %add3A_486 = arith.addi %mul3A_421, %add3A_485 : vector<16xi32>
      %gather3A_487 = tpu.vector_load_idx %arg5[%add3A_486] : memref<8481xf32, #tpu.memory_space<vmem>>[vector<16xi32>], vector<16xf32>,
      %swap3A_488 = arith.constant 8 : i32
      %swap3A_489 = arith.index_cast %swap3A_488 : i32 to index
      %swap3A_490 = arith.index_cast %mul3A_405 : i32 to index
      %swap3A_491 = tpu.vector_load %arg6[%swap3A_489, %swap3A_490] {strides = array<i32>} : memref<32x2048xf32, #tpu.memory_space<vmem>>, vector<16xf32>,
      tpu.vector_store %arg6[%swap3A_489, %swap3A_490], %gather3A_487 {strides = array<i32>} : memref<32x2048xf32, #tpu.memory_space<vmem>>, vector<16xf32>,
      %add3A_492 = arith.constant 9 : i32
      %add3A_493 = vector.broadcast %add3A_492 : i32 to vector<16xi32>
      %add3A_494 = arith.addi %mul3A_421, %add3A_493 : vector<16xi32>
      %gather3A_495 = tpu.vector_load_idx %arg5[%add3A_494] : memref<8481xf32, #tpu.memory_space<vmem>>[vector<16xi32>], vector<16xf32>,
      %swap3A_496 = arith.constant 9 : i32
      %swap3A_497 = arith.index_cast %swap3A_496 : i32 to index
      %swap3A_498 = arith.index_cast %mul3A_405 : i32 to index
      %swap3A_499 = tpu.vector_load %arg6[%swap3A_497, %swap3A_498] {strides = array<i32>} : memref<32x2048xf32, #tpu.memory_space<vmem>>, vector<16xf32>,
      tpu.vector_store %arg6[%swap3A_497, %swap3A_498], %gather3A_495 {strides = array<i32>} : memref<32x2048xf32, #tpu.memory_space<vmem>>, vector<16xf32>,
      %add3A_500 = arith.constant 10 : i32
      %add3A_501 = vector.broadcast %add3A_500 : i32 to vector<16xi32>
      %add3A_502 = arith.addi %mul3A_421, %add3A_501 : vector<16xi32>
      %gather3A_503 = tpu.vector_load_idx %arg5[%add3A_502] : memref<8481xf32, #tpu.memory_space<vmem>>[vector<16xi32>], vector<16xf32>,
      %swap3A_504 = arith.constant 10 : i32
      %swap3A_505 = arith.index_cast %swap3A_504 : i32 to index
      %swap3A_506 = arith.index_cast %mul3A_405 : i32 to index
      %swap3A_507 = tpu.vector_load %arg6[%swap3A_505, %swap3A_506] {strides = array<i32>} : memref<32x2048xf32, #tpu.memory_space<vmem>>, vector<16xf32>,
      tpu.vector_store %arg6[%swap3A_505, %swap3A_506], %gather3A_503 {strides = array<i32>} : memref<32x2048xf32, #tpu.memory_space<vmem>>, vector<16xf32>,
      %add3A_508 = arith.constant 11 : i32
      %add3A_509 = vector.broadcast %add3A_508 : i32 to vector<16xi32>
      %add3A_510 = arith.addi %mul3A_421, %add3A_509 : vector<16xi32>
      %gather3A_511 = tpu.vector_load_idx %arg5[%add3A_510] : memref<8481xf32, #tpu.memory_space<vmem>>[vector<16xi32>], vector<16xf32>,
      %swap3A_512 = arith.constant 11 : i32
      %swap3A_513 = arith.index_cast %swap3A_512 : i32 to index
      %swap3A_514 = arith.index_cast %mul3A_405 : i32 to index
      %swap3A_515 = tpu.vector_load %arg6[%swap3A_513, %swap3A_514] {strides = array<i32>} : memref<32x2048xf32, #tpu.memory_space<vmem>>, vector<16xf32>,
      tpu.vector_store %arg6[%swap3A_513, %swap3A_514], %gather3A_511 {strides = array<i32>} : memref<32x2048xf32, #tpu.memory_space<vmem>>, vector<16xf32>,
      %add3A_516 = arith.constant 12 : i32
      %add3A_517 = vector.broadcast %add3A_516 : i32 to vector<16xi32>
      %add3A_518 = arith.addi %mul3A_421, %add3A_517 : vector<16xi32>
      %gather3A_519 = tpu.vector_load_idx %arg5[%add3A_518] : memref<8481xf32, #tpu.memory_space<vmem>>[vector<16xi32>], vector<16xf32>,
      %swap3A_520 = arith.constant 12 : i32
      %swap3A_521 = arith.index_cast %swap3A_520 : i32 to index
      %swap3A_522 = arith.index_cast %mul3A_405 : i32 to index
      %swap3A_523 = tpu.vector_load %arg6[%swap3A_521, %swap3A_522] {strides = array<i32>} : memref<32x2048xf32, #tpu.memory_space<vmem>>, vector<16xf32>,
      tpu.vector_store %arg6[%swap3A_521, %swap3A_522], %gather3A_519 {strides = array<i32>} : memref<32x2048xf32, #tpu.memory_space<vmem>>, vector<16xf32>,
      %add3A_524 = arith.constant 13 : i32
      %add3A_525 = vector.broadcast %add3A_524 : i32 to vector<16xi32>
      %add3A_526 = arith.addi %mul3A_421, %add3A_525 : vector<16xi32>
      %gather3A_527 = tpu.vector_load_idx %arg5[%add3A_526] : memref<8481xf32, #tpu.memory_space<vmem>>[vector<16xi32>], vector<16xf32>,
      %swap3A_528 = arith.constant 13 : i32
      %swap3A_529 = arith.index_cast %swap3A_528 : i32 to index
      %swap3A_530 = arith.index_cast %mul3A_405 : i32 to index
      %swap3A_531 = tpu.vector_load %arg6[%swap3A_529, %swap3A_530] {strides = array<i32>} : memref<32x2048xf32, #tpu.memory_space<vmem>>, vector<16xf32>,
      tpu.vector_store %arg6[%swap3A_529, %swap3A_530], %gather3A_527 {strides = array<i32>} : memref<32x2048xf32, #tpu.memory_space<vmem>>, vector<16xf32>,
      %add3A_532 = arith.constant 14 : i32
      %add3A_533 = vector.broadcast %add3A_532 : i32 to vector<16xi32>
      %add3A_534 = arith.addi %mul3A_421, %add3A_533 : vector<16xi32>
      %gather3A_535 = tpu.vector_load_idx %arg5[%add3A_534] : memref<8481xf32, #tpu.memory_space<vmem>>[vector<16xi32>], vector<16xf32>,
      %swap3A_536 = arith.constant 14 : i32
      %swap3A_537 = arith.index_cast %swap3A_536 : i32 to index
      %swap3A_538 = arith.index_cast %mul3A_405 : i32 to index
      %swap3A_539 = tpu.vector_load %arg6[%swap3A_537, %swap3A_538] {strides = array<i32>} : memref<32x2048xf32, #tpu.memory_space<vmem>>, vector<16xf32>,
      tpu.vector_store %arg6[%swap3A_537, %swap3A_538], %gather3A_535 {strides = array<i32>} : memref<32x2048xf32, #tpu.memory_space<vmem>>, vector<16xf32>,
      %add3A_540 = arith.constant 15 : i32
      %add3A_541 = vector.broadcast %add3A_540 : i32 to vector<16xi32>
      %add3A_542 = arith.addi %mul3A_421, %add3A_541 : vector<16xi32>
      %gather3A_543 = tpu.vector_load_idx %arg5[%add3A_542] : memref<8481xf32, #tpu.memory_space<vmem>>[vector<16xi32>], vector<16xf32>,
      %swap3A_544 = arith.constant 15 : i32
      %swap3A_545 = arith.index_cast %swap3A_544 : i32 to index
      %swap3A_546 = arith.index_cast %mul3A_405 : i32 to index
      %swap3A_547 = tpu.vector_load %arg6[%swap3A_545, %swap3A_546] {strides = array<i32>} : memref<32x2048xf32, #tpu.memory_space<vmem>>, vector<16xf32>,
      tpu.vector_store %arg6[%swap3A_545, %swap3A_546], %gather3A_543 {strides = array<i32>} : memref<32x2048xf32, #tpu.memory_space<vmem>>, vector<16xf32>,
      %add3A_548 = arith.constant 16 : i32
      %add3A_549 = vector.broadcast %add3A_548 : i32 to vector<16xi32>
      %add3A_550 = arith.addi %mul3A_421, %add3A_549 : vector<16xi32>
      %gather3A_551 = tpu.vector_load_idx %arg5[%add3A_550] : memref<8481xf32, #tpu.memory_space<vmem>>[vector<16xi32>], vector<16xf32>,
      %swap3A_552 = arith.constant 16 : i32
      %swap3A_553 = arith.index_cast %swap3A_552 : i32 to index
      %swap3A_554 = arith.index_cast %mul3A_405 : i32 to index
      %swap3A_555 = tpu.vector_load %arg6[%swap3A_553, %swap3A_554] {strides = array<i32>} : memref<32x2048xf32, #tpu.memory_space<vmem>>, vector<16xf32>,
      tpu.vector_store %arg6[%swap3A_553, %swap3A_554], %gather3A_551 {strides = array<i32>} : memref<32x2048xf32, #tpu.memory_space<vmem>>, vector<16xf32>,
      %add3A_556 = arith.constant 17 : i32
      %add3A_557 = vector.broadcast %add3A_556 : i32 to vector<16xi32>
      %add3A_558 = arith.addi %mul3A_421, %add3A_557 : vector<16xi32>
      %gather3A_559 = tpu.vector_load_idx %arg5[%add3A_558] : memref<8481xf32, #tpu.memory_space<vmem>>[vector<16xi32>], vector<16xf32>,
      %swap3A_560 = arith.constant 17 : i32
      %swap3A_561 = arith.index_cast %swap3A_560 : i32 to index
      %swap3A_562 = arith.index_cast %mul3A_405 : i32 to index
      %swap3A_563 = tpu.vector_load %arg6[%swap3A_561, %swap3A_562] {strides = array<i32>} : memref<32x2048xf32, #tpu.memory_space<vmem>>, vector<16xf32>,
      tpu.vector_store %arg6[%swap3A_561, %swap3A_562], %gather3A_559 {strides = array<i32>} : memref<32x2048xf32, #tpu.memory_space<vmem>>, vector<16xf32>,
      %add3A_564 = arith.constant 18 : i32
      %add3A_565 = vector.broadcast %add3A_564 : i32 to vector<16xi32>
      %add3A_566 = arith.addi %mul3A_421, %add3A_565 : vector<16xi32>
      %gather3A_567 = tpu.vector_load_idx %arg5[%add3A_566] : memref<8481xf32, #tpu.memory_space<vmem>>[vector<16xi32>], vector<16xf32>,
      %swap3A_568 = arith.constant 18 : i32
      %swap3A_569 = arith.index_cast %swap3A_568 : i32 to index
      %swap3A_570 = arith.index_cast %mul3A_405 : i32 to index
      %swap3A_571 = tpu.vector_load %arg6[%swap3A_569, %swap3A_570] {strides = array<i32>} : memref<32x2048xf32, #tpu.memory_space<vmem>>, vector<16xf32>,
      tpu.vector_store %arg6[%swap3A_569, %swap3A_570], %gather3A_567 {strides = array<i32>} : memref<32x2048xf32, #tpu.memory_space<vmem>>, vector<16xf32>,
      %add3A_572 = arith.constant 19 : i32
      %add3A_573 = vector.broadcast %add3A_572 : i32 to vector<16xi32>
      %add3A_574 = arith.addi %mul3A_421, %add3A_573 : vector<16xi32>
      %gather3A_575 = tpu.vector_load_idx %arg5[%add3A_574] : memref<8481xf32, #tpu.memory_space<vmem>>[vector<16xi32>], vector<16xf32>,
      %swap3A_576 = arith.constant 19 : i32
      %swap3A_577 = arith.index_cast %swap3A_576 : i32 to index
      %swap3A_578 = arith.index_cast %mul3A_405 : i32 to index
      %swap3A_579 = tpu.vector_load %arg6[%swap3A_577, %swap3A_578] {strides = array<i32>} : memref<32x2048xf32, #tpu.memory_space<vmem>>, vector<16xf32>,
      tpu.vector_store %arg6[%swap3A_577, %swap3A_578], %gather3A_575 {strides = array<i32>} : memref<32x2048xf32, #tpu.memory_space<vmem>>, vector<16xf32>,
      %add3A_580 = arith.constant 20 : i32
      %add3A_581 = vector.broadcast %add3A_580 : i32 to vector<16xi32>
      %add3A_582 = arith.addi %mul3A_421, %add3A_581 : vector<16xi32>
      %gather3A_583 = tpu.vector_load_idx %arg5[%add3A_582] : memref<8481xf32, #tpu.memory_space<vmem>>[vector<16xi32>], vector<16xf32>,
      %swap3A_584 = arith.constant 20 : i32
      %swap3A_585 = arith.index_cast %swap3A_584 : i32 to index
      %swap3A_586 = arith.index_cast %mul3A_405 : i32 to index
      %swap3A_587 = tpu.vector_load %arg6[%swap3A_585, %swap3A_586] {strides = array<i32>} : memref<32x2048xf32, #tpu.memory_space<vmem>>, vector<16xf32>,
      tpu.vector_store %arg6[%swap3A_585, %swap3A_586], %gather3A_583 {strides = array<i32>} : memref<32x2048xf32, #tpu.memory_space<vmem>>, vector<16xf32>,
      %add3A_588 = arith.constant 21 : i32
      %add3A_589 = vector.broadcast %add3A_588 : i32 to vector<16xi32>
      %add3A_590 = arith.addi %mul3A_421, %add3A_589 : vector<16xi32>
      %gather3A_591 = tpu.vector_load_idx %arg5[%add3A_590] : memref<8481xf32, #tpu.memory_space<vmem>>[vector<16xi32>], vector<16xf32>,
      %swap3A_592 = arith.constant 21 : i32
      %swap3A_593 = arith.index_cast %swap3A_592 : i32 to index
      %swap3A_594 = arith.index_cast %mul3A_405 : i32 to index
      %swap3A_595 = tpu.vector_load %arg6[%swap3A_593, %swap3A_594] {strides = array<i32>} : memref<32x2048xf32, #tpu.memory_space<vmem>>, vector<16xf32>,
      tpu.vector_store %arg6[%swap3A_593, %swap3A_594], %gather3A_591 {strides = array<i32>} : memref<32x2048xf32, #tpu.memory_space<vmem>>, vector<16xf32>,
      %add3A_596 = arith.constant 22 : i32
      %add3A_597 = vector.broadcast %add3A_596 : i32 to vector<16xi32>
      %add3A_598 = arith.addi %mul3A_421, %add3A_597 : vector<16xi32>
      %gather3A_599 = tpu.vector_load_idx %arg5[%add3A_598] : memref<8481xf32, #tpu.memory_space<vmem>>[vector<16xi32>], vector<16xf32>,
      %swap3A_600 = arith.constant 22 : i32
      %swap3A_601 = arith.index_cast %swap3A_600 : i32 to index
      %swap3A_602 = arith.index_cast %mul3A_405 : i32 to index
      %swap3A_603 = tpu.vector_load %arg6[%swap3A_601, %swap3A_602] {strides = array<i32>} : memref<32x2048xf32, #tpu.memory_space<vmem>>, vector<16xf32>,
      tpu.vector_store %arg6[%swap3A_601, %swap3A_602], %gather3A_599 {strides = array<i32>} : memref<32x2048xf32, #tpu.memory_space<vmem>>, vector<16xf32>,
      %add3A_604 = arith.constant 23 : i32
      %add3A_605 = vector.broadcast %add3A_604 : i32 to vector<16xi32>
      %add3A_606 = arith.addi %mul3A_421, %add3A_605 : vector<16xi32>
      %gather3A_607 = tpu.vector_load_idx %arg5[%add3A_606] : memref<8481xf32, #tpu.memory_space<vmem>>[vector<16xi32>], vector<16xf32>,
      %swap3A_608 = arith.constant 23 : i32
      %swap3A_609 = arith.index_cast %swap3A_608 : i32 to index
      %swap3A_610 = arith.index_cast %mul3A_405 : i32 to index
      %swap3A_611 = tpu.vector_load %arg6[%swap3A_609, %swap3A_610] {strides = array<i32>} : memref<32x2048xf32, #tpu.memory_space<vmem>>, vector<16xf32>,
      tpu.vector_store %arg6[%swap3A_609, %swap3A_610], %gather3A_607 {strides = array<i32>} : memref<32x2048xf32, #tpu.memory_space<vmem>>, vector<16xf32>,
      %add3A_612 = arith.constant 24 : i32
      %add3A_613 = vector.broadcast %add3A_612 : i32 to vector<16xi32>
      %add3A_614 = arith.addi %mul3A_421, %add3A_613 : vector<16xi32>
      %gather3A_615 = tpu.vector_load_idx %arg5[%add3A_614] : memref<8481xf32, #tpu.memory_space<vmem>>[vector<16xi32>], vector<16xf32>,
      %swap3A_616 = arith.constant 24 : i32
      %swap3A_617 = arith.index_cast %swap3A_616 : i32 to index
      %swap3A_618 = arith.index_cast %mul3A_405 : i32 to index
      %swap3A_619 = tpu.vector_load %arg6[%swap3A_617, %swap3A_618] {strides = array<i32>} : memref<32x2048xf32, #tpu.memory_space<vmem>>, vector<16xf32>,
      tpu.vector_store %arg6[%swap3A_617, %swap3A_618], %gather3A_615 {strides = array<i32>} : memref<32x2048xf32, #tpu.memory_space<vmem>>, vector<16xf32>,
      %add3A_620 = arith.constant 25 : i32
      %add3A_621 = vector.broadcast %add3A_620 : i32 to vector<16xi32>
      %add3A_622 = arith.addi %mul3A_421, %add3A_621 : vector<16xi32>
      %gather3A_623 = tpu.vector_load_idx %arg5[%add3A_622] : memref<8481xf32, #tpu.memory_space<vmem>>[vector<16xi32>], vector<16xf32>,
      %swap3A_624 = arith.constant 25 : i32
      %swap3A_625 = arith.index_cast %swap3A_624 : i32 to index
      %swap3A_626 = arith.index_cast %mul3A_405 : i32 to index
      %swap3A_627 = tpu.vector_load %arg6[%swap3A_625, %swap3A_626] {strides = array<i32>} : memref<32x2048xf32, #tpu.memory_space<vmem>>, vector<16xf32>,
      tpu.vector_store %arg6[%swap3A_625, %swap3A_626], %gather3A_623 {strides = array<i32>} : memref<32x2048xf32, #tpu.memory_space<vmem>>, vector<16xf32>,
      %add3A_628 = arith.constant 26 : i32
      %add3A_629 = vector.broadcast %add3A_628 : i32 to vector<16xi32>
      %add3A_630 = arith.addi %mul3A_421, %add3A_629 : vector<16xi32>
      %gather3A_631 = tpu.vector_load_idx %arg5[%add3A_630] : memref<8481xf32, #tpu.memory_space<vmem>>[vector<16xi32>], vector<16xf32>,
      %swap3A_632 = arith.constant 26 : i32
      %swap3A_633 = arith.index_cast %swap3A_632 : i32 to index
      %swap3A_634 = arith.index_cast %mul3A_405 : i32 to index
      %swap3A_635 = tpu.vector_load %arg6[%swap3A_633, %swap3A_634] {strides = array<i32>} : memref<32x2048xf32, #tpu.memory_space<vmem>>, vector<16xf32>,
      tpu.vector_store %arg6[%swap3A_633, %swap3A_634], %gather3A_631 {strides = array<i32>} : memref<32x2048xf32, #tpu.memory_space<vmem>>, vector<16xf32>,
      %add3A_636 = arith.constant 27 : i32
      %add3A_637 = vector.broadcast %add3A_636 : i32 to vector<16xi32>
      %add3A_638 = arith.addi %mul3A_421, %add3A_637 : vector<16xi32>
      %gather3A_639 = tpu.vector_load_idx %arg5[%add3A_638] : memref<8481xf32, #tpu.memory_space<vmem>>[vector<16xi32>], vector<16xf32>,
      %swap3A_640 = arith.constant 27 : i32
      %swap3A_641 = arith.index_cast %swap3A_640 : i32 to index
      %swap3A_642 = arith.index_cast %mul3A_405 : i32 to index
      %swap3A_643 = tpu.vector_load %arg6[%swap3A_641, %swap3A_642] {strides = array<i32>} : memref<32x2048xf32, #tpu.memory_space<vmem>>, vector<16xf32>,
      tpu.vector_store %arg6[%swap3A_641, %swap3A_642], %gather3A_639 {strides = array<i32>} : memref<32x2048xf32, #tpu.memory_space<vmem>>, vector<16xf32>,
      %add3A_644 = arith.constant 28 : i32
      %add3A_645 = vector.broadcast %add3A_644 : i32 to vector<16xi32>
      %add3A_646 = arith.addi %mul3A_421, %add3A_645 : vector<16xi32>
      %gather3A_647 = tpu.vector_load_idx %arg5[%add3A_646] : memref<8481xf32, #tpu.memory_space<vmem>>[vector<16xi32>], vector<16xf32>,
      %swap3A_648 = arith.constant 28 : i32
      %swap3A_649 = arith.index_cast %swap3A_648 : i32 to index
      %swap3A_650 = arith.index_cast %mul3A_405 : i32 to index
      %swap3A_651 = tpu.vector_load %arg6[%swap3A_649, %swap3A_650] {strides = array<i32>} : memref<32x2048xf32, #tpu.memory_space<vmem>>, vector<16xf32>,
      tpu.vector_store %arg6[%swap3A_649, %swap3A_650], %gather3A_647 {strides = array<i32>} : memref<32x2048xf32, #tpu.memory_space<vmem>>, vector<16xf32>,
      %add3A_652 = arith.constant 29 : i32
      %add3A_653 = vector.broadcast %add3A_652 : i32 to vector<16xi32>
      %add3A_654 = arith.addi %mul3A_421, %add3A_653 : vector<16xi32>
      %gather3A_655 = tpu.vector_load_idx %arg5[%add3A_654] : memref<8481xf32, #tpu.memory_space<vmem>>[vector<16xi32>], vector<16xf32>,
      %swap3A_656 = arith.constant 29 : i32
      %swap3A_657 = arith.index_cast %swap3A_656 : i32 to index
      %swap3A_658 = arith.index_cast %mul3A_405 : i32 to index
      %swap3A_659 = tpu.vector_load %arg6[%swap3A_657, %swap3A_658] {strides = array<i32>} : memref<32x2048xf32, #tpu.memory_space<vmem>>, vector<16xf32>,
      tpu.vector_store %arg6[%swap3A_657, %swap3A_658], %gather3A_655 {strides = array<i32>} : memref<32x2048xf32, #tpu.memory_space<vmem>>, vector<16xf32>,
      %add3A_660 = arith.constant 30 : i32
      %add3A_661 = vector.broadcast %add3A_660 : i32 to vector<16xi32>
      %add3A_662 = arith.addi %mul3A_421, %add3A_661 : vector<16xi32>
      %gather3A_663 = tpu.vector_load_idx %arg5[%add3A_662] : memref<8481xf32, #tpu.memory_space<vmem>>[vector<16xi32>], vector<16xf32>,
      %swap3A_664 = arith.constant 30 : i32
      %swap3A_665 = arith.index_cast %swap3A_664 : i32 to index
      %swap3A_666 = arith.index_cast %mul3A_405 : i32 to index
      %swap3A_667 = tpu.vector_load %arg6[%swap3A_665, %swap3A_666] {strides = array<i32>} : memref<32x2048xf32, #tpu.memory_space<vmem>>, vector<16xf32>,
      tpu.vector_store %arg6[%swap3A_665, %swap3A_666], %gather3A_663 {strides = array<i32>} : memref<32x2048xf32, #tpu.memory_space<vmem>>, vector<16xf32>,
      %add3A_668 = arith.constant 31 : i32
      %add3A_669 = vector.broadcast %add3A_668 : i32 to vector<16xi32>
      %add3A_670 = arith.addi %mul3A_421, %add3A_669 : vector<16xi32>
      %gather3A_671 = tpu.vector_load_idx %arg5[%add3A_670] : memref<8481xf32, #tpu.memory_space<vmem>>[vector<16xi32>], vector<16xf32>,
      %swap3A_672 = arith.constant 31 : i32
      %swap3A_673 = arith.index_cast %swap3A_672 : i32 to index
      %swap3A_674 = arith.index_cast %mul3A_405 : i32 to index
      %swap3A_675 = tpu.vector_load %arg6[%swap3A_673, %swap3A_674] {strides = array<i32>} : memref<32x2048xf32, #tpu.memory_space<vmem>>, vector<16xf32>,
      tpu.vector_store %arg6[%swap3A_673, %swap3A_674], %gather3A_671 {strides = array<i32>} : memref<32x2048xf32, #tpu.memory_space<vmem>>, vector<16xf32>,
    }
    %scan3A_13 = arith.constant 128 : i32
    %sub3A = arith.constant 128 : i32
    %sub3A_14 = arith.subi %mul3A_2, %sub3A : i32
    %shift_right_arithmetic3A = arith.constant 7 : i32
    %shift_right_arithmetic3A_15 = arith.shrsi %sub3A_14, %shift_right_arithmetic3A : i32
    %shift_left3A = arith.constant 7 : i32
    %shift_left3A_16 = arith.shli %shift_right_arithmetic3A_15, %shift_left3A : i32
    %jit3A = arith.constant 0 : i32
    %jit3A_17 = arith.constant 1664 : i32
    %max3A = arith.maxsi %jit3A, %shift_left3A_16 : i32
    %min3A = arith.minsi %jit3A_17, %max3A : i32
    %multiple_of3A = tpu.assume_multiple %min3A, 128 : i32
    %shift_right_arithmetic3A_18 = arith.constant 7 : i32
    %shift_right_arithmetic3A_19 = arith.shrsi %multiple_of3A, %shift_right_arithmetic3A_18 : i32
    %scan3A_20 = arith.constant 0 : i32
    %scan3A_21 = arith.constant 0 : i32
    %scan3A_22 = arith.constant 32 : i32
    %scan3A_23 = arith.addi %scan3A_21, %scan3A_22 : i32
    %scan3A_24 = arith.constant 1 : i32
    scf.for %scan3A_401 = %scan3A_21 to %scan3A_23 step %scan3A_24  : i32 {
      %mul3A_402 = arith.constant 2 : i32
      %mul3A_403 = arith.muli %mul3A_402, %scan3A_401 : i32
      %add3A_404 = arith.addi %mul3A_2, %mul3A_403 : i32
      %ge3A = arith.constant 2 : i32
      %ge3A_405 = arith.cmpi sge, %mul3A_403, %ge3A : i32
      %convert_element_type3A = arith.extui %ge3A_405 : i1 to i32
      %cond3A = arith.constant 0 : i32
      %cond3A_406 = arith.cmpi ne, %convert_element_type3A, %cond3A : i32
      scf.if %cond3A_406 {
        %dma_wait3A_708 = arith.constant 0 : i32
        %dma_wait3A_709 = tpu.memref_slice %arg3[%mul3A_2, %dma_wait3A_708, %multiple_of3A] : memref<2048x32x2048xf32, #tpu.memory_space<hbm>> -> memref<1x32x384xf32, #tpu.memory_space<hbm>>
        %dma_wait3A_710 = tpu.memref_squeeze %dma_wait3A_709 : memref<1x32x384xf32, #tpu.memory_space<hbm>> -> memref<32x384xf32, #tpu.memory_space<hbm>>
        %dma_wait3A_711 = arith.constant 0 : i32
        %dma_wait3A_712 = tpu.memref_slice %arg3[%mul3A_2, %dma_wait3A_711, %multiple_of3A] : memref<2048x32x2048xf32, #tpu.memory_space<hbm>> -> memref<1x32x384xf32, #tpu.memory_space<hbm>>
        %dma_wait3A_713 = tpu.memref_squeeze %dma_wait3A_712 : memref<1x32x384xf32, #tpu.memory_space<hbm>> -> memref<32x384xf32, #tpu.memory_space<hbm>>
        tpu.wait_dma2 semaphore(%arg9 : memref<!tpu.dma_semaphore, #tpu.memory_space<semaphore_mem>>) src(%arg7 : memref<32x384xf32, #tpu.memory_space<vmem>>) dst(%dma_wait3A_713 : memref<32x384xf32, #tpu.memory_space<hbm>>)
      } else {
      }
      %scan3A_407 = arith.constant 0 : i32
      %scan3A_408 = arith.constant 0 : i32
      %scan3A_409 = arith.constant 24 : i32
      %scan3A_410 = arith.addi %scan3A_408, %scan3A_409 : i32
      %scan3A_411 = arith.constant 1 : i32
      scf.for %scan3A_708 = %scan3A_408 to %scan3A_410 step %scan3A_411  : i32 {
        %mul3A_709 = arith.constant 16 : i32
        %mul3A_710 = arith.muli %scan3A_708, %mul3A_709 : i32
        %add3A_711 = arith.addi %multiple_of3A, %mul3A_710 : i32
        %mul3A_712 = arith.constant 16 : i32
        %mul3A_713 = arith.muli %scan3A_708, %mul3A_712 : i32
        %add3A_714 = vector.broadcast %add3A_711 : i32 to vector<16xi32>
        %add3A_715 = arith.addi %add3A_714, %iota3A : vector<16xi32>
        %sub3A_716 = vector.broadcast %add3A_404 : i32 to vector<16xi32>
        %sub3A_717 = arith.subi %add3A_715, %sub3A_716 : vector<16xi32>
        %add3A_718 = arith.constant 128 : i32
        %add3A_719 = vector.broadcast %add3A_718 : i32 to vector<16xi32>
        %add3A_720 = arith.addi %sub3A_717, %add3A_719 : vector<16xi32>
        %jit3A_721 = arith.constant 0 : i32
        %jit3A_722 = arith.constant 256 : i32
        %max3A_723 = vector.broadcast %jit3A_721 : i32 to vector<16xi32>
        %max3A_724 = arith.maxsi %max3A_723, %add3A_720 : vector<16xi32>
        %min3A_725 = vector.broadcast %jit3A_722 : i32 to vector<16xi32>
        %min3A_726 = arith.minsi %min3A_725, %max3A_724 : vector<16xi32>
        %mul3A_727 = arith.constant 33 : i32
        %mul3A_728 = vector.broadcast %mul3A_727 : i32 to vector<16xi32>
        %mul3A_729 = arith.muli %min3A_726, %mul3A_728 : vector<16xi32>
        %add3A_730 = arith.constant 0 : i32
        %add3A_731 = vector.broadcast %add3A_730 : i32 to vector<16xi32>
        %add3A_732 = arith.addi %mul3A_729, %add3A_731 : vector<16xi32>
        %gather3A = tpu.vector_load_idx %arg5[%add3A_732] : memref<8481xf32, #tpu.memory_space<vmem>>[vector<16xi32>], vector<16xf32>,
        %swap3A = arith.constant 0 : i32
        %swap3A_733 = arith.index_cast %swap3A : i32 to index
        %swap3A_734 = arith.index_cast %mul3A_713 : i32 to index
        %swap3A_735 = tpu.vector_load %arg7[%swap3A_733, %swap3A_734] {strides = array<i32>} : memref<32x384xf32, #tpu.memory_space<vmem>>, vector<16xf32>,
        tpu.vector_store %arg7[%swap3A_733, %swap3A_734], %gather3A {strides = array<i32>} : memref<32x384xf32, #tpu.memory_space<vmem>>, vector<16xf32>,
        %add3A_736 = arith.constant 1 : i32
        %add3A_737 = vector.broadcast %add3A_736 : i32 to vector<16xi32>
        %add3A_738 = arith.addi %mul3A_729, %add3A_737 : vector<16xi32>
        %gather3A_739 = tpu.vector_load_idx %arg5[%add3A_738] : memref<8481xf32, #tpu.memory_space<vmem>>[vector<16xi32>], vector<16xf32>,
        %swap3A_740 = arith.constant 1 : i32
        %swap3A_741 = arith.index_cast %swap3A_740 : i32 to index
        %swap3A_742 = arith.index_cast %mul3A_713 : i32 to index
        %swap3A_743 = tpu.vector_load %arg7[%swap3A_741, %swap3A_742] {strides = array<i32>} : memref<32x384xf32, #tpu.memory_space<vmem>>, vector<16xf32>,
        tpu.vector_store %arg7[%swap3A_741, %swap3A_742], %gather3A_739 {strides = array<i32>} : memref<32x384xf32, #tpu.memory_space<vmem>>, vector<16xf32>,
        %add3A_744 = arith.constant 2 : i32
        %add3A_745 = vector.broadcast %add3A_744 : i32 to vector<16xi32>
        %add3A_746 = arith.addi %mul3A_729, %add3A_745 : vector<16xi32>
        %gather3A_747 = tpu.vector_load_idx %arg5[%add3A_746] : memref<8481xf32, #tpu.memory_space<vmem>>[vector<16xi32>], vector<16xf32>,
        %swap3A_748 = arith.constant 2 : i32
        %swap3A_749 = arith.index_cast %swap3A_748 : i32 to index
        %swap3A_750 = arith.index_cast %mul3A_713 : i32 to index
        %swap3A_751 = tpu.vector_load %arg7[%swap3A_749, %swap3A_750] {strides = array<i32>} : memref<32x384xf32, #tpu.memory_space<vmem>>, vector<16xf32>,
        tpu.vector_store %arg7[%swap3A_749, %swap3A_750], %gather3A_747 {strides = array<i32>} : memref<32x384xf32, #tpu.memory_space<vmem>>, vector<16xf32>,
        %add3A_752 = arith.constant 3 : i32
        %add3A_753 = vector.broadcast %add3A_752 : i32 to vector<16xi32>
        %add3A_754 = arith.addi %mul3A_729, %add3A_753 : vector<16xi32>
        %gather3A_755 = tpu.vector_load_idx %arg5[%add3A_754] : memref<8481xf32, #tpu.memory_space<vmem>>[vector<16xi32>], vector<16xf32>,
        %swap3A_756 = arith.constant 3 : i32
        %swap3A_757 = arith.index_cast %swap3A_756 : i32 to index
        %swap3A_758 = arith.index_cast %mul3A_713 : i32 to index
        %swap3A_759 = tpu.vector_load %arg7[%swap3A_757, %swap3A_758] {strides = array<i32>} : memref<32x384xf32, #tpu.memory_space<vmem>>, vector<16xf32>,
        tpu.vector_store %arg7[%swap3A_757, %swap3A_758], %gather3A_755 {strides = array<i32>} : memref<32x384xf32, #tpu.memory_space<vmem>>, vector<16xf32>,
        %add3A_760 = arith.constant 4 : i32
        %add3A_761 = vector.broadcast %add3A_760 : i32 to vector<16xi32>
        %add3A_762 = arith.addi %mul3A_729, %add3A_761 : vector<16xi32>
        %gather3A_763 = tpu.vector_load_idx %arg5[%add3A_762] : memref<8481xf32, #tpu.memory_space<vmem>>[vector<16xi32>], vector<16xf32>,
        %swap3A_764 = arith.constant 4 : i32
        %swap3A_765 = arith.index_cast %swap3A_764 : i32 to index
        %swap3A_766 = arith.index_cast %mul3A_713 : i32 to index
        %swap3A_767 = tpu.vector_load %arg7[%swap3A_765, %swap3A_766] {strides = array<i32>} : memref<32x384xf32, #tpu.memory_space<vmem>>, vector<16xf32>,
        tpu.vector_store %arg7[%swap3A_765, %swap3A_766], %gather3A_763 {strides = array<i32>} : memref<32x384xf32, #tpu.memory_space<vmem>>, vector<16xf32>,
        %add3A_768 = arith.constant 5 : i32
        %add3A_769 = vector.broadcast %add3A_768 : i32 to vector<16xi32>
        %add3A_770 = arith.addi %mul3A_729, %add3A_769 : vector<16xi32>
        %gather3A_771 = tpu.vector_load_idx %arg5[%add3A_770] : memref<8481xf32, #tpu.memory_space<vmem>>[vector<16xi32>], vector<16xf32>,
        %swap3A_772 = arith.constant 5 : i32
        %swap3A_773 = arith.index_cast %swap3A_772 : i32 to index
        %swap3A_774 = arith.index_cast %mul3A_713 : i32 to index
        %swap3A_775 = tpu.vector_load %arg7[%swap3A_773, %swap3A_774] {strides = array<i32>} : memref<32x384xf32, #tpu.memory_space<vmem>>, vector<16xf32>,
        tpu.vector_store %arg7[%swap3A_773, %swap3A_774], %gather3A_771 {strides = array<i32>} : memref<32x384xf32, #tpu.memory_space<vmem>>, vector<16xf32>,
        %add3A_776 = arith.constant 6 : i32
        %add3A_777 = vector.broadcast %add3A_776 : i32 to vector<16xi32>
        %add3A_778 = arith.addi %mul3A_729, %add3A_777 : vector<16xi32>
        %gather3A_779 = tpu.vector_load_idx %arg5[%add3A_778] : memref<8481xf32, #tpu.memory_space<vmem>>[vector<16xi32>], vector<16xf32>,
        %swap3A_780 = arith.constant 6 : i32
        %swap3A_781 = arith.index_cast %swap3A_780 : i32 to index
        %swap3A_782 = arith.index_cast %mul3A_713 : i32 to index
        %swap3A_783 = tpu.vector_load %arg7[%swap3A_781, %swap3A_782] {strides = array<i32>} : memref<32x384xf32, #tpu.memory_space<vmem>>, vector<16xf32>,
        tpu.vector_store %arg7[%swap3A_781, %swap3A_782], %gather3A_779 {strides = array<i32>} : memref<32x384xf32, #tpu.memory_space<vmem>>, vector<16xf32>,
        %add3A_784 = arith.constant 7 : i32
        %add3A_785 = vector.broadcast %add3A_784 : i32 to vector<16xi32>
        %add3A_786 = arith.addi %mul3A_729, %add3A_785 : vector<16xi32>
        %gather3A_787 = tpu.vector_load_idx %arg5[%add3A_786] : memref<8481xf32, #tpu.memory_space<vmem>>[vector<16xi32>], vector<16xf32>,
        %swap3A_788 = arith.constant 7 : i32
        %swap3A_789 = arith.index_cast %swap3A_788 : i32 to index
        %swap3A_790 = arith.index_cast %mul3A_713 : i32 to index
        %swap3A_791 = tpu.vector_load %arg7[%swap3A_789, %swap3A_790] {strides = array<i32>} : memref<32x384xf32, #tpu.memory_space<vmem>>, vector<16xf32>,
        tpu.vector_store %arg7[%swap3A_789, %swap3A_790], %gather3A_787 {strides = array<i32>} : memref<32x384xf32, #tpu.memory_space<vmem>>, vector<16xf32>,
        %add3A_792 = arith.constant 8 : i32
        %add3A_793 = vector.broadcast %add3A_792 : i32 to vector<16xi32>
        %add3A_794 = arith.addi %mul3A_729, %add3A_793 : vector<16xi32>
        %gather3A_795 = tpu.vector_load_idx %arg5[%add3A_794] : memref<8481xf32, #tpu.memory_space<vmem>>[vector<16xi32>], vector<16xf32>,
        %swap3A_796 = arith.constant 8 : i32
        %swap3A_797 = arith.index_cast %swap3A_796 : i32 to index
        %swap3A_798 = arith.index_cast %mul3A_713 : i32 to index
        %swap3A_799 = tpu.vector_load %arg7[%swap3A_797, %swap3A_798] {strides = array<i32>} : memref<32x384xf32, #tpu.memory_space<vmem>>, vector<16xf32>,
        tpu.vector_store %arg7[%swap3A_797, %swap3A_798], %gather3A_795 {strides = array<i32>} : memref<32x384xf32, #tpu.memory_space<vmem>>, vector<16xf32>,
        %add3A_800 = arith.constant 9 : i32
        %add3A_801 = vector.broadcast %add3A_800 : i32 to vector<16xi32>
        %add3A_802 = arith.addi %mul3A_729, %add3A_801 : vector<16xi32>
        %gather3A_803 = tpu.vector_load_idx %arg5[%add3A_802] : memref<8481xf32, #tpu.memory_space<vmem>>[vector<16xi32>], vector<16xf32>,
        %swap3A_804 = arith.constant 9 : i32
        %swap3A_805 = arith.index_cast %swap3A_804 : i32 to index
        %swap3A_806 = arith.index_cast %mul3A_713 : i32 to index
        %swap3A_807 = tpu.vector_load %arg7[%swap3A_805, %swap3A_806] {strides = array<i32>} : memref<32x384xf32, #tpu.memory_space<vmem>>, vector<16xf32>,
        tpu.vector_store %arg7[%swap3A_805, %swap3A_806], %gather3A_803 {strides = array<i32>} : memref<32x384xf32, #tpu.memory_space<vmem>>, vector<16xf32>,
        %add3A_808 = arith.constant 10 : i32
        %add3A_809 = vector.broadcast %add3A_808 : i32 to vector<16xi32>
        %add3A_810 = arith.addi %mul3A_729, %add3A_809 : vector<16xi32>
        %gather3A_811 = tpu.vector_load_idx %arg5[%add3A_810] : memref<8481xf32, #tpu.memory_space<vmem>>[vector<16xi32>], vector<16xf32>,
        %swap3A_812 = arith.constant 10 : i32
        %swap3A_813 = arith.index_cast %swap3A_812 : i32 to index
        %swap3A_814 = arith.index_cast %mul3A_713 : i32 to index
        %swap3A_815 = tpu.vector_load %arg7[%swap3A_813, %swap3A_814] {strides = array<i32>} : memref<32x384xf32, #tpu.memory_space<vmem>>, vector<16xf32>,
        tpu.vector_store %arg7[%swap3A_813, %swap3A_814], %gather3A_811 {strides = array<i32>} : memref<32x384xf32, #tpu.memory_space<vmem>>, vector<16xf32>,
        %add3A_816 = arith.constant 11 : i32
        %add3A_817 = vector.broadcast %add3A_816 : i32 to vector<16xi32>
        %add3A_818 = arith.addi %mul3A_729, %add3A_817 : vector<16xi32>
        %gather3A_819 = tpu.vector_load_idx %arg5[%add3A_818] : memref<8481xf32, #tpu.memory_space<vmem>>[vector<16xi32>], vector<16xf32>,
        %swap3A_820 = arith.constant 11 : i32
        %swap3A_821 = arith.index_cast %swap3A_820 : i32 to index
        %swap3A_822 = arith.index_cast %mul3A_713 : i32 to index
        %swap3A_823 = tpu.vector_load %arg7[%swap3A_821, %swap3A_822] {strides = array<i32>} : memref<32x384xf32, #tpu.memory_space<vmem>>, vector<16xf32>,
        tpu.vector_store %arg7[%swap3A_821, %swap3A_822], %gather3A_819 {strides = array<i32>} : memref<32x384xf32, #tpu.memory_space<vmem>>, vector<16xf32>,
        %add3A_824 = arith.constant 12 : i32
        %add3A_825 = vector.broadcast %add3A_824 : i32 to vector<16xi32>
        %add3A_826 = arith.addi %mul3A_729, %add3A_825 : vector<16xi32>
        %gather3A_827 = tpu.vector_load_idx %arg5[%add3A_826] : memref<8481xf32, #tpu.memory_space<vmem>>[vector<16xi32>], vector<16xf32>,
        %swap3A_828 = arith.constant 12 : i32
        %swap3A_829 = arith.index_cast %swap3A_828 : i32 to index
        %swap3A_830 = arith.index_cast %mul3A_713 : i32 to index
        %swap3A_831 = tpu.vector_load %arg7[%swap3A_829, %swap3A_830] {strides = array<i32>} : memref<32x384xf32, #tpu.memory_space<vmem>>, vector<16xf32>,
        tpu.vector_store %arg7[%swap3A_829, %swap3A_830], %gather3A_827 {strides = array<i32>} : memref<32x384xf32, #tpu.memory_space<vmem>>, vector<16xf32>,
        %add3A_832 = arith.constant 13 : i32
        %add3A_833 = vector.broadcast %add3A_832 : i32 to vector<16xi32>
        %add3A_834 = arith.addi %mul3A_729, %add3A_833 : vector<16xi32>
        %gather3A_835 = tpu.vector_load_idx %arg5[%add3A_834] : memref<8481xf32, #tpu.memory_space<vmem>>[vector<16xi32>], vector<16xf32>,
        %swap3A_836 = arith.constant 13 : i32
        %swap3A_837 = arith.index_cast %swap3A_836 : i32 to index
        %swap3A_838 = arith.index_cast %mul3A_713 : i32 to index
        %swap3A_839 = tpu.vector_load %arg7[%swap3A_837, %swap3A_838] {strides = array<i32>} : memref<32x384xf32, #tpu.memory_space<vmem>>, vector<16xf32>,
        tpu.vector_store %arg7[%swap3A_837, %swap3A_838], %gather3A_835 {strides = array<i32>} : memref<32x384xf32, #tpu.memory_space<vmem>>, vector<16xf32>,
        %add3A_840 = arith.constant 14 : i32
        %add3A_841 = vector.broadcast %add3A_840 : i32 to vector<16xi32>
        %add3A_842 = arith.addi %mul3A_729, %add3A_841 : vector<16xi32>
        %gather3A_843 = tpu.vector_load_idx %arg5[%add3A_842] : memref<8481xf32, #tpu.memory_space<vmem>>[vector<16xi32>], vector<16xf32>,
        %swap3A_844 = arith.constant 14 : i32
        %swap3A_845 = arith.index_cast %swap3A_844 : i32 to index
        %swap3A_846 = arith.index_cast %mul3A_713 : i32 to index
        %swap3A_847 = tpu.vector_load %arg7[%swap3A_845, %swap3A_846] {strides = array<i32>} : memref<32x384xf32, #tpu.memory_space<vmem>>, vector<16xf32>,
        tpu.vector_store %arg7[%swap3A_845, %swap3A_846], %gather3A_843 {strides = array<i32>} : memref<32x384xf32, #tpu.memory_space<vmem>>, vector<16xf32>,
        %add3A_848 = arith.constant 15 : i32
        %add3A_849 = vector.broadcast %add3A_848 : i32 to vector<16xi32>
        %add3A_850 = arith.addi %mul3A_729, %add3A_849 : vector<16xi32>
        %gather3A_851 = tpu.vector_load_idx %arg5[%add3A_850] : memref<8481xf32, #tpu.memory_space<vmem>>[vector<16xi32>], vector<16xf32>,
        %swap3A_852 = arith.constant 15 : i32
        %swap3A_853 = arith.index_cast %swap3A_852 : i32 to index
        %swap3A_854 = arith.index_cast %mul3A_713 : i32 to index
        %swap3A_855 = tpu.vector_load %arg7[%swap3A_853, %swap3A_854] {strides = array<i32>} : memref<32x384xf32, #tpu.memory_space<vmem>>, vector<16xf32>,
        tpu.vector_store %arg7[%swap3A_853, %swap3A_854], %gather3A_851 {strides = array<i32>} : memref<32x384xf32, #tpu.memory_space<vmem>>, vector<16xf32>,
        %add3A_856 = arith.constant 16 : i32
        %add3A_857 = vector.broadcast %add3A_856 : i32 to vector<16xi32>
        %add3A_858 = arith.addi %mul3A_729, %add3A_857 : vector<16xi32>
        %gather3A_859 = tpu.vector_load_idx %arg5[%add3A_858] : memref<8481xf32, #tpu.memory_space<vmem>>[vector<16xi32>], vector<16xf32>,
        %swap3A_860 = arith.constant 16 : i32
        %swap3A_861 = arith.index_cast %swap3A_860 : i32 to index
        %swap3A_862 = arith.index_cast %mul3A_713 : i32 to index
        %swap3A_863 = tpu.vector_load %arg7[%swap3A_861, %swap3A_862] {strides = array<i32>} : memref<32x384xf32, #tpu.memory_space<vmem>>, vector<16xf32>,
        tpu.vector_store %arg7[%swap3A_861, %swap3A_862], %gather3A_859 {strides = array<i32>} : memref<32x384xf32, #tpu.memory_space<vmem>>, vector<16xf32>,
        %add3A_864 = arith.constant 17 : i32
        %add3A_865 = vector.broadcast %add3A_864 : i32 to vector<16xi32>
        %add3A_866 = arith.addi %mul3A_729, %add3A_865 : vector<16xi32>
        %gather3A_867 = tpu.vector_load_idx %arg5[%add3A_866] : memref<8481xf32, #tpu.memory_space<vmem>>[vector<16xi32>], vector<16xf32>,
        %swap3A_868 = arith.constant 17 : i32
        %swap3A_869 = arith.index_cast %swap3A_868 : i32 to index
        %swap3A_870 = arith.index_cast %mul3A_713 : i32 to index
        %swap3A_871 = tpu.vector_load %arg7[%swap3A_869, %swap3A_870] {strides = array<i32>} : memref<32x384xf32, #tpu.memory_space<vmem>>, vector<16xf32>,
        tpu.vector_store %arg7[%swap3A_869, %swap3A_870], %gather3A_867 {strides = array<i32>} : memref<32x384xf32, #tpu.memory_space<vmem>>, vector<16xf32>,
        %add3A_872 = arith.constant 18 : i32
        %add3A_873 = vector.broadcast %add3A_872 : i32 to vector<16xi32>
        %add3A_874 = arith.addi %mul3A_729, %add3A_873 : vector<16xi32>
        %gather3A_875 = tpu.vector_load_idx %arg5[%add3A_874] : memref<8481xf32, #tpu.memory_space<vmem>>[vector<16xi32>], vector<16xf32>,
        %swap3A_876 = arith.constant 18 : i32
        %swap3A_877 = arith.index_cast %swap3A_876 : i32 to index
        %swap3A_878 = arith.index_cast %mul3A_713 : i32 to index
        %swap3A_879 = tpu.vector_load %arg7[%swap3A_877, %swap3A_878] {strides = array<i32>} : memref<32x384xf32, #tpu.memory_space<vmem>>, vector<16xf32>,
        tpu.vector_store %arg7[%swap3A_877, %swap3A_878], %gather3A_875 {strides = array<i32>} : memref<32x384xf32, #tpu.memory_space<vmem>>, vector<16xf32>,
        %add3A_880 = arith.constant 19 : i32
        %add3A_881 = vector.broadcast %add3A_880 : i32 to vector<16xi32>
        %add3A_882 = arith.addi %mul3A_729, %add3A_881 : vector<16xi32>
        %gather3A_883 = tpu.vector_load_idx %arg5[%add3A_882] : memref<8481xf32, #tpu.memory_space<vmem>>[vector<16xi32>], vector<16xf32>,
        %swap3A_884 = arith.constant 19 : i32
        %swap3A_885 = arith.index_cast %swap3A_884 : i32 to index
        %swap3A_886 = arith.index_cast %mul3A_713 : i32 to index
        %swap3A_887 = tpu.vector_load %arg7[%swap3A_885, %swap3A_886] {strides = array<i32>} : memref<32x384xf32, #tpu.memory_space<vmem>>, vector<16xf32>,
        tpu.vector_store %arg7[%swap3A_885, %swap3A_886], %gather3A_883 {strides = array<i32>} : memref<32x384xf32, #tpu.memory_space<vmem>>, vector<16xf32>,
        %add3A_888 = arith.constant 20 : i32
        %add3A_889 = vector.broadcast %add3A_888 : i32 to vector<16xi32>
        %add3A_890 = arith.addi %mul3A_729, %add3A_889 : vector<16xi32>
        %gather3A_891 = tpu.vector_load_idx %arg5[%add3A_890] : memref<8481xf32, #tpu.memory_space<vmem>>[vector<16xi32>], vector<16xf32>,
        %swap3A_892 = arith.constant 20 : i32
        %swap3A_893 = arith.index_cast %swap3A_892 : i32 to index
        %swap3A_894 = arith.index_cast %mul3A_713 : i32 to index
        %swap3A_895 = tpu.vector_load %arg7[%swap3A_893, %swap3A_894] {strides = array<i32>} : memref<32x384xf32, #tpu.memory_space<vmem>>, vector<16xf32>,
        tpu.vector_store %arg7[%swap3A_893, %swap3A_894], %gather3A_891 {strides = array<i32>} : memref<32x384xf32, #tpu.memory_space<vmem>>, vector<16xf32>,
        %add3A_896 = arith.constant 21 : i32
        %add3A_897 = vector.broadcast %add3A_896 : i32 to vector<16xi32>
        %add3A_898 = arith.addi %mul3A_729, %add3A_897 : vector<16xi32>
        %gather3A_899 = tpu.vector_load_idx %arg5[%add3A_898] : memref<8481xf32, #tpu.memory_space<vmem>>[vector<16xi32>], vector<16xf32>,
        %swap3A_900 = arith.constant 21 : i32
        %swap3A_901 = arith.index_cast %swap3A_900 : i32 to index
        %swap3A_902 = arith.index_cast %mul3A_713 : i32 to index
        %swap3A_903 = tpu.vector_load %arg7[%swap3A_901, %swap3A_902] {strides = array<i32>} : memref<32x384xf32, #tpu.memory_space<vmem>>, vector<16xf32>,
        tpu.vector_store %arg7[%swap3A_901, %swap3A_902], %gather3A_899 {strides = array<i32>} : memref<32x384xf32, #tpu.memory_space<vmem>>, vector<16xf32>,
        %add3A_904 = arith.constant 22 : i32
        %add3A_905 = vector.broadcast %add3A_904 : i32 to vector<16xi32>
        %add3A_906 = arith.addi %mul3A_729, %add3A_905 : vector<16xi32>
        %gather3A_907 = tpu.vector_load_idx %arg5[%add3A_906] : memref<8481xf32, #tpu.memory_space<vmem>>[vector<16xi32>], vector<16xf32>,
        %swap3A_908 = arith.constant 22 : i32
        %swap3A_909 = arith.index_cast %swap3A_908 : i32 to index
        %swap3A_910 = arith.index_cast %mul3A_713 : i32 to index
        %swap3A_911 = tpu.vector_load %arg7[%swap3A_909, %swap3A_910] {strides = array<i32>} : memref<32x384xf32, #tpu.memory_space<vmem>>, vector<16xf32>,
        tpu.vector_store %arg7[%swap3A_909, %swap3A_910], %gather3A_907 {strides = array<i32>} : memref<32x384xf32, #tpu.memory_space<vmem>>, vector<16xf32>,
        %add3A_912 = arith.constant 23 : i32
        %add3A_913 = vector.broadcast %add3A_912 : i32 to vector<16xi32>
        %add3A_914 = arith.addi %mul3A_729, %add3A_913 : vector<16xi32>
        %gather3A_915 = tpu.vector_load_idx %arg5[%add3A_914] : memref<8481xf32, #tpu.memory_space<vmem>>[vector<16xi32>], vector<16xf32>,
        %swap3A_916 = arith.constant 23 : i32
        %swap3A_917 = arith.index_cast %swap3A_916 : i32 to index
        %swap3A_918 = arith.index_cast %mul3A_713 : i32 to index
        %swap3A_919 = tpu.vector_load %arg7[%swap3A_917, %swap3A_918] {strides = array<i32>} : memref<32x384xf32, #tpu.memory_space<vmem>>, vector<16xf32>,
        tpu.vector_store %arg7[%swap3A_917, %swap3A_918], %gather3A_915 {strides = array<i32>} : memref<32x384xf32, #tpu.memory_space<vmem>>, vector<16xf32>,
        %add3A_920 = arith.constant 24 : i32
        %add3A_921 = vector.broadcast %add3A_920 : i32 to vector<16xi32>
        %add3A_922 = arith.addi %mul3A_729, %add3A_921 : vector<16xi32>
        %gather3A_923 = tpu.vector_load_idx %arg5[%add3A_922] : memref<8481xf32, #tpu.memory_space<vmem>>[vector<16xi32>], vector<16xf32>,
        %swap3A_924 = arith.constant 24 : i32
        %swap3A_925 = arith.index_cast %swap3A_924 : i32 to index
        %swap3A_926 = arith.index_cast %mul3A_713 : i32 to index
        %swap3A_927 = tpu.vector_load %arg7[%swap3A_925, %swap3A_926] {strides = array<i32>} : memref<32x384xf32, #tpu.memory_space<vmem>>, vector<16xf32>,
        tpu.vector_store %arg7[%swap3A_925, %swap3A_926], %gather3A_923 {strides = array<i32>} : memref<32x384xf32, #tpu.memory_space<vmem>>, vector<16xf32>,
        %add3A_928 = arith.constant 25 : i32
        %add3A_929 = vector.broadcast %add3A_928 : i32 to vector<16xi32>
        %add3A_930 = arith.addi %mul3A_729, %add3A_929 : vector<16xi32>
        %gather3A_931 = tpu.vector_load_idx %arg5[%add3A_930] : memref<8481xf32, #tpu.memory_space<vmem>>[vector<16xi32>], vector<16xf32>,
        %swap3A_932 = arith.constant 25 : i32
        %swap3A_933 = arith.index_cast %swap3A_932 : i32 to index
        %swap3A_934 = arith.index_cast %mul3A_713 : i32 to index
        %swap3A_935 = tpu.vector_load %arg7[%swap3A_933, %swap3A_934] {strides = array<i32>} : memref<32x384xf32, #tpu.memory_space<vmem>>, vector<16xf32>,
        tpu.vector_store %arg7[%swap3A_933, %swap3A_934], %gather3A_931 {strides = array<i32>} : memref<32x384xf32, #tpu.memory_space<vmem>>, vector<16xf32>,
        %add3A_936 = arith.constant 26 : i32
        %add3A_937 = vector.broadcast %add3A_936 : i32 to vector<16xi32>
        %add3A_938 = arith.addi %mul3A_729, %add3A_937 : vector<16xi32>
        %gather3A_939 = tpu.vector_load_idx %arg5[%add3A_938] : memref<8481xf32, #tpu.memory_space<vmem>>[vector<16xi32>], vector<16xf32>,
        %swap3A_940 = arith.constant 26 : i32
        %swap3A_941 = arith.index_cast %swap3A_940 : i32 to index
        %swap3A_942 = arith.index_cast %mul3A_713 : i32 to index
        %swap3A_943 = tpu.vector_load %arg7[%swap3A_941, %swap3A_942] {strides = array<i32>} : memref<32x384xf32, #tpu.memory_space<vmem>>, vector<16xf32>,
        tpu.vector_store %arg7[%swap3A_941, %swap3A_942], %gather3A_939 {strides = array<i32>} : memref<32x384xf32, #tpu.memory_space<vmem>>, vector<16xf32>,
        %add3A_944 = arith.constant 27 : i32
        %add3A_945 = vector.broadcast %add3A_944 : i32 to vector<16xi32>
        %add3A_946 = arith.addi %mul3A_729, %add3A_945 : vector<16xi32>
        %gather3A_947 = tpu.vector_load_idx %arg5[%add3A_946] : memref<8481xf32, #tpu.memory_space<vmem>>[vector<16xi32>], vector<16xf32>,
        %swap3A_948 = arith.constant 27 : i32
        %swap3A_949 = arith.index_cast %swap3A_948 : i32 to index
        %swap3A_950 = arith.index_cast %mul3A_713 : i32 to index
        %swap3A_951 = tpu.vector_load %arg7[%swap3A_949, %swap3A_950] {strides = array<i32>} : memref<32x384xf32, #tpu.memory_space<vmem>>, vector<16xf32>,
        tpu.vector_store %arg7[%swap3A_949, %swap3A_950], %gather3A_947 {strides = array<i32>} : memref<32x384xf32, #tpu.memory_space<vmem>>, vector<16xf32>,
        %add3A_952 = arith.constant 28 : i32
        %add3A_953 = vector.broadcast %add3A_952 : i32 to vector<16xi32>
        %add3A_954 = arith.addi %mul3A_729, %add3A_953 : vector<16xi32>
        %gather3A_955 = tpu.vector_load_idx %arg5[%add3A_954] : memref<8481xf32, #tpu.memory_space<vmem>>[vector<16xi32>], vector<16xf32>,
        %swap3A_956 = arith.constant 28 : i32
        %swap3A_957 = arith.index_cast %swap3A_956 : i32 to index
        %swap3A_958 = arith.index_cast %mul3A_713 : i32 to index
        %swap3A_959 = tpu.vector_load %arg7[%swap3A_957, %swap3A_958] {strides = array<i32>} : memref<32x384xf32, #tpu.memory_space<vmem>>, vector<16xf32>,
        tpu.vector_store %arg7[%swap3A_957, %swap3A_958], %gather3A_955 {strides = array<i32>} : memref<32x384xf32, #tpu.memory_space<vmem>>, vector<16xf32>,
        %add3A_960 = arith.constant 29 : i32
        %add3A_961 = vector.broadcast %add3A_960 : i32 to vector<16xi32>
        %add3A_962 = arith.addi %mul3A_729, %add3A_961 : vector<16xi32>
        %gather3A_963 = tpu.vector_load_idx %arg5[%add3A_962] : memref<8481xf32, #tpu.memory_space<vmem>>[vector<16xi32>], vector<16xf32>,
        %swap3A_964 = arith.constant 29 : i32
        %swap3A_965 = arith.index_cast %swap3A_964 : i32 to index
        %swap3A_966 = arith.index_cast %mul3A_713 : i32 to index
        %swap3A_967 = tpu.vector_load %arg7[%swap3A_965, %swap3A_966] {strides = array<i32>} : memref<32x384xf32, #tpu.memory_space<vmem>>, vector<16xf32>,
        tpu.vector_store %arg7[%swap3A_965, %swap3A_966], %gather3A_963 {strides = array<i32>} : memref<32x384xf32, #tpu.memory_space<vmem>>, vector<16xf32>,
        %add3A_968 = arith.constant 30 : i32
        %add3A_969 = vector.broadcast %add3A_968 : i32 to vector<16xi32>
        %add3A_970 = arith.addi %mul3A_729, %add3A_969 : vector<16xi32>
        %gather3A_971 = tpu.vector_load_idx %arg5[%add3A_970] : memref<8481xf32, #tpu.memory_space<vmem>>[vector<16xi32>], vector<16xf32>,
        %swap3A_972 = arith.constant 30 : i32
        %swap3A_973 = arith.index_cast %swap3A_972 : i32 to index
        %swap3A_974 = arith.index_cast %mul3A_713 : i32 to index
        %swap3A_975 = tpu.vector_load %arg7[%swap3A_973, %swap3A_974] {strides = array<i32>} : memref<32x384xf32, #tpu.memory_space<vmem>>, vector<16xf32>,
        tpu.vector_store %arg7[%swap3A_973, %swap3A_974], %gather3A_971 {strides = array<i32>} : memref<32x384xf32, #tpu.memory_space<vmem>>, vector<16xf32>,
        %add3A_976 = arith.constant 31 : i32
        %add3A_977 = vector.broadcast %add3A_976 : i32 to vector<16xi32>
        %add3A_978 = arith.addi %mul3A_729, %add3A_977 : vector<16xi32>
        %gather3A_979 = tpu.vector_load_idx %arg5[%add3A_978] : memref<8481xf32, #tpu.memory_space<vmem>>[vector<16xi32>], vector<16xf32>,
        %swap3A_980 = arith.constant 31 : i32
        %swap3A_981 = arith.index_cast %swap3A_980 : i32 to index
        %swap3A_982 = arith.index_cast %mul3A_713 : i32 to index
        %swap3A_983 = tpu.vector_load %arg7[%swap3A_981, %swap3A_982] {strides = array<i32>} : memref<32x384xf32, #tpu.memory_space<vmem>>, vector<16xf32>,
        tpu.vector_store %arg7[%swap3A_981, %swap3A_982], %gather3A_979 {strides = array<i32>} : memref<32x384xf32, #tpu.memory_space<vmem>>, vector<16xf32>,
      }
      %scan3A_412 = arith.constant 24 : i32
      %dma_start3A = arith.constant 0 : i32
      %dma_start3A_413 = tpu.memref_slice %arg3[%add3A_404, %dma_start3A, %multiple_of3A] : memref<2048x32x2048xf32, #tpu.memory_space<hbm>> -> memref<1x32x384xf32, #tpu.memory_space<hbm>>
      %dma_start3A_414 = tpu.memref_squeeze %dma_start3A_413 : memref<1x32x384xf32, #tpu.memory_space<hbm>> -> memref<32x384xf32, #tpu.memory_space<hbm>>
      %dma_start3A_415 = arith.constant 0 : i32
      %dma_start3A_416 = tpu.memref_slice %arg3[%add3A_404, %dma_start3A_415, %multiple_of3A] : memref<2048x32x2048xf32, #tpu.memory_space<hbm>> -> memref<1x32x384xf32, #tpu.memory_space<hbm>>
      %dma_start3A_417 = tpu.memref_squeeze %dma_start3A_416 : memref<1x32x384xf32, #tpu.memory_space<hbm>> -> memref<32x384xf32, #tpu.memory_space<hbm>>
      tpu.enqueue_dma source(%arg7 : memref<32x384xf32, #tpu.memory_space<vmem>>) target(%dma_start3A_417 : memref<32x384xf32, #tpu.memory_space<hbm>>) target_semaphore(%arg9 : memref<!tpu.dma_semaphore, #tpu.memory_space<semaphore_mem>>)
      %gt3A = arith.constant 0 : i32
      %gt3A_418 = arith.cmpi sgt, %shift_right_arithmetic3A_19, %gt3A : i32
      %convert_element_type3A_419 = arith.extui %gt3A_418 : i1 to i32
      %cond3A_420 = arith.constant 0 : i32
      %cond3A_421 = arith.cmpi ne, %convert_element_type3A_419, %cond3A_420 : i32
      scf.if %cond3A_421 {
        %dma_start3A_708 = arith.constant 0 : i32
        %dma_start3A_709 = arith.constant 0 : i32
        %dma_start3A_710 = tpu.memref_slice %arg6[%dma_start3A_708, %dma_start3A_709] : memref<32x2048xf32, #tpu.memory_space<vmem>> -> memref<32x128xf32, #tpu.memory_space<vmem>>
        %dma_start3A_711 = arith.constant 0 : i32
        %dma_start3A_712 = arith.constant 0 : i32
        %dma_start3A_713 = tpu.memref_slice %arg3[%add3A_404, %dma_start3A_711, %dma_start3A_712] : memref<2048x32x2048xf32, #tpu.memory_space<hbm>> -> memref<1x32x128xf32, #tpu.memory_space<hbm>>
        %dma_start3A_714 = tpu.memref_squeeze %dma_start3A_713 : memref<1x32x128xf32, #tpu.memory_space<hbm>> -> memref<32x128xf32, #tpu.memory_space<hbm>>
        %dma_start3A_715 = arith.constant 0 : i32
        %dma_start3A_716 = arith.constant 0 : i32
        %dma_start3A_717 = tpu.memref_slice %arg3[%add3A_404, %dma_start3A_715, %dma_start3A_716] : memref<2048x32x2048xf32, #tpu.memory_space<hbm>> -> memref<1x32x128xf32, #tpu.memory_space<hbm>>
        %dma_start3A_718 = tpu.memref_squeeze %dma_start3A_717 : memref<1x32x128xf32, #tpu.memory_space<hbm>> -> memref<32x128xf32, #tpu.memory_space<hbm>>
        %dma_start3A_719 = arith.constant 0 : i32
        %dma_start3A_720 = arith.constant 0 : i32
        %dma_start3A_721 = tpu.memref_slice %arg6[%dma_start3A_719, %dma_start3A_720] : memref<32x2048xf32, #tpu.memory_space<vmem>> -> memref<32x128xf32, #tpu.memory_space<vmem>>
        tpu.enqueue_dma source(%dma_start3A_721 : memref<32x128xf32, #tpu.memory_space<vmem>>) target(%dma_start3A_718 : memref<32x128xf32, #tpu.memory_space<hbm>>) target_semaphore(%arg10 : memref<!tpu.dma_semaphore, #tpu.memory_space<semaphore_mem>>)
      } else {
      }
      %le3A = arith.constant 0 : i32
      %le3A_422 = arith.cmpi sle, %shift_right_arithmetic3A_19, %le3A : i32
      %convert_element_type3A_423 = arith.extui %le3A_422 : i1 to i32
      %cond3A_424 = arith.constant 0 : i32
      %cond3A_425 = arith.cmpi ne, %convert_element_type3A_423, %cond3A_424 : i32
      scf.if %cond3A_425 {
        %dma_start3A_708 = arith.constant 0 : i32
        %dma_start3A_709 = arith.constant 384 : i32
        %dma_start3A_710 = tpu.memref_slice %arg6[%dma_start3A_708, %dma_start3A_709] : memref<32x2048xf32, #tpu.memory_space<vmem>> -> memref<32x128xf32, #tpu.memory_space<vmem>>
        %dma_start3A_711 = arith.constant 0 : i32
        %dma_start3A_712 = arith.constant 384 : i32
        %dma_start3A_713 = tpu.memref_slice %arg3[%add3A_404, %dma_start3A_711, %dma_start3A_712] : memref<2048x32x2048xf32, #tpu.memory_space<hbm>> -> memref<1x32x128xf32, #tpu.memory_space<hbm>>
        %dma_start3A_714 = tpu.memref_squeeze %dma_start3A_713 : memref<1x32x128xf32, #tpu.memory_space<hbm>> -> memref<32x128xf32, #tpu.memory_space<hbm>>
        %dma_start3A_715 = arith.constant 0 : i32
        %dma_start3A_716 = arith.constant 384 : i32
        %dma_start3A_717 = tpu.memref_slice %arg3[%add3A_404, %dma_start3A_715, %dma_start3A_716] : memref<2048x32x2048xf32, #tpu.memory_space<hbm>> -> memref<1x32x128xf32, #tpu.memory_space<hbm>>
        %dma_start3A_718 = tpu.memref_squeeze %dma_start3A_717 : memref<1x32x128xf32, #tpu.memory_space<hbm>> -> memref<32x128xf32, #tpu.memory_space<hbm>>
        %dma_start3A_719 = arith.constant 0 : i32
        %dma_start3A_720 = arith.constant 384 : i32
        %dma_start3A_721 = tpu.memref_slice %arg6[%dma_start3A_719, %dma_start3A_720] : memref<32x2048xf32, #tpu.memory_space<vmem>> -> memref<32x128xf32, #tpu.memory_space<vmem>>
        tpu.enqueue_dma source(%dma_start3A_721 : memref<32x128xf32, #tpu.memory_space<vmem>>) target(%dma_start3A_718 : memref<32x128xf32, #tpu.memory_space<hbm>>) target_semaphore(%arg10 : memref<!tpu.dma_semaphore, #tpu.memory_space<semaphore_mem>>)
      } else {
      }
      %gt3A_426 = arith.constant 1 : i32
      %gt3A_427 = arith.cmpi sgt, %shift_right_arithmetic3A_19, %gt3A_426 : i32
      %convert_element_type3A_428 = arith.extui %gt3A_427 : i1 to i32
      %cond3A_429 = arith.constant 0 : i32
      %cond3A_430 = arith.cmpi ne, %convert_element_type3A_428, %cond3A_429 : i32
      scf.if %cond3A_430 {
        %dma_start3A_708 = arith.constant 0 : i32
        %dma_start3A_709 = arith.constant 128 : i32
        %dma_start3A_710 = tpu.memref_slice %arg6[%dma_start3A_708, %dma_start3A_709] : memref<32x2048xf32, #tpu.memory_space<vmem>> -> memref<32x128xf32, #tpu.memory_space<vmem>>
        %dma_start3A_711 = arith.constant 0 : i32
        %dma_start3A_712 = arith.constant 128 : i32
        %dma_start3A_713 = tpu.memref_slice %arg3[%add3A_404, %dma_start3A_711, %dma_start3A_712] : memref<2048x32x2048xf32, #tpu.memory_space<hbm>> -> memref<1x32x128xf32, #tpu.memory_space<hbm>>
        %dma_start3A_714 = tpu.memref_squeeze %dma_start3A_713 : memref<1x32x128xf32, #tpu.memory_space<hbm>> -> memref<32x128xf32, #tpu.memory_space<hbm>>
        %dma_start3A_715 = arith.constant 0 : i32
        %dma_start3A_716 = arith.constant 128 : i32
        %dma_start3A_717 = tpu.memref_slice %arg3[%add3A_404, %dma_start3A_715, %dma_start3A_716] : memref<2048x32x2048xf32, #tpu.memory_space<hbm>> -> memref<1x32x128xf32, #tpu.memory_space<hbm>>
        %dma_start3A_718 = tpu.memref_squeeze %dma_start3A_717 : memref<1x32x128xf32, #tpu.memory_space<hbm>> -> memref<32x128xf32, #tpu.memory_space<hbm>>
        %dma_start3A_719 = arith.constant 0 : i32
        %dma_start3A_720 = arith.constant 128 : i32
        %dma_start3A_721 = tpu.memref_slice %arg6[%dma_start3A_719, %dma_start3A_720] : memref<32x2048xf32, #tpu.memory_space<vmem>> -> memref<32x128xf32, #tpu.memory_space<vmem>>
        tpu.enqueue_dma source(%dma_start3A_721 : memref<32x128xf32, #tpu.memory_space<vmem>>) target(%dma_start3A_718 : memref<32x128xf32, #tpu.memory_space<hbm>>) target_semaphore(%arg10 : memref<!tpu.dma_semaphore, #tpu.memory_space<semaphore_mem>>)
      } else {
      }
      %le3A_431 = arith.constant 1 : i32
      %le3A_432 = arith.cmpi sle, %shift_right_arithmetic3A_19, %le3A_431 : i32
      %convert_element_type3A_433 = arith.extui %le3A_432 : i1 to i32
      %cond3A_434 = arith.constant 0 : i32
      %cond3A_435 = arith.cmpi ne, %convert_element_type3A_433, %cond3A_434 : i32
      scf.if %cond3A_435 {
        %dma_start3A_708 = arith.constant 0 : i32
        %dma_start3A_709 = arith.constant 512 : i32
        %dma_start3A_710 = tpu.memref_slice %arg6[%dma_start3A_708, %dma_start3A_709] : memref<32x2048xf32, #tpu.memory_space<vmem>> -> memref<32x128xf32, #tpu.memory_space<vmem>>
        %dma_start3A_711 = arith.constant 0 : i32
        %dma_start3A_712 = arith.constant 512 : i32
        %dma_start3A_713 = tpu.memref_slice %arg3[%add3A_404, %dma_start3A_711, %dma_start3A_712] : memref<2048x32x2048xf32, #tpu.memory_space<hbm>> -> memref<1x32x128xf32, #tpu.memory_space<hbm>>
        %dma_start3A_714 = tpu.memref_squeeze %dma_start3A_713 : memref<1x32x128xf32, #tpu.memory_space<hbm>> -> memref<32x128xf32, #tpu.memory_space<hbm>>
        %dma_start3A_715 = arith.constant 0 : i32
        %dma_start3A_716 = arith.constant 512 : i32
        %dma_start3A_717 = tpu.memref_slice %arg3[%add3A_404, %dma_start3A_715, %dma_start3A_716] : memref<2048x32x2048xf32, #tpu.memory_space<hbm>> -> memref<1x32x128xf32, #tpu.memory_space<hbm>>
        %dma_start3A_718 = tpu.memref_squeeze %dma_start3A_717 : memref<1x32x128xf32, #tpu.memory_space<hbm>> -> memref<32x128xf32, #tpu.memory_space<hbm>>
        %dma_start3A_719 = arith.constant 0 : i32
        %dma_start3A_720 = arith.constant 512 : i32
        %dma_start3A_721 = tpu.memref_slice %arg6[%dma_start3A_719, %dma_start3A_720] : memref<32x2048xf32, #tpu.memory_space<vmem>> -> memref<32x128xf32, #tpu.memory_space<vmem>>
        tpu.enqueue_dma source(%dma_start3A_721 : memref<32x128xf32, #tpu.memory_space<vmem>>) target(%dma_start3A_718 : memref<32x128xf32, #tpu.memory_space<hbm>>) target_semaphore(%arg10 : memref<!tpu.dma_semaphore, #tpu.memory_space<semaphore_mem>>)
      } else {
      }
      %gt3A_436 = arith.constant 2 : i32
      %gt3A_437 = arith.cmpi sgt, %shift_right_arithmetic3A_19, %gt3A_436 : i32
      %convert_element_type3A_438 = arith.extui %gt3A_437 : i1 to i32
      %cond3A_439 = arith.constant 0 : i32
      %cond3A_440 = arith.cmpi ne, %convert_element_type3A_438, %cond3A_439 : i32
      scf.if %cond3A_440 {
        %dma_start3A_708 = arith.constant 0 : i32
        %dma_start3A_709 = arith.constant 256 : i32
        %dma_start3A_710 = tpu.memref_slice %arg6[%dma_start3A_708, %dma_start3A_709] : memref<32x2048xf32, #tpu.memory_space<vmem>> -> memref<32x128xf32, #tpu.memory_space<vmem>>
        %dma_start3A_711 = arith.constant 0 : i32
        %dma_start3A_712 = arith.constant 256 : i32
        %dma_start3A_713 = tpu.memref_slice %arg3[%add3A_404, %dma_start3A_711, %dma_start3A_712] : memref<2048x32x2048xf32, #tpu.memory_space<hbm>> -> memref<1x32x128xf32, #tpu.memory_space<hbm>>
        %dma_start3A_714 = tpu.memref_squeeze %dma_start3A_713 : memref<1x32x128xf32, #tpu.memory_space<hbm>> -> memref<32x128xf32, #tpu.memory_space<hbm>>
        %dma_start3A_715 = arith.constant 0 : i32
        %dma_start3A_716 = arith.constant 256 : i32
        %dma_start3A_717 = tpu.memref_slice %arg3[%add3A_404, %dma_start3A_715, %dma_start3A_716] : memref<2048x32x2048xf32, #tpu.memory_space<hbm>> -> memref<1x32x128xf32, #tpu.memory_space<hbm>>
        %dma_start3A_718 = tpu.memref_squeeze %dma_start3A_717 : memref<1x32x128xf32, #tpu.memory_space<hbm>> -> memref<32x128xf32, #tpu.memory_space<hbm>>
        %dma_start3A_719 = arith.constant 0 : i32
        %dma_start3A_720 = arith.constant 256 : i32
        %dma_start3A_721 = tpu.memref_slice %arg6[%dma_start3A_719, %dma_start3A_720] : memref<32x2048xf32, #tpu.memory_space<vmem>> -> memref<32x128xf32, #tpu.memory_space<vmem>>
        tpu.enqueue_dma source(%dma_start3A_721 : memref<32x128xf32, #tpu.memory_space<vmem>>) target(%dma_start3A_718 : memref<32x128xf32, #tpu.memory_space<hbm>>) target_semaphore(%arg10 : memref<!tpu.dma_semaphore, #tpu.memory_space<semaphore_mem>>)
      } else {
      }
      %le3A_441 = arith.constant 2 : i32
      %le3A_442 = arith.cmpi sle, %shift_right_arithmetic3A_19, %le3A_441 : i32
      %convert_element_type3A_443 = arith.extui %le3A_442 : i1 to i32
      %cond3A_444 = arith.constant 0 : i32
      %cond3A_445 = arith.cmpi ne, %convert_element_type3A_443, %cond3A_444 : i32
      scf.if %cond3A_445 {
        %dma_start3A_708 = arith.constant 0 : i32
        %dma_start3A_709 = arith.constant 640 : i32
        %dma_start3A_710 = tpu.memref_slice %arg6[%dma_start3A_708, %dma_start3A_709] : memref<32x2048xf32, #tpu.memory_space<vmem>> -> memref<32x128xf32, #tpu.memory_space<vmem>>
        %dma_start3A_711 = arith.constant 0 : i32
        %dma_start3A_712 = arith.constant 640 : i32
        %dma_start3A_713 = tpu.memref_slice %arg3[%add3A_404, %dma_start3A_711, %dma_start3A_712] : memref<2048x32x2048xf32, #tpu.memory_space<hbm>> -> memref<1x32x128xf32, #tpu.memory_space<hbm>>
        %dma_start3A_714 = tpu.memref_squeeze %dma_start3A_713 : memref<1x32x128xf32, #tpu.memory_space<hbm>> -> memref<32x128xf32, #tpu.memory_space<hbm>>
        %dma_start3A_715 = arith.constant 0 : i32
        %dma_start3A_716 = arith.constant 640 : i32
        %dma_start3A_717 = tpu.memref_slice %arg3[%add3A_404, %dma_start3A_715, %dma_start3A_716] : memref<2048x32x2048xf32, #tpu.memory_space<hbm>> -> memref<1x32x128xf32, #tpu.memory_space<hbm>>
        %dma_start3A_718 = tpu.memref_squeeze %dma_start3A_717 : memref<1x32x128xf32, #tpu.memory_space<hbm>> -> memref<32x128xf32, #tpu.memory_space<hbm>>
        %dma_start3A_719 = arith.constant 0 : i32
        %dma_start3A_720 = arith.constant 640 : i32
        %dma_start3A_721 = tpu.memref_slice %arg6[%dma_start3A_719, %dma_start3A_720] : memref<32x2048xf32, #tpu.memory_space<vmem>> -> memref<32x128xf32, #tpu.memory_space<vmem>>
        tpu.enqueue_dma source(%dma_start3A_721 : memref<32x128xf32, #tpu.memory_space<vmem>>) target(%dma_start3A_718 : memref<32x128xf32, #tpu.memory_space<hbm>>) target_semaphore(%arg10 : memref<!tpu.dma_semaphore, #tpu.memory_space<semaphore_mem>>)
      } else {
      }
      %gt3A_446 = arith.constant 3 : i32
      %gt3A_447 = arith.cmpi sgt, %shift_right_arithmetic3A_19, %gt3A_446 : i32
      %convert_element_type3A_448 = arith.extui %gt3A_447 : i1 to i32
      %cond3A_449 = arith.constant 0 : i32
      %cond3A_450 = arith.cmpi ne, %convert_element_type3A_448, %cond3A_449 : i32
      scf.if %cond3A_450 {
        %dma_start3A_708 = arith.constant 0 : i32
        %dma_start3A_709 = arith.constant 384 : i32
        %dma_start3A_710 = tpu.memref_slice %arg6[%dma_start3A_708, %dma_start3A_709] : memref<32x2048xf32, #tpu.memory_space<vmem>> -> memref<32x128xf32, #tpu.memory_space<vmem>>
        %dma_start3A_711 = arith.constant 0 : i32
        %dma_start3A_712 = arith.constant 384 : i32
        %dma_start3A_713 = tpu.memref_slice %arg3[%add3A_404, %dma_start3A_711, %dma_start3A_712] : memref<2048x32x2048xf32, #tpu.memory_space<hbm>> -> memref<1x32x128xf32, #tpu.memory_space<hbm>>
        %dma_start3A_714 = tpu.memref_squeeze %dma_start3A_713 : memref<1x32x128xf32, #tpu.memory_space<hbm>> -> memref<32x128xf32, #tpu.memory_space<hbm>>
        %dma_start3A_715 = arith.constant 0 : i32
        %dma_start3A_716 = arith.constant 384 : i32
        %dma_start3A_717 = tpu.memref_slice %arg3[%add3A_404, %dma_start3A_715, %dma_start3A_716] : memref<2048x32x2048xf32, #tpu.memory_space<hbm>> -> memref<1x32x128xf32, #tpu.memory_space<hbm>>
        %dma_start3A_718 = tpu.memref_squeeze %dma_start3A_717 : memref<1x32x128xf32, #tpu.memory_space<hbm>> -> memref<32x128xf32, #tpu.memory_space<hbm>>
        %dma_start3A_719 = arith.constant 0 : i32
        %dma_start3A_720 = arith.constant 384 : i32
        %dma_start3A_721 = tpu.memref_slice %arg6[%dma_start3A_719, %dma_start3A_720] : memref<32x2048xf32, #tpu.memory_space<vmem>> -> memref<32x128xf32, #tpu.memory_space<vmem>>
        tpu.enqueue_dma source(%dma_start3A_721 : memref<32x128xf32, #tpu.memory_space<vmem>>) target(%dma_start3A_718 : memref<32x128xf32, #tpu.memory_space<hbm>>) target_semaphore(%arg10 : memref<!tpu.dma_semaphore, #tpu.memory_space<semaphore_mem>>)
      } else {
      }
      %le3A_451 = arith.constant 3 : i32
      %le3A_452 = arith.cmpi sle, %shift_right_arithmetic3A_19, %le3A_451 : i32
      %convert_element_type3A_453 = arith.extui %le3A_452 : i1 to i32
      %cond3A_454 = arith.constant 0 : i32
      %cond3A_455 = arith.cmpi ne, %convert_element_type3A_453, %cond3A_454 : i32
      scf.if %cond3A_455 {
        %dma_start3A_708 = arith.constant 0 : i32
        %dma_start3A_709 = arith.constant 768 : i32
        %dma_start3A_710 = tpu.memref_slice %arg6[%dma_start3A_708, %dma_start3A_709] : memref<32x2048xf32, #tpu.memory_space<vmem>> -> memref<32x128xf32, #tpu.memory_space<vmem>>
        %dma_start3A_711 = arith.constant 0 : i32
        %dma_start3A_712 = arith.constant 768 : i32
        %dma_start3A_713 = tpu.memref_slice %arg3[%add3A_404, %dma_start3A_711, %dma_start3A_712] : memref<2048x32x2048xf32, #tpu.memory_space<hbm>> -> memref<1x32x128xf32, #tpu.memory_space<hbm>>
        %dma_start3A_714 = tpu.memref_squeeze %dma_start3A_713 : memref<1x32x128xf32, #tpu.memory_space<hbm>> -> memref<32x128xf32, #tpu.memory_space<hbm>>
        %dma_start3A_715 = arith.constant 0 : i32
        %dma_start3A_716 = arith.constant 768 : i32
        %dma_start3A_717 = tpu.memref_slice %arg3[%add3A_404, %dma_start3A_715, %dma_start3A_716] : memref<2048x32x2048xf32, #tpu.memory_space<hbm>> -> memref<1x32x128xf32, #tpu.memory_space<hbm>>
        %dma_start3A_718 = tpu.memref_squeeze %dma_start3A_717 : memref<1x32x128xf32, #tpu.memory_space<hbm>> -> memref<32x128xf32, #tpu.memory_space<hbm>>
        %dma_start3A_719 = arith.constant 0 : i32
        %dma_start3A_720 = arith.constant 768 : i32
        %dma_start3A_721 = tpu.memref_slice %arg6[%dma_start3A_719, %dma_start3A_720] : memref<32x2048xf32, #tpu.memory_space<vmem>> -> memref<32x128xf32, #tpu.memory_space<vmem>>
        tpu.enqueue_dma source(%dma_start3A_721 : memref<32x128xf32, #tpu.memory_space<vmem>>) target(%dma_start3A_718 : memref<32x128xf32, #tpu.memory_space<hbm>>) target_semaphore(%arg10 : memref<!tpu.dma_semaphore, #tpu.memory_space<semaphore_mem>>)
      } else {
      }
      %gt3A_456 = arith.constant 4 : i32
      %gt3A_457 = arith.cmpi sgt, %shift_right_arithmetic3A_19, %gt3A_456 : i32
      %convert_element_type3A_458 = arith.extui %gt3A_457 : i1 to i32
      %cond3A_459 = arith.constant 0 : i32
      %cond3A_460 = arith.cmpi ne, %convert_element_type3A_458, %cond3A_459 : i32
      scf.if %cond3A_460 {
        %dma_start3A_708 = arith.constant 0 : i32
        %dma_start3A_709 = arith.constant 512 : i32
        %dma_start3A_710 = tpu.memref_slice %arg6[%dma_start3A_708, %dma_start3A_709] : memref<32x2048xf32, #tpu.memory_space<vmem>> -> memref<32x128xf32, #tpu.memory_space<vmem>>
        %dma_start3A_711 = arith.constant 0 : i32
        %dma_start3A_712 = arith.constant 512 : i32
        %dma_start3A_713 = tpu.memref_slice %arg3[%add3A_404, %dma_start3A_711, %dma_start3A_712] : memref<2048x32x2048xf32, #tpu.memory_space<hbm>> -> memref<1x32x128xf32, #tpu.memory_space<hbm>>
        %dma_start3A_714 = tpu.memref_squeeze %dma_start3A_713 : memref<1x32x128xf32, #tpu.memory_space<hbm>> -> memref<32x128xf32, #tpu.memory_space<hbm>>
        %dma_start3A_715 = arith.constant 0 : i32
        %dma_start3A_716 = arith.constant 512 : i32
        %dma_start3A_717 = tpu.memref_slice %arg3[%add3A_404, %dma_start3A_715, %dma_start3A_716] : memref<2048x32x2048xf32, #tpu.memory_space<hbm>> -> memref<1x32x128xf32, #tpu.memory_space<hbm>>
        %dma_start3A_718 = tpu.memref_squeeze %dma_start3A_717 : memref<1x32x128xf32, #tpu.memory_space<hbm>> -> memref<32x128xf32, #tpu.memory_space<hbm>>
        %dma_start3A_719 = arith.constant 0 : i32
        %dma_start3A_720 = arith.constant 512 : i32
        %dma_start3A_721 = tpu.memref_slice %arg6[%dma_start3A_719, %dma_start3A_720] : memref<32x2048xf32, #tpu.memory_space<vmem>> -> memref<32x128xf32, #tpu.memory_space<vmem>>
        tpu.enqueue_dma source(%dma_start3A_721 : memref<32x128xf32, #tpu.memory_space<vmem>>) target(%dma_start3A_718 : memref<32x128xf32, #tpu.memory_space<hbm>>) target_semaphore(%arg10 : memref<!tpu.dma_semaphore, #tpu.memory_space<semaphore_mem>>)
      } else {
      }
      %le3A_461 = arith.constant 4 : i32
      %le3A_462 = arith.cmpi sle, %shift_right_arithmetic3A_19, %le3A_461 : i32
      %convert_element_type3A_463 = arith.extui %le3A_462 : i1 to i32
      %cond3A_464 = arith.constant 0 : i32
      %cond3A_465 = arith.cmpi ne, %convert_element_type3A_463, %cond3A_464 : i32
      scf.if %cond3A_465 {
        %dma_start3A_708 = arith.constant 0 : i32
        %dma_start3A_709 = arith.constant 896 : i32
        %dma_start3A_710 = tpu.memref_slice %arg6[%dma_start3A_708, %dma_start3A_709] : memref<32x2048xf32, #tpu.memory_space<vmem>> -> memref<32x128xf32, #tpu.memory_space<vmem>>
        %dma_start3A_711 = arith.constant 0 : i32
        %dma_start3A_712 = arith.constant 896 : i32
        %dma_start3A_713 = tpu.memref_slice %arg3[%add3A_404, %dma_start3A_711, %dma_start3A_712] : memref<2048x32x2048xf32, #tpu.memory_space<hbm>> -> memref<1x32x128xf32, #tpu.memory_space<hbm>>
        %dma_start3A_714 = tpu.memref_squeeze %dma_start3A_713 : memref<1x32x128xf32, #tpu.memory_space<hbm>> -> memref<32x128xf32, #tpu.memory_space<hbm>>
        %dma_start3A_715 = arith.constant 0 : i32
        %dma_start3A_716 = arith.constant 896 : i32
        %dma_start3A_717 = tpu.memref_slice %arg3[%add3A_404, %dma_start3A_715, %dma_start3A_716] : memref<2048x32x2048xf32, #tpu.memory_space<hbm>> -> memref<1x32x128xf32, #tpu.memory_space<hbm>>
        %dma_start3A_718 = tpu.memref_squeeze %dma_start3A_717 : memref<1x32x128xf32, #tpu.memory_space<hbm>> -> memref<32x128xf32, #tpu.memory_space<hbm>>
        %dma_start3A_719 = arith.constant 0 : i32
        %dma_start3A_720 = arith.constant 896 : i32
        %dma_start3A_721 = tpu.memref_slice %arg6[%dma_start3A_719, %dma_start3A_720] : memref<32x2048xf32, #tpu.memory_space<vmem>> -> memref<32x128xf32, #tpu.memory_space<vmem>>
        tpu.enqueue_dma source(%dma_start3A_721 : memref<32x128xf32, #tpu.memory_space<vmem>>) target(%dma_start3A_718 : memref<32x128xf32, #tpu.memory_space<hbm>>) target_semaphore(%arg10 : memref<!tpu.dma_semaphore, #tpu.memory_space<semaphore_mem>>)
      } else {
      }
      %gt3A_466 = arith.constant 5 : i32
      %gt3A_467 = arith.cmpi sgt, %shift_right_arithmetic3A_19, %gt3A_466 : i32
      %convert_element_type3A_468 = arith.extui %gt3A_467 : i1 to i32
      %cond3A_469 = arith.constant 0 : i32
      %cond3A_470 = arith.cmpi ne, %convert_element_type3A_468, %cond3A_469 : i32
      scf.if %cond3A_470 {
        %dma_start3A_708 = arith.constant 0 : i32
        %dma_start3A_709 = arith.constant 640 : i32
        %dma_start3A_710 = tpu.memref_slice %arg6[%dma_start3A_708, %dma_start3A_709] : memref<32x2048xf32, #tpu.memory_space<vmem>> -> memref<32x128xf32, #tpu.memory_space<vmem>>
        %dma_start3A_711 = arith.constant 0 : i32
        %dma_start3A_712 = arith.constant 640 : i32
        %dma_start3A_713 = tpu.memref_slice %arg3[%add3A_404, %dma_start3A_711, %dma_start3A_712] : memref<2048x32x2048xf32, #tpu.memory_space<hbm>> -> memref<1x32x128xf32, #tpu.memory_space<hbm>>
        %dma_start3A_714 = tpu.memref_squeeze %dma_start3A_713 : memref<1x32x128xf32, #tpu.memory_space<hbm>> -> memref<32x128xf32, #tpu.memory_space<hbm>>
        %dma_start3A_715 = arith.constant 0 : i32
        %dma_start3A_716 = arith.constant 640 : i32
        %dma_start3A_717 = tpu.memref_slice %arg3[%add3A_404, %dma_start3A_715, %dma_start3A_716] : memref<2048x32x2048xf32, #tpu.memory_space<hbm>> -> memref<1x32x128xf32, #tpu.memory_space<hbm>>
        %dma_start3A_718 = tpu.memref_squeeze %dma_start3A_717 : memref<1x32x128xf32, #tpu.memory_space<hbm>> -> memref<32x128xf32, #tpu.memory_space<hbm>>
        %dma_start3A_719 = arith.constant 0 : i32
        %dma_start3A_720 = arith.constant 640 : i32
        %dma_start3A_721 = tpu.memref_slice %arg6[%dma_start3A_719, %dma_start3A_720] : memref<32x2048xf32, #tpu.memory_space<vmem>> -> memref<32x128xf32, #tpu.memory_space<vmem>>
        tpu.enqueue_dma source(%dma_start3A_721 : memref<32x128xf32, #tpu.memory_space<vmem>>) target(%dma_start3A_718 : memref<32x128xf32, #tpu.memory_space<hbm>>) target_semaphore(%arg10 : memref<!tpu.dma_semaphore, #tpu.memory_space<semaphore_mem>>)
      } else {
      }
      %le3A_471 = arith.constant 5 : i32
      %le3A_472 = arith.cmpi sle, %shift_right_arithmetic3A_19, %le3A_471 : i32
      %convert_element_type3A_473 = arith.extui %le3A_472 : i1 to i32
      %cond3A_474 = arith.constant 0 : i32
      %cond3A_475 = arith.cmpi ne, %convert_element_type3A_473, %cond3A_474 : i32
      scf.if %cond3A_475 {
        %dma_start3A_708 = arith.constant 0 : i32
        %dma_start3A_709 = arith.constant 1024 : i32
        %dma_start3A_710 = tpu.memref_slice %arg6[%dma_start3A_708, %dma_start3A_709] : memref<32x2048xf32, #tpu.memory_space<vmem>> -> memref<32x128xf32, #tpu.memory_space<vmem>>
        %dma_start3A_711 = arith.constant 0 : i32
        %dma_start3A_712 = arith.constant 1024 : i32
        %dma_start3A_713 = tpu.memref_slice %arg3[%add3A_404, %dma_start3A_711, %dma_start3A_712] : memref<2048x32x2048xf32, #tpu.memory_space<hbm>> -> memref<1x32x128xf32, #tpu.memory_space<hbm>>
        %dma_start3A_714 = tpu.memref_squeeze %dma_start3A_713 : memref<1x32x128xf32, #tpu.memory_space<hbm>> -> memref<32x128xf32, #tpu.memory_space<hbm>>
        %dma_start3A_715 = arith.constant 0 : i32
        %dma_start3A_716 = arith.constant 1024 : i32
        %dma_start3A_717 = tpu.memref_slice %arg3[%add3A_404, %dma_start3A_715, %dma_start3A_716] : memref<2048x32x2048xf32, #tpu.memory_space<hbm>> -> memref<1x32x128xf32, #tpu.memory_space<hbm>>
        %dma_start3A_718 = tpu.memref_squeeze %dma_start3A_717 : memref<1x32x128xf32, #tpu.memory_space<hbm>> -> memref<32x128xf32, #tpu.memory_space<hbm>>
        %dma_start3A_719 = arith.constant 0 : i32
        %dma_start3A_720 = arith.constant 1024 : i32
        %dma_start3A_721 = tpu.memref_slice %arg6[%dma_start3A_719, %dma_start3A_720] : memref<32x2048xf32, #tpu.memory_space<vmem>> -> memref<32x128xf32, #tpu.memory_space<vmem>>
        tpu.enqueue_dma source(%dma_start3A_721 : memref<32x128xf32, #tpu.memory_space<vmem>>) target(%dma_start3A_718 : memref<32x128xf32, #tpu.memory_space<hbm>>) target_semaphore(%arg10 : memref<!tpu.dma_semaphore, #tpu.memory_space<semaphore_mem>>)
      } else {
      }
      %gt3A_476 = arith.constant 6 : i32
      %gt3A_477 = arith.cmpi sgt, %shift_right_arithmetic3A_19, %gt3A_476 : i32
      %convert_element_type3A_478 = arith.extui %gt3A_477 : i1 to i32
      %cond3A_479 = arith.constant 0 : i32
      %cond3A_480 = arith.cmpi ne, %convert_element_type3A_478, %cond3A_479 : i32
      scf.if %cond3A_480 {
        %dma_start3A_708 = arith.constant 0 : i32
        %dma_start3A_709 = arith.constant 768 : i32
        %dma_start3A_710 = tpu.memref_slice %arg6[%dma_start3A_708, %dma_start3A_709] : memref<32x2048xf32, #tpu.memory_space<vmem>> -> memref<32x128xf32, #tpu.memory_space<vmem>>
        %dma_start3A_711 = arith.constant 0 : i32
        %dma_start3A_712 = arith.constant 768 : i32
        %dma_start3A_713 = tpu.memref_slice %arg3[%add3A_404, %dma_start3A_711, %dma_start3A_712] : memref<2048x32x2048xf32, #tpu.memory_space<hbm>> -> memref<1x32x128xf32, #tpu.memory_space<hbm>>
        %dma_start3A_714 = tpu.memref_squeeze %dma_start3A_713 : memref<1x32x128xf32, #tpu.memory_space<hbm>> -> memref<32x128xf32, #tpu.memory_space<hbm>>
        %dma_start3A_715 = arith.constant 0 : i32
        %dma_start3A_716 = arith.constant 768 : i32
        %dma_start3A_717 = tpu.memref_slice %arg3[%add3A_404, %dma_start3A_715, %dma_start3A_716] : memref<2048x32x2048xf32, #tpu.memory_space<hbm>> -> memref<1x32x128xf32, #tpu.memory_space<hbm>>
        %dma_start3A_718 = tpu.memref_squeeze %dma_start3A_717 : memref<1x32x128xf32, #tpu.memory_space<hbm>> -> memref<32x128xf32, #tpu.memory_space<hbm>>
        %dma_start3A_719 = arith.constant 0 : i32
        %dma_start3A_720 = arith.constant 768 : i32
        %dma_start3A_721 = tpu.memref_slice %arg6[%dma_start3A_719, %dma_start3A_720] : memref<32x2048xf32, #tpu.memory_space<vmem>> -> memref<32x128xf32, #tpu.memory_space<vmem>>
        tpu.enqueue_dma source(%dma_start3A_721 : memref<32x128xf32, #tpu.memory_space<vmem>>) target(%dma_start3A_718 : memref<32x128xf32, #tpu.memory_space<hbm>>) target_semaphore(%arg10 : memref<!tpu.dma_semaphore, #tpu.memory_space<semaphore_mem>>)
      } else {
      }
      %le3A_481 = arith.constant 6 : i32
      %le3A_482 = arith.cmpi sle, %shift_right_arithmetic3A_19, %le3A_481 : i32
      %convert_element_type3A_483 = arith.extui %le3A_482 : i1 to i32
      %cond3A_484 = arith.constant 0 : i32
      %cond3A_485 = arith.cmpi ne, %convert_element_type3A_483, %cond3A_484 : i32
      scf.if %cond3A_485 {
        %dma_start3A_708 = arith.constant 0 : i32
        %dma_start3A_709 = arith.constant 1152 : i32
        %dma_start3A_710 = tpu.memref_slice %arg6[%dma_start3A_708, %dma_start3A_709] : memref<32x2048xf32, #tpu.memory_space<vmem>> -> memref<32x128xf32, #tpu.memory_space<vmem>>
        %dma_start3A_711 = arith.constant 0 : i32
        %dma_start3A_712 = arith.constant 1152 : i32
        %dma_start3A_713 = tpu.memref_slice %arg3[%add3A_404, %dma_start3A_711, %dma_start3A_712] : memref<2048x32x2048xf32, #tpu.memory_space<hbm>> -> memref<1x32x128xf32, #tpu.memory_space<hbm>>
        %dma_start3A_714 = tpu.memref_squeeze %dma_start3A_713 : memref<1x32x128xf32, #tpu.memory_space<hbm>> -> memref<32x128xf32, #tpu.memory_space<hbm>>
        %dma_start3A_715 = arith.constant 0 : i32
        %dma_start3A_716 = arith.constant 1152 : i32
        %dma_start3A_717 = tpu.memref_slice %arg3[%add3A_404, %dma_start3A_715, %dma_start3A_716] : memref<2048x32x2048xf32, #tpu.memory_space<hbm>> -> memref<1x32x128xf32, #tpu.memory_space<hbm>>
        %dma_start3A_718 = tpu.memref_squeeze %dma_start3A_717 : memref<1x32x128xf32, #tpu.memory_space<hbm>> -> memref<32x128xf32, #tpu.memory_space<hbm>>
        %dma_start3A_719 = arith.constant 0 : i32
        %dma_start3A_720 = arith.constant 1152 : i32
        %dma_start3A_721 = tpu.memref_slice %arg6[%dma_start3A_719, %dma_start3A_720] : memref<32x2048xf32, #tpu.memory_space<vmem>> -> memref<32x128xf32, #tpu.memory_space<vmem>>
        tpu.enqueue_dma source(%dma_start3A_721 : memref<32x128xf32, #tpu.memory_space<vmem>>) target(%dma_start3A_718 : memref<32x128xf32, #tpu.memory_space<hbm>>) target_semaphore(%arg10 : memref<!tpu.dma_semaphore, #tpu.memory_space<semaphore_mem>>)
      } else {
      }
      %gt3A_486 = arith.constant 7 : i32
      %gt3A_487 = arith.cmpi sgt, %shift_right_arithmetic3A_19, %gt3A_486 : i32
      %convert_element_type3A_488 = arith.extui %gt3A_487 : i1 to i32
      %cond3A_489 = arith.constant 0 : i32
      %cond3A_490 = arith.cmpi ne, %convert_element_type3A_488, %cond3A_489 : i32
      scf.if %cond3A_490 {
        %dma_start3A_708 = arith.constant 0 : i32
        %dma_start3A_709 = arith.constant 896 : i32
        %dma_start3A_710 = tpu.memref_slice %arg6[%dma_start3A_708, %dma_start3A_709] : memref<32x2048xf32, #tpu.memory_space<vmem>> -> memref<32x128xf32, #tpu.memory_space<vmem>>
        %dma_start3A_711 = arith.constant 0 : i32
        %dma_start3A_712 = arith.constant 896 : i32
        %dma_start3A_713 = tpu.memref_slice %arg3[%add3A_404, %dma_start3A_711, %dma_start3A_712] : memref<2048x32x2048xf32, #tpu.memory_space<hbm>> -> memref<1x32x128xf32, #tpu.memory_space<hbm>>
        %dma_start3A_714 = tpu.memref_squeeze %dma_start3A_713 : memref<1x32x128xf32, #tpu.memory_space<hbm>> -> memref<32x128xf32, #tpu.memory_space<hbm>>
        %dma_start3A_715 = arith.constant 0 : i32
        %dma_start3A_716 = arith.constant 896 : i32
        %dma_start3A_717 = tpu.memref_slice %arg3[%add3A_404, %dma_start3A_715, %dma_start3A_716] : memref<2048x32x2048xf32, #tpu.memory_space<hbm>> -> memref<1x32x128xf32, #tpu.memory_space<hbm>>
        %dma_start3A_718 = tpu.memref_squeeze %dma_start3A_717 : memref<1x32x128xf32, #tpu.memory_space<hbm>> -> memref<32x128xf32, #tpu.memory_space<hbm>>
        %dma_start3A_719 = arith.constant 0 : i32
        %dma_start3A_720 = arith.constant 896 : i32
        %dma_start3A_721 = tpu.memref_slice %arg6[%dma_start3A_719, %dma_start3A_720] : memref<32x2048xf32, #tpu.memory_space<vmem>> -> memref<32x128xf32, #tpu.memory_space<vmem>>
        tpu.enqueue_dma source(%dma_start3A_721 : memref<32x128xf32, #tpu.memory_space<vmem>>) target(%dma_start3A_718 : memref<32x128xf32, #tpu.memory_space<hbm>>) target_semaphore(%arg10 : memref<!tpu.dma_semaphore, #tpu.memory_space<semaphore_mem>>)
      } else {
      }
      %le3A_491 = arith.constant 7 : i32
      %le3A_492 = arith.cmpi sle, %shift_right_arithmetic3A_19, %le3A_491 : i32
      %convert_element_type3A_493 = arith.extui %le3A_492 : i1 to i32
      %cond3A_494 = arith.constant 0 : i32
      %cond3A_495 = arith.cmpi ne, %convert_element_type3A_493, %cond3A_494 : i32
      scf.if %cond3A_495 {
        %dma_start3A_708 = arith.constant 0 : i32
        %dma_start3A_709 = arith.constant 1280 : i32
        %dma_start3A_710 = tpu.memref_slice %arg6[%dma_start3A_708, %dma_start3A_709] : memref<32x2048xf32, #tpu.memory_space<vmem>> -> memref<32x128xf32, #tpu.memory_space<vmem>>
        %dma_start3A_711 = arith.constant 0 : i32
        %dma_start3A_712 = arith.constant 1280 : i32
        %dma_start3A_713 = tpu.memref_slice %arg3[%add3A_404, %dma_start3A_711, %dma_start3A_712] : memref<2048x32x2048xf32, #tpu.memory_space<hbm>> -> memref<1x32x128xf32, #tpu.memory_space<hbm>>
        %dma_start3A_714 = tpu.memref_squeeze %dma_start3A_713 : memref<1x32x128xf32, #tpu.memory_space<hbm>> -> memref<32x128xf32, #tpu.memory_space<hbm>>
        %dma_start3A_715 = arith.constant 0 : i32
        %dma_start3A_716 = arith.constant 1280 : i32
        %dma_start3A_717 = tpu.memref_slice %arg3[%add3A_404, %dma_start3A_715, %dma_start3A_716] : memref<2048x32x2048xf32, #tpu.memory_space<hbm>> -> memref<1x32x128xf32, #tpu.memory_space<hbm>>
        %dma_start3A_718 = tpu.memref_squeeze %dma_start3A_717 : memref<1x32x128xf32, #tpu.memory_space<hbm>> -> memref<32x128xf32, #tpu.memory_space<hbm>>
        %dma_start3A_719 = arith.constant 0 : i32
        %dma_start3A_720 = arith.constant 1280 : i32
        %dma_start3A_721 = tpu.memref_slice %arg6[%dma_start3A_719, %dma_start3A_720] : memref<32x2048xf32, #tpu.memory_space<vmem>> -> memref<32x128xf32, #tpu.memory_space<vmem>>
        tpu.enqueue_dma source(%dma_start3A_721 : memref<32x128xf32, #tpu.memory_space<vmem>>) target(%dma_start3A_718 : memref<32x128xf32, #tpu.memory_space<hbm>>) target_semaphore(%arg10 : memref<!tpu.dma_semaphore, #tpu.memory_space<semaphore_mem>>)
      } else {
      }
      %gt3A_496 = arith.constant 8 : i32
      %gt3A_497 = arith.cmpi sgt, %shift_right_arithmetic3A_19, %gt3A_496 : i32
      %convert_element_type3A_498 = arith.extui %gt3A_497 : i1 to i32
      %cond3A_499 = arith.constant 0 : i32
      %cond3A_500 = arith.cmpi ne, %convert_element_type3A_498, %cond3A_499 : i32
      scf.if %cond3A_500 {
        %dma_start3A_708 = arith.constant 0 : i32
        %dma_start3A_709 = arith.constant 1024 : i32
        %dma_start3A_710 = tpu.memref_slice %arg6[%dma_start3A_708, %dma_start3A_709] : memref<32x2048xf32, #tpu.memory_space<vmem>> -> memref<32x128xf32, #tpu.memory_space<vmem>>
        %dma_start3A_711 = arith.constant 0 : i32
        %dma_start3A_712 = arith.constant 1024 : i32
        %dma_start3A_713 = tpu.memref_slice %arg3[%add3A_404, %dma_start3A_711, %dma_start3A_712] : memref<2048x32x2048xf32, #tpu.memory_space<hbm>> -> memref<1x32x128xf32, #tpu.memory_space<hbm>>
        %dma_start3A_714 = tpu.memref_squeeze %dma_start3A_713 : memref<1x32x128xf32, #tpu.memory_space<hbm>> -> memref<32x128xf32, #tpu.memory_space<hbm>>
        %dma_start3A_715 = arith.constant 0 : i32
        %dma_start3A_716 = arith.constant 1024 : i32
        %dma_start3A_717 = tpu.memref_slice %arg3[%add3A_404, %dma_start3A_715, %dma_start3A_716] : memref<2048x32x2048xf32, #tpu.memory_space<hbm>> -> memref<1x32x128xf32, #tpu.memory_space<hbm>>
        %dma_start3A_718 = tpu.memref_squeeze %dma_start3A_717 : memref<1x32x128xf32, #tpu.memory_space<hbm>> -> memref<32x128xf32, #tpu.memory_space<hbm>>
        %dma_start3A_719 = arith.constant 0 : i32
        %dma_start3A_720 = arith.constant 1024 : i32
        %dma_start3A_721 = tpu.memref_slice %arg6[%dma_start3A_719, %dma_start3A_720] : memref<32x2048xf32, #tpu.memory_space<vmem>> -> memref<32x128xf32, #tpu.memory_space<vmem>>
        tpu.enqueue_dma source(%dma_start3A_721 : memref<32x128xf32, #tpu.memory_space<vmem>>) target(%dma_start3A_718 : memref<32x128xf32, #tpu.memory_space<hbm>>) target_semaphore(%arg10 : memref<!tpu.dma_semaphore, #tpu.memory_space<semaphore_mem>>)
      } else {
      }
      %le3A_501 = arith.constant 8 : i32
      %le3A_502 = arith.cmpi sle, %shift_right_arithmetic3A_19, %le3A_501 : i32
      %convert_element_type3A_503 = arith.extui %le3A_502 : i1 to i32
      %cond3A_504 = arith.constant 0 : i32
      %cond3A_505 = arith.cmpi ne, %convert_element_type3A_503, %cond3A_504 : i32
      scf.if %cond3A_505 {
        %dma_start3A_708 = arith.constant 0 : i32
        %dma_start3A_709 = arith.constant 1408 : i32
        %dma_start3A_710 = tpu.memref_slice %arg6[%dma_start3A_708, %dma_start3A_709] : memref<32x2048xf32, #tpu.memory_space<vmem>> -> memref<32x128xf32, #tpu.memory_space<vmem>>
        %dma_start3A_711 = arith.constant 0 : i32
        %dma_start3A_712 = arith.constant 1408 : i32
        %dma_start3A_713 = tpu.memref_slice %arg3[%add3A_404, %dma_start3A_711, %dma_start3A_712] : memref<2048x32x2048xf32, #tpu.memory_space<hbm>> -> memref<1x32x128xf32, #tpu.memory_space<hbm>>
        %dma_start3A_714 = tpu.memref_squeeze %dma_start3A_713 : memref<1x32x128xf32, #tpu.memory_space<hbm>> -> memref<32x128xf32, #tpu.memory_space<hbm>>
        %dma_start3A_715 = arith.constant 0 : i32
        %dma_start3A_716 = arith.constant 1408 : i32
        %dma_start3A_717 = tpu.memref_slice %arg3[%add3A_404, %dma_start3A_715, %dma_start3A_716] : memref<2048x32x2048xf32, #tpu.memory_space<hbm>> -> memref<1x32x128xf32, #tpu.memory_space<hbm>>
        %dma_start3A_718 = tpu.memref_squeeze %dma_start3A_717 : memref<1x32x128xf32, #tpu.memory_space<hbm>> -> memref<32x128xf32, #tpu.memory_space<hbm>>
        %dma_start3A_719 = arith.constant 0 : i32
        %dma_start3A_720 = arith.constant 1408 : i32
        %dma_start3A_721 = tpu.memref_slice %arg6[%dma_start3A_719, %dma_start3A_720] : memref<32x2048xf32, #tpu.memory_space<vmem>> -> memref<32x128xf32, #tpu.memory_space<vmem>>
        tpu.enqueue_dma source(%dma_start3A_721 : memref<32x128xf32, #tpu.memory_space<vmem>>) target(%dma_start3A_718 : memref<32x128xf32, #tpu.memory_space<hbm>>) target_semaphore(%arg10 : memref<!tpu.dma_semaphore, #tpu.memory_space<semaphore_mem>>)
      } else {
      }
      %gt3A_506 = arith.constant 9 : i32
      %gt3A_507 = arith.cmpi sgt, %shift_right_arithmetic3A_19, %gt3A_506 : i32
      %convert_element_type3A_508 = arith.extui %gt3A_507 : i1 to i32
      %cond3A_509 = arith.constant 0 : i32
      %cond3A_510 = arith.cmpi ne, %convert_element_type3A_508, %cond3A_509 : i32
      scf.if %cond3A_510 {
        %dma_start3A_708 = arith.constant 0 : i32
        %dma_start3A_709 = arith.constant 1152 : i32
        %dma_start3A_710 = tpu.memref_slice %arg6[%dma_start3A_708, %dma_start3A_709] : memref<32x2048xf32, #tpu.memory_space<vmem>> -> memref<32x128xf32, #tpu.memory_space<vmem>>
        %dma_start3A_711 = arith.constant 0 : i32
        %dma_start3A_712 = arith.constant 1152 : i32
        %dma_start3A_713 = tpu.memref_slice %arg3[%add3A_404, %dma_start3A_711, %dma_start3A_712] : memref<2048x32x2048xf32, #tpu.memory_space<hbm>> -> memref<1x32x128xf32, #tpu.memory_space<hbm>>
        %dma_start3A_714 = tpu.memref_squeeze %dma_start3A_713 : memref<1x32x128xf32, #tpu.memory_space<hbm>> -> memref<32x128xf32, #tpu.memory_space<hbm>>
        %dma_start3A_715 = arith.constant 0 : i32
        %dma_start3A_716 = arith.constant 1152 : i32
        %dma_start3A_717 = tpu.memref_slice %arg3[%add3A_404, %dma_start3A_715, %dma_start3A_716] : memref<2048x32x2048xf32, #tpu.memory_space<hbm>> -> memref<1x32x128xf32, #tpu.memory_space<hbm>>
        %dma_start3A_718 = tpu.memref_squeeze %dma_start3A_717 : memref<1x32x128xf32, #tpu.memory_space<hbm>> -> memref<32x128xf32, #tpu.memory_space<hbm>>
        %dma_start3A_719 = arith.constant 0 : i32
        %dma_start3A_720 = arith.constant 1152 : i32
        %dma_start3A_721 = tpu.memref_slice %arg6[%dma_start3A_719, %dma_start3A_720] : memref<32x2048xf32, #tpu.memory_space<vmem>> -> memref<32x128xf32, #tpu.memory_space<vmem>>
        tpu.enqueue_dma source(%dma_start3A_721 : memref<32x128xf32, #tpu.memory_space<vmem>>) target(%dma_start3A_718 : memref<32x128xf32, #tpu.memory_space<hbm>>) target_semaphore(%arg10 : memref<!tpu.dma_semaphore, #tpu.memory_space<semaphore_mem>>)
      } else {
      }
      %le3A_511 = arith.constant 9 : i32
      %le3A_512 = arith.cmpi sle, %shift_right_arithmetic3A_19, %le3A_511 : i32
      %convert_element_type3A_513 = arith.extui %le3A_512 : i1 to i32
      %cond3A_514 = arith.constant 0 : i32
      %cond3A_515 = arith.cmpi ne, %convert_element_type3A_513, %cond3A_514 : i32
      scf.if %cond3A_515 {
        %dma_start3A_708 = arith.constant 0 : i32
        %dma_start3A_709 = arith.constant 1536 : i32
        %dma_start3A_710 = tpu.memref_slice %arg6[%dma_start3A_708, %dma_start3A_709] : memref<32x2048xf32, #tpu.memory_space<vmem>> -> memref<32x128xf32, #tpu.memory_space<vmem>>
        %dma_start3A_711 = arith.constant 0 : i32
        %dma_start3A_712 = arith.constant 1536 : i32
        %dma_start3A_713 = tpu.memref_slice %arg3[%add3A_404, %dma_start3A_711, %dma_start3A_712] : memref<2048x32x2048xf32, #tpu.memory_space<hbm>> -> memref<1x32x128xf32, #tpu.memory_space<hbm>>
        %dma_start3A_714 = tpu.memref_squeeze %dma_start3A_713 : memref<1x32x128xf32, #tpu.memory_space<hbm>> -> memref<32x128xf32, #tpu.memory_space<hbm>>
        %dma_start3A_715 = arith.constant 0 : i32
        %dma_start3A_716 = arith.constant 1536 : i32
        %dma_start3A_717 = tpu.memref_slice %arg3[%add3A_404, %dma_start3A_715, %dma_start3A_716] : memref<2048x32x2048xf32, #tpu.memory_space<hbm>> -> memref<1x32x128xf32, #tpu.memory_space<hbm>>
        %dma_start3A_718 = tpu.memref_squeeze %dma_start3A_717 : memref<1x32x128xf32, #tpu.memory_space<hbm>> -> memref<32x128xf32, #tpu.memory_space<hbm>>
        %dma_start3A_719 = arith.constant 0 : i32
        %dma_start3A_720 = arith.constant 1536 : i32
        %dma_start3A_721 = tpu.memref_slice %arg6[%dma_start3A_719, %dma_start3A_720] : memref<32x2048xf32, #tpu.memory_space<vmem>> -> memref<32x128xf32, #tpu.memory_space<vmem>>
        tpu.enqueue_dma source(%dma_start3A_721 : memref<32x128xf32, #tpu.memory_space<vmem>>) target(%dma_start3A_718 : memref<32x128xf32, #tpu.memory_space<hbm>>) target_semaphore(%arg10 : memref<!tpu.dma_semaphore, #tpu.memory_space<semaphore_mem>>)
      } else {
      }
      %gt3A_516 = arith.constant 10 : i32
      %gt3A_517 = arith.cmpi sgt, %shift_right_arithmetic3A_19, %gt3A_516 : i32
      %convert_element_type3A_518 = arith.extui %gt3A_517 : i1 to i32
      %cond3A_519 = arith.constant 0 : i32
      %cond3A_520 = arith.cmpi ne, %convert_element_type3A_518, %cond3A_519 : i32
      scf.if %cond3A_520 {
        %dma_start3A_708 = arith.constant 0 : i32
        %dma_start3A_709 = arith.constant 1280 : i32
        %dma_start3A_710 = tpu.memref_slice %arg6[%dma_start3A_708, %dma_start3A_709] : memref<32x2048xf32, #tpu.memory_space<vmem>> -> memref<32x128xf32, #tpu.memory_space<vmem>>
        %dma_start3A_711 = arith.constant 0 : i32
        %dma_start3A_712 = arith.constant 1280 : i32
        %dma_start3A_713 = tpu.memref_slice %arg3[%add3A_404, %dma_start3A_711, %dma_start3A_712] : memref<2048x32x2048xf32, #tpu.memory_space<hbm>> -> memref<1x32x128xf32, #tpu.memory_space<hbm>>
        %dma_start3A_714 = tpu.memref_squeeze %dma_start3A_713 : memref<1x32x128xf32, #tpu.memory_space<hbm>> -> memref<32x128xf32, #tpu.memory_space<hbm>>
        %dma_start3A_715 = arith.constant 0 : i32
        %dma_start3A_716 = arith.constant 1280 : i32
        %dma_start3A_717 = tpu.memref_slice %arg3[%add3A_404, %dma_start3A_715, %dma_start3A_716] : memref<2048x32x2048xf32, #tpu.memory_space<hbm>> -> memref<1x32x128xf32, #tpu.memory_space<hbm>>
        %dma_start3A_718 = tpu.memref_squeeze %dma_start3A_717 : memref<1x32x128xf32, #tpu.memory_space<hbm>> -> memref<32x128xf32, #tpu.memory_space<hbm>>
        %dma_start3A_719 = arith.constant 0 : i32
        %dma_start3A_720 = arith.constant 1280 : i32
        %dma_start3A_721 = tpu.memref_slice %arg6[%dma_start3A_719, %dma_start3A_720] : memref<32x2048xf32, #tpu.memory_space<vmem>> -> memref<32x128xf32, #tpu.memory_space<vmem>>
        tpu.enqueue_dma source(%dma_start3A_721 : memref<32x128xf32, #tpu.memory_space<vmem>>) target(%dma_start3A_718 : memref<32x128xf32, #tpu.memory_space<hbm>>) target_semaphore(%arg10 : memref<!tpu.dma_semaphore, #tpu.memory_space<semaphore_mem>>)
      } else {
      }
      %le3A_521 = arith.constant 10 : i32
      %le3A_522 = arith.cmpi sle, %shift_right_arithmetic3A_19, %le3A_521 : i32
      %convert_element_type3A_523 = arith.extui %le3A_522 : i1 to i32
      %cond3A_524 = arith.constant 0 : i32
      %cond3A_525 = arith.cmpi ne, %convert_element_type3A_523, %cond3A_524 : i32
      scf.if %cond3A_525 {
        %dma_start3A_708 = arith.constant 0 : i32
        %dma_start3A_709 = arith.constant 1664 : i32
        %dma_start3A_710 = tpu.memref_slice %arg6[%dma_start3A_708, %dma_start3A_709] : memref<32x2048xf32, #tpu.memory_space<vmem>> -> memref<32x128xf32, #tpu.memory_space<vmem>>
        %dma_start3A_711 = arith.constant 0 : i32
        %dma_start3A_712 = arith.constant 1664 : i32
        %dma_start3A_713 = tpu.memref_slice %arg3[%add3A_404, %dma_start3A_711, %dma_start3A_712] : memref<2048x32x2048xf32, #tpu.memory_space<hbm>> -> memref<1x32x128xf32, #tpu.memory_space<hbm>>
        %dma_start3A_714 = tpu.memref_squeeze %dma_start3A_713 : memref<1x32x128xf32, #tpu.memory_space<hbm>> -> memref<32x128xf32, #tpu.memory_space<hbm>>
        %dma_start3A_715 = arith.constant 0 : i32
        %dma_start3A_716 = arith.constant 1664 : i32
        %dma_start3A_717 = tpu.memref_slice %arg3[%add3A_404, %dma_start3A_715, %dma_start3A_716] : memref<2048x32x2048xf32, #tpu.memory_space<hbm>> -> memref<1x32x128xf32, #tpu.memory_space<hbm>>
        %dma_start3A_718 = tpu.memref_squeeze %dma_start3A_717 : memref<1x32x128xf32, #tpu.memory_space<hbm>> -> memref<32x128xf32, #tpu.memory_space<hbm>>
        %dma_start3A_719 = arith.constant 0 : i32
        %dma_start3A_720 = arith.constant 1664 : i32
        %dma_start3A_721 = tpu.memref_slice %arg6[%dma_start3A_719, %dma_start3A_720] : memref<32x2048xf32, #tpu.memory_space<vmem>> -> memref<32x128xf32, #tpu.memory_space<vmem>>
        tpu.enqueue_dma source(%dma_start3A_721 : memref<32x128xf32, #tpu.memory_space<vmem>>) target(%dma_start3A_718 : memref<32x128xf32, #tpu.memory_space<hbm>>) target_semaphore(%arg10 : memref<!tpu.dma_semaphore, #tpu.memory_space<semaphore_mem>>)
      } else {
      }
      %gt3A_526 = arith.constant 11 : i32
      %gt3A_527 = arith.cmpi sgt, %shift_right_arithmetic3A_19, %gt3A_526 : i32
      %convert_element_type3A_528 = arith.extui %gt3A_527 : i1 to i32
      %cond3A_529 = arith.constant 0 : i32
      %cond3A_530 = arith.cmpi ne, %convert_element_type3A_528, %cond3A_529 : i32
      scf.if %cond3A_530 {
        %dma_start3A_708 = arith.constant 0 : i32
        %dma_start3A_709 = arith.constant 1408 : i32
        %dma_start3A_710 = tpu.memref_slice %arg6[%dma_start3A_708, %dma_start3A_709] : memref<32x2048xf32, #tpu.memory_space<vmem>> -> memref<32x128xf32, #tpu.memory_space<vmem>>
        %dma_start3A_711 = arith.constant 0 : i32
        %dma_start3A_712 = arith.constant 1408 : i32
        %dma_start3A_713 = tpu.memref_slice %arg3[%add3A_404, %dma_start3A_711, %dma_start3A_712] : memref<2048x32x2048xf32, #tpu.memory_space<hbm>> -> memref<1x32x128xf32, #tpu.memory_space<hbm>>
        %dma_start3A_714 = tpu.memref_squeeze %dma_start3A_713 : memref<1x32x128xf32, #tpu.memory_space<hbm>> -> memref<32x128xf32, #tpu.memory_space<hbm>>
        %dma_start3A_715 = arith.constant 0 : i32
        %dma_start3A_716 = arith.constant 1408 : i32
        %dma_start3A_717 = tpu.memref_slice %arg3[%add3A_404, %dma_start3A_715, %dma_start3A_716] : memref<2048x32x2048xf32, #tpu.memory_space<hbm>> -> memref<1x32x128xf32, #tpu.memory_space<hbm>>
        %dma_start3A_718 = tpu.memref_squeeze %dma_start3A_717 : memref<1x32x128xf32, #tpu.memory_space<hbm>> -> memref<32x128xf32, #tpu.memory_space<hbm>>
        %dma_start3A_719 = arith.constant 0 : i32
        %dma_start3A_720 = arith.constant 1408 : i32
        %dma_start3A_721 = tpu.memref_slice %arg6[%dma_start3A_719, %dma_start3A_720] : memref<32x2048xf32, #tpu.memory_space<vmem>> -> memref<32x128xf32, #tpu.memory_space<vmem>>
        tpu.enqueue_dma source(%dma_start3A_721 : memref<32x128xf32, #tpu.memory_space<vmem>>) target(%dma_start3A_718 : memref<32x128xf32, #tpu.memory_space<hbm>>) target_semaphore(%arg10 : memref<!tpu.dma_semaphore, #tpu.memory_space<semaphore_mem>>)
      } else {
      }
      %le3A_531 = arith.constant 11 : i32
      %le3A_532 = arith.cmpi sle, %shift_right_arithmetic3A_19, %le3A_531 : i32
      %convert_element_type3A_533 = arith.extui %le3A_532 : i1 to i32
      %cond3A_534 = arith.constant 0 : i32
      %cond3A_535 = arith.cmpi ne, %convert_element_type3A_533, %cond3A_534 : i32
      scf.if %cond3A_535 {
        %dma_start3A_708 = arith.constant 0 : i32
        %dma_start3A_709 = arith.constant 1792 : i32
        %dma_start3A_710 = tpu.memref_slice %arg6[%dma_start3A_708, %dma_start3A_709] : memref<32x2048xf32, #tpu.memory_space<vmem>> -> memref<32x128xf32, #tpu.memory_space<vmem>>
        %dma_start3A_711 = arith.constant 0 : i32
        %dma_start3A_712 = arith.constant 1792 : i32
        %dma_start3A_713 = tpu.memref_slice %arg3[%add3A_404, %dma_start3A_711, %dma_start3A_712] : memref<2048x32x2048xf32, #tpu.memory_space<hbm>> -> memref<1x32x128xf32, #tpu.memory_space<hbm>>
        %dma_start3A_714 = tpu.memref_squeeze %dma_start3A_713 : memref<1x32x128xf32, #tpu.memory_space<hbm>> -> memref<32x128xf32, #tpu.memory_space<hbm>>
        %dma_start3A_715 = arith.constant 0 : i32
        %dma_start3A_716 = arith.constant 1792 : i32
        %dma_start3A_717 = tpu.memref_slice %arg3[%add3A_404, %dma_start3A_715, %dma_start3A_716] : memref<2048x32x2048xf32, #tpu.memory_space<hbm>> -> memref<1x32x128xf32, #tpu.memory_space<hbm>>
        %dma_start3A_718 = tpu.memref_squeeze %dma_start3A_717 : memref<1x32x128xf32, #tpu.memory_space<hbm>> -> memref<32x128xf32, #tpu.memory_space<hbm>>
        %dma_start3A_719 = arith.constant 0 : i32
        %dma_start3A_720 = arith.constant 1792 : i32
        %dma_start3A_721 = tpu.memref_slice %arg6[%dma_start3A_719, %dma_start3A_720] : memref<32x2048xf32, #tpu.memory_space<vmem>> -> memref<32x128xf32, #tpu.memory_space<vmem>>
        tpu.enqueue_dma source(%dma_start3A_721 : memref<32x128xf32, #tpu.memory_space<vmem>>) target(%dma_start3A_718 : memref<32x128xf32, #tpu.memory_space<hbm>>) target_semaphore(%arg10 : memref<!tpu.dma_semaphore, #tpu.memory_space<semaphore_mem>>)
      } else {
      }
      %gt3A_536 = arith.constant 12 : i32
      %gt3A_537 = arith.cmpi sgt, %shift_right_arithmetic3A_19, %gt3A_536 : i32
      %convert_element_type3A_538 = arith.extui %gt3A_537 : i1 to i32
      %cond3A_539 = arith.constant 0 : i32
      %cond3A_540 = arith.cmpi ne, %convert_element_type3A_538, %cond3A_539 : i32
      scf.if %cond3A_540 {
        %dma_start3A_708 = arith.constant 0 : i32
        %dma_start3A_709 = arith.constant 1536 : i32
        %dma_start3A_710 = tpu.memref_slice %arg6[%dma_start3A_708, %dma_start3A_709] : memref<32x2048xf32, #tpu.memory_space<vmem>> -> memref<32x128xf32, #tpu.memory_space<vmem>>
        %dma_start3A_711 = arith.constant 0 : i32
        %dma_start3A_712 = arith.constant 1536 : i32
        %dma_start3A_713 = tpu.memref_slice %arg3[%add3A_404, %dma_start3A_711, %dma_start3A_712] : memref<2048x32x2048xf32, #tpu.memory_space<hbm>> -> memref<1x32x128xf32, #tpu.memory_space<hbm>>
        %dma_start3A_714 = tpu.memref_squeeze %dma_start3A_713 : memref<1x32x128xf32, #tpu.memory_space<hbm>> -> memref<32x128xf32, #tpu.memory_space<hbm>>
        %dma_start3A_715 = arith.constant 0 : i32
        %dma_start3A_716 = arith.constant 1536 : i32
        %dma_start3A_717 = tpu.memref_slice %arg3[%add3A_404, %dma_start3A_715, %dma_start3A_716] : memref<2048x32x2048xf32, #tpu.memory_space<hbm>> -> memref<1x32x128xf32, #tpu.memory_space<hbm>>
        %dma_start3A_718 = tpu.memref_squeeze %dma_start3A_717 : memref<1x32x128xf32, #tpu.memory_space<hbm>> -> memref<32x128xf32, #tpu.memory_space<hbm>>
        %dma_start3A_719 = arith.constant 0 : i32
        %dma_start3A_720 = arith.constant 1536 : i32
        %dma_start3A_721 = tpu.memref_slice %arg6[%dma_start3A_719, %dma_start3A_720] : memref<32x2048xf32, #tpu.memory_space<vmem>> -> memref<32x128xf32, #tpu.memory_space<vmem>>
        tpu.enqueue_dma source(%dma_start3A_721 : memref<32x128xf32, #tpu.memory_space<vmem>>) target(%dma_start3A_718 : memref<32x128xf32, #tpu.memory_space<hbm>>) target_semaphore(%arg10 : memref<!tpu.dma_semaphore, #tpu.memory_space<semaphore_mem>>)
      } else {
      }
      %le3A_541 = arith.constant 12 : i32
      %le3A_542 = arith.cmpi sle, %shift_right_arithmetic3A_19, %le3A_541 : i32
      %convert_element_type3A_543 = arith.extui %le3A_542 : i1 to i32
      %cond3A_544 = arith.constant 0 : i32
      %cond3A_545 = arith.cmpi ne, %convert_element_type3A_543, %cond3A_544 : i32
      scf.if %cond3A_545 {
        %dma_start3A_708 = arith.constant 0 : i32
        %dma_start3A_709 = arith.constant 1920 : i32
        %dma_start3A_710 = tpu.memref_slice %arg6[%dma_start3A_708, %dma_start3A_709] : memref<32x2048xf32, #tpu.memory_space<vmem>> -> memref<32x128xf32, #tpu.memory_space<vmem>>
        %dma_start3A_711 = arith.constant 0 : i32
        %dma_start3A_712 = arith.constant 1920 : i32
        %dma_start3A_713 = tpu.memref_slice %arg3[%add3A_404, %dma_start3A_711, %dma_start3A_712] : memref<2048x32x2048xf32, #tpu.memory_space<hbm>> -> memref<1x32x128xf32, #tpu.memory_space<hbm>>
        %dma_start3A_714 = tpu.memref_squeeze %dma_start3A_713 : memref<1x32x128xf32, #tpu.memory_space<hbm>> -> memref<32x128xf32, #tpu.memory_space<hbm>>
        %dma_start3A_715 = arith.constant 0 : i32
        %dma_start3A_716 = arith.constant 1920 : i32
        %dma_start3A_717 = tpu.memref_slice %arg3[%add3A_404, %dma_start3A_715, %dma_start3A_716] : memref<2048x32x2048xf32, #tpu.memory_space<hbm>> -> memref<1x32x128xf32, #tpu.memory_space<hbm>>
        %dma_start3A_718 = tpu.memref_squeeze %dma_start3A_717 : memref<1x32x128xf32, #tpu.memory_space<hbm>> -> memref<32x128xf32, #tpu.memory_space<hbm>>
        %dma_start3A_719 = arith.constant 0 : i32
        %dma_start3A_720 = arith.constant 1920 : i32
        %dma_start3A_721 = tpu.memref_slice %arg6[%dma_start3A_719, %dma_start3A_720] : memref<32x2048xf32, #tpu.memory_space<vmem>> -> memref<32x128xf32, #tpu.memory_space<vmem>>
        tpu.enqueue_dma source(%dma_start3A_721 : memref<32x128xf32, #tpu.memory_space<vmem>>) target(%dma_start3A_718 : memref<32x128xf32, #tpu.memory_space<hbm>>) target_semaphore(%arg10 : memref<!tpu.dma_semaphore, #tpu.memory_space<semaphore_mem>>)
      } else {
      }
      %ge3A_546 = arith.constant 2 : i32
      %ge3A_547 = arith.cmpi sge, %mul3A_403, %ge3A_546 : i32
      %convert_element_type3A_548 = arith.extui %ge3A_547 : i1 to i32
      %cond3A_549 = arith.constant 0 : i32
      %cond3A_550 = arith.cmpi ne, %convert_element_type3A_548, %cond3A_549 : i32
      scf.if %cond3A_550 {
        %dma_wait3A_708 = arith.constant 0 : i32
        %dma_wait3A_709 = arith.constant 0 : i32
        %dma_wait3A_710 = tpu.memref_slice %arg6[%dma_wait3A_708, %dma_wait3A_709] : memref<32x2048xf32, #tpu.memory_space<vmem>> -> memref<32x128xf32, #tpu.memory_space<vmem>>
        %dma_wait3A_711 = arith.constant 0 : i32
        %dma_wait3A_712 = arith.constant 0 : i32
        %dma_wait3A_713 = tpu.memref_slice %arg3[%mul3A_2, %dma_wait3A_711, %dma_wait3A_712] : memref<2048x32x2048xf32, #tpu.memory_space<hbm>> -> memref<1x32x128xf32, #tpu.memory_space<hbm>>
        %dma_wait3A_714 = tpu.memref_squeeze %dma_wait3A_713 : memref<1x32x128xf32, #tpu.memory_space<hbm>> -> memref<32x128xf32, #tpu.memory_space<hbm>>
        %dma_wait3A_715 = arith.constant 0 : i32
        %dma_wait3A_716 = arith.constant 0 : i32
        %dma_wait3A_717 = tpu.memref_slice %arg3[%mul3A_2, %dma_wait3A_715, %dma_wait3A_716] : memref<2048x32x2048xf32, #tpu.memory_space<hbm>> -> memref<1x32x128xf32, #tpu.memory_space<hbm>>
        %dma_wait3A_718 = tpu.memref_squeeze %dma_wait3A_717 : memref<1x32x128xf32, #tpu.memory_space<hbm>> -> memref<32x128xf32, #tpu.memory_space<hbm>>
        %dma_wait3A_719 = arith.constant 0 : i32
        %dma_wait3A_720 = arith.constant 0 : i32
        %dma_wait3A_721 = tpu.memref_slice %arg6[%dma_wait3A_719, %dma_wait3A_720] : memref<32x2048xf32, #tpu.memory_space<vmem>> -> memref<32x128xf32, #tpu.memory_space<vmem>>
        tpu.wait_dma2 semaphore(%arg10 : memref<!tpu.dma_semaphore, #tpu.memory_space<semaphore_mem>>) src(%dma_wait3A_721 : memref<32x128xf32, #tpu.memory_space<vmem>>) dst(%dma_wait3A_718 : memref<32x128xf32, #tpu.memory_space<hbm>>)
        %dma_wait3A_722 = arith.constant 0 : i32
        %dma_wait3A_723 = arith.constant 0 : i32
        %dma_wait3A_724 = tpu.memref_slice %arg6[%dma_wait3A_722, %dma_wait3A_723] : memref<32x2048xf32, #tpu.memory_space<vmem>> -> memref<32x128xf32, #tpu.memory_space<vmem>>
        %dma_wait3A_725 = arith.constant 0 : i32
        %dma_wait3A_726 = arith.constant 0 : i32
        %dma_wait3A_727 = tpu.memref_slice %arg3[%mul3A_2, %dma_wait3A_725, %dma_wait3A_726] : memref<2048x32x2048xf32, #tpu.memory_space<hbm>> -> memref<1x32x128xf32, #tpu.memory_space<hbm>>
        %dma_wait3A_728 = tpu.memref_squeeze %dma_wait3A_727 : memref<1x32x128xf32, #tpu.memory_space<hbm>> -> memref<32x128xf32, #tpu.memory_space<hbm>>
        %dma_wait3A_729 = arith.constant 0 : i32
        %dma_wait3A_730 = arith.constant 0 : i32
        %dma_wait3A_731 = tpu.memref_slice %arg3[%mul3A_2, %dma_wait3A_729, %dma_wait3A_730] : memref<2048x32x2048xf32, #tpu.memory_space<hbm>> -> memref<1x32x128xf32, #tpu.memory_space<hbm>>
        %dma_wait3A_732 = tpu.memref_squeeze %dma_wait3A_731 : memref<1x32x128xf32, #tpu.memory_space<hbm>> -> memref<32x128xf32, #tpu.memory_space<hbm>>
        %dma_wait3A_733 = arith.constant 0 : i32
        %dma_wait3A_734 = arith.constant 0 : i32
        %dma_wait3A_735 = tpu.memref_slice %arg6[%dma_wait3A_733, %dma_wait3A_734] : memref<32x2048xf32, #tpu.memory_space<vmem>> -> memref<32x128xf32, #tpu.memory_space<vmem>>
        tpu.wait_dma2 semaphore(%arg10 : memref<!tpu.dma_semaphore, #tpu.memory_space<semaphore_mem>>) src(%dma_wait3A_735 : memref<32x128xf32, #tpu.memory_space<vmem>>) dst(%dma_wait3A_732 : memref<32x128xf32, #tpu.memory_space<hbm>>)
        %dma_wait3A_736 = arith.constant 0 : i32
        %dma_wait3A_737 = arith.constant 0 : i32
        %dma_wait3A_738 = tpu.memref_slice %arg6[%dma_wait3A_736, %dma_wait3A_737] : memref<32x2048xf32, #tpu.memory_space<vmem>> -> memref<32x128xf32, #tpu.memory_space<vmem>>
        %dma_wait3A_739 = arith.constant 0 : i32
        %dma_wait3A_740 = arith.constant 0 : i32
        %dma_wait3A_741 = tpu.memref_slice %arg3[%mul3A_2, %dma_wait3A_739, %dma_wait3A_740] : memref<2048x32x2048xf32, #tpu.memory_space<hbm>> -> memref<1x32x128xf32, #tpu.memory_space<hbm>>
        %dma_wait3A_742 = tpu.memref_squeeze %dma_wait3A_741 : memref<1x32x128xf32, #tpu.memory_space<hbm>> -> memref<32x128xf32, #tpu.memory_space<hbm>>
        %dma_wait3A_743 = arith.constant 0 : i32
        %dma_wait3A_744 = arith.constant 0 : i32
        %dma_wait3A_745 = tpu.memref_slice %arg3[%mul3A_2, %dma_wait3A_743, %dma_wait3A_744] : memref<2048x32x2048xf32, #tpu.memory_space<hbm>> -> memref<1x32x128xf32, #tpu.memory_space<hbm>>
        %dma_wait3A_746 = tpu.memref_squeeze %dma_wait3A_745 : memref<1x32x128xf32, #tpu.memory_space<hbm>> -> memref<32x128xf32, #tpu.memory_space<hbm>>
        %dma_wait3A_747 = arith.constant 0 : i32
        %dma_wait3A_748 = arith.constant 0 : i32
        %dma_wait3A_749 = tpu.memref_slice %arg6[%dma_wait3A_747, %dma_wait3A_748] : memref<32x2048xf32, #tpu.memory_space<vmem>> -> memref<32x128xf32, #tpu.memory_space<vmem>>
        tpu.wait_dma2 semaphore(%arg10 : memref<!tpu.dma_semaphore, #tpu.memory_space<semaphore_mem>>) src(%dma_wait3A_749 : memref<32x128xf32, #tpu.memory_space<vmem>>) dst(%dma_wait3A_746 : memref<32x128xf32, #tpu.memory_space<hbm>>)
        %dma_wait3A_750 = arith.constant 0 : i32
        %dma_wait3A_751 = arith.constant 0 : i32
        %dma_wait3A_752 = tpu.memref_slice %arg6[%dma_wait3A_750, %dma_wait3A_751] : memref<32x2048xf32, #tpu.memory_space<vmem>> -> memref<32x128xf32, #tpu.memory_space<vmem>>
        %dma_wait3A_753 = arith.constant 0 : i32
        %dma_wait3A_754 = arith.constant 0 : i32
        %dma_wait3A_755 = tpu.memref_slice %arg3[%mul3A_2, %dma_wait3A_753, %dma_wait3A_754] : memref<2048x32x2048xf32, #tpu.memory_space<hbm>> -> memref<1x32x128xf32, #tpu.memory_space<hbm>>
        %dma_wait3A_756 = tpu.memref_squeeze %dma_wait3A_755 : memref<1x32x128xf32, #tpu.memory_space<hbm>> -> memref<32x128xf32, #tpu.memory_space<hbm>>
        %dma_wait3A_757 = arith.constant 0 : i32
        %dma_wait3A_758 = arith.constant 0 : i32
        %dma_wait3A_759 = tpu.memref_slice %arg3[%mul3A_2, %dma_wait3A_757, %dma_wait3A_758] : memref<2048x32x2048xf32, #tpu.memory_space<hbm>> -> memref<1x32x128xf32, #tpu.memory_space<hbm>>
        %dma_wait3A_760 = tpu.memref_squeeze %dma_wait3A_759 : memref<1x32x128xf32, #tpu.memory_space<hbm>> -> memref<32x128xf32, #tpu.memory_space<hbm>>
        %dma_wait3A_761 = arith.constant 0 : i32
        %dma_wait3A_762 = arith.constant 0 : i32
        %dma_wait3A_763 = tpu.memref_slice %arg6[%dma_wait3A_761, %dma_wait3A_762] : memref<32x2048xf32, #tpu.memory_space<vmem>> -> memref<32x128xf32, #tpu.memory_space<vmem>>
        tpu.wait_dma2 semaphore(%arg10 : memref<!tpu.dma_semaphore, #tpu.memory_space<semaphore_mem>>) src(%dma_wait3A_763 : memref<32x128xf32, #tpu.memory_space<vmem>>) dst(%dma_wait3A_760 : memref<32x128xf32, #tpu.memory_space<hbm>>)
        %dma_wait3A_764 = arith.constant 0 : i32
        %dma_wait3A_765 = arith.constant 0 : i32
        %dma_wait3A_766 = tpu.memref_slice %arg6[%dma_wait3A_764, %dma_wait3A_765] : memref<32x2048xf32, #tpu.memory_space<vmem>> -> memref<32x128xf32, #tpu.memory_space<vmem>>
        %dma_wait3A_767 = arith.constant 0 : i32
        %dma_wait3A_768 = arith.constant 0 : i32
        %dma_wait3A_769 = tpu.memref_slice %arg3[%mul3A_2, %dma_wait3A_767, %dma_wait3A_768] : memref<2048x32x2048xf32, #tpu.memory_space<hbm>> -> memref<1x32x128xf32, #tpu.memory_space<hbm>>
        %dma_wait3A_770 = tpu.memref_squeeze %dma_wait3A_769 : memref<1x32x128xf32, #tpu.memory_space<hbm>> -> memref<32x128xf32, #tpu.memory_space<hbm>>
        %dma_wait3A_771 = arith.constant 0 : i32
        %dma_wait3A_772 = arith.constant 0 : i32
        %dma_wait3A_773 = tpu.memref_slice %arg3[%mul3A_2, %dma_wait3A_771, %dma_wait3A_772] : memref<2048x32x2048xf32, #tpu.memory_space<hbm>> -> memref<1x32x128xf32, #tpu.memory_space<hbm>>
        %dma_wait3A_774 = tpu.memref_squeeze %dma_wait3A_773 : memref<1x32x128xf32, #tpu.memory_space<hbm>> -> memref<32x128xf32, #tpu.memory_space<hbm>>
        %dma_wait3A_775 = arith.constant 0 : i32
        %dma_wait3A_776 = arith.constant 0 : i32
        %dma_wait3A_777 = tpu.memref_slice %arg6[%dma_wait3A_775, %dma_wait3A_776] : memref<32x2048xf32, #tpu.memory_space<vmem>> -> memref<32x128xf32, #tpu.memory_space<vmem>>
        tpu.wait_dma2 semaphore(%arg10 : memref<!tpu.dma_semaphore, #tpu.memory_space<semaphore_mem>>) src(%dma_wait3A_777 : memref<32x128xf32, #tpu.memory_space<vmem>>) dst(%dma_wait3A_774 : memref<32x128xf32, #tpu.memory_space<hbm>>)
        %dma_wait3A_778 = arith.constant 0 : i32
        %dma_wait3A_779 = arith.constant 0 : i32
        %dma_wait3A_780 = tpu.memref_slice %arg6[%dma_wait3A_778, %dma_wait3A_779] : memref<32x2048xf32, #tpu.memory_space<vmem>> -> memref<32x128xf32, #tpu.memory_space<vmem>>
        %dma_wait3A_781 = arith.constant 0 : i32
        %dma_wait3A_782 = arith.constant 0 : i32
        %dma_wait3A_783 = tpu.memref_slice %arg3[%mul3A_2, %dma_wait3A_781, %dma_wait3A_782] : memref<2048x32x2048xf32, #tpu.memory_space<hbm>> -> memref<1x32x128xf32, #tpu.memory_space<hbm>>
        %dma_wait3A_784 = tpu.memref_squeeze %dma_wait3A_783 : memref<1x32x128xf32, #tpu.memory_space<hbm>> -> memref<32x128xf32, #tpu.memory_space<hbm>>
        %dma_wait3A_785 = arith.constant 0 : i32
        %dma_wait3A_786 = arith.constant 0 : i32
        %dma_wait3A_787 = tpu.memref_slice %arg3[%mul3A_2, %dma_wait3A_785, %dma_wait3A_786] : memref<2048x32x2048xf32, #tpu.memory_space<hbm>> -> memref<1x32x128xf32, #tpu.memory_space<hbm>>
        %dma_wait3A_788 = tpu.memref_squeeze %dma_wait3A_787 : memref<1x32x128xf32, #tpu.memory_space<hbm>> -> memref<32x128xf32, #tpu.memory_space<hbm>>
        %dma_wait3A_789 = arith.constant 0 : i32
        %dma_wait3A_790 = arith.constant 0 : i32
        %dma_wait3A_791 = tpu.memref_slice %arg6[%dma_wait3A_789, %dma_wait3A_790] : memref<32x2048xf32, #tpu.memory_space<vmem>> -> memref<32x128xf32, #tpu.memory_space<vmem>>
        tpu.wait_dma2 semaphore(%arg10 : memref<!tpu.dma_semaphore, #tpu.memory_space<semaphore_mem>>) src(%dma_wait3A_791 : memref<32x128xf32, #tpu.memory_space<vmem>>) dst(%dma_wait3A_788 : memref<32x128xf32, #tpu.memory_space<hbm>>)
        %dma_wait3A_792 = arith.constant 0 : i32
        %dma_wait3A_793 = arith.constant 0 : i32
        %dma_wait3A_794 = tpu.memref_slice %arg6[%dma_wait3A_792, %dma_wait3A_793] : memref<32x2048xf32, #tpu.memory_space<vmem>> -> memref<32x128xf32, #tpu.memory_space<vmem>>
        %dma_wait3A_795 = arith.constant 0 : i32
        %dma_wait3A_796 = arith.constant 0 : i32
        %dma_wait3A_797 = tpu.memref_slice %arg3[%mul3A_2, %dma_wait3A_795, %dma_wait3A_796] : memref<2048x32x2048xf32, #tpu.memory_space<hbm>> -> memref<1x32x128xf32, #tpu.memory_space<hbm>>
        %dma_wait3A_798 = tpu.memref_squeeze %dma_wait3A_797 : memref<1x32x128xf32, #tpu.memory_space<hbm>> -> memref<32x128xf32, #tpu.memory_space<hbm>>
        %dma_wait3A_799 = arith.constant 0 : i32
        %dma_wait3A_800 = arith.constant 0 : i32
        %dma_wait3A_801 = tpu.memref_slice %arg3[%mul3A_2, %dma_wait3A_799, %dma_wait3A_800] : memref<2048x32x2048xf32, #tpu.memory_space<hbm>> -> memref<1x32x128xf32, #tpu.memory_space<hbm>>
        %dma_wait3A_802 = tpu.memref_squeeze %dma_wait3A_801 : memref<1x32x128xf32, #tpu.memory_space<hbm>> -> memref<32x128xf32, #tpu.memory_space<hbm>>
        %dma_wait3A_803 = arith.constant 0 : i32
        %dma_wait3A_804 = arith.constant 0 : i32
        %dma_wait3A_805 = tpu.memref_slice %arg6[%dma_wait3A_803, %dma_wait3A_804] : memref<32x2048xf32, #tpu.memory_space<vmem>> -> memref<32x128xf32, #tpu.memory_space<vmem>>
        tpu.wait_dma2 semaphore(%arg10 : memref<!tpu.dma_semaphore, #tpu.memory_space<semaphore_mem>>) src(%dma_wait3A_805 : memref<32x128xf32, #tpu.memory_space<vmem>>) dst(%dma_wait3A_802 : memref<32x128xf32, #tpu.memory_space<hbm>>)
        %dma_wait3A_806 = arith.constant 0 : i32
        %dma_wait3A_807 = arith.constant 0 : i32
        %dma_wait3A_808 = tpu.memref_slice %arg6[%dma_wait3A_806, %dma_wait3A_807] : memref<32x2048xf32, #tpu.memory_space<vmem>> -> memref<32x128xf32, #tpu.memory_space<vmem>>
        %dma_wait3A_809 = arith.constant 0 : i32
        %dma_wait3A_810 = arith.constant 0 : i32
        %dma_wait3A_811 = tpu.memref_slice %arg3[%mul3A_2, %dma_wait3A_809, %dma_wait3A_810] : memref<2048x32x2048xf32, #tpu.memory_space<hbm>> -> memref<1x32x128xf32, #tpu.memory_space<hbm>>
        %dma_wait3A_812 = tpu.memref_squeeze %dma_wait3A_811 : memref<1x32x128xf32, #tpu.memory_space<hbm>> -> memref<32x128xf32, #tpu.memory_space<hbm>>
        %dma_wait3A_813 = arith.constant 0 : i32
        %dma_wait3A_814 = arith.constant 0 : i32
        %dma_wait3A_815 = tpu.memref_slice %arg3[%mul3A_2, %dma_wait3A_813, %dma_wait3A_814] : memref<2048x32x2048xf32, #tpu.memory_space<hbm>> -> memref<1x32x128xf32, #tpu.memory_space<hbm>>
        %dma_wait3A_816 = tpu.memref_squeeze %dma_wait3A_815 : memref<1x32x128xf32, #tpu.memory_space<hbm>> -> memref<32x128xf32, #tpu.memory_space<hbm>>
        %dma_wait3A_817 = arith.constant 0 : i32
        %dma_wait3A_818 = arith.constant 0 : i32
        %dma_wait3A_819 = tpu.memref_slice %arg6[%dma_wait3A_817, %dma_wait3A_818] : memref<32x2048xf32, #tpu.memory_space<vmem>> -> memref<32x128xf32, #tpu.memory_space<vmem>>
        tpu.wait_dma2 semaphore(%arg10 : memref<!tpu.dma_semaphore, #tpu.memory_space<semaphore_mem>>) src(%dma_wait3A_819 : memref<32x128xf32, #tpu.memory_space<vmem>>) dst(%dma_wait3A_816 : memref<32x128xf32, #tpu.memory_space<hbm>>)
        %dma_wait3A_820 = arith.constant 0 : i32
        %dma_wait3A_821 = arith.constant 0 : i32
        %dma_wait3A_822 = tpu.memref_slice %arg6[%dma_wait3A_820, %dma_wait3A_821] : memref<32x2048xf32, #tpu.memory_space<vmem>> -> memref<32x128xf32, #tpu.memory_space<vmem>>
        %dma_wait3A_823 = arith.constant 0 : i32
        %dma_wait3A_824 = arith.constant 0 : i32
        %dma_wait3A_825 = tpu.memref_slice %arg3[%mul3A_2, %dma_wait3A_823, %dma_wait3A_824] : memref<2048x32x2048xf32, #tpu.memory_space<hbm>> -> memref<1x32x128xf32, #tpu.memory_space<hbm>>
        %dma_wait3A_826 = tpu.memref_squeeze %dma_wait3A_825 : memref<1x32x128xf32, #tpu.memory_space<hbm>> -> memref<32x128xf32, #tpu.memory_space<hbm>>
        %dma_wait3A_827 = arith.constant 0 : i32
        %dma_wait3A_828 = arith.constant 0 : i32
        %dma_wait3A_829 = tpu.memref_slice %arg3[%mul3A_2, %dma_wait3A_827, %dma_wait3A_828] : memref<2048x32x2048xf32, #tpu.memory_space<hbm>> -> memref<1x32x128xf32, #tpu.memory_space<hbm>>
        %dma_wait3A_830 = tpu.memref_squeeze %dma_wait3A_829 : memref<1x32x128xf32, #tpu.memory_space<hbm>> -> memref<32x128xf32, #tpu.memory_space<hbm>>
        %dma_wait3A_831 = arith.constant 0 : i32
        %dma_wait3A_832 = arith.constant 0 : i32
        %dma_wait3A_833 = tpu.memref_slice %arg6[%dma_wait3A_831, %dma_wait3A_832] : memref<32x2048xf32, #tpu.memory_space<vmem>> -> memref<32x128xf32, #tpu.memory_space<vmem>>
        tpu.wait_dma2 semaphore(%arg10 : memref<!tpu.dma_semaphore, #tpu.memory_space<semaphore_mem>>) src(%dma_wait3A_833 : memref<32x128xf32, #tpu.memory_space<vmem>>) dst(%dma_wait3A_830 : memref<32x128xf32, #tpu.memory_space<hbm>>)
        %dma_wait3A_834 = arith.constant 0 : i32
        %dma_wait3A_835 = arith.constant 0 : i32
        %dma_wait3A_836 = tpu.memref_slice %arg6[%dma_wait3A_834, %dma_wait3A_835] : memref<32x2048xf32, #tpu.memory_space<vmem>> -> memref<32x128xf32, #tpu.memory_space<vmem>>
        %dma_wait3A_837 = arith.constant 0 : i32
        %dma_wait3A_838 = arith.constant 0 : i32
        %dma_wait3A_839 = tpu.memref_slice %arg3[%mul3A_2, %dma_wait3A_837, %dma_wait3A_838] : memref<2048x32x2048xf32, #tpu.memory_space<hbm>> -> memref<1x32x128xf32, #tpu.memory_space<hbm>>
        %dma_wait3A_840 = tpu.memref_squeeze %dma_wait3A_839 : memref<1x32x128xf32, #tpu.memory_space<hbm>> -> memref<32x128xf32, #tpu.memory_space<hbm>>
        %dma_wait3A_841 = arith.constant 0 : i32
        %dma_wait3A_842 = arith.constant 0 : i32
        %dma_wait3A_843 = tpu.memref_slice %arg3[%mul3A_2, %dma_wait3A_841, %dma_wait3A_842] : memref<2048x32x2048xf32, #tpu.memory_space<hbm>> -> memref<1x32x128xf32, #tpu.memory_space<hbm>>
        %dma_wait3A_844 = tpu.memref_squeeze %dma_wait3A_843 : memref<1x32x128xf32, #tpu.memory_space<hbm>> -> memref<32x128xf32, #tpu.memory_space<hbm>>
        %dma_wait3A_845 = arith.constant 0 : i32
        %dma_wait3A_846 = arith.constant 0 : i32
        %dma_wait3A_847 = tpu.memref_slice %arg6[%dma_wait3A_845, %dma_wait3A_846] : memref<32x2048xf32, #tpu.memory_space<vmem>> -> memref<32x128xf32, #tpu.memory_space<vmem>>
        tpu.wait_dma2 semaphore(%arg10 : memref<!tpu.dma_semaphore, #tpu.memory_space<semaphore_mem>>) src(%dma_wait3A_847 : memref<32x128xf32, #tpu.memory_space<vmem>>) dst(%dma_wait3A_844 : memref<32x128xf32, #tpu.memory_space<hbm>>)
        %dma_wait3A_848 = arith.constant 0 : i32
        %dma_wait3A_849 = arith.constant 0 : i32
        %dma_wait3A_850 = tpu.memref_slice %arg6[%dma_wait3A_848, %dma_wait3A_849] : memref<32x2048xf32, #tpu.memory_space<vmem>> -> memref<32x128xf32, #tpu.memory_space<vmem>>
        %dma_wait3A_851 = arith.constant 0 : i32
        %dma_wait3A_852 = arith.constant 0 : i32
        %dma_wait3A_853 = tpu.memref_slice %arg3[%mul3A_2, %dma_wait3A_851, %dma_wait3A_852] : memref<2048x32x2048xf32, #tpu.memory_space<hbm>> -> memref<1x32x128xf32, #tpu.memory_space<hbm>>
        %dma_wait3A_854 = tpu.memref_squeeze %dma_wait3A_853 : memref<1x32x128xf32, #tpu.memory_space<hbm>> -> memref<32x128xf32, #tpu.memory_space<hbm>>
        %dma_wait3A_855 = arith.constant 0 : i32
        %dma_wait3A_856 = arith.constant 0 : i32
        %dma_wait3A_857 = tpu.memref_slice %arg3[%mul3A_2, %dma_wait3A_855, %dma_wait3A_856] : memref<2048x32x2048xf32, #tpu.memory_space<hbm>> -> memref<1x32x128xf32, #tpu.memory_space<hbm>>
        %dma_wait3A_858 = tpu.memref_squeeze %dma_wait3A_857 : memref<1x32x128xf32, #tpu.memory_space<hbm>> -> memref<32x128xf32, #tpu.memory_space<hbm>>
        %dma_wait3A_859 = arith.constant 0 : i32
        %dma_wait3A_860 = arith.constant 0 : i32
        %dma_wait3A_861 = tpu.memref_slice %arg6[%dma_wait3A_859, %dma_wait3A_860] : memref<32x2048xf32, #tpu.memory_space<vmem>> -> memref<32x128xf32, #tpu.memory_space<vmem>>
        tpu.wait_dma2 semaphore(%arg10 : memref<!tpu.dma_semaphore, #tpu.memory_space<semaphore_mem>>) src(%dma_wait3A_861 : memref<32x128xf32, #tpu.memory_space<vmem>>) dst(%dma_wait3A_858 : memref<32x128xf32, #tpu.memory_space<hbm>>)
        %dma_wait3A_862 = arith.constant 0 : i32
        %dma_wait3A_863 = arith.constant 0 : i32
        %dma_wait3A_864 = tpu.memref_slice %arg6[%dma_wait3A_862, %dma_wait3A_863] : memref<32x2048xf32, #tpu.memory_space<vmem>> -> memref<32x128xf32, #tpu.memory_space<vmem>>
        %dma_wait3A_865 = arith.constant 0 : i32
        %dma_wait3A_866 = arith.constant 0 : i32
        %dma_wait3A_867 = tpu.memref_slice %arg3[%mul3A_2, %dma_wait3A_865, %dma_wait3A_866] : memref<2048x32x2048xf32, #tpu.memory_space<hbm>> -> memref<1x32x128xf32, #tpu.memory_space<hbm>>
        %dma_wait3A_868 = tpu.memref_squeeze %dma_wait3A_867 : memref<1x32x128xf32, #tpu.memory_space<hbm>> -> memref<32x128xf32, #tpu.memory_space<hbm>>
        %dma_wait3A_869 = arith.constant 0 : i32
        %dma_wait3A_870 = arith.constant 0 : i32
        %dma_wait3A_871 = tpu.memref_slice %arg3[%mul3A_2, %dma_wait3A_869, %dma_wait3A_870] : memref<2048x32x2048xf32, #tpu.memory_space<hbm>> -> memref<1x32x128xf32, #tpu.memory_space<hbm>>
        %dma_wait3A_872 = tpu.memref_squeeze %dma_wait3A_871 : memref<1x32x128xf32, #tpu.memory_space<hbm>> -> memref<32x128xf32, #tpu.memory_space<hbm>>
        %dma_wait3A_873 = arith.constant 0 : i32
        %dma_wait3A_874 = arith.constant 0 : i32
        %dma_wait3A_875 = tpu.memref_slice %arg6[%dma_wait3A_873, %dma_wait3A_874] : memref<32x2048xf32, #tpu.memory_space<vmem>> -> memref<32x128xf32, #tpu.memory_space<vmem>>
        tpu.wait_dma2 semaphore(%arg10 : memref<!tpu.dma_semaphore, #tpu.memory_space<semaphore_mem>>) src(%dma_wait3A_875 : memref<32x128xf32, #tpu.memory_space<vmem>>) dst(%dma_wait3A_872 : memref<32x128xf32, #tpu.memory_space<hbm>>)
        %dma_wait3A_876 = arith.constant 0 : i32
        %dma_wait3A_877 = arith.constant 0 : i32
        %dma_wait3A_878 = tpu.memref_slice %arg6[%dma_wait3A_876, %dma_wait3A_877] : memref<32x2048xf32, #tpu.memory_space<vmem>> -> memref<32x128xf32, #tpu.memory_space<vmem>>
        %dma_wait3A_879 = arith.constant 0 : i32
        %dma_wait3A_880 = arith.constant 0 : i32
        %dma_wait3A_881 = tpu.memref_slice %arg3[%mul3A_2, %dma_wait3A_879, %dma_wait3A_880] : memref<2048x32x2048xf32, #tpu.memory_space<hbm>> -> memref<1x32x128xf32, #tpu.memory_space<hbm>>
        %dma_wait3A_882 = tpu.memref_squeeze %dma_wait3A_881 : memref<1x32x128xf32, #tpu.memory_space<hbm>> -> memref<32x128xf32, #tpu.memory_space<hbm>>
        %dma_wait3A_883 = arith.constant 0 : i32
        %dma_wait3A_884 = arith.constant 0 : i32
        %dma_wait3A_885 = tpu.memref_slice %arg3[%mul3A_2, %dma_wait3A_883, %dma_wait3A_884] : memref<2048x32x2048xf32, #tpu.memory_space<hbm>> -> memref<1x32x128xf32, #tpu.memory_space<hbm>>
        %dma_wait3A_886 = tpu.memref_squeeze %dma_wait3A_885 : memref<1x32x128xf32, #tpu.memory_space<hbm>> -> memref<32x128xf32, #tpu.memory_space<hbm>>
        %dma_wait3A_887 = arith.constant 0 : i32
        %dma_wait3A_888 = arith.constant 0 : i32
        %dma_wait3A_889 = tpu.memref_slice %arg6[%dma_wait3A_887, %dma_wait3A_888] : memref<32x2048xf32, #tpu.memory_space<vmem>> -> memref<32x128xf32, #tpu.memory_space<vmem>>
        tpu.wait_dma2 semaphore(%arg10 : memref<!tpu.dma_semaphore, #tpu.memory_space<semaphore_mem>>) src(%dma_wait3A_889 : memref<32x128xf32, #tpu.memory_space<vmem>>) dst(%dma_wait3A_886 : memref<32x128xf32, #tpu.memory_space<hbm>>)
      } else {
      }
      %mul3A_551 = arith.constant 2 : i32
      %mul3A_552 = arith.muli %mul3A_551, %scan3A_401 : i32
      %add3A_553 = arith.constant 1 : i32
      %add3A_554 = arith.addi %mul3A_552, %add3A_553 : i32
      %add3A_555 = arith.addi %mul3A_2, %add3A_554 : i32
      %ge3A_556 = arith.constant 2 : i32
      %ge3A_557 = arith.cmpi sge, %add3A_554, %ge3A_556 : i32
      %convert_element_type3A_558 = arith.extui %ge3A_557 : i1 to i32
      %cond3A_559 = arith.constant 0 : i32
      %cond3A_560 = arith.cmpi ne, %convert_element_type3A_558, %cond3A_559 : i32
      scf.if %cond3A_560 {
        %dma_wait3A_708 = arith.constant 0 : i32
        %dma_wait3A_709 = tpu.memref_slice %arg3[%mul3A_2, %dma_wait3A_708, %multiple_of3A] : memref<2048x32x2048xf32, #tpu.memory_space<hbm>> -> memref<1x32x384xf32, #tpu.memory_space<hbm>>
        %dma_wait3A_710 = tpu.memref_squeeze %dma_wait3A_709 : memref<1x32x384xf32, #tpu.memory_space<hbm>> -> memref<32x384xf32, #tpu.memory_space<hbm>>
        %dma_wait3A_711 = arith.constant 0 : i32
        %dma_wait3A_712 = tpu.memref_slice %arg3[%mul3A_2, %dma_wait3A_711, %multiple_of3A] : memref<2048x32x2048xf32, #tpu.memory_space<hbm>> -> memref<1x32x384xf32, #tpu.memory_space<hbm>>
        %dma_wait3A_713 = tpu.memref_squeeze %dma_wait3A_712 : memref<1x32x384xf32, #tpu.memory_space<hbm>> -> memref<32x384xf32, #tpu.memory_space<hbm>>
        tpu.wait_dma2 semaphore(%arg9 : memref<!tpu.dma_semaphore, #tpu.memory_space<semaphore_mem>>) src(%arg8 : memref<32x384xf32, #tpu.memory_space<vmem>>) dst(%dma_wait3A_713 : memref<32x384xf32, #tpu.memory_space<hbm>>)
      } else {
      }
      %scan3A_561 = arith.constant 0 : i32
      %scan3A_562 = arith.constant 0 : i32
      %scan3A_563 = arith.constant 24 : i32
      %scan3A_564 = arith.addi %scan3A_562, %scan3A_563 : i32
      %scan3A_565 = arith.constant 1 : i32
      scf.for %scan3A_708 = %scan3A_562 to %scan3A_564 step %scan3A_565  : i32 {
        %mul3A_709 = arith.constant 16 : i32
        %mul3A_710 = arith.muli %scan3A_708, %mul3A_709 : i32
        %add3A_711 = arith.addi %multiple_of3A, %mul3A_710 : i32
        %mul3A_712 = arith.constant 16 : i32
        %mul3A_713 = arith.muli %scan3A_708, %mul3A_712 : i32
        %add3A_714 = vector.broadcast %add3A_711 : i32 to vector<16xi32>
        %add3A_715 = arith.addi %add3A_714, %iota3A : vector<16xi32>
        %sub3A_716 = vector.broadcast %add3A_555 : i32 to vector<16xi32>
        %sub3A_717 = arith.subi %add3A_715, %sub3A_716 : vector<16xi32>
        %add3A_718 = arith.constant 128 : i32
        %add3A_719 = vector.broadcast %add3A_718 : i32 to vector<16xi32>
        %add3A_720 = arith.addi %sub3A_717, %add3A_719 : vector<16xi32>
        %jit3A_721 = arith.constant 0 : i32
        %jit3A_722 = arith.constant 256 : i32
        %max3A_723 = vector.broadcast %jit3A_721 : i32 to vector<16xi32>
        %max3A_724 = arith.maxsi %max3A_723, %add3A_720 : vector<16xi32>
        %min3A_725 = vector.broadcast %jit3A_722 : i32 to vector<16xi32>
        %min3A_726 = arith.minsi %min3A_725, %max3A_724 : vector<16xi32>
        %mul3A_727 = arith.constant 33 : i32
        %mul3A_728 = vector.broadcast %mul3A_727 : i32 to vector<16xi32>
        %mul3A_729 = arith.muli %min3A_726, %mul3A_728 : vector<16xi32>
        %add3A_730 = arith.constant 0 : i32
        %add3A_731 = vector.broadcast %add3A_730 : i32 to vector<16xi32>
        %add3A_732 = arith.addi %mul3A_729, %add3A_731 : vector<16xi32>
        %gather3A = tpu.vector_load_idx %arg5[%add3A_732] : memref<8481xf32, #tpu.memory_space<vmem>>[vector<16xi32>], vector<16xf32>,
        %swap3A = arith.constant 0 : i32
        %swap3A_733 = arith.index_cast %swap3A : i32 to index
        %swap3A_734 = arith.index_cast %mul3A_713 : i32 to index
        %swap3A_735 = tpu.vector_load %arg8[%swap3A_733, %swap3A_734] {strides = array<i32>} : memref<32x384xf32, #tpu.memory_space<vmem>>, vector<16xf32>,
        tpu.vector_store %arg8[%swap3A_733, %swap3A_734], %gather3A {strides = array<i32>} : memref<32x384xf32, #tpu.memory_space<vmem>>, vector<16xf32>,
        %add3A_736 = arith.constant 1 : i32
        %add3A_737 = vector.broadcast %add3A_736 : i32 to vector<16xi32>
        %add3A_738 = arith.addi %mul3A_729, %add3A_737 : vector<16xi32>
        %gather3A_739 = tpu.vector_load_idx %arg5[%add3A_738] : memref<8481xf32, #tpu.memory_space<vmem>>[vector<16xi32>], vector<16xf32>,
        %swap3A_740 = arith.constant 1 : i32
        %swap3A_741 = arith.index_cast %swap3A_740 : i32 to index
        %swap3A_742 = arith.index_cast %mul3A_713 : i32 to index
        %swap3A_743 = tpu.vector_load %arg8[%swap3A_741, %swap3A_742] {strides = array<i32>} : memref<32x384xf32, #tpu.memory_space<vmem>>, vector<16xf32>,
        tpu.vector_store %arg8[%swap3A_741, %swap3A_742], %gather3A_739 {strides = array<i32>} : memref<32x384xf32, #tpu.memory_space<vmem>>, vector<16xf32>,
        %add3A_744 = arith.constant 2 : i32
        %add3A_745 = vector.broadcast %add3A_744 : i32 to vector<16xi32>
        %add3A_746 = arith.addi %mul3A_729, %add3A_745 : vector<16xi32>
        %gather3A_747 = tpu.vector_load_idx %arg5[%add3A_746] : memref<8481xf32, #tpu.memory_space<vmem>>[vector<16xi32>], vector<16xf32>,
        %swap3A_748 = arith.constant 2 : i32
        %swap3A_749 = arith.index_cast %swap3A_748 : i32 to index
        %swap3A_750 = arith.index_cast %mul3A_713 : i32 to index
        %swap3A_751 = tpu.vector_load %arg8[%swap3A_749, %swap3A_750] {strides = array<i32>} : memref<32x384xf32, #tpu.memory_space<vmem>>, vector<16xf32>,
        tpu.vector_store %arg8[%swap3A_749, %swap3A_750], %gather3A_747 {strides = array<i32>} : memref<32x384xf32, #tpu.memory_space<vmem>>, vector<16xf32>,
        %add3A_752 = arith.constant 3 : i32
        %add3A_753 = vector.broadcast %add3A_752 : i32 to vector<16xi32>
        %add3A_754 = arith.addi %mul3A_729, %add3A_753 : vector<16xi32>
        %gather3A_755 = tpu.vector_load_idx %arg5[%add3A_754] : memref<8481xf32, #tpu.memory_space<vmem>>[vector<16xi32>], vector<16xf32>,
        %swap3A_756 = arith.constant 3 : i32
        %swap3A_757 = arith.index_cast %swap3A_756 : i32 to index
        %swap3A_758 = arith.index_cast %mul3A_713 : i32 to index
        %swap3A_759 = tpu.vector_load %arg8[%swap3A_757, %swap3A_758] {strides = array<i32>} : memref<32x384xf32, #tpu.memory_space<vmem>>, vector<16xf32>,
        tpu.vector_store %arg8[%swap3A_757, %swap3A_758], %gather3A_755 {strides = array<i32>} : memref<32x384xf32, #tpu.memory_space<vmem>>, vector<16xf32>,
        %add3A_760 = arith.constant 4 : i32
        %add3A_761 = vector.broadcast %add3A_760 : i32 to vector<16xi32>
        %add3A_762 = arith.addi %mul3A_729, %add3A_761 : vector<16xi32>
        %gather3A_763 = tpu.vector_load_idx %arg5[%add3A_762] : memref<8481xf32, #tpu.memory_space<vmem>>[vector<16xi32>], vector<16xf32>,
        %swap3A_764 = arith.constant 4 : i32
        %swap3A_765 = arith.index_cast %swap3A_764 : i32 to index
        %swap3A_766 = arith.index_cast %mul3A_713 : i32 to index
        %swap3A_767 = tpu.vector_load %arg8[%swap3A_765, %swap3A_766] {strides = array<i32>} : memref<32x384xf32, #tpu.memory_space<vmem>>, vector<16xf32>,
        tpu.vector_store %arg8[%swap3A_765, %swap3A_766], %gather3A_763 {strides = array<i32>} : memref<32x384xf32, #tpu.memory_space<vmem>>, vector<16xf32>,
        %add3A_768 = arith.constant 5 : i32
        %add3A_769 = vector.broadcast %add3A_768 : i32 to vector<16xi32>
        %add3A_770 = arith.addi %mul3A_729, %add3A_769 : vector<16xi32>
        %gather3A_771 = tpu.vector_load_idx %arg5[%add3A_770] : memref<8481xf32, #tpu.memory_space<vmem>>[vector<16xi32>], vector<16xf32>,
        %swap3A_772 = arith.constant 5 : i32
        %swap3A_773 = arith.index_cast %swap3A_772 : i32 to index
        %swap3A_774 = arith.index_cast %mul3A_713 : i32 to index
        %swap3A_775 = tpu.vector_load %arg8[%swap3A_773, %swap3A_774] {strides = array<i32>} : memref<32x384xf32, #tpu.memory_space<vmem>>, vector<16xf32>,
        tpu.vector_store %arg8[%swap3A_773, %swap3A_774], %gather3A_771 {strides = array<i32>} : memref<32x384xf32, #tpu.memory_space<vmem>>, vector<16xf32>,
        %add3A_776 = arith.constant 6 : i32
        %add3A_777 = vector.broadcast %add3A_776 : i32 to vector<16xi32>
        %add3A_778 = arith.addi %mul3A_729, %add3A_777 : vector<16xi32>
        %gather3A_779 = tpu.vector_load_idx %arg5[%add3A_778] : memref<8481xf32, #tpu.memory_space<vmem>>[vector<16xi32>], vector<16xf32>,
        %swap3A_780 = arith.constant 6 : i32
        %swap3A_781 = arith.index_cast %swap3A_780 : i32 to index
        %swap3A_782 = arith.index_cast %mul3A_713 : i32 to index
        %swap3A_783 = tpu.vector_load %arg8[%swap3A_781, %swap3A_782] {strides = array<i32>} : memref<32x384xf32, #tpu.memory_space<vmem>>, vector<16xf32>,
        tpu.vector_store %arg8[%swap3A_781, %swap3A_782], %gather3A_779 {strides = array<i32>} : memref<32x384xf32, #tpu.memory_space<vmem>>, vector<16xf32>,
        %add3A_784 = arith.constant 7 : i32
        %add3A_785 = vector.broadcast %add3A_784 : i32 to vector<16xi32>
        %add3A_786 = arith.addi %mul3A_729, %add3A_785 : vector<16xi32>
        %gather3A_787 = tpu.vector_load_idx %arg5[%add3A_786] : memref<8481xf32, #tpu.memory_space<vmem>>[vector<16xi32>], vector<16xf32>,
        %swap3A_788 = arith.constant 7 : i32
        %swap3A_789 = arith.index_cast %swap3A_788 : i32 to index
        %swap3A_790 = arith.index_cast %mul3A_713 : i32 to index
        %swap3A_791 = tpu.vector_load %arg8[%swap3A_789, %swap3A_790] {strides = array<i32>} : memref<32x384xf32, #tpu.memory_space<vmem>>, vector<16xf32>,
        tpu.vector_store %arg8[%swap3A_789, %swap3A_790], %gather3A_787 {strides = array<i32>} : memref<32x384xf32, #tpu.memory_space<vmem>>, vector<16xf32>,
        %add3A_792 = arith.constant 8 : i32
        %add3A_793 = vector.broadcast %add3A_792 : i32 to vector<16xi32>
        %add3A_794 = arith.addi %mul3A_729, %add3A_793 : vector<16xi32>
        %gather3A_795 = tpu.vector_load_idx %arg5[%add3A_794] : memref<8481xf32, #tpu.memory_space<vmem>>[vector<16xi32>], vector<16xf32>,
        %swap3A_796 = arith.constant 8 : i32
        %swap3A_797 = arith.index_cast %swap3A_796 : i32 to index
        %swap3A_798 = arith.index_cast %mul3A_713 : i32 to index
        %swap3A_799 = tpu.vector_load %arg8[%swap3A_797, %swap3A_798] {strides = array<i32>} : memref<32x384xf32, #tpu.memory_space<vmem>>, vector<16xf32>,
        tpu.vector_store %arg8[%swap3A_797, %swap3A_798], %gather3A_795 {strides = array<i32>} : memref<32x384xf32, #tpu.memory_space<vmem>>, vector<16xf32>,
        %add3A_800 = arith.constant 9 : i32
        %add3A_801 = vector.broadcast %add3A_800 : i32 to vector<16xi32>
        %add3A_802 = arith.addi %mul3A_729, %add3A_801 : vector<16xi32>
        %gather3A_803 = tpu.vector_load_idx %arg5[%add3A_802] : memref<8481xf32, #tpu.memory_space<vmem>>[vector<16xi32>], vector<16xf32>,
        %swap3A_804 = arith.constant 9 : i32
        %swap3A_805 = arith.index_cast %swap3A_804 : i32 to index
        %swap3A_806 = arith.index_cast %mul3A_713 : i32 to index
        %swap3A_807 = tpu.vector_load %arg8[%swap3A_805, %swap3A_806] {strides = array<i32>} : memref<32x384xf32, #tpu.memory_space<vmem>>, vector<16xf32>,
        tpu.vector_store %arg8[%swap3A_805, %swap3A_806], %gather3A_803 {strides = array<i32>} : memref<32x384xf32, #tpu.memory_space<vmem>>, vector<16xf32>,
        %add3A_808 = arith.constant 10 : i32
        %add3A_809 = vector.broadcast %add3A_808 : i32 to vector<16xi32>
        %add3A_810 = arith.addi %mul3A_729, %add3A_809 : vector<16xi32>
        %gather3A_811 = tpu.vector_load_idx %arg5[%add3A_810] : memref<8481xf32, #tpu.memory_space<vmem>>[vector<16xi32>], vector<16xf32>,
        %swap3A_812 = arith.constant 10 : i32
        %swap3A_813 = arith.index_cast %swap3A_812 : i32 to index
        %swap3A_814 = arith.index_cast %mul3A_713 : i32 to index
        %swap3A_815 = tpu.vector_load %arg8[%swap3A_813, %swap3A_814] {strides = array<i32>} : memref<32x384xf32, #tpu.memory_space<vmem>>, vector<16xf32>,
        tpu.vector_store %arg8[%swap3A_813, %swap3A_814], %gather3A_811 {strides = array<i32>} : memref<32x384xf32, #tpu.memory_space<vmem>>, vector<16xf32>,
        %add3A_816 = arith.constant 11 : i32
        %add3A_817 = vector.broadcast %add3A_816 : i32 to vector<16xi32>
        %add3A_818 = arith.addi %mul3A_729, %add3A_817 : vector<16xi32>
        %gather3A_819 = tpu.vector_load_idx %arg5[%add3A_818] : memref<8481xf32, #tpu.memory_space<vmem>>[vector<16xi32>], vector<16xf32>,
        %swap3A_820 = arith.constant 11 : i32
        %swap3A_821 = arith.index_cast %swap3A_820 : i32 to index
        %swap3A_822 = arith.index_cast %mul3A_713 : i32 to index
        %swap3A_823 = tpu.vector_load %arg8[%swap3A_821, %swap3A_822] {strides = array<i32>} : memref<32x384xf32, #tpu.memory_space<vmem>>, vector<16xf32>,
        tpu.vector_store %arg8[%swap3A_821, %swap3A_822], %gather3A_819 {strides = array<i32>} : memref<32x384xf32, #tpu.memory_space<vmem>>, vector<16xf32>,
        %add3A_824 = arith.constant 12 : i32
        %add3A_825 = vector.broadcast %add3A_824 : i32 to vector<16xi32>
        %add3A_826 = arith.addi %mul3A_729, %add3A_825 : vector<16xi32>
        %gather3A_827 = tpu.vector_load_idx %arg5[%add3A_826] : memref<8481xf32, #tpu.memory_space<vmem>>[vector<16xi32>], vector<16xf32>,
        %swap3A_828 = arith.constant 12 : i32
        %swap3A_829 = arith.index_cast %swap3A_828 : i32 to index
        %swap3A_830 = arith.index_cast %mul3A_713 : i32 to index
        %swap3A_831 = tpu.vector_load %arg8[%swap3A_829, %swap3A_830] {strides = array<i32>} : memref<32x384xf32, #tpu.memory_space<vmem>>, vector<16xf32>,
        tpu.vector_store %arg8[%swap3A_829, %swap3A_830], %gather3A_827 {strides = array<i32>} : memref<32x384xf32, #tpu.memory_space<vmem>>, vector<16xf32>,
        %add3A_832 = arith.constant 13 : i32
        %add3A_833 = vector.broadcast %add3A_832 : i32 to vector<16xi32>
        %add3A_834 = arith.addi %mul3A_729, %add3A_833 : vector<16xi32>
        %gather3A_835 = tpu.vector_load_idx %arg5[%add3A_834] : memref<8481xf32, #tpu.memory_space<vmem>>[vector<16xi32>], vector<16xf32>,
        %swap3A_836 = arith.constant 13 : i32
        %swap3A_837 = arith.index_cast %swap3A_836 : i32 to index
        %swap3A_838 = arith.index_cast %mul3A_713 : i32 to index
        %swap3A_839 = tpu.vector_load %arg8[%swap3A_837, %swap3A_838] {strides = array<i32>} : memref<32x384xf32, #tpu.memory_space<vmem>>, vector<16xf32>,
        tpu.vector_store %arg8[%swap3A_837, %swap3A_838], %gather3A_835 {strides = array<i32>} : memref<32x384xf32, #tpu.memory_space<vmem>>, vector<16xf32>,
        %add3A_840 = arith.constant 14 : i32
        %add3A_841 = vector.broadcast %add3A_840 : i32 to vector<16xi32>
        %add3A_842 = arith.addi %mul3A_729, %add3A_841 : vector<16xi32>
        %gather3A_843 = tpu.vector_load_idx %arg5[%add3A_842] : memref<8481xf32, #tpu.memory_space<vmem>>[vector<16xi32>], vector<16xf32>,
        %swap3A_844 = arith.constant 14 : i32
        %swap3A_845 = arith.index_cast %swap3A_844 : i32 to index
        %swap3A_846 = arith.index_cast %mul3A_713 : i32 to index
        %swap3A_847 = tpu.vector_load %arg8[%swap3A_845, %swap3A_846] {strides = array<i32>} : memref<32x384xf32, #tpu.memory_space<vmem>>, vector<16xf32>,
        tpu.vector_store %arg8[%swap3A_845, %swap3A_846], %gather3A_843 {strides = array<i32>} : memref<32x384xf32, #tpu.memory_space<vmem>>, vector<16xf32>,
        %add3A_848 = arith.constant 15 : i32
        %add3A_849 = vector.broadcast %add3A_848 : i32 to vector<16xi32>
        %add3A_850 = arith.addi %mul3A_729, %add3A_849 : vector<16xi32>
        %gather3A_851 = tpu.vector_load_idx %arg5[%add3A_850] : memref<8481xf32, #tpu.memory_space<vmem>>[vector<16xi32>], vector<16xf32>,
        %swap3A_852 = arith.constant 15 : i32
        %swap3A_853 = arith.index_cast %swap3A_852 : i32 to index
        %swap3A_854 = arith.index_cast %mul3A_713 : i32 to index
        %swap3A_855 = tpu.vector_load %arg8[%swap3A_853, %swap3A_854] {strides = array<i32>} : memref<32x384xf32, #tpu.memory_space<vmem>>, vector<16xf32>,
        tpu.vector_store %arg8[%swap3A_853, %swap3A_854], %gather3A_851 {strides = array<i32>} : memref<32x384xf32, #tpu.memory_space<vmem>>, vector<16xf32>,
        %add3A_856 = arith.constant 16 : i32
        %add3A_857 = vector.broadcast %add3A_856 : i32 to vector<16xi32>
        %add3A_858 = arith.addi %mul3A_729, %add3A_857 : vector<16xi32>
        %gather3A_859 = tpu.vector_load_idx %arg5[%add3A_858] : memref<8481xf32, #tpu.memory_space<vmem>>[vector<16xi32>], vector<16xf32>,
        %swap3A_860 = arith.constant 16 : i32
        %swap3A_861 = arith.index_cast %swap3A_860 : i32 to index
        %swap3A_862 = arith.index_cast %mul3A_713 : i32 to index
        %swap3A_863 = tpu.vector_load %arg8[%swap3A_861, %swap3A_862] {strides = array<i32>} : memref<32x384xf32, #tpu.memory_space<vmem>>, vector<16xf32>,
        tpu.vector_store %arg8[%swap3A_861, %swap3A_862], %gather3A_859 {strides = array<i32>} : memref<32x384xf32, #tpu.memory_space<vmem>>, vector<16xf32>,
        %add3A_864 = arith.constant 17 : i32
        %add3A_865 = vector.broadcast %add3A_864 : i32 to vector<16xi32>
        %add3A_866 = arith.addi %mul3A_729, %add3A_865 : vector<16xi32>
        %gather3A_867 = tpu.vector_load_idx %arg5[%add3A_866] : memref<8481xf32, #tpu.memory_space<vmem>>[vector<16xi32>], vector<16xf32>,
        %swap3A_868 = arith.constant 17 : i32
        %swap3A_869 = arith.index_cast %swap3A_868 : i32 to index
        %swap3A_870 = arith.index_cast %mul3A_713 : i32 to index
        %swap3A_871 = tpu.vector_load %arg8[%swap3A_869, %swap3A_870] {strides = array<i32>} : memref<32x384xf32, #tpu.memory_space<vmem>>, vector<16xf32>,
        tpu.vector_store %arg8[%swap3A_869, %swap3A_870], %gather3A_867 {strides = array<i32>} : memref<32x384xf32, #tpu.memory_space<vmem>>, vector<16xf32>,
        %add3A_872 = arith.constant 18 : i32
        %add3A_873 = vector.broadcast %add3A_872 : i32 to vector<16xi32>
        %add3A_874 = arith.addi %mul3A_729, %add3A_873 : vector<16xi32>
        %gather3A_875 = tpu.vector_load_idx %arg5[%add3A_874] : memref<8481xf32, #tpu.memory_space<vmem>>[vector<16xi32>], vector<16xf32>,
        %swap3A_876 = arith.constant 18 : i32
        %swap3A_877 = arith.index_cast %swap3A_876 : i32 to index
        %swap3A_878 = arith.index_cast %mul3A_713 : i32 to index
        %swap3A_879 = tpu.vector_load %arg8[%swap3A_877, %swap3A_878] {strides = array<i32>} : memref<32x384xf32, #tpu.memory_space<vmem>>, vector<16xf32>,
        tpu.vector_store %arg8[%swap3A_877, %swap3A_878], %gather3A_875 {strides = array<i32>} : memref<32x384xf32, #tpu.memory_space<vmem>>, vector<16xf32>,
        %add3A_880 = arith.constant 19 : i32
        %add3A_881 = vector.broadcast %add3A_880 : i32 to vector<16xi32>
        %add3A_882 = arith.addi %mul3A_729, %add3A_881 : vector<16xi32>
        %gather3A_883 = tpu.vector_load_idx %arg5[%add3A_882] : memref<8481xf32, #tpu.memory_space<vmem>>[vector<16xi32>], vector<16xf32>,
        %swap3A_884 = arith.constant 19 : i32
        %swap3A_885 = arith.index_cast %swap3A_884 : i32 to index
        %swap3A_886 = arith.index_cast %mul3A_713 : i32 to index
        %swap3A_887 = tpu.vector_load %arg8[%swap3A_885, %swap3A_886] {strides = array<i32>} : memref<32x384xf32, #tpu.memory_space<vmem>>, vector<16xf32>,
        tpu.vector_store %arg8[%swap3A_885, %swap3A_886], %gather3A_883 {strides = array<i32>} : memref<32x384xf32, #tpu.memory_space<vmem>>, vector<16xf32>,
        %add3A_888 = arith.constant 20 : i32
        %add3A_889 = vector.broadcast %add3A_888 : i32 to vector<16xi32>
        %add3A_890 = arith.addi %mul3A_729, %add3A_889 : vector<16xi32>
        %gather3A_891 = tpu.vector_load_idx %arg5[%add3A_890] : memref<8481xf32, #tpu.memory_space<vmem>>[vector<16xi32>], vector<16xf32>,
        %swap3A_892 = arith.constant 20 : i32
        %swap3A_893 = arith.index_cast %swap3A_892 : i32 to index
        %swap3A_894 = arith.index_cast %mul3A_713 : i32 to index
        %swap3A_895 = tpu.vector_load %arg8[%swap3A_893, %swap3A_894] {strides = array<i32>} : memref<32x384xf32, #tpu.memory_space<vmem>>, vector<16xf32>,
        tpu.vector_store %arg8[%swap3A_893, %swap3A_894], %gather3A_891 {strides = array<i32>} : memref<32x384xf32, #tpu.memory_space<vmem>>, vector<16xf32>,
        %add3A_896 = arith.constant 21 : i32
        %add3A_897 = vector.broadcast %add3A_896 : i32 to vector<16xi32>
        %add3A_898 = arith.addi %mul3A_729, %add3A_897 : vector<16xi32>
        %gather3A_899 = tpu.vector_load_idx %arg5[%add3A_898] : memref<8481xf32, #tpu.memory_space<vmem>>[vector<16xi32>], vector<16xf32>,
        %swap3A_900 = arith.constant 21 : i32
        %swap3A_901 = arith.index_cast %swap3A_900 : i32 to index
        %swap3A_902 = arith.index_cast %mul3A_713 : i32 to index
        %swap3A_903 = tpu.vector_load %arg8[%swap3A_901, %swap3A_902] {strides = array<i32>} : memref<32x384xf32, #tpu.memory_space<vmem>>, vector<16xf32>,
        tpu.vector_store %arg8[%swap3A_901, %swap3A_902], %gather3A_899 {strides = array<i32>} : memref<32x384xf32, #tpu.memory_space<vmem>>, vector<16xf32>,
        %add3A_904 = arith.constant 22 : i32
        %add3A_905 = vector.broadcast %add3A_904 : i32 to vector<16xi32>
        %add3A_906 = arith.addi %mul3A_729, %add3A_905 : vector<16xi32>
        %gather3A_907 = tpu.vector_load_idx %arg5[%add3A_906] : memref<8481xf32, #tpu.memory_space<vmem>>[vector<16xi32>], vector<16xf32>,
        %swap3A_908 = arith.constant 22 : i32
        %swap3A_909 = arith.index_cast %swap3A_908 : i32 to index
        %swap3A_910 = arith.index_cast %mul3A_713 : i32 to index
        %swap3A_911 = tpu.vector_load %arg8[%swap3A_909, %swap3A_910] {strides = array<i32>} : memref<32x384xf32, #tpu.memory_space<vmem>>, vector<16xf32>,
        tpu.vector_store %arg8[%swap3A_909, %swap3A_910], %gather3A_907 {strides = array<i32>} : memref<32x384xf32, #tpu.memory_space<vmem>>, vector<16xf32>,
        %add3A_912 = arith.constant 23 : i32
        %add3A_913 = vector.broadcast %add3A_912 : i32 to vector<16xi32>
        %add3A_914 = arith.addi %mul3A_729, %add3A_913 : vector<16xi32>
        %gather3A_915 = tpu.vector_load_idx %arg5[%add3A_914] : memref<8481xf32, #tpu.memory_space<vmem>>[vector<16xi32>], vector<16xf32>,
        %swap3A_916 = arith.constant 23 : i32
        %swap3A_917 = arith.index_cast %swap3A_916 : i32 to index
        %swap3A_918 = arith.index_cast %mul3A_713 : i32 to index
        %swap3A_919 = tpu.vector_load %arg8[%swap3A_917, %swap3A_918] {strides = array<i32>} : memref<32x384xf32, #tpu.memory_space<vmem>>, vector<16xf32>,
        tpu.vector_store %arg8[%swap3A_917, %swap3A_918], %gather3A_915 {strides = array<i32>} : memref<32x384xf32, #tpu.memory_space<vmem>>, vector<16xf32>,
        %add3A_920 = arith.constant 24 : i32
        %add3A_921 = vector.broadcast %add3A_920 : i32 to vector<16xi32>
        %add3A_922 = arith.addi %mul3A_729, %add3A_921 : vector<16xi32>
        %gather3A_923 = tpu.vector_load_idx %arg5[%add3A_922] : memref<8481xf32, #tpu.memory_space<vmem>>[vector<16xi32>], vector<16xf32>,
        %swap3A_924 = arith.constant 24 : i32
        %swap3A_925 = arith.index_cast %swap3A_924 : i32 to index
        %swap3A_926 = arith.index_cast %mul3A_713 : i32 to index
        %swap3A_927 = tpu.vector_load %arg8[%swap3A_925, %swap3A_926] {strides = array<i32>} : memref<32x384xf32, #tpu.memory_space<vmem>>, vector<16xf32>,
        tpu.vector_store %arg8[%swap3A_925, %swap3A_926], %gather3A_923 {strides = array<i32>} : memref<32x384xf32, #tpu.memory_space<vmem>>, vector<16xf32>,
        %add3A_928 = arith.constant 25 : i32
        %add3A_929 = vector.broadcast %add3A_928 : i32 to vector<16xi32>
        %add3A_930 = arith.addi %mul3A_729, %add3A_929 : vector<16xi32>
        %gather3A_931 = tpu.vector_load_idx %arg5[%add3A_930] : memref<8481xf32, #tpu.memory_space<vmem>>[vector<16xi32>], vector<16xf32>,
        %swap3A_932 = arith.constant 25 : i32
        %swap3A_933 = arith.index_cast %swap3A_932 : i32 to index
        %swap3A_934 = arith.index_cast %mul3A_713 : i32 to index
        %swap3A_935 = tpu.vector_load %arg8[%swap3A_933, %swap3A_934] {strides = array<i32>} : memref<32x384xf32, #tpu.memory_space<vmem>>, vector<16xf32>,
        tpu.vector_store %arg8[%swap3A_933, %swap3A_934], %gather3A_931 {strides = array<i32>} : memref<32x384xf32, #tpu.memory_space<vmem>>, vector<16xf32>,
        %add3A_936 = arith.constant 26 : i32
        %add3A_937 = vector.broadcast %add3A_936 : i32 to vector<16xi32>
        %add3A_938 = arith.addi %mul3A_729, %add3A_937 : vector<16xi32>
        %gather3A_939 = tpu.vector_load_idx %arg5[%add3A_938] : memref<8481xf32, #tpu.memory_space<vmem>>[vector<16xi32>], vector<16xf32>,
        %swap3A_940 = arith.constant 26 : i32
        %swap3A_941 = arith.index_cast %swap3A_940 : i32 to index
        %swap3A_942 = arith.index_cast %mul3A_713 : i32 to index
        %swap3A_943 = tpu.vector_load %arg8[%swap3A_941, %swap3A_942] {strides = array<i32>} : memref<32x384xf32, #tpu.memory_space<vmem>>, vector<16xf32>,
        tpu.vector_store %arg8[%swap3A_941, %swap3A_942], %gather3A_939 {strides = array<i32>} : memref<32x384xf32, #tpu.memory_space<vmem>>, vector<16xf32>,
        %add3A_944 = arith.constant 27 : i32
        %add3A_945 = vector.broadcast %add3A_944 : i32 to vector<16xi32>
        %add3A_946 = arith.addi %mul3A_729, %add3A_945 : vector<16xi32>
        %gather3A_947 = tpu.vector_load_idx %arg5[%add3A_946] : memref<8481xf32, #tpu.memory_space<vmem>>[vector<16xi32>], vector<16xf32>,
        %swap3A_948 = arith.constant 27 : i32
        %swap3A_949 = arith.index_cast %swap3A_948 : i32 to index
        %swap3A_950 = arith.index_cast %mul3A_713 : i32 to index
        %swap3A_951 = tpu.vector_load %arg8[%swap3A_949, %swap3A_950] {strides = array<i32>} : memref<32x384xf32, #tpu.memory_space<vmem>>, vector<16xf32>,
        tpu.vector_store %arg8[%swap3A_949, %swap3A_950], %gather3A_947 {strides = array<i32>} : memref<32x384xf32, #tpu.memory_space<vmem>>, vector<16xf32>,
        %add3A_952 = arith.constant 28 : i32
        %add3A_953 = vector.broadcast %add3A_952 : i32 to vector<16xi32>
        %add3A_954 = arith.addi %mul3A_729, %add3A_953 : vector<16xi32>
        %gather3A_955 = tpu.vector_load_idx %arg5[%add3A_954] : memref<8481xf32, #tpu.memory_space<vmem>>[vector<16xi32>], vector<16xf32>,
        %swap3A_956 = arith.constant 28 : i32
        %swap3A_957 = arith.index_cast %swap3A_956 : i32 to index
        %swap3A_958 = arith.index_cast %mul3A_713 : i32 to index
        %swap3A_959 = tpu.vector_load %arg8[%swap3A_957, %swap3A_958] {strides = array<i32>} : memref<32x384xf32, #tpu.memory_space<vmem>>, vector<16xf32>,
        tpu.vector_store %arg8[%swap3A_957, %swap3A_958], %gather3A_955 {strides = array<i32>} : memref<32x384xf32, #tpu.memory_space<vmem>>, vector<16xf32>,
        %add3A_960 = arith.constant 29 : i32
        %add3A_961 = vector.broadcast %add3A_960 : i32 to vector<16xi32>
        %add3A_962 = arith.addi %mul3A_729, %add3A_961 : vector<16xi32>
        %gather3A_963 = tpu.vector_load_idx %arg5[%add3A_962] : memref<8481xf32, #tpu.memory_space<vmem>>[vector<16xi32>], vector<16xf32>,
        %swap3A_964 = arith.constant 29 : i32
        %swap3A_965 = arith.index_cast %swap3A_964 : i32 to index
        %swap3A_966 = arith.index_cast %mul3A_713 : i32 to index
        %swap3A_967 = tpu.vector_load %arg8[%swap3A_965, %swap3A_966] {strides = array<i32>} : memref<32x384xf32, #tpu.memory_space<vmem>>, vector<16xf32>,
        tpu.vector_store %arg8[%swap3A_965, %swap3A_966], %gather3A_963 {strides = array<i32>} : memref<32x384xf32, #tpu.memory_space<vmem>>, vector<16xf32>,
        %add3A_968 = arith.constant 30 : i32
        %add3A_969 = vector.broadcast %add3A_968 : i32 to vector<16xi32>
        %add3A_970 = arith.addi %mul3A_729, %add3A_969 : vector<16xi32>
        %gather3A_971 = tpu.vector_load_idx %arg5[%add3A_970] : memref<8481xf32, #tpu.memory_space<vmem>>[vector<16xi32>], vector<16xf32>,
        %swap3A_972 = arith.constant 30 : i32
        %swap3A_973 = arith.index_cast %swap3A_972 : i32 to index
        %swap3A_974 = arith.index_cast %mul3A_713 : i32 to index
        %swap3A_975 = tpu.vector_load %arg8[%swap3A_973, %swap3A_974] {strides = array<i32>} : memref<32x384xf32, #tpu.memory_space<vmem>>, vector<16xf32>,
        tpu.vector_store %arg8[%swap3A_973, %swap3A_974], %gather3A_971 {strides = array<i32>} : memref<32x384xf32, #tpu.memory_space<vmem>>, vector<16xf32>,
        %add3A_976 = arith.constant 31 : i32
        %add3A_977 = vector.broadcast %add3A_976 : i32 to vector<16xi32>
        %add3A_978 = arith.addi %mul3A_729, %add3A_977 : vector<16xi32>
        %gather3A_979 = tpu.vector_load_idx %arg5[%add3A_978] : memref<8481xf32, #tpu.memory_space<vmem>>[vector<16xi32>], vector<16xf32>,
        %swap3A_980 = arith.constant 31 : i32
        %swap3A_981 = arith.index_cast %swap3A_980 : i32 to index
        %swap3A_982 = arith.index_cast %mul3A_713 : i32 to index
        %swap3A_983 = tpu.vector_load %arg8[%swap3A_981, %swap3A_982] {strides = array<i32>} : memref<32x384xf32, #tpu.memory_space<vmem>>, vector<16xf32>,
        tpu.vector_store %arg8[%swap3A_981, %swap3A_982], %gather3A_979 {strides = array<i32>} : memref<32x384xf32, #tpu.memory_space<vmem>>, vector<16xf32>,
      }
      %scan3A_566 = arith.constant 24 : i32
      %dma_start3A_567 = arith.constant 0 : i32
      %dma_start3A_568 = tpu.memref_slice %arg3[%add3A_555, %dma_start3A_567, %multiple_of3A] : memref<2048x32x2048xf32, #tpu.memory_space<hbm>> -> memref<1x32x384xf32, #tpu.memory_space<hbm>>
      %dma_start3A_569 = tpu.memref_squeeze %dma_start3A_568 : memref<1x32x384xf32, #tpu.memory_space<hbm>> -> memref<32x384xf32, #tpu.memory_space<hbm>>
      %dma_start3A_570 = arith.constant 0 : i32
      %dma_start3A_571 = tpu.memref_slice %arg3[%add3A_555, %dma_start3A_570, %multiple_of3A] : memref<2048x32x2048xf32, #tpu.memory_space<hbm>> -> memref<1x32x384xf32, #tpu.memory_space<hbm>>
      %dma_start3A_572 = tpu.memref_squeeze %dma_start3A_571 : memref<1x32x384xf32, #tpu.memory_space<hbm>> -> memref<32x384xf32, #tpu.memory_space<hbm>>
      tpu.enqueue_dma source(%arg8 : memref<32x384xf32, #tpu.memory_space<vmem>>) target(%dma_start3A_572 : memref<32x384xf32, #tpu.memory_space<hbm>>) target_semaphore(%arg9 : memref<!tpu.dma_semaphore, #tpu.memory_space<semaphore_mem>>)
      %gt3A_573 = arith.constant 0 : i32
      %gt3A_574 = arith.cmpi sgt, %shift_right_arithmetic3A_19, %gt3A_573 : i32
      %convert_element_type3A_575 = arith.extui %gt3A_574 : i1 to i32
      %cond3A_576 = arith.constant 0 : i32
      %cond3A_577 = arith.cmpi ne, %convert_element_type3A_575, %cond3A_576 : i32
      scf.if %cond3A_577 {
        %dma_start3A_708 = arith.constant 0 : i32
        %dma_start3A_709 = arith.constant 0 : i32
        %dma_start3A_710 = tpu.memref_slice %arg6[%dma_start3A_708, %dma_start3A_709] : memref<32x2048xf32, #tpu.memory_space<vmem>> -> memref<32x128xf32, #tpu.memory_space<vmem>>
        %dma_start3A_711 = arith.constant 0 : i32
        %dma_start3A_712 = arith.constant 0 : i32
        %dma_start3A_713 = tpu.memref_slice %arg3[%add3A_555, %dma_start3A_711, %dma_start3A_712] : memref<2048x32x2048xf32, #tpu.memory_space<hbm>> -> memref<1x32x128xf32, #tpu.memory_space<hbm>>
        %dma_start3A_714 = tpu.memref_squeeze %dma_start3A_713 : memref<1x32x128xf32, #tpu.memory_space<hbm>> -> memref<32x128xf32, #tpu.memory_space<hbm>>
        %dma_start3A_715 = arith.constant 0 : i32
        %dma_start3A_716 = arith.constant 0 : i32
        %dma_start3A_717 = tpu.memref_slice %arg3[%add3A_555, %dma_start3A_715, %dma_start3A_716] : memref<2048x32x2048xf32, #tpu.memory_space<hbm>> -> memref<1x32x128xf32, #tpu.memory_space<hbm>>
        %dma_start3A_718 = tpu.memref_squeeze %dma_start3A_717 : memref<1x32x128xf32, #tpu.memory_space<hbm>> -> memref<32x128xf32, #tpu.memory_space<hbm>>
        %dma_start3A_719 = arith.constant 0 : i32
        %dma_start3A_720 = arith.constant 0 : i32
        %dma_start3A_721 = tpu.memref_slice %arg6[%dma_start3A_719, %dma_start3A_720] : memref<32x2048xf32, #tpu.memory_space<vmem>> -> memref<32x128xf32, #tpu.memory_space<vmem>>
        tpu.enqueue_dma source(%dma_start3A_721 : memref<32x128xf32, #tpu.memory_space<vmem>>) target(%dma_start3A_718 : memref<32x128xf32, #tpu.memory_space<hbm>>) target_semaphore(%arg10 : memref<!tpu.dma_semaphore, #tpu.memory_space<semaphore_mem>>)
      } else {
      }
      %le3A_578 = arith.constant 0 : i32
      %le3A_579 = arith.cmpi sle, %shift_right_arithmetic3A_19, %le3A_578 : i32
      %convert_element_type3A_580 = arith.extui %le3A_579 : i1 to i32
      %cond3A_581 = arith.constant 0 : i32
      %cond3A_582 = arith.cmpi ne, %convert_element_type3A_580, %cond3A_581 : i32
      scf.if %cond3A_582 {
        %dma_start3A_708 = arith.constant 0 : i32
        %dma_start3A_709 = arith.constant 384 : i32
        %dma_start3A_710 = tpu.memref_slice %arg6[%dma_start3A_708, %dma_start3A_709] : memref<32x2048xf32, #tpu.memory_space<vmem>> -> memref<32x128xf32, #tpu.memory_space<vmem>>
        %dma_start3A_711 = arith.constant 0 : i32
        %dma_start3A_712 = arith.constant 384 : i32
        %dma_start3A_713 = tpu.memref_slice %arg3[%add3A_555, %dma_start3A_711, %dma_start3A_712] : memref<2048x32x2048xf32, #tpu.memory_space<hbm>> -> memref<1x32x128xf32, #tpu.memory_space<hbm>>
        %dma_start3A_714 = tpu.memref_squeeze %dma_start3A_713 : memref<1x32x128xf32, #tpu.memory_space<hbm>> -> memref<32x128xf32, #tpu.memory_space<hbm>>
        %dma_start3A_715 = arith.constant 0 : i32
        %dma_start3A_716 = arith.constant 384 : i32
        %dma_start3A_717 = tpu.memref_slice %arg3[%add3A_555, %dma_start3A_715, %dma_start3A_716] : memref<2048x32x2048xf32, #tpu.memory_space<hbm>> -> memref<1x32x128xf32, #tpu.memory_space<hbm>>
        %dma_start3A_718 = tpu.memref_squeeze %dma_start3A_717 : memref<1x32x128xf32, #tpu.memory_space<hbm>> -> memref<32x128xf32, #tpu.memory_space<hbm>>
        %dma_start3A_719 = arith.constant 0 : i32
        %dma_start3A_720 = arith.constant 384 : i32
        %dma_start3A_721 = tpu.memref_slice %arg6[%dma_start3A_719, %dma_start3A_720] : memref<32x2048xf32, #tpu.memory_space<vmem>> -> memref<32x128xf32, #tpu.memory_space<vmem>>
        tpu.enqueue_dma source(%dma_start3A_721 : memref<32x128xf32, #tpu.memory_space<vmem>>) target(%dma_start3A_718 : memref<32x128xf32, #tpu.memory_space<hbm>>) target_semaphore(%arg10 : memref<!tpu.dma_semaphore, #tpu.memory_space<semaphore_mem>>)
      } else {
      }
      %gt3A_583 = arith.constant 1 : i32
      %gt3A_584 = arith.cmpi sgt, %shift_right_arithmetic3A_19, %gt3A_583 : i32
      %convert_element_type3A_585 = arith.extui %gt3A_584 : i1 to i32
      %cond3A_586 = arith.constant 0 : i32
      %cond3A_587 = arith.cmpi ne, %convert_element_type3A_585, %cond3A_586 : i32
      scf.if %cond3A_587 {
        %dma_start3A_708 = arith.constant 0 : i32
        %dma_start3A_709 = arith.constant 128 : i32
        %dma_start3A_710 = tpu.memref_slice %arg6[%dma_start3A_708, %dma_start3A_709] : memref<32x2048xf32, #tpu.memory_space<vmem>> -> memref<32x128xf32, #tpu.memory_space<vmem>>
        %dma_start3A_711 = arith.constant 0 : i32
        %dma_start3A_712 = arith.constant 128 : i32
        %dma_start3A_713 = tpu.memref_slice %arg3[%add3A_555, %dma_start3A_711, %dma_start3A_712] : memref<2048x32x2048xf32, #tpu.memory_space<hbm>> -> memref<1x32x128xf32, #tpu.memory_space<hbm>>
        %dma_start3A_714 = tpu.memref_squeeze %dma_start3A_713 : memref<1x32x128xf32, #tpu.memory_space<hbm>> -> memref<32x128xf32, #tpu.memory_space<hbm>>
        %dma_start3A_715 = arith.constant 0 : i32
        %dma_start3A_716 = arith.constant 128 : i32
        %dma_start3A_717 = tpu.memref_slice %arg3[%add3A_555, %dma_start3A_715, %dma_start3A_716] : memref<2048x32x2048xf32, #tpu.memory_space<hbm>> -> memref<1x32x128xf32, #tpu.memory_space<hbm>>
        %dma_start3A_718 = tpu.memref_squeeze %dma_start3A_717 : memref<1x32x128xf32, #tpu.memory_space<hbm>> -> memref<32x128xf32, #tpu.memory_space<hbm>>
        %dma_start3A_719 = arith.constant 0 : i32
        %dma_start3A_720 = arith.constant 128 : i32
        %dma_start3A_721 = tpu.memref_slice %arg6[%dma_start3A_719, %dma_start3A_720] : memref<32x2048xf32, #tpu.memory_space<vmem>> -> memref<32x128xf32, #tpu.memory_space<vmem>>
        tpu.enqueue_dma source(%dma_start3A_721 : memref<32x128xf32, #tpu.memory_space<vmem>>) target(%dma_start3A_718 : memref<32x128xf32, #tpu.memory_space<hbm>>) target_semaphore(%arg10 : memref<!tpu.dma_semaphore, #tpu.memory_space<semaphore_mem>>)
      } else {
      }
      %le3A_588 = arith.constant 1 : i32
      %le3A_589 = arith.cmpi sle, %shift_right_arithmetic3A_19, %le3A_588 : i32
      %convert_element_type3A_590 = arith.extui %le3A_589 : i1 to i32
      %cond3A_591 = arith.constant 0 : i32
      %cond3A_592 = arith.cmpi ne, %convert_element_type3A_590, %cond3A_591 : i32
      scf.if %cond3A_592 {
        %dma_start3A_708 = arith.constant 0 : i32
        %dma_start3A_709 = arith.constant 512 : i32
        %dma_start3A_710 = tpu.memref_slice %arg6[%dma_start3A_708, %dma_start3A_709] : memref<32x2048xf32, #tpu.memory_space<vmem>> -> memref<32x128xf32, #tpu.memory_space<vmem>>
        %dma_start3A_711 = arith.constant 0 : i32
        %dma_start3A_712 = arith.constant 512 : i32
        %dma_start3A_713 = tpu.memref_slice %arg3[%add3A_555, %dma_start3A_711, %dma_start3A_712] : memref<2048x32x2048xf32, #tpu.memory_space<hbm>> -> memref<1x32x128xf32, #tpu.memory_space<hbm>>
        %dma_start3A_714 = tpu.memref_squeeze %dma_start3A_713 : memref<1x32x128xf32, #tpu.memory_space<hbm>> -> memref<32x128xf32, #tpu.memory_space<hbm>>
        %dma_start3A_715 = arith.constant 0 : i32
        %dma_start3A_716 = arith.constant 512 : i32
        %dma_start3A_717 = tpu.memref_slice %arg3[%add3A_555, %dma_start3A_715, %dma_start3A_716] : memref<2048x32x2048xf32, #tpu.memory_space<hbm>> -> memref<1x32x128xf32, #tpu.memory_space<hbm>>
        %dma_start3A_718 = tpu.memref_squeeze %dma_start3A_717 : memref<1x32x128xf32, #tpu.memory_space<hbm>> -> memref<32x128xf32, #tpu.memory_space<hbm>>
        %dma_start3A_719 = arith.constant 0 : i32
        %dma_start3A_720 = arith.constant 512 : i32
        %dma_start3A_721 = tpu.memref_slice %arg6[%dma_start3A_719, %dma_start3A_720] : memref<32x2048xf32, #tpu.memory_space<vmem>> -> memref<32x128xf32, #tpu.memory_space<vmem>>
        tpu.enqueue_dma source(%dma_start3A_721 : memref<32x128xf32, #tpu.memory_space<vmem>>) target(%dma_start3A_718 : memref<32x128xf32, #tpu.memory_space<hbm>>) target_semaphore(%arg10 : memref<!tpu.dma_semaphore, #tpu.memory_space<semaphore_mem>>)
      } else {
      }
      %gt3A_593 = arith.constant 2 : i32
      %gt3A_594 = arith.cmpi sgt, %shift_right_arithmetic3A_19, %gt3A_593 : i32
      %convert_element_type3A_595 = arith.extui %gt3A_594 : i1 to i32
      %cond3A_596 = arith.constant 0 : i32
      %cond3A_597 = arith.cmpi ne, %convert_element_type3A_595, %cond3A_596 : i32
      scf.if %cond3A_597 {
        %dma_start3A_708 = arith.constant 0 : i32
        %dma_start3A_709 = arith.constant 256 : i32
        %dma_start3A_710 = tpu.memref_slice %arg6[%dma_start3A_708, %dma_start3A_709] : memref<32x2048xf32, #tpu.memory_space<vmem>> -> memref<32x128xf32, #tpu.memory_space<vmem>>
        %dma_start3A_711 = arith.constant 0 : i32
        %dma_start3A_712 = arith.constant 256 : i32
        %dma_start3A_713 = tpu.memref_slice %arg3[%add3A_555, %dma_start3A_711, %dma_start3A_712] : memref<2048x32x2048xf32, #tpu.memory_space<hbm>> -> memref<1x32x128xf32, #tpu.memory_space<hbm>>
        %dma_start3A_714 = tpu.memref_squeeze %dma_start3A_713 : memref<1x32x128xf32, #tpu.memory_space<hbm>> -> memref<32x128xf32, #tpu.memory_space<hbm>>
        %dma_start3A_715 = arith.constant 0 : i32
        %dma_start3A_716 = arith.constant 256 : i32
        %dma_start3A_717 = tpu.memref_slice %arg3[%add3A_555, %dma_start3A_715, %dma_start3A_716] : memref<2048x32x2048xf32, #tpu.memory_space<hbm>> -> memref<1x32x128xf32, #tpu.memory_space<hbm>>
        %dma_start3A_718 = tpu.memref_squeeze %dma_start3A_717 : memref<1x32x128xf32, #tpu.memory_space<hbm>> -> memref<32x128xf32, #tpu.memory_space<hbm>>
        %dma_start3A_719 = arith.constant 0 : i32
        %dma_start3A_720 = arith.constant 256 : i32
        %dma_start3A_721 = tpu.memref_slice %arg6[%dma_start3A_719, %dma_start3A_720] : memref<32x2048xf32, #tpu.memory_space<vmem>> -> memref<32x128xf32, #tpu.memory_space<vmem>>
        tpu.enqueue_dma source(%dma_start3A_721 : memref<32x128xf32, #tpu.memory_space<vmem>>) target(%dma_start3A_718 : memref<32x128xf32, #tpu.memory_space<hbm>>) target_semaphore(%arg10 : memref<!tpu.dma_semaphore, #tpu.memory_space<semaphore_mem>>)
      } else {
      }
      %le3A_598 = arith.constant 2 : i32
      %le3A_599 = arith.cmpi sle, %shift_right_arithmetic3A_19, %le3A_598 : i32
      %convert_element_type3A_600 = arith.extui %le3A_599 : i1 to i32
      %cond3A_601 = arith.constant 0 : i32
      %cond3A_602 = arith.cmpi ne, %convert_element_type3A_600, %cond3A_601 : i32
      scf.if %cond3A_602 {
        %dma_start3A_708 = arith.constant 0 : i32
        %dma_start3A_709 = arith.constant 640 : i32
        %dma_start3A_710 = tpu.memref_slice %arg6[%dma_start3A_708, %dma_start3A_709] : memref<32x2048xf32, #tpu.memory_space<vmem>> -> memref<32x128xf32, #tpu.memory_space<vmem>>
        %dma_start3A_711 = arith.constant 0 : i32
        %dma_start3A_712 = arith.constant 640 : i32
        %dma_start3A_713 = tpu.memref_slice %arg3[%add3A_555, %dma_start3A_711, %dma_start3A_712] : memref<2048x32x2048xf32, #tpu.memory_space<hbm>> -> memref<1x32x128xf32, #tpu.memory_space<hbm>>
        %dma_start3A_714 = tpu.memref_squeeze %dma_start3A_713 : memref<1x32x128xf32, #tpu.memory_space<hbm>> -> memref<32x128xf32, #tpu.memory_space<hbm>>
        %dma_start3A_715 = arith.constant 0 : i32
        %dma_start3A_716 = arith.constant 640 : i32
        %dma_start3A_717 = tpu.memref_slice %arg3[%add3A_555, %dma_start3A_715, %dma_start3A_716] : memref<2048x32x2048xf32, #tpu.memory_space<hbm>> -> memref<1x32x128xf32, #tpu.memory_space<hbm>>
        %dma_start3A_718 = tpu.memref_squeeze %dma_start3A_717 : memref<1x32x128xf32, #tpu.memory_space<hbm>> -> memref<32x128xf32, #tpu.memory_space<hbm>>
        %dma_start3A_719 = arith.constant 0 : i32
        %dma_start3A_720 = arith.constant 640 : i32
        %dma_start3A_721 = tpu.memref_slice %arg6[%dma_start3A_719, %dma_start3A_720] : memref<32x2048xf32, #tpu.memory_space<vmem>> -> memref<32x128xf32, #tpu.memory_space<vmem>>
        tpu.enqueue_dma source(%dma_start3A_721 : memref<32x128xf32, #tpu.memory_space<vmem>>) target(%dma_start3A_718 : memref<32x128xf32, #tpu.memory_space<hbm>>) target_semaphore(%arg10 : memref<!tpu.dma_semaphore, #tpu.memory_space<semaphore_mem>>)
      } else {
      }
      %gt3A_603 = arith.constant 3 : i32
      %gt3A_604 = arith.cmpi sgt, %shift_right_arithmetic3A_19, %gt3A_603 : i32
      %convert_element_type3A_605 = arith.extui %gt3A_604 : i1 to i32
      %cond3A_606 = arith.constant 0 : i32
      %cond3A_607 = arith.cmpi ne, %convert_element_type3A_605, %cond3A_606 : i32
      scf.if %cond3A_607 {
        %dma_start3A_708 = arith.constant 0 : i32
        %dma_start3A_709 = arith.constant 384 : i32
        %dma_start3A_710 = tpu.memref_slice %arg6[%dma_start3A_708, %dma_start3A_709] : memref<32x2048xf32, #tpu.memory_space<vmem>> -> memref<32x128xf32, #tpu.memory_space<vmem>>
        %dma_start3A_711 = arith.constant 0 : i32
        %dma_start3A_712 = arith.constant 384 : i32
        %dma_start3A_713 = tpu.memref_slice %arg3[%add3A_555, %dma_start3A_711, %dma_start3A_712] : memref<2048x32x2048xf32, #tpu.memory_space<hbm>> -> memref<1x32x128xf32, #tpu.memory_space<hbm>>
        %dma_start3A_714 = tpu.memref_squeeze %dma_start3A_713 : memref<1x32x128xf32, #tpu.memory_space<hbm>> -> memref<32x128xf32, #tpu.memory_space<hbm>>
        %dma_start3A_715 = arith.constant 0 : i32
        %dma_start3A_716 = arith.constant 384 : i32
        %dma_start3A_717 = tpu.memref_slice %arg3[%add3A_555, %dma_start3A_715, %dma_start3A_716] : memref<2048x32x2048xf32, #tpu.memory_space<hbm>> -> memref<1x32x128xf32, #tpu.memory_space<hbm>>
        %dma_start3A_718 = tpu.memref_squeeze %dma_start3A_717 : memref<1x32x128xf32, #tpu.memory_space<hbm>> -> memref<32x128xf32, #tpu.memory_space<hbm>>
        %dma_start3A_719 = arith.constant 0 : i32
        %dma_start3A_720 = arith.constant 384 : i32
        %dma_start3A_721 = tpu.memref_slice %arg6[%dma_start3A_719, %dma_start3A_720] : memref<32x2048xf32, #tpu.memory_space<vmem>> -> memref<32x128xf32, #tpu.memory_space<vmem>>
        tpu.enqueue_dma source(%dma_start3A_721 : memref<32x128xf32, #tpu.memory_space<vmem>>) target(%dma_start3A_718 : memref<32x128xf32, #tpu.memory_space<hbm>>) target_semaphore(%arg10 : memref<!tpu.dma_semaphore, #tpu.memory_space<semaphore_mem>>)
      } else {
      }
      %le3A_608 = arith.constant 3 : i32
      %le3A_609 = arith.cmpi sle, %shift_right_arithmetic3A_19, %le3A_608 : i32
      %convert_element_type3A_610 = arith.extui %le3A_609 : i1 to i32
      %cond3A_611 = arith.constant 0 : i32
      %cond3A_612 = arith.cmpi ne, %convert_element_type3A_610, %cond3A_611 : i32
      scf.if %cond3A_612 {
        %dma_start3A_708 = arith.constant 0 : i32
        %dma_start3A_709 = arith.constant 768 : i32
        %dma_start3A_710 = tpu.memref_slice %arg6[%dma_start3A_708, %dma_start3A_709] : memref<32x2048xf32, #tpu.memory_space<vmem>> -> memref<32x128xf32, #tpu.memory_space<vmem>>
        %dma_start3A_711 = arith.constant 0 : i32
        %dma_start3A_712 = arith.constant 768 : i32
        %dma_start3A_713 = tpu.memref_slice %arg3[%add3A_555, %dma_start3A_711, %dma_start3A_712] : memref<2048x32x2048xf32, #tpu.memory_space<hbm>> -> memref<1x32x128xf32, #tpu.memory_space<hbm>>
        %dma_start3A_714 = tpu.memref_squeeze %dma_start3A_713 : memref<1x32x128xf32, #tpu.memory_space<hbm>> -> memref<32x128xf32, #tpu.memory_space<hbm>>
        %dma_start3A_715 = arith.constant 0 : i32
        %dma_start3A_716 = arith.constant 768 : i32
        %dma_start3A_717 = tpu.memref_slice %arg3[%add3A_555, %dma_start3A_715, %dma_start3A_716] : memref<2048x32x2048xf32, #tpu.memory_space<hbm>> -> memref<1x32x128xf32, #tpu.memory_space<hbm>>
        %dma_start3A_718 = tpu.memref_squeeze %dma_start3A_717 : memref<1x32x128xf32, #tpu.memory_space<hbm>> -> memref<32x128xf32, #tpu.memory_space<hbm>>
        %dma_start3A_719 = arith.constant 0 : i32
        %dma_start3A_720 = arith.constant 768 : i32
        %dma_start3A_721 = tpu.memref_slice %arg6[%dma_start3A_719, %dma_start3A_720] : memref<32x2048xf32, #tpu.memory_space<vmem>> -> memref<32x128xf32, #tpu.memory_space<vmem>>
        tpu.enqueue_dma source(%dma_start3A_721 : memref<32x128xf32, #tpu.memory_space<vmem>>) target(%dma_start3A_718 : memref<32x128xf32, #tpu.memory_space<hbm>>) target_semaphore(%arg10 : memref<!tpu.dma_semaphore, #tpu.memory_space<semaphore_mem>>)
      } else {
      }
      %gt3A_613 = arith.constant 4 : i32
      %gt3A_614 = arith.cmpi sgt, %shift_right_arithmetic3A_19, %gt3A_613 : i32
      %convert_element_type3A_615 = arith.extui %gt3A_614 : i1 to i32
      %cond3A_616 = arith.constant 0 : i32
      %cond3A_617 = arith.cmpi ne, %convert_element_type3A_615, %cond3A_616 : i32
      scf.if %cond3A_617 {
        %dma_start3A_708 = arith.constant 0 : i32
        %dma_start3A_709 = arith.constant 512 : i32
        %dma_start3A_710 = tpu.memref_slice %arg6[%dma_start3A_708, %dma_start3A_709] : memref<32x2048xf32, #tpu.memory_space<vmem>> -> memref<32x128xf32, #tpu.memory_space<vmem>>
        %dma_start3A_711 = arith.constant 0 : i32
        %dma_start3A_712 = arith.constant 512 : i32
        %dma_start3A_713 = tpu.memref_slice %arg3[%add3A_555, %dma_start3A_711, %dma_start3A_712] : memref<2048x32x2048xf32, #tpu.memory_space<hbm>> -> memref<1x32x128xf32, #tpu.memory_space<hbm>>
        %dma_start3A_714 = tpu.memref_squeeze %dma_start3A_713 : memref<1x32x128xf32, #tpu.memory_space<hbm>> -> memref<32x128xf32, #tpu.memory_space<hbm>>
        %dma_start3A_715 = arith.constant 0 : i32
        %dma_start3A_716 = arith.constant 512 : i32
        %dma_start3A_717 = tpu.memref_slice %arg3[%add3A_555, %dma_start3A_715, %dma_start3A_716] : memref<2048x32x2048xf32, #tpu.memory_space<hbm>> -> memref<1x32x128xf32, #tpu.memory_space<hbm>>
        %dma_start3A_718 = tpu.memref_squeeze %dma_start3A_717 : memref<1x32x128xf32, #tpu.memory_space<hbm>> -> memref<32x128xf32, #tpu.memory_space<hbm>>
        %dma_start3A_719 = arith.constant 0 : i32
        %dma_start3A_720 = arith.constant 512 : i32
        %dma_start3A_721 = tpu.memref_slice %arg6[%dma_start3A_719, %dma_start3A_720] : memref<32x2048xf32, #tpu.memory_space<vmem>> -> memref<32x128xf32, #tpu.memory_space<vmem>>
        tpu.enqueue_dma source(%dma_start3A_721 : memref<32x128xf32, #tpu.memory_space<vmem>>) target(%dma_start3A_718 : memref<32x128xf32, #tpu.memory_space<hbm>>) target_semaphore(%arg10 : memref<!tpu.dma_semaphore, #tpu.memory_space<semaphore_mem>>)
      } else {
      }
      %le3A_618 = arith.constant 4 : i32
      %le3A_619 = arith.cmpi sle, %shift_right_arithmetic3A_19, %le3A_618 : i32
      %convert_element_type3A_620 = arith.extui %le3A_619 : i1 to i32
      %cond3A_621 = arith.constant 0 : i32
      %cond3A_622 = arith.cmpi ne, %convert_element_type3A_620, %cond3A_621 : i32
      scf.if %cond3A_622 {
        %dma_start3A_708 = arith.constant 0 : i32
        %dma_start3A_709 = arith.constant 896 : i32
        %dma_start3A_710 = tpu.memref_slice %arg6[%dma_start3A_708, %dma_start3A_709] : memref<32x2048xf32, #tpu.memory_space<vmem>> -> memref<32x128xf32, #tpu.memory_space<vmem>>
        %dma_start3A_711 = arith.constant 0 : i32
        %dma_start3A_712 = arith.constant 896 : i32
        %dma_start3A_713 = tpu.memref_slice %arg3[%add3A_555, %dma_start3A_711, %dma_start3A_712] : memref<2048x32x2048xf32, #tpu.memory_space<hbm>> -> memref<1x32x128xf32, #tpu.memory_space<hbm>>
        %dma_start3A_714 = tpu.memref_squeeze %dma_start3A_713 : memref<1x32x128xf32, #tpu.memory_space<hbm>> -> memref<32x128xf32, #tpu.memory_space<hbm>>
        %dma_start3A_715 = arith.constant 0 : i32
        %dma_start3A_716 = arith.constant 896 : i32
        %dma_start3A_717 = tpu.memref_slice %arg3[%add3A_555, %dma_start3A_715, %dma_start3A_716] : memref<2048x32x2048xf32, #tpu.memory_space<hbm>> -> memref<1x32x128xf32, #tpu.memory_space<hbm>>
        %dma_start3A_718 = tpu.memref_squeeze %dma_start3A_717 : memref<1x32x128xf32, #tpu.memory_space<hbm>> -> memref<32x128xf32, #tpu.memory_space<hbm>>
        %dma_start3A_719 = arith.constant 0 : i32
        %dma_start3A_720 = arith.constant 896 : i32
        %dma_start3A_721 = tpu.memref_slice %arg6[%dma_start3A_719, %dma_start3A_720] : memref<32x2048xf32, #tpu.memory_space<vmem>> -> memref<32x128xf32, #tpu.memory_space<vmem>>
        tpu.enqueue_dma source(%dma_start3A_721 : memref<32x128xf32, #tpu.memory_space<vmem>>) target(%dma_start3A_718 : memref<32x128xf32, #tpu.memory_space<hbm>>) target_semaphore(%arg10 : memref<!tpu.dma_semaphore, #tpu.memory_space<semaphore_mem>>)
      } else {
      }
      %gt3A_623 = arith.constant 5 : i32
      %gt3A_624 = arith.cmpi sgt, %shift_right_arithmetic3A_19, %gt3A_623 : i32
      %convert_element_type3A_625 = arith.extui %gt3A_624 : i1 to i32
      %cond3A_626 = arith.constant 0 : i32
      %cond3A_627 = arith.cmpi ne, %convert_element_type3A_625, %cond3A_626 : i32
      scf.if %cond3A_627 {
        %dma_start3A_708 = arith.constant 0 : i32
        %dma_start3A_709 = arith.constant 640 : i32
        %dma_start3A_710 = tpu.memref_slice %arg6[%dma_start3A_708, %dma_start3A_709] : memref<32x2048xf32, #tpu.memory_space<vmem>> -> memref<32x128xf32, #tpu.memory_space<vmem>>
        %dma_start3A_711 = arith.constant 0 : i32
        %dma_start3A_712 = arith.constant 640 : i32
        %dma_start3A_713 = tpu.memref_slice %arg3[%add3A_555, %dma_start3A_711, %dma_start3A_712] : memref<2048x32x2048xf32, #tpu.memory_space<hbm>> -> memref<1x32x128xf32, #tpu.memory_space<hbm>>
        %dma_start3A_714 = tpu.memref_squeeze %dma_start3A_713 : memref<1x32x128xf32, #tpu.memory_space<hbm>> -> memref<32x128xf32, #tpu.memory_space<hbm>>
        %dma_start3A_715 = arith.constant 0 : i32
        %dma_start3A_716 = arith.constant 640 : i32
        %dma_start3A_717 = tpu.memref_slice %arg3[%add3A_555, %dma_start3A_715, %dma_start3A_716] : memref<2048x32x2048xf32, #tpu.memory_space<hbm>> -> memref<1x32x128xf32, #tpu.memory_space<hbm>>
        %dma_start3A_718 = tpu.memref_squeeze %dma_start3A_717 : memref<1x32x128xf32, #tpu.memory_space<hbm>> -> memref<32x128xf32, #tpu.memory_space<hbm>>
        %dma_start3A_719 = arith.constant 0 : i32
        %dma_start3A_720 = arith.constant 640 : i32
        %dma_start3A_721 = tpu.memref_slice %arg6[%dma_start3A_719, %dma_start3A_720] : memref<32x2048xf32, #tpu.memory_space<vmem>> -> memref<32x128xf32, #tpu.memory_space<vmem>>
        tpu.enqueue_dma source(%dma_start3A_721 : memref<32x128xf32, #tpu.memory_space<vmem>>) target(%dma_start3A_718 : memref<32x128xf32, #tpu.memory_space<hbm>>) target_semaphore(%arg10 : memref<!tpu.dma_semaphore, #tpu.memory_space<semaphore_mem>>)
      } else {
      }
      %le3A_628 = arith.constant 5 : i32
      %le3A_629 = arith.cmpi sle, %shift_right_arithmetic3A_19, %le3A_628 : i32
      %convert_element_type3A_630 = arith.extui %le3A_629 : i1 to i32
      %cond3A_631 = arith.constant 0 : i32
      %cond3A_632 = arith.cmpi ne, %convert_element_type3A_630, %cond3A_631 : i32
      scf.if %cond3A_632 {
        %dma_start3A_708 = arith.constant 0 : i32
        %dma_start3A_709 = arith.constant 1024 : i32
        %dma_start3A_710 = tpu.memref_slice %arg6[%dma_start3A_708, %dma_start3A_709] : memref<32x2048xf32, #tpu.memory_space<vmem>> -> memref<32x128xf32, #tpu.memory_space<vmem>>
        %dma_start3A_711 = arith.constant 0 : i32
        %dma_start3A_712 = arith.constant 1024 : i32
        %dma_start3A_713 = tpu.memref_slice %arg3[%add3A_555, %dma_start3A_711, %dma_start3A_712] : memref<2048x32x2048xf32, #tpu.memory_space<hbm>> -> memref<1x32x128xf32, #tpu.memory_space<hbm>>
        %dma_start3A_714 = tpu.memref_squeeze %dma_start3A_713 : memref<1x32x128xf32, #tpu.memory_space<hbm>> -> memref<32x128xf32, #tpu.memory_space<hbm>>
        %dma_start3A_715 = arith.constant 0 : i32
        %dma_start3A_716 = arith.constant 1024 : i32
        %dma_start3A_717 = tpu.memref_slice %arg3[%add3A_555, %dma_start3A_715, %dma_start3A_716] : memref<2048x32x2048xf32, #tpu.memory_space<hbm>> -> memref<1x32x128xf32, #tpu.memory_space<hbm>>
        %dma_start3A_718 = tpu.memref_squeeze %dma_start3A_717 : memref<1x32x128xf32, #tpu.memory_space<hbm>> -> memref<32x128xf32, #tpu.memory_space<hbm>>
        %dma_start3A_719 = arith.constant 0 : i32
        %dma_start3A_720 = arith.constant 1024 : i32
        %dma_start3A_721 = tpu.memref_slice %arg6[%dma_start3A_719, %dma_start3A_720] : memref<32x2048xf32, #tpu.memory_space<vmem>> -> memref<32x128xf32, #tpu.memory_space<vmem>>
        tpu.enqueue_dma source(%dma_start3A_721 : memref<32x128xf32, #tpu.memory_space<vmem>>) target(%dma_start3A_718 : memref<32x128xf32, #tpu.memory_space<hbm>>) target_semaphore(%arg10 : memref<!tpu.dma_semaphore, #tpu.memory_space<semaphore_mem>>)
      } else {
      }
      %gt3A_633 = arith.constant 6 : i32
      %gt3A_634 = arith.cmpi sgt, %shift_right_arithmetic3A_19, %gt3A_633 : i32
      %convert_element_type3A_635 = arith.extui %gt3A_634 : i1 to i32
      %cond3A_636 = arith.constant 0 : i32
      %cond3A_637 = arith.cmpi ne, %convert_element_type3A_635, %cond3A_636 : i32
      scf.if %cond3A_637 {
        %dma_start3A_708 = arith.constant 0 : i32
        %dma_start3A_709 = arith.constant 768 : i32
        %dma_start3A_710 = tpu.memref_slice %arg6[%dma_start3A_708, %dma_start3A_709] : memref<32x2048xf32, #tpu.memory_space<vmem>> -> memref<32x128xf32, #tpu.memory_space<vmem>>
        %dma_start3A_711 = arith.constant 0 : i32
        %dma_start3A_712 = arith.constant 768 : i32
        %dma_start3A_713 = tpu.memref_slice %arg3[%add3A_555, %dma_start3A_711, %dma_start3A_712] : memref<2048x32x2048xf32, #tpu.memory_space<hbm>> -> memref<1x32x128xf32, #tpu.memory_space<hbm>>
        %dma_start3A_714 = tpu.memref_squeeze %dma_start3A_713 : memref<1x32x128xf32, #tpu.memory_space<hbm>> -> memref<32x128xf32, #tpu.memory_space<hbm>>
        %dma_start3A_715 = arith.constant 0 : i32
        %dma_start3A_716 = arith.constant 768 : i32
        %dma_start3A_717 = tpu.memref_slice %arg3[%add3A_555, %dma_start3A_715, %dma_start3A_716] : memref<2048x32x2048xf32, #tpu.memory_space<hbm>> -> memref<1x32x128xf32, #tpu.memory_space<hbm>>
        %dma_start3A_718 = tpu.memref_squeeze %dma_start3A_717 : memref<1x32x128xf32, #tpu.memory_space<hbm>> -> memref<32x128xf32, #tpu.memory_space<hbm>>
        %dma_start3A_719 = arith.constant 0 : i32
        %dma_start3A_720 = arith.constant 768 : i32
        %dma_start3A_721 = tpu.memref_slice %arg6[%dma_start3A_719, %dma_start3A_720] : memref<32x2048xf32, #tpu.memory_space<vmem>> -> memref<32x128xf32, #tpu.memory_space<vmem>>
        tpu.enqueue_dma source(%dma_start3A_721 : memref<32x128xf32, #tpu.memory_space<vmem>>) target(%dma_start3A_718 : memref<32x128xf32, #tpu.memory_space<hbm>>) target_semaphore(%arg10 : memref<!tpu.dma_semaphore, #tpu.memory_space<semaphore_mem>>)
      } else {
      }
      %le3A_638 = arith.constant 6 : i32
      %le3A_639 = arith.cmpi sle, %shift_right_arithmetic3A_19, %le3A_638 : i32
      %convert_element_type3A_640 = arith.extui %le3A_639 : i1 to i32
      %cond3A_641 = arith.constant 0 : i32
      %cond3A_642 = arith.cmpi ne, %convert_element_type3A_640, %cond3A_641 : i32
      scf.if %cond3A_642 {
        %dma_start3A_708 = arith.constant 0 : i32
        %dma_start3A_709 = arith.constant 1152 : i32
        %dma_start3A_710 = tpu.memref_slice %arg6[%dma_start3A_708, %dma_start3A_709] : memref<32x2048xf32, #tpu.memory_space<vmem>> -> memref<32x128xf32, #tpu.memory_space<vmem>>
        %dma_start3A_711 = arith.constant 0 : i32
        %dma_start3A_712 = arith.constant 1152 : i32
        %dma_start3A_713 = tpu.memref_slice %arg3[%add3A_555, %dma_start3A_711, %dma_start3A_712] : memref<2048x32x2048xf32, #tpu.memory_space<hbm>> -> memref<1x32x128xf32, #tpu.memory_space<hbm>>
        %dma_start3A_714 = tpu.memref_squeeze %dma_start3A_713 : memref<1x32x128xf32, #tpu.memory_space<hbm>> -> memref<32x128xf32, #tpu.memory_space<hbm>>
        %dma_start3A_715 = arith.constant 0 : i32
        %dma_start3A_716 = arith.constant 1152 : i32
        %dma_start3A_717 = tpu.memref_slice %arg3[%add3A_555, %dma_start3A_715, %dma_start3A_716] : memref<2048x32x2048xf32, #tpu.memory_space<hbm>> -> memref<1x32x128xf32, #tpu.memory_space<hbm>>
        %dma_start3A_718 = tpu.memref_squeeze %dma_start3A_717 : memref<1x32x128xf32, #tpu.memory_space<hbm>> -> memref<32x128xf32, #tpu.memory_space<hbm>>
        %dma_start3A_719 = arith.constant 0 : i32
        %dma_start3A_720 = arith.constant 1152 : i32
        %dma_start3A_721 = tpu.memref_slice %arg6[%dma_start3A_719, %dma_start3A_720] : memref<32x2048xf32, #tpu.memory_space<vmem>> -> memref<32x128xf32, #tpu.memory_space<vmem>>
        tpu.enqueue_dma source(%dma_start3A_721 : memref<32x128xf32, #tpu.memory_space<vmem>>) target(%dma_start3A_718 : memref<32x128xf32, #tpu.memory_space<hbm>>) target_semaphore(%arg10 : memref<!tpu.dma_semaphore, #tpu.memory_space<semaphore_mem>>)
      } else {
      }
      %gt3A_643 = arith.constant 7 : i32
      %gt3A_644 = arith.cmpi sgt, %shift_right_arithmetic3A_19, %gt3A_643 : i32
      %convert_element_type3A_645 = arith.extui %gt3A_644 : i1 to i32
      %cond3A_646 = arith.constant 0 : i32
      %cond3A_647 = arith.cmpi ne, %convert_element_type3A_645, %cond3A_646 : i32
      scf.if %cond3A_647 {
        %dma_start3A_708 = arith.constant 0 : i32
        %dma_start3A_709 = arith.constant 896 : i32
        %dma_start3A_710 = tpu.memref_slice %arg6[%dma_start3A_708, %dma_start3A_709] : memref<32x2048xf32, #tpu.memory_space<vmem>> -> memref<32x128xf32, #tpu.memory_space<vmem>>
        %dma_start3A_711 = arith.constant 0 : i32
        %dma_start3A_712 = arith.constant 896 : i32
        %dma_start3A_713 = tpu.memref_slice %arg3[%add3A_555, %dma_start3A_711, %dma_start3A_712] : memref<2048x32x2048xf32, #tpu.memory_space<hbm>> -> memref<1x32x128xf32, #tpu.memory_space<hbm>>
        %dma_start3A_714 = tpu.memref_squeeze %dma_start3A_713 : memref<1x32x128xf32, #tpu.memory_space<hbm>> -> memref<32x128xf32, #tpu.memory_space<hbm>>
        %dma_start3A_715 = arith.constant 0 : i32
        %dma_start3A_716 = arith.constant 896 : i32
        %dma_start3A_717 = tpu.memref_slice %arg3[%add3A_555, %dma_start3A_715, %dma_start3A_716] : memref<2048x32x2048xf32, #tpu.memory_space<hbm>> -> memref<1x32x128xf32, #tpu.memory_space<hbm>>
        %dma_start3A_718 = tpu.memref_squeeze %dma_start3A_717 : memref<1x32x128xf32, #tpu.memory_space<hbm>> -> memref<32x128xf32, #tpu.memory_space<hbm>>
        %dma_start3A_719 = arith.constant 0 : i32
        %dma_start3A_720 = arith.constant 896 : i32
        %dma_start3A_721 = tpu.memref_slice %arg6[%dma_start3A_719, %dma_start3A_720] : memref<32x2048xf32, #tpu.memory_space<vmem>> -> memref<32x128xf32, #tpu.memory_space<vmem>>
        tpu.enqueue_dma source(%dma_start3A_721 : memref<32x128xf32, #tpu.memory_space<vmem>>) target(%dma_start3A_718 : memref<32x128xf32, #tpu.memory_space<hbm>>) target_semaphore(%arg10 : memref<!tpu.dma_semaphore, #tpu.memory_space<semaphore_mem>>)
      } else {
      }
      %le3A_648 = arith.constant 7 : i32
      %le3A_649 = arith.cmpi sle, %shift_right_arithmetic3A_19, %le3A_648 : i32
      %convert_element_type3A_650 = arith.extui %le3A_649 : i1 to i32
      %cond3A_651 = arith.constant 0 : i32
      %cond3A_652 = arith.cmpi ne, %convert_element_type3A_650, %cond3A_651 : i32
      scf.if %cond3A_652 {
        %dma_start3A_708 = arith.constant 0 : i32
        %dma_start3A_709 = arith.constant 1280 : i32
        %dma_start3A_710 = tpu.memref_slice %arg6[%dma_start3A_708, %dma_start3A_709] : memref<32x2048xf32, #tpu.memory_space<vmem>> -> memref<32x128xf32, #tpu.memory_space<vmem>>
        %dma_start3A_711 = arith.constant 0 : i32
        %dma_start3A_712 = arith.constant 1280 : i32
        %dma_start3A_713 = tpu.memref_slice %arg3[%add3A_555, %dma_start3A_711, %dma_start3A_712] : memref<2048x32x2048xf32, #tpu.memory_space<hbm>> -> memref<1x32x128xf32, #tpu.memory_space<hbm>>
        %dma_start3A_714 = tpu.memref_squeeze %dma_start3A_713 : memref<1x32x128xf32, #tpu.memory_space<hbm>> -> memref<32x128xf32, #tpu.memory_space<hbm>>
        %dma_start3A_715 = arith.constant 0 : i32
        %dma_start3A_716 = arith.constant 1280 : i32
        %dma_start3A_717 = tpu.memref_slice %arg3[%add3A_555, %dma_start3A_715, %dma_start3A_716] : memref<2048x32x2048xf32, #tpu.memory_space<hbm>> -> memref<1x32x128xf32, #tpu.memory_space<hbm>>
        %dma_start3A_718 = tpu.memref_squeeze %dma_start3A_717 : memref<1x32x128xf32, #tpu.memory_space<hbm>> -> memref<32x128xf32, #tpu.memory_space<hbm>>
        %dma_start3A_719 = arith.constant 0 : i32
        %dma_start3A_720 = arith.constant 1280 : i32
        %dma_start3A_721 = tpu.memref_slice %arg6[%dma_start3A_719, %dma_start3A_720] : memref<32x2048xf32, #tpu.memory_space<vmem>> -> memref<32x128xf32, #tpu.memory_space<vmem>>
        tpu.enqueue_dma source(%dma_start3A_721 : memref<32x128xf32, #tpu.memory_space<vmem>>) target(%dma_start3A_718 : memref<32x128xf32, #tpu.memory_space<hbm>>) target_semaphore(%arg10 : memref<!tpu.dma_semaphore, #tpu.memory_space<semaphore_mem>>)
      } else {
      }
      %gt3A_653 = arith.constant 8 : i32
      %gt3A_654 = arith.cmpi sgt, %shift_right_arithmetic3A_19, %gt3A_653 : i32
      %convert_element_type3A_655 = arith.extui %gt3A_654 : i1 to i32
      %cond3A_656 = arith.constant 0 : i32
      %cond3A_657 = arith.cmpi ne, %convert_element_type3A_655, %cond3A_656 : i32
      scf.if %cond3A_657 {
        %dma_start3A_708 = arith.constant 0 : i32
        %dma_start3A_709 = arith.constant 1024 : i32
        %dma_start3A_710 = tpu.memref_slice %arg6[%dma_start3A_708, %dma_start3A_709] : memref<32x2048xf32, #tpu.memory_space<vmem>> -> memref<32x128xf32, #tpu.memory_space<vmem>>
        %dma_start3A_711 = arith.constant 0 : i32
        %dma_start3A_712 = arith.constant 1024 : i32
        %dma_start3A_713 = tpu.memref_slice %arg3[%add3A_555, %dma_start3A_711, %dma_start3A_712] : memref<2048x32x2048xf32, #tpu.memory_space<hbm>> -> memref<1x32x128xf32, #tpu.memory_space<hbm>>
        %dma_start3A_714 = tpu.memref_squeeze %dma_start3A_713 : memref<1x32x128xf32, #tpu.memory_space<hbm>> -> memref<32x128xf32, #tpu.memory_space<hbm>>
        %dma_start3A_715 = arith.constant 0 : i32
        %dma_start3A_716 = arith.constant 1024 : i32
        %dma_start3A_717 = tpu.memref_slice %arg3[%add3A_555, %dma_start3A_715, %dma_start3A_716] : memref<2048x32x2048xf32, #tpu.memory_space<hbm>> -> memref<1x32x128xf32, #tpu.memory_space<hbm>>
        %dma_start3A_718 = tpu.memref_squeeze %dma_start3A_717 : memref<1x32x128xf32, #tpu.memory_space<hbm>> -> memref<32x128xf32, #tpu.memory_space<hbm>>
        %dma_start3A_719 = arith.constant 0 : i32
        %dma_start3A_720 = arith.constant 1024 : i32
        %dma_start3A_721 = tpu.memref_slice %arg6[%dma_start3A_719, %dma_start3A_720] : memref<32x2048xf32, #tpu.memory_space<vmem>> -> memref<32x128xf32, #tpu.memory_space<vmem>>
        tpu.enqueue_dma source(%dma_start3A_721 : memref<32x128xf32, #tpu.memory_space<vmem>>) target(%dma_start3A_718 : memref<32x128xf32, #tpu.memory_space<hbm>>) target_semaphore(%arg10 : memref<!tpu.dma_semaphore, #tpu.memory_space<semaphore_mem>>)
      } else {
      }
      %le3A_658 = arith.constant 8 : i32
      %le3A_659 = arith.cmpi sle, %shift_right_arithmetic3A_19, %le3A_658 : i32
      %convert_element_type3A_660 = arith.extui %le3A_659 : i1 to i32
      %cond3A_661 = arith.constant 0 : i32
      %cond3A_662 = arith.cmpi ne, %convert_element_type3A_660, %cond3A_661 : i32
      scf.if %cond3A_662 {
        %dma_start3A_708 = arith.constant 0 : i32
        %dma_start3A_709 = arith.constant 1408 : i32
        %dma_start3A_710 = tpu.memref_slice %arg6[%dma_start3A_708, %dma_start3A_709] : memref<32x2048xf32, #tpu.memory_space<vmem>> -> memref<32x128xf32, #tpu.memory_space<vmem>>
        %dma_start3A_711 = arith.constant 0 : i32
        %dma_start3A_712 = arith.constant 1408 : i32
        %dma_start3A_713 = tpu.memref_slice %arg3[%add3A_555, %dma_start3A_711, %dma_start3A_712] : memref<2048x32x2048xf32, #tpu.memory_space<hbm>> -> memref<1x32x128xf32, #tpu.memory_space<hbm>>
        %dma_start3A_714 = tpu.memref_squeeze %dma_start3A_713 : memref<1x32x128xf32, #tpu.memory_space<hbm>> -> memref<32x128xf32, #tpu.memory_space<hbm>>
        %dma_start3A_715 = arith.constant 0 : i32
        %dma_start3A_716 = arith.constant 1408 : i32
        %dma_start3A_717 = tpu.memref_slice %arg3[%add3A_555, %dma_start3A_715, %dma_start3A_716] : memref<2048x32x2048xf32, #tpu.memory_space<hbm>> -> memref<1x32x128xf32, #tpu.memory_space<hbm>>
        %dma_start3A_718 = tpu.memref_squeeze %dma_start3A_717 : memref<1x32x128xf32, #tpu.memory_space<hbm>> -> memref<32x128xf32, #tpu.memory_space<hbm>>
        %dma_start3A_719 = arith.constant 0 : i32
        %dma_start3A_720 = arith.constant 1408 : i32
        %dma_start3A_721 = tpu.memref_slice %arg6[%dma_start3A_719, %dma_start3A_720] : memref<32x2048xf32, #tpu.memory_space<vmem>> -> memref<32x128xf32, #tpu.memory_space<vmem>>
        tpu.enqueue_dma source(%dma_start3A_721 : memref<32x128xf32, #tpu.memory_space<vmem>>) target(%dma_start3A_718 : memref<32x128xf32, #tpu.memory_space<hbm>>) target_semaphore(%arg10 : memref<!tpu.dma_semaphore, #tpu.memory_space<semaphore_mem>>)
      } else {
      }
      %gt3A_663 = arith.constant 9 : i32
      %gt3A_664 = arith.cmpi sgt, %shift_right_arithmetic3A_19, %gt3A_663 : i32
      %convert_element_type3A_665 = arith.extui %gt3A_664 : i1 to i32
      %cond3A_666 = arith.constant 0 : i32
      %cond3A_667 = arith.cmpi ne, %convert_element_type3A_665, %cond3A_666 : i32
      scf.if %cond3A_667 {
        %dma_start3A_708 = arith.constant 0 : i32
        %dma_start3A_709 = arith.constant 1152 : i32
        %dma_start3A_710 = tpu.memref_slice %arg6[%dma_start3A_708, %dma_start3A_709] : memref<32x2048xf32, #tpu.memory_space<vmem>> -> memref<32x128xf32, #tpu.memory_space<vmem>>
        %dma_start3A_711 = arith.constant 0 : i32
        %dma_start3A_712 = arith.constant 1152 : i32
        %dma_start3A_713 = tpu.memref_slice %arg3[%add3A_555, %dma_start3A_711, %dma_start3A_712] : memref<2048x32x2048xf32, #tpu.memory_space<hbm>> -> memref<1x32x128xf32, #tpu.memory_space<hbm>>
        %dma_start3A_714 = tpu.memref_squeeze %dma_start3A_713 : memref<1x32x128xf32, #tpu.memory_space<hbm>> -> memref<32x128xf32, #tpu.memory_space<hbm>>
        %dma_start3A_715 = arith.constant 0 : i32
        %dma_start3A_716 = arith.constant 1152 : i32
        %dma_start3A_717 = tpu.memref_slice %arg3[%add3A_555, %dma_start3A_715, %dma_start3A_716] : memref<2048x32x2048xf32, #tpu.memory_space<hbm>> -> memref<1x32x128xf32, #tpu.memory_space<hbm>>
        %dma_start3A_718 = tpu.memref_squeeze %dma_start3A_717 : memref<1x32x128xf32, #tpu.memory_space<hbm>> -> memref<32x128xf32, #tpu.memory_space<hbm>>
        %dma_start3A_719 = arith.constant 0 : i32
        %dma_start3A_720 = arith.constant 1152 : i32
        %dma_start3A_721 = tpu.memref_slice %arg6[%dma_start3A_719, %dma_start3A_720] : memref<32x2048xf32, #tpu.memory_space<vmem>> -> memref<32x128xf32, #tpu.memory_space<vmem>>
        tpu.enqueue_dma source(%dma_start3A_721 : memref<32x128xf32, #tpu.memory_space<vmem>>) target(%dma_start3A_718 : memref<32x128xf32, #tpu.memory_space<hbm>>) target_semaphore(%arg10 : memref<!tpu.dma_semaphore, #tpu.memory_space<semaphore_mem>>)
      } else {
      }
      %le3A_668 = arith.constant 9 : i32
      %le3A_669 = arith.cmpi sle, %shift_right_arithmetic3A_19, %le3A_668 : i32
      %convert_element_type3A_670 = arith.extui %le3A_669 : i1 to i32
      %cond3A_671 = arith.constant 0 : i32
      %cond3A_672 = arith.cmpi ne, %convert_element_type3A_670, %cond3A_671 : i32
      scf.if %cond3A_672 {
        %dma_start3A_708 = arith.constant 0 : i32
        %dma_start3A_709 = arith.constant 1536 : i32
        %dma_start3A_710 = tpu.memref_slice %arg6[%dma_start3A_708, %dma_start3A_709] : memref<32x2048xf32, #tpu.memory_space<vmem>> -> memref<32x128xf32, #tpu.memory_space<vmem>>
        %dma_start3A_711 = arith.constant 0 : i32
        %dma_start3A_712 = arith.constant 1536 : i32
        %dma_start3A_713 = tpu.memref_slice %arg3[%add3A_555, %dma_start3A_711, %dma_start3A_712] : memref<2048x32x2048xf32, #tpu.memory_space<hbm>> -> memref<1x32x128xf32, #tpu.memory_space<hbm>>
        %dma_start3A_714 = tpu.memref_squeeze %dma_start3A_713 : memref<1x32x128xf32, #tpu.memory_space<hbm>> -> memref<32x128xf32, #tpu.memory_space<hbm>>
        %dma_start3A_715 = arith.constant 0 : i32
        %dma_start3A_716 = arith.constant 1536 : i32
        %dma_start3A_717 = tpu.memref_slice %arg3[%add3A_555, %dma_start3A_715, %dma_start3A_716] : memref<2048x32x2048xf32, #tpu.memory_space<hbm>> -> memref<1x32x128xf32, #tpu.memory_space<hbm>>
        %dma_start3A_718 = tpu.memref_squeeze %dma_start3A_717 : memref<1x32x128xf32, #tpu.memory_space<hbm>> -> memref<32x128xf32, #tpu.memory_space<hbm>>
        %dma_start3A_719 = arith.constant 0 : i32
        %dma_start3A_720 = arith.constant 1536 : i32
        %dma_start3A_721 = tpu.memref_slice %arg6[%dma_start3A_719, %dma_start3A_720] : memref<32x2048xf32, #tpu.memory_space<vmem>> -> memref<32x128xf32, #tpu.memory_space<vmem>>
        tpu.enqueue_dma source(%dma_start3A_721 : memref<32x128xf32, #tpu.memory_space<vmem>>) target(%dma_start3A_718 : memref<32x128xf32, #tpu.memory_space<hbm>>) target_semaphore(%arg10 : memref<!tpu.dma_semaphore, #tpu.memory_space<semaphore_mem>>)
      } else {
      }
      %gt3A_673 = arith.constant 10 : i32
      %gt3A_674 = arith.cmpi sgt, %shift_right_arithmetic3A_19, %gt3A_673 : i32
      %convert_element_type3A_675 = arith.extui %gt3A_674 : i1 to i32
      %cond3A_676 = arith.constant 0 : i32
      %cond3A_677 = arith.cmpi ne, %convert_element_type3A_675, %cond3A_676 : i32
      scf.if %cond3A_677 {
        %dma_start3A_708 = arith.constant 0 : i32
        %dma_start3A_709 = arith.constant 1280 : i32
        %dma_start3A_710 = tpu.memref_slice %arg6[%dma_start3A_708, %dma_start3A_709] : memref<32x2048xf32, #tpu.memory_space<vmem>> -> memref<32x128xf32, #tpu.memory_space<vmem>>
        %dma_start3A_711 = arith.constant 0 : i32
        %dma_start3A_712 = arith.constant 1280 : i32
        %dma_start3A_713 = tpu.memref_slice %arg3[%add3A_555, %dma_start3A_711, %dma_start3A_712] : memref<2048x32x2048xf32, #tpu.memory_space<hbm>> -> memref<1x32x128xf32, #tpu.memory_space<hbm>>
        %dma_start3A_714 = tpu.memref_squeeze %dma_start3A_713 : memref<1x32x128xf32, #tpu.memory_space<hbm>> -> memref<32x128xf32, #tpu.memory_space<hbm>>
        %dma_start3A_715 = arith.constant 0 : i32
        %dma_start3A_716 = arith.constant 1280 : i32
        %dma_start3A_717 = tpu.memref_slice %arg3[%add3A_555, %dma_start3A_715, %dma_start3A_716] : memref<2048x32x2048xf32, #tpu.memory_space<hbm>> -> memref<1x32x128xf32, #tpu.memory_space<hbm>>
        %dma_start3A_718 = tpu.memref_squeeze %dma_start3A_717 : memref<1x32x128xf32, #tpu.memory_space<hbm>> -> memref<32x128xf32, #tpu.memory_space<hbm>>
        %dma_start3A_719 = arith.constant 0 : i32
        %dma_start3A_720 = arith.constant 1280 : i32
        %dma_start3A_721 = tpu.memref_slice %arg6[%dma_start3A_719, %dma_start3A_720] : memref<32x2048xf32, #tpu.memory_space<vmem>> -> memref<32x128xf32, #tpu.memory_space<vmem>>
        tpu.enqueue_dma source(%dma_start3A_721 : memref<32x128xf32, #tpu.memory_space<vmem>>) target(%dma_start3A_718 : memref<32x128xf32, #tpu.memory_space<hbm>>) target_semaphore(%arg10 : memref<!tpu.dma_semaphore, #tpu.memory_space<semaphore_mem>>)
      } else {
      }
      %le3A_678 = arith.constant 10 : i32
      %le3A_679 = arith.cmpi sle, %shift_right_arithmetic3A_19, %le3A_678 : i32
      %convert_element_type3A_680 = arith.extui %le3A_679 : i1 to i32
      %cond3A_681 = arith.constant 0 : i32
      %cond3A_682 = arith.cmpi ne, %convert_element_type3A_680, %cond3A_681 : i32
      scf.if %cond3A_682 {
        %dma_start3A_708 = arith.constant 0 : i32
        %dma_start3A_709 = arith.constant 1664 : i32
        %dma_start3A_710 = tpu.memref_slice %arg6[%dma_start3A_708, %dma_start3A_709] : memref<32x2048xf32, #tpu.memory_space<vmem>> -> memref<32x128xf32, #tpu.memory_space<vmem>>
        %dma_start3A_711 = arith.constant 0 : i32
        %dma_start3A_712 = arith.constant 1664 : i32
        %dma_start3A_713 = tpu.memref_slice %arg3[%add3A_555, %dma_start3A_711, %dma_start3A_712] : memref<2048x32x2048xf32, #tpu.memory_space<hbm>> -> memref<1x32x128xf32, #tpu.memory_space<hbm>>
        %dma_start3A_714 = tpu.memref_squeeze %dma_start3A_713 : memref<1x32x128xf32, #tpu.memory_space<hbm>> -> memref<32x128xf32, #tpu.memory_space<hbm>>
        %dma_start3A_715 = arith.constant 0 : i32
        %dma_start3A_716 = arith.constant 1664 : i32
        %dma_start3A_717 = tpu.memref_slice %arg3[%add3A_555, %dma_start3A_715, %dma_start3A_716] : memref<2048x32x2048xf32, #tpu.memory_space<hbm>> -> memref<1x32x128xf32, #tpu.memory_space<hbm>>
        %dma_start3A_718 = tpu.memref_squeeze %dma_start3A_717 : memref<1x32x128xf32, #tpu.memory_space<hbm>> -> memref<32x128xf32, #tpu.memory_space<hbm>>
        %dma_start3A_719 = arith.constant 0 : i32
        %dma_start3A_720 = arith.constant 1664 : i32
        %dma_start3A_721 = tpu.memref_slice %arg6[%dma_start3A_719, %dma_start3A_720] : memref<32x2048xf32, #tpu.memory_space<vmem>> -> memref<32x128xf32, #tpu.memory_space<vmem>>
        tpu.enqueue_dma source(%dma_start3A_721 : memref<32x128xf32, #tpu.memory_space<vmem>>) target(%dma_start3A_718 : memref<32x128xf32, #tpu.memory_space<hbm>>) target_semaphore(%arg10 : memref<!tpu.dma_semaphore, #tpu.memory_space<semaphore_mem>>)
      } else {
      }
      %gt3A_683 = arith.constant 11 : i32
      %gt3A_684 = arith.cmpi sgt, %shift_right_arithmetic3A_19, %gt3A_683 : i32
      %convert_element_type3A_685 = arith.extui %gt3A_684 : i1 to i32
      %cond3A_686 = arith.constant 0 : i32
      %cond3A_687 = arith.cmpi ne, %convert_element_type3A_685, %cond3A_686 : i32
      scf.if %cond3A_687 {
        %dma_start3A_708 = arith.constant 0 : i32
        %dma_start3A_709 = arith.constant 1408 : i32
        %dma_start3A_710 = tpu.memref_slice %arg6[%dma_start3A_708, %dma_start3A_709] : memref<32x2048xf32, #tpu.memory_space<vmem>> -> memref<32x128xf32, #tpu.memory_space<vmem>>
        %dma_start3A_711 = arith.constant 0 : i32
        %dma_start3A_712 = arith.constant 1408 : i32
        %dma_start3A_713 = tpu.memref_slice %arg3[%add3A_555, %dma_start3A_711, %dma_start3A_712] : memref<2048x32x2048xf32, #tpu.memory_space<hbm>> -> memref<1x32x128xf32, #tpu.memory_space<hbm>>
        %dma_start3A_714 = tpu.memref_squeeze %dma_start3A_713 : memref<1x32x128xf32, #tpu.memory_space<hbm>> -> memref<32x128xf32, #tpu.memory_space<hbm>>
        %dma_start3A_715 = arith.constant 0 : i32
        %dma_start3A_716 = arith.constant 1408 : i32
        %dma_start3A_717 = tpu.memref_slice %arg3[%add3A_555, %dma_start3A_715, %dma_start3A_716] : memref<2048x32x2048xf32, #tpu.memory_space<hbm>> -> memref<1x32x128xf32, #tpu.memory_space<hbm>>
        %dma_start3A_718 = tpu.memref_squeeze %dma_start3A_717 : memref<1x32x128xf32, #tpu.memory_space<hbm>> -> memref<32x128xf32, #tpu.memory_space<hbm>>
        %dma_start3A_719 = arith.constant 0 : i32
        %dma_start3A_720 = arith.constant 1408 : i32
        %dma_start3A_721 = tpu.memref_slice %arg6[%dma_start3A_719, %dma_start3A_720] : memref<32x2048xf32, #tpu.memory_space<vmem>> -> memref<32x128xf32, #tpu.memory_space<vmem>>
        tpu.enqueue_dma source(%dma_start3A_721 : memref<32x128xf32, #tpu.memory_space<vmem>>) target(%dma_start3A_718 : memref<32x128xf32, #tpu.memory_space<hbm>>) target_semaphore(%arg10 : memref<!tpu.dma_semaphore, #tpu.memory_space<semaphore_mem>>)
      } else {
      }
      %le3A_688 = arith.constant 11 : i32
      %le3A_689 = arith.cmpi sle, %shift_right_arithmetic3A_19, %le3A_688 : i32
      %convert_element_type3A_690 = arith.extui %le3A_689 : i1 to i32
      %cond3A_691 = arith.constant 0 : i32
      %cond3A_692 = arith.cmpi ne, %convert_element_type3A_690, %cond3A_691 : i32
      scf.if %cond3A_692 {
        %dma_start3A_708 = arith.constant 0 : i32
        %dma_start3A_709 = arith.constant 1792 : i32
        %dma_start3A_710 = tpu.memref_slice %arg6[%dma_start3A_708, %dma_start3A_709] : memref<32x2048xf32, #tpu.memory_space<vmem>> -> memref<32x128xf32, #tpu.memory_space<vmem>>
        %dma_start3A_711 = arith.constant 0 : i32
        %dma_start3A_712 = arith.constant 1792 : i32
        %dma_start3A_713 = tpu.memref_slice %arg3[%add3A_555, %dma_start3A_711, %dma_start3A_712] : memref<2048x32x2048xf32, #tpu.memory_space<hbm>> -> memref<1x32x128xf32, #tpu.memory_space<hbm>>
        %dma_start3A_714 = tpu.memref_squeeze %dma_start3A_713 : memref<1x32x128xf32, #tpu.memory_space<hbm>> -> memref<32x128xf32, #tpu.memory_space<hbm>>
        %dma_start3A_715 = arith.constant 0 : i32
        %dma_start3A_716 = arith.constant 1792 : i32
        %dma_start3A_717 = tpu.memref_slice %arg3[%add3A_555, %dma_start3A_715, %dma_start3A_716] : memref<2048x32x2048xf32, #tpu.memory_space<hbm>> -> memref<1x32x128xf32, #tpu.memory_space<hbm>>
        %dma_start3A_718 = tpu.memref_squeeze %dma_start3A_717 : memref<1x32x128xf32, #tpu.memory_space<hbm>> -> memref<32x128xf32, #tpu.memory_space<hbm>>
        %dma_start3A_719 = arith.constant 0 : i32
        %dma_start3A_720 = arith.constant 1792 : i32
        %dma_start3A_721 = tpu.memref_slice %arg6[%dma_start3A_719, %dma_start3A_720] : memref<32x2048xf32, #tpu.memory_space<vmem>> -> memref<32x128xf32, #tpu.memory_space<vmem>>
        tpu.enqueue_dma source(%dma_start3A_721 : memref<32x128xf32, #tpu.memory_space<vmem>>) target(%dma_start3A_718 : memref<32x128xf32, #tpu.memory_space<hbm>>) target_semaphore(%arg10 : memref<!tpu.dma_semaphore, #tpu.memory_space<semaphore_mem>>)
      } else {
      }
      %gt3A_693 = arith.constant 12 : i32
      %gt3A_694 = arith.cmpi sgt, %shift_right_arithmetic3A_19, %gt3A_693 : i32
      %convert_element_type3A_695 = arith.extui %gt3A_694 : i1 to i32
      %cond3A_696 = arith.constant 0 : i32
      %cond3A_697 = arith.cmpi ne, %convert_element_type3A_695, %cond3A_696 : i32
      scf.if %cond3A_697 {
        %dma_start3A_708 = arith.constant 0 : i32
        %dma_start3A_709 = arith.constant 1536 : i32
        %dma_start3A_710 = tpu.memref_slice %arg6[%dma_start3A_708, %dma_start3A_709] : memref<32x2048xf32, #tpu.memory_space<vmem>> -> memref<32x128xf32, #tpu.memory_space<vmem>>
        %dma_start3A_711 = arith.constant 0 : i32
        %dma_start3A_712 = arith.constant 1536 : i32
        %dma_start3A_713 = tpu.memref_slice %arg3[%add3A_555, %dma_start3A_711, %dma_start3A_712] : memref<2048x32x2048xf32, #tpu.memory_space<hbm>> -> memref<1x32x128xf32, #tpu.memory_space<hbm>>
        %dma_start3A_714 = tpu.memref_squeeze %dma_start3A_713 : memref<1x32x128xf32, #tpu.memory_space<hbm>> -> memref<32x128xf32, #tpu.memory_space<hbm>>
        %dma_start3A_715 = arith.constant 0 : i32
        %dma_start3A_716 = arith.constant 1536 : i32
        %dma_start3A_717 = tpu.memref_slice %arg3[%add3A_555, %dma_start3A_715, %dma_start3A_716] : memref<2048x32x2048xf32, #tpu.memory_space<hbm>> -> memref<1x32x128xf32, #tpu.memory_space<hbm>>
        %dma_start3A_718 = tpu.memref_squeeze %dma_start3A_717 : memref<1x32x128xf32, #tpu.memory_space<hbm>> -> memref<32x128xf32, #tpu.memory_space<hbm>>
        %dma_start3A_719 = arith.constant 0 : i32
        %dma_start3A_720 = arith.constant 1536 : i32
        %dma_start3A_721 = tpu.memref_slice %arg6[%dma_start3A_719, %dma_start3A_720] : memref<32x2048xf32, #tpu.memory_space<vmem>> -> memref<32x128xf32, #tpu.memory_space<vmem>>
        tpu.enqueue_dma source(%dma_start3A_721 : memref<32x128xf32, #tpu.memory_space<vmem>>) target(%dma_start3A_718 : memref<32x128xf32, #tpu.memory_space<hbm>>) target_semaphore(%arg10 : memref<!tpu.dma_semaphore, #tpu.memory_space<semaphore_mem>>)
      } else {
      }
      %le3A_698 = arith.constant 12 : i32
      %le3A_699 = arith.cmpi sle, %shift_right_arithmetic3A_19, %le3A_698 : i32
      %convert_element_type3A_700 = arith.extui %le3A_699 : i1 to i32
      %cond3A_701 = arith.constant 0 : i32
      %cond3A_702 = arith.cmpi ne, %convert_element_type3A_700, %cond3A_701 : i32
      scf.if %cond3A_702 {
        %dma_start3A_708 = arith.constant 0 : i32
        %dma_start3A_709 = arith.constant 1920 : i32
        %dma_start3A_710 = tpu.memref_slice %arg6[%dma_start3A_708, %dma_start3A_709] : memref<32x2048xf32, #tpu.memory_space<vmem>> -> memref<32x128xf32, #tpu.memory_space<vmem>>
        %dma_start3A_711 = arith.constant 0 : i32
        %dma_start3A_712 = arith.constant 1920 : i32
        %dma_start3A_713 = tpu.memref_slice %arg3[%add3A_555, %dma_start3A_711, %dma_start3A_712] : memref<2048x32x2048xf32, #tpu.memory_space<hbm>> -> memref<1x32x128xf32, #tpu.memory_space<hbm>>
        %dma_start3A_714 = tpu.memref_squeeze %dma_start3A_713 : memref<1x32x128xf32, #tpu.memory_space<hbm>> -> memref<32x128xf32, #tpu.memory_space<hbm>>
        %dma_start3A_715 = arith.constant 0 : i32
        %dma_start3A_716 = arith.constant 1920 : i32
        %dma_start3A_717 = tpu.memref_slice %arg3[%add3A_555, %dma_start3A_715, %dma_start3A_716] : memref<2048x32x2048xf32, #tpu.memory_space<hbm>> -> memref<1x32x128xf32, #tpu.memory_space<hbm>>
        %dma_start3A_718 = tpu.memref_squeeze %dma_start3A_717 : memref<1x32x128xf32, #tpu.memory_space<hbm>> -> memref<32x128xf32, #tpu.memory_space<hbm>>
        %dma_start3A_719 = arith.constant 0 : i32
        %dma_start3A_720 = arith.constant 1920 : i32
        %dma_start3A_721 = tpu.memref_slice %arg6[%dma_start3A_719, %dma_start3A_720] : memref<32x2048xf32, #tpu.memory_space<vmem>> -> memref<32x128xf32, #tpu.memory_space<vmem>>
        tpu.enqueue_dma source(%dma_start3A_721 : memref<32x128xf32, #tpu.memory_space<vmem>>) target(%dma_start3A_718 : memref<32x128xf32, #tpu.memory_space<hbm>>) target_semaphore(%arg10 : memref<!tpu.dma_semaphore, #tpu.memory_space<semaphore_mem>>)
      } else {
      }
      %ge3A_703 = arith.constant 2 : i32
      %ge3A_704 = arith.cmpi sge, %add3A_554, %ge3A_703 : i32
      %convert_element_type3A_705 = arith.extui %ge3A_704 : i1 to i32
      %cond3A_706 = arith.constant 0 : i32
      %cond3A_707 = arith.cmpi ne, %convert_element_type3A_705, %cond3A_706 : i32
      scf.if %cond3A_707 {
        %dma_wait3A_708 = arith.constant 0 : i32
        %dma_wait3A_709 = arith.constant 0 : i32
        %dma_wait3A_710 = tpu.memref_slice %arg6[%dma_wait3A_708, %dma_wait3A_709] : memref<32x2048xf32, #tpu.memory_space<vmem>> -> memref<32x128xf32, #tpu.memory_space<vmem>>
        %dma_wait3A_711 = arith.constant 0 : i32
        %dma_wait3A_712 = arith.constant 0 : i32
        %dma_wait3A_713 = tpu.memref_slice %arg3[%mul3A_2, %dma_wait3A_711, %dma_wait3A_712] : memref<2048x32x2048xf32, #tpu.memory_space<hbm>> -> memref<1x32x128xf32, #tpu.memory_space<hbm>>
        %dma_wait3A_714 = tpu.memref_squeeze %dma_wait3A_713 : memref<1x32x128xf32, #tpu.memory_space<hbm>> -> memref<32x128xf32, #tpu.memory_space<hbm>>
        %dma_wait3A_715 = arith.constant 0 : i32
        %dma_wait3A_716 = arith.constant 0 : i32
        %dma_wait3A_717 = tpu.memref_slice %arg3[%mul3A_2, %dma_wait3A_715, %dma_wait3A_716] : memref<2048x32x2048xf32, #tpu.memory_space<hbm>> -> memref<1x32x128xf32, #tpu.memory_space<hbm>>
        %dma_wait3A_718 = tpu.memref_squeeze %dma_wait3A_717 : memref<1x32x128xf32, #tpu.memory_space<hbm>> -> memref<32x128xf32, #tpu.memory_space<hbm>>
        %dma_wait3A_719 = arith.constant 0 : i32
        %dma_wait3A_720 = arith.constant 0 : i32
        %dma_wait3A_721 = tpu.memref_slice %arg6[%dma_wait3A_719, %dma_wait3A_720] : memref<32x2048xf32, #tpu.memory_space<vmem>> -> memref<32x128xf32, #tpu.memory_space<vmem>>
        tpu.wait_dma2 semaphore(%arg10 : memref<!tpu.dma_semaphore, #tpu.memory_space<semaphore_mem>>) src(%dma_wait3A_721 : memref<32x128xf32, #tpu.memory_space<vmem>>) dst(%dma_wait3A_718 : memref<32x128xf32, #tpu.memory_space<hbm>>)
        %dma_wait3A_722 = arith.constant 0 : i32
        %dma_wait3A_723 = arith.constant 0 : i32
        %dma_wait3A_724 = tpu.memref_slice %arg6[%dma_wait3A_722, %dma_wait3A_723] : memref<32x2048xf32, #tpu.memory_space<vmem>> -> memref<32x128xf32, #tpu.memory_space<vmem>>
        %dma_wait3A_725 = arith.constant 0 : i32
        %dma_wait3A_726 = arith.constant 0 : i32
        %dma_wait3A_727 = tpu.memref_slice %arg3[%mul3A_2, %dma_wait3A_725, %dma_wait3A_726] : memref<2048x32x2048xf32, #tpu.memory_space<hbm>> -> memref<1x32x128xf32, #tpu.memory_space<hbm>>
        %dma_wait3A_728 = tpu.memref_squeeze %dma_wait3A_727 : memref<1x32x128xf32, #tpu.memory_space<hbm>> -> memref<32x128xf32, #tpu.memory_space<hbm>>
        %dma_wait3A_729 = arith.constant 0 : i32
        %dma_wait3A_730 = arith.constant 0 : i32
        %dma_wait3A_731 = tpu.memref_slice %arg3[%mul3A_2, %dma_wait3A_729, %dma_wait3A_730] : memref<2048x32x2048xf32, #tpu.memory_space<hbm>> -> memref<1x32x128xf32, #tpu.memory_space<hbm>>
        %dma_wait3A_732 = tpu.memref_squeeze %dma_wait3A_731 : memref<1x32x128xf32, #tpu.memory_space<hbm>> -> memref<32x128xf32, #tpu.memory_space<hbm>>
        %dma_wait3A_733 = arith.constant 0 : i32
        %dma_wait3A_734 = arith.constant 0 : i32
        %dma_wait3A_735 = tpu.memref_slice %arg6[%dma_wait3A_733, %dma_wait3A_734] : memref<32x2048xf32, #tpu.memory_space<vmem>> -> memref<32x128xf32, #tpu.memory_space<vmem>>
        tpu.wait_dma2 semaphore(%arg10 : memref<!tpu.dma_semaphore, #tpu.memory_space<semaphore_mem>>) src(%dma_wait3A_735 : memref<32x128xf32, #tpu.memory_space<vmem>>) dst(%dma_wait3A_732 : memref<32x128xf32, #tpu.memory_space<hbm>>)
        %dma_wait3A_736 = arith.constant 0 : i32
        %dma_wait3A_737 = arith.constant 0 : i32
        %dma_wait3A_738 = tpu.memref_slice %arg6[%dma_wait3A_736, %dma_wait3A_737] : memref<32x2048xf32, #tpu.memory_space<vmem>> -> memref<32x128xf32, #tpu.memory_space<vmem>>
        %dma_wait3A_739 = arith.constant 0 : i32
        %dma_wait3A_740 = arith.constant 0 : i32
        %dma_wait3A_741 = tpu.memref_slice %arg3[%mul3A_2, %dma_wait3A_739, %dma_wait3A_740] : memref<2048x32x2048xf32, #tpu.memory_space<hbm>> -> memref<1x32x128xf32, #tpu.memory_space<hbm>>
        %dma_wait3A_742 = tpu.memref_squeeze %dma_wait3A_741 : memref<1x32x128xf32, #tpu.memory_space<hbm>> -> memref<32x128xf32, #tpu.memory_space<hbm>>
        %dma_wait3A_743 = arith.constant 0 : i32
        %dma_wait3A_744 = arith.constant 0 : i32
        %dma_wait3A_745 = tpu.memref_slice %arg3[%mul3A_2, %dma_wait3A_743, %dma_wait3A_744] : memref<2048x32x2048xf32, #tpu.memory_space<hbm>> -> memref<1x32x128xf32, #tpu.memory_space<hbm>>
        %dma_wait3A_746 = tpu.memref_squeeze %dma_wait3A_745 : memref<1x32x128xf32, #tpu.memory_space<hbm>> -> memref<32x128xf32, #tpu.memory_space<hbm>>
        %dma_wait3A_747 = arith.constant 0 : i32
        %dma_wait3A_748 = arith.constant 0 : i32
        %dma_wait3A_749 = tpu.memref_slice %arg6[%dma_wait3A_747, %dma_wait3A_748] : memref<32x2048xf32, #tpu.memory_space<vmem>> -> memref<32x128xf32, #tpu.memory_space<vmem>>
        tpu.wait_dma2 semaphore(%arg10 : memref<!tpu.dma_semaphore, #tpu.memory_space<semaphore_mem>>) src(%dma_wait3A_749 : memref<32x128xf32, #tpu.memory_space<vmem>>) dst(%dma_wait3A_746 : memref<32x128xf32, #tpu.memory_space<hbm>>)
        %dma_wait3A_750 = arith.constant 0 : i32
        %dma_wait3A_751 = arith.constant 0 : i32
        %dma_wait3A_752 = tpu.memref_slice %arg6[%dma_wait3A_750, %dma_wait3A_751] : memref<32x2048xf32, #tpu.memory_space<vmem>> -> memref<32x128xf32, #tpu.memory_space<vmem>>
        %dma_wait3A_753 = arith.constant 0 : i32
        %dma_wait3A_754 = arith.constant 0 : i32
        %dma_wait3A_755 = tpu.memref_slice %arg3[%mul3A_2, %dma_wait3A_753, %dma_wait3A_754] : memref<2048x32x2048xf32, #tpu.memory_space<hbm>> -> memref<1x32x128xf32, #tpu.memory_space<hbm>>
        %dma_wait3A_756 = tpu.memref_squeeze %dma_wait3A_755 : memref<1x32x128xf32, #tpu.memory_space<hbm>> -> memref<32x128xf32, #tpu.memory_space<hbm>>
        %dma_wait3A_757 = arith.constant 0 : i32
        %dma_wait3A_758 = arith.constant 0 : i32
        %dma_wait3A_759 = tpu.memref_slice %arg3[%mul3A_2, %dma_wait3A_757, %dma_wait3A_758] : memref<2048x32x2048xf32, #tpu.memory_space<hbm>> -> memref<1x32x128xf32, #tpu.memory_space<hbm>>
        %dma_wait3A_760 = tpu.memref_squeeze %dma_wait3A_759 : memref<1x32x128xf32, #tpu.memory_space<hbm>> -> memref<32x128xf32, #tpu.memory_space<hbm>>
        %dma_wait3A_761 = arith.constant 0 : i32
        %dma_wait3A_762 = arith.constant 0 : i32
        %dma_wait3A_763 = tpu.memref_slice %arg6[%dma_wait3A_761, %dma_wait3A_762] : memref<32x2048xf32, #tpu.memory_space<vmem>> -> memref<32x128xf32, #tpu.memory_space<vmem>>
        tpu.wait_dma2 semaphore(%arg10 : memref<!tpu.dma_semaphore, #tpu.memory_space<semaphore_mem>>) src(%dma_wait3A_763 : memref<32x128xf32, #tpu.memory_space<vmem>>) dst(%dma_wait3A_760 : memref<32x128xf32, #tpu.memory_space<hbm>>)
        %dma_wait3A_764 = arith.constant 0 : i32
        %dma_wait3A_765 = arith.constant 0 : i32
        %dma_wait3A_766 = tpu.memref_slice %arg6[%dma_wait3A_764, %dma_wait3A_765] : memref<32x2048xf32, #tpu.memory_space<vmem>> -> memref<32x128xf32, #tpu.memory_space<vmem>>
        %dma_wait3A_767 = arith.constant 0 : i32
        %dma_wait3A_768 = arith.constant 0 : i32
        %dma_wait3A_769 = tpu.memref_slice %arg3[%mul3A_2, %dma_wait3A_767, %dma_wait3A_768] : memref<2048x32x2048xf32, #tpu.memory_space<hbm>> -> memref<1x32x128xf32, #tpu.memory_space<hbm>>
        %dma_wait3A_770 = tpu.memref_squeeze %dma_wait3A_769 : memref<1x32x128xf32, #tpu.memory_space<hbm>> -> memref<32x128xf32, #tpu.memory_space<hbm>>
        %dma_wait3A_771 = arith.constant 0 : i32
        %dma_wait3A_772 = arith.constant 0 : i32
        %dma_wait3A_773 = tpu.memref_slice %arg3[%mul3A_2, %dma_wait3A_771, %dma_wait3A_772] : memref<2048x32x2048xf32, #tpu.memory_space<hbm>> -> memref<1x32x128xf32, #tpu.memory_space<hbm>>
        %dma_wait3A_774 = tpu.memref_squeeze %dma_wait3A_773 : memref<1x32x128xf32, #tpu.memory_space<hbm>> -> memref<32x128xf32, #tpu.memory_space<hbm>>
        %dma_wait3A_775 = arith.constant 0 : i32
        %dma_wait3A_776 = arith.constant 0 : i32
        %dma_wait3A_777 = tpu.memref_slice %arg6[%dma_wait3A_775, %dma_wait3A_776] : memref<32x2048xf32, #tpu.memory_space<vmem>> -> memref<32x128xf32, #tpu.memory_space<vmem>>
        tpu.wait_dma2 semaphore(%arg10 : memref<!tpu.dma_semaphore, #tpu.memory_space<semaphore_mem>>) src(%dma_wait3A_777 : memref<32x128xf32, #tpu.memory_space<vmem>>) dst(%dma_wait3A_774 : memref<32x128xf32, #tpu.memory_space<hbm>>)
        %dma_wait3A_778 = arith.constant 0 : i32
        %dma_wait3A_779 = arith.constant 0 : i32
        %dma_wait3A_780 = tpu.memref_slice %arg6[%dma_wait3A_778, %dma_wait3A_779] : memref<32x2048xf32, #tpu.memory_space<vmem>> -> memref<32x128xf32, #tpu.memory_space<vmem>>
        %dma_wait3A_781 = arith.constant 0 : i32
        %dma_wait3A_782 = arith.constant 0 : i32
        %dma_wait3A_783 = tpu.memref_slice %arg3[%mul3A_2, %dma_wait3A_781, %dma_wait3A_782] : memref<2048x32x2048xf32, #tpu.memory_space<hbm>> -> memref<1x32x128xf32, #tpu.memory_space<hbm>>
        %dma_wait3A_784 = tpu.memref_squeeze %dma_wait3A_783 : memref<1x32x128xf32, #tpu.memory_space<hbm>> -> memref<32x128xf32, #tpu.memory_space<hbm>>
        %dma_wait3A_785 = arith.constant 0 : i32
        %dma_wait3A_786 = arith.constant 0 : i32
        %dma_wait3A_787 = tpu.memref_slice %arg3[%mul3A_2, %dma_wait3A_785, %dma_wait3A_786] : memref<2048x32x2048xf32, #tpu.memory_space<hbm>> -> memref<1x32x128xf32, #tpu.memory_space<hbm>>
        %dma_wait3A_788 = tpu.memref_squeeze %dma_wait3A_787 : memref<1x32x128xf32, #tpu.memory_space<hbm>> -> memref<32x128xf32, #tpu.memory_space<hbm>>
        %dma_wait3A_789 = arith.constant 0 : i32
        %dma_wait3A_790 = arith.constant 0 : i32
        %dma_wait3A_791 = tpu.memref_slice %arg6[%dma_wait3A_789, %dma_wait3A_790] : memref<32x2048xf32, #tpu.memory_space<vmem>> -> memref<32x128xf32, #tpu.memory_space<vmem>>
        tpu.wait_dma2 semaphore(%arg10 : memref<!tpu.dma_semaphore, #tpu.memory_space<semaphore_mem>>) src(%dma_wait3A_791 : memref<32x128xf32, #tpu.memory_space<vmem>>) dst(%dma_wait3A_788 : memref<32x128xf32, #tpu.memory_space<hbm>>)
        %dma_wait3A_792 = arith.constant 0 : i32
        %dma_wait3A_793 = arith.constant 0 : i32
        %dma_wait3A_794 = tpu.memref_slice %arg6[%dma_wait3A_792, %dma_wait3A_793] : memref<32x2048xf32, #tpu.memory_space<vmem>> -> memref<32x128xf32, #tpu.memory_space<vmem>>
        %dma_wait3A_795 = arith.constant 0 : i32
        %dma_wait3A_796 = arith.constant 0 : i32
        %dma_wait3A_797 = tpu.memref_slice %arg3[%mul3A_2, %dma_wait3A_795, %dma_wait3A_796] : memref<2048x32x2048xf32, #tpu.memory_space<hbm>> -> memref<1x32x128xf32, #tpu.memory_space<hbm>>
        %dma_wait3A_798 = tpu.memref_squeeze %dma_wait3A_797 : memref<1x32x128xf32, #tpu.memory_space<hbm>> -> memref<32x128xf32, #tpu.memory_space<hbm>>
        %dma_wait3A_799 = arith.constant 0 : i32
        %dma_wait3A_800 = arith.constant 0 : i32
        %dma_wait3A_801 = tpu.memref_slice %arg3[%mul3A_2, %dma_wait3A_799, %dma_wait3A_800] : memref<2048x32x2048xf32, #tpu.memory_space<hbm>> -> memref<1x32x128xf32, #tpu.memory_space<hbm>>
        %dma_wait3A_802 = tpu.memref_squeeze %dma_wait3A_801 : memref<1x32x128xf32, #tpu.memory_space<hbm>> -> memref<32x128xf32, #tpu.memory_space<hbm>>
        %dma_wait3A_803 = arith.constant 0 : i32
        %dma_wait3A_804 = arith.constant 0 : i32
        %dma_wait3A_805 = tpu.memref_slice %arg6[%dma_wait3A_803, %dma_wait3A_804] : memref<32x2048xf32, #tpu.memory_space<vmem>> -> memref<32x128xf32, #tpu.memory_space<vmem>>
        tpu.wait_dma2 semaphore(%arg10 : memref<!tpu.dma_semaphore, #tpu.memory_space<semaphore_mem>>) src(%dma_wait3A_805 : memref<32x128xf32, #tpu.memory_space<vmem>>) dst(%dma_wait3A_802 : memref<32x128xf32, #tpu.memory_space<hbm>>)
        %dma_wait3A_806 = arith.constant 0 : i32
        %dma_wait3A_807 = arith.constant 0 : i32
        %dma_wait3A_808 = tpu.memref_slice %arg6[%dma_wait3A_806, %dma_wait3A_807] : memref<32x2048xf32, #tpu.memory_space<vmem>> -> memref<32x128xf32, #tpu.memory_space<vmem>>
        %dma_wait3A_809 = arith.constant 0 : i32
        %dma_wait3A_810 = arith.constant 0 : i32
        %dma_wait3A_811 = tpu.memref_slice %arg3[%mul3A_2, %dma_wait3A_809, %dma_wait3A_810] : memref<2048x32x2048xf32, #tpu.memory_space<hbm>> -> memref<1x32x128xf32, #tpu.memory_space<hbm>>
        %dma_wait3A_812 = tpu.memref_squeeze %dma_wait3A_811 : memref<1x32x128xf32, #tpu.memory_space<hbm>> -> memref<32x128xf32, #tpu.memory_space<hbm>>
        %dma_wait3A_813 = arith.constant 0 : i32
        %dma_wait3A_814 = arith.constant 0 : i32
        %dma_wait3A_815 = tpu.memref_slice %arg3[%mul3A_2, %dma_wait3A_813, %dma_wait3A_814] : memref<2048x32x2048xf32, #tpu.memory_space<hbm>> -> memref<1x32x128xf32, #tpu.memory_space<hbm>>
        %dma_wait3A_816 = tpu.memref_squeeze %dma_wait3A_815 : memref<1x32x128xf32, #tpu.memory_space<hbm>> -> memref<32x128xf32, #tpu.memory_space<hbm>>
        %dma_wait3A_817 = arith.constant 0 : i32
        %dma_wait3A_818 = arith.constant 0 : i32
        %dma_wait3A_819 = tpu.memref_slice %arg6[%dma_wait3A_817, %dma_wait3A_818] : memref<32x2048xf32, #tpu.memory_space<vmem>> -> memref<32x128xf32, #tpu.memory_space<vmem>>
        tpu.wait_dma2 semaphore(%arg10 : memref<!tpu.dma_semaphore, #tpu.memory_space<semaphore_mem>>) src(%dma_wait3A_819 : memref<32x128xf32, #tpu.memory_space<vmem>>) dst(%dma_wait3A_816 : memref<32x128xf32, #tpu.memory_space<hbm>>)
        %dma_wait3A_820 = arith.constant 0 : i32
        %dma_wait3A_821 = arith.constant 0 : i32
        %dma_wait3A_822 = tpu.memref_slice %arg6[%dma_wait3A_820, %dma_wait3A_821] : memref<32x2048xf32, #tpu.memory_space<vmem>> -> memref<32x128xf32, #tpu.memory_space<vmem>>
        %dma_wait3A_823 = arith.constant 0 : i32
        %dma_wait3A_824 = arith.constant 0 : i32
        %dma_wait3A_825 = tpu.memref_slice %arg3[%mul3A_2, %dma_wait3A_823, %dma_wait3A_824] : memref<2048x32x2048xf32, #tpu.memory_space<hbm>> -> memref<1x32x128xf32, #tpu.memory_space<hbm>>
        %dma_wait3A_826 = tpu.memref_squeeze %dma_wait3A_825 : memref<1x32x128xf32, #tpu.memory_space<hbm>> -> memref<32x128xf32, #tpu.memory_space<hbm>>
        %dma_wait3A_827 = arith.constant 0 : i32
        %dma_wait3A_828 = arith.constant 0 : i32
        %dma_wait3A_829 = tpu.memref_slice %arg3[%mul3A_2, %dma_wait3A_827, %dma_wait3A_828] : memref<2048x32x2048xf32, #tpu.memory_space<hbm>> -> memref<1x32x128xf32, #tpu.memory_space<hbm>>
        %dma_wait3A_830 = tpu.memref_squeeze %dma_wait3A_829 : memref<1x32x128xf32, #tpu.memory_space<hbm>> -> memref<32x128xf32, #tpu.memory_space<hbm>>
        %dma_wait3A_831 = arith.constant 0 : i32
        %dma_wait3A_832 = arith.constant 0 : i32
        %dma_wait3A_833 = tpu.memref_slice %arg6[%dma_wait3A_831, %dma_wait3A_832] : memref<32x2048xf32, #tpu.memory_space<vmem>> -> memref<32x128xf32, #tpu.memory_space<vmem>>
        tpu.wait_dma2 semaphore(%arg10 : memref<!tpu.dma_semaphore, #tpu.memory_space<semaphore_mem>>) src(%dma_wait3A_833 : memref<32x128xf32, #tpu.memory_space<vmem>>) dst(%dma_wait3A_830 : memref<32x128xf32, #tpu.memory_space<hbm>>)
        %dma_wait3A_834 = arith.constant 0 : i32
        %dma_wait3A_835 = arith.constant 0 : i32
        %dma_wait3A_836 = tpu.memref_slice %arg6[%dma_wait3A_834, %dma_wait3A_835] : memref<32x2048xf32, #tpu.memory_space<vmem>> -> memref<32x128xf32, #tpu.memory_space<vmem>>
        %dma_wait3A_837 = arith.constant 0 : i32
        %dma_wait3A_838 = arith.constant 0 : i32
        %dma_wait3A_839 = tpu.memref_slice %arg3[%mul3A_2, %dma_wait3A_837, %dma_wait3A_838] : memref<2048x32x2048xf32, #tpu.memory_space<hbm>> -> memref<1x32x128xf32, #tpu.memory_space<hbm>>
        %dma_wait3A_840 = tpu.memref_squeeze %dma_wait3A_839 : memref<1x32x128xf32, #tpu.memory_space<hbm>> -> memref<32x128xf32, #tpu.memory_space<hbm>>
        %dma_wait3A_841 = arith.constant 0 : i32
        %dma_wait3A_842 = arith.constant 0 : i32
        %dma_wait3A_843 = tpu.memref_slice %arg3[%mul3A_2, %dma_wait3A_841, %dma_wait3A_842] : memref<2048x32x2048xf32, #tpu.memory_space<hbm>> -> memref<1x32x128xf32, #tpu.memory_space<hbm>>
        %dma_wait3A_844 = tpu.memref_squeeze %dma_wait3A_843 : memref<1x32x128xf32, #tpu.memory_space<hbm>> -> memref<32x128xf32, #tpu.memory_space<hbm>>
        %dma_wait3A_845 = arith.constant 0 : i32
        %dma_wait3A_846 = arith.constant 0 : i32
        %dma_wait3A_847 = tpu.memref_slice %arg6[%dma_wait3A_845, %dma_wait3A_846] : memref<32x2048xf32, #tpu.memory_space<vmem>> -> memref<32x128xf32, #tpu.memory_space<vmem>>
        tpu.wait_dma2 semaphore(%arg10 : memref<!tpu.dma_semaphore, #tpu.memory_space<semaphore_mem>>) src(%dma_wait3A_847 : memref<32x128xf32, #tpu.memory_space<vmem>>) dst(%dma_wait3A_844 : memref<32x128xf32, #tpu.memory_space<hbm>>)
        %dma_wait3A_848 = arith.constant 0 : i32
        %dma_wait3A_849 = arith.constant 0 : i32
        %dma_wait3A_850 = tpu.memref_slice %arg6[%dma_wait3A_848, %dma_wait3A_849] : memref<32x2048xf32, #tpu.memory_space<vmem>> -> memref<32x128xf32, #tpu.memory_space<vmem>>
        %dma_wait3A_851 = arith.constant 0 : i32
        %dma_wait3A_852 = arith.constant 0 : i32
        %dma_wait3A_853 = tpu.memref_slice %arg3[%mul3A_2, %dma_wait3A_851, %dma_wait3A_852] : memref<2048x32x2048xf32, #tpu.memory_space<hbm>> -> memref<1x32x128xf32, #tpu.memory_space<hbm>>
        %dma_wait3A_854 = tpu.memref_squeeze %dma_wait3A_853 : memref<1x32x128xf32, #tpu.memory_space<hbm>> -> memref<32x128xf32, #tpu.memory_space<hbm>>
        %dma_wait3A_855 = arith.constant 0 : i32
        %dma_wait3A_856 = arith.constant 0 : i32
        %dma_wait3A_857 = tpu.memref_slice %arg3[%mul3A_2, %dma_wait3A_855, %dma_wait3A_856] : memref<2048x32x2048xf32, #tpu.memory_space<hbm>> -> memref<1x32x128xf32, #tpu.memory_space<hbm>>
        %dma_wait3A_858 = tpu.memref_squeeze %dma_wait3A_857 : memref<1x32x128xf32, #tpu.memory_space<hbm>> -> memref<32x128xf32, #tpu.memory_space<hbm>>
        %dma_wait3A_859 = arith.constant 0 : i32
        %dma_wait3A_860 = arith.constant 0 : i32
        %dma_wait3A_861 = tpu.memref_slice %arg6[%dma_wait3A_859, %dma_wait3A_860] : memref<32x2048xf32, #tpu.memory_space<vmem>> -> memref<32x128xf32, #tpu.memory_space<vmem>>
        tpu.wait_dma2 semaphore(%arg10 : memref<!tpu.dma_semaphore, #tpu.memory_space<semaphore_mem>>) src(%dma_wait3A_861 : memref<32x128xf32, #tpu.memory_space<vmem>>) dst(%dma_wait3A_858 : memref<32x128xf32, #tpu.memory_space<hbm>>)
        %dma_wait3A_862 = arith.constant 0 : i32
        %dma_wait3A_863 = arith.constant 0 : i32
        %dma_wait3A_864 = tpu.memref_slice %arg6[%dma_wait3A_862, %dma_wait3A_863] : memref<32x2048xf32, #tpu.memory_space<vmem>> -> memref<32x128xf32, #tpu.memory_space<vmem>>
        %dma_wait3A_865 = arith.constant 0 : i32
        %dma_wait3A_866 = arith.constant 0 : i32
        %dma_wait3A_867 = tpu.memref_slice %arg3[%mul3A_2, %dma_wait3A_865, %dma_wait3A_866] : memref<2048x32x2048xf32, #tpu.memory_space<hbm>> -> memref<1x32x128xf32, #tpu.memory_space<hbm>>
        %dma_wait3A_868 = tpu.memref_squeeze %dma_wait3A_867 : memref<1x32x128xf32, #tpu.memory_space<hbm>> -> memref<32x128xf32, #tpu.memory_space<hbm>>
        %dma_wait3A_869 = arith.constant 0 : i32
        %dma_wait3A_870 = arith.constant 0 : i32
        %dma_wait3A_871 = tpu.memref_slice %arg3[%mul3A_2, %dma_wait3A_869, %dma_wait3A_870] : memref<2048x32x2048xf32, #tpu.memory_space<hbm>> -> memref<1x32x128xf32, #tpu.memory_space<hbm>>
        %dma_wait3A_872 = tpu.memref_squeeze %dma_wait3A_871 : memref<1x32x128xf32, #tpu.memory_space<hbm>> -> memref<32x128xf32, #tpu.memory_space<hbm>>
        %dma_wait3A_873 = arith.constant 0 : i32
        %dma_wait3A_874 = arith.constant 0 : i32
        %dma_wait3A_875 = tpu.memref_slice %arg6[%dma_wait3A_873, %dma_wait3A_874] : memref<32x2048xf32, #tpu.memory_space<vmem>> -> memref<32x128xf32, #tpu.memory_space<vmem>>
        tpu.wait_dma2 semaphore(%arg10 : memref<!tpu.dma_semaphore, #tpu.memory_space<semaphore_mem>>) src(%dma_wait3A_875 : memref<32x128xf32, #tpu.memory_space<vmem>>) dst(%dma_wait3A_872 : memref<32x128xf32, #tpu.memory_space<hbm>>)
        %dma_wait3A_876 = arith.constant 0 : i32
        %dma_wait3A_877 = arith.constant 0 : i32
        %dma_wait3A_878 = tpu.memref_slice %arg6[%dma_wait3A_876, %dma_wait3A_877] : memref<32x2048xf32, #tpu.memory_space<vmem>> -> memref<32x128xf32, #tpu.memory_space<vmem>>
        %dma_wait3A_879 = arith.constant 0 : i32
        %dma_wait3A_880 = arith.constant 0 : i32
        %dma_wait3A_881 = tpu.memref_slice %arg3[%mul3A_2, %dma_wait3A_879, %dma_wait3A_880] : memref<2048x32x2048xf32, #tpu.memory_space<hbm>> -> memref<1x32x128xf32, #tpu.memory_space<hbm>>
        %dma_wait3A_882 = tpu.memref_squeeze %dma_wait3A_881 : memref<1x32x128xf32, #tpu.memory_space<hbm>> -> memref<32x128xf32, #tpu.memory_space<hbm>>
        %dma_wait3A_883 = arith.constant 0 : i32
        %dma_wait3A_884 = arith.constant 0 : i32
        %dma_wait3A_885 = tpu.memref_slice %arg3[%mul3A_2, %dma_wait3A_883, %dma_wait3A_884] : memref<2048x32x2048xf32, #tpu.memory_space<hbm>> -> memref<1x32x128xf32, #tpu.memory_space<hbm>>
        %dma_wait3A_886 = tpu.memref_squeeze %dma_wait3A_885 : memref<1x32x128xf32, #tpu.memory_space<hbm>> -> memref<32x128xf32, #tpu.memory_space<hbm>>
        %dma_wait3A_887 = arith.constant 0 : i32
        %dma_wait3A_888 = arith.constant 0 : i32
        %dma_wait3A_889 = tpu.memref_slice %arg6[%dma_wait3A_887, %dma_wait3A_888] : memref<32x2048xf32, #tpu.memory_space<vmem>> -> memref<32x128xf32, #tpu.memory_space<vmem>>
        tpu.wait_dma2 semaphore(%arg10 : memref<!tpu.dma_semaphore, #tpu.memory_space<semaphore_mem>>) src(%dma_wait3A_889 : memref<32x128xf32, #tpu.memory_space<vmem>>) dst(%dma_wait3A_886 : memref<32x128xf32, #tpu.memory_space<hbm>>)
      } else {
      }
    }
    %scan3A_25 = arith.constant 32 : i32
    %dma_wait3A = arith.constant 0 : i32
    %dma_wait3A_26 = arith.constant 0 : i32
    %dma_wait3A_27 = tpu.memref_slice %arg6[%dma_wait3A, %dma_wait3A_26] : memref<32x2048xf32, #tpu.memory_space<vmem>> -> memref<32x128xf32, #tpu.memory_space<vmem>>
    %dma_wait3A_28 = arith.constant 0 : i32
    %dma_wait3A_29 = arith.constant 0 : i32
    %dma_wait3A_30 = tpu.memref_slice %arg3[%mul3A_2, %dma_wait3A_28, %dma_wait3A_29] : memref<2048x32x2048xf32, #tpu.memory_space<hbm>> -> memref<1x32x128xf32, #tpu.memory_space<hbm>>
    %dma_wait3A_31 = tpu.memref_squeeze %dma_wait3A_30 : memref<1x32x128xf32, #tpu.memory_space<hbm>> -> memref<32x128xf32, #tpu.memory_space<hbm>>
    %dma_wait3A_32 = arith.constant 0 : i32
    %dma_wait3A_33 = arith.constant 0 : i32
    %dma_wait3A_34 = tpu.memref_slice %arg3[%mul3A_2, %dma_wait3A_32, %dma_wait3A_33] : memref<2048x32x2048xf32, #tpu.memory_space<hbm>> -> memref<1x32x128xf32, #tpu.memory_space<hbm>>
    %dma_wait3A_35 = tpu.memref_squeeze %dma_wait3A_34 : memref<1x32x128xf32, #tpu.memory_space<hbm>> -> memref<32x128xf32, #tpu.memory_space<hbm>>
    %dma_wait3A_36 = arith.constant 0 : i32
    %dma_wait3A_37 = arith.constant 0 : i32
    %dma_wait3A_38 = tpu.memref_slice %arg6[%dma_wait3A_36, %dma_wait3A_37] : memref<32x2048xf32, #tpu.memory_space<vmem>> -> memref<32x128xf32, #tpu.memory_space<vmem>>
    tpu.wait_dma2 semaphore(%arg10 : memref<!tpu.dma_semaphore, #tpu.memory_space<semaphore_mem>>) src(%dma_wait3A_38 : memref<32x128xf32, #tpu.memory_space<vmem>>) dst(%dma_wait3A_35 : memref<32x128xf32, #tpu.memory_space<hbm>>)
    %dma_wait3A_39 = arith.constant 0 : i32
    %dma_wait3A_40 = arith.constant 0 : i32
    %dma_wait3A_41 = tpu.memref_slice %arg6[%dma_wait3A_39, %dma_wait3A_40] : memref<32x2048xf32, #tpu.memory_space<vmem>> -> memref<32x128xf32, #tpu.memory_space<vmem>>
    %dma_wait3A_42 = arith.constant 0 : i32
    %dma_wait3A_43 = arith.constant 0 : i32
    %dma_wait3A_44 = tpu.memref_slice %arg3[%mul3A_2, %dma_wait3A_42, %dma_wait3A_43] : memref<2048x32x2048xf32, #tpu.memory_space<hbm>> -> memref<1x32x128xf32, #tpu.memory_space<hbm>>
    %dma_wait3A_45 = tpu.memref_squeeze %dma_wait3A_44 : memref<1x32x128xf32, #tpu.memory_space<hbm>> -> memref<32x128xf32, #tpu.memory_space<hbm>>
    %dma_wait3A_46 = arith.constant 0 : i32
    %dma_wait3A_47 = arith.constant 0 : i32
    %dma_wait3A_48 = tpu.memref_slice %arg3[%mul3A_2, %dma_wait3A_46, %dma_wait3A_47] : memref<2048x32x2048xf32, #tpu.memory_space<hbm>> -> memref<1x32x128xf32, #tpu.memory_space<hbm>>
    %dma_wait3A_49 = tpu.memref_squeeze %dma_wait3A_48 : memref<1x32x128xf32, #tpu.memory_space<hbm>> -> memref<32x128xf32, #tpu.memory_space<hbm>>
    %dma_wait3A_50 = arith.constant 0 : i32
    %dma_wait3A_51 = arith.constant 0 : i32
    %dma_wait3A_52 = tpu.memref_slice %arg6[%dma_wait3A_50, %dma_wait3A_51] : memref<32x2048xf32, #tpu.memory_space<vmem>> -> memref<32x128xf32, #tpu.memory_space<vmem>>
    tpu.wait_dma2 semaphore(%arg10 : memref<!tpu.dma_semaphore, #tpu.memory_space<semaphore_mem>>) src(%dma_wait3A_52 : memref<32x128xf32, #tpu.memory_space<vmem>>) dst(%dma_wait3A_49 : memref<32x128xf32, #tpu.memory_space<hbm>>)
    %dma_wait3A_53 = arith.constant 0 : i32
    %dma_wait3A_54 = arith.constant 0 : i32
    %dma_wait3A_55 = tpu.memref_slice %arg6[%dma_wait3A_53, %dma_wait3A_54] : memref<32x2048xf32, #tpu.memory_space<vmem>> -> memref<32x128xf32, #tpu.memory_space<vmem>>
    %dma_wait3A_56 = arith.constant 0 : i32
    %dma_wait3A_57 = arith.constant 0 : i32
    %dma_wait3A_58 = tpu.memref_slice %arg3[%mul3A_2, %dma_wait3A_56, %dma_wait3A_57] : memref<2048x32x2048xf32, #tpu.memory_space<hbm>> -> memref<1x32x128xf32, #tpu.memory_space<hbm>>
    %dma_wait3A_59 = tpu.memref_squeeze %dma_wait3A_58 : memref<1x32x128xf32, #tpu.memory_space<hbm>> -> memref<32x128xf32, #tpu.memory_space<hbm>>
    %dma_wait3A_60 = arith.constant 0 : i32
    %dma_wait3A_61 = arith.constant 0 : i32
    %dma_wait3A_62 = tpu.memref_slice %arg3[%mul3A_2, %dma_wait3A_60, %dma_wait3A_61] : memref<2048x32x2048xf32, #tpu.memory_space<hbm>> -> memref<1x32x128xf32, #tpu.memory_space<hbm>>
    %dma_wait3A_63 = tpu.memref_squeeze %dma_wait3A_62 : memref<1x32x128xf32, #tpu.memory_space<hbm>> -> memref<32x128xf32, #tpu.memory_space<hbm>>
    %dma_wait3A_64 = arith.constant 0 : i32
    %dma_wait3A_65 = arith.constant 0 : i32
    %dma_wait3A_66 = tpu.memref_slice %arg6[%dma_wait3A_64, %dma_wait3A_65] : memref<32x2048xf32, #tpu.memory_space<vmem>> -> memref<32x128xf32, #tpu.memory_space<vmem>>
    tpu.wait_dma2 semaphore(%arg10 : memref<!tpu.dma_semaphore, #tpu.memory_space<semaphore_mem>>) src(%dma_wait3A_66 : memref<32x128xf32, #tpu.memory_space<vmem>>) dst(%dma_wait3A_63 : memref<32x128xf32, #tpu.memory_space<hbm>>)
    %dma_wait3A_67 = arith.constant 0 : i32
    %dma_wait3A_68 = arith.constant 0 : i32
    %dma_wait3A_69 = tpu.memref_slice %arg6[%dma_wait3A_67, %dma_wait3A_68] : memref<32x2048xf32, #tpu.memory_space<vmem>> -> memref<32x128xf32, #tpu.memory_space<vmem>>
    %dma_wait3A_70 = arith.constant 0 : i32
    %dma_wait3A_71 = arith.constant 0 : i32
    %dma_wait3A_72 = tpu.memref_slice %arg3[%mul3A_2, %dma_wait3A_70, %dma_wait3A_71] : memref<2048x32x2048xf32, #tpu.memory_space<hbm>> -> memref<1x32x128xf32, #tpu.memory_space<hbm>>
    %dma_wait3A_73 = tpu.memref_squeeze %dma_wait3A_72 : memref<1x32x128xf32, #tpu.memory_space<hbm>> -> memref<32x128xf32, #tpu.memory_space<hbm>>
    %dma_wait3A_74 = arith.constant 0 : i32
    %dma_wait3A_75 = arith.constant 0 : i32
    %dma_wait3A_76 = tpu.memref_slice %arg3[%mul3A_2, %dma_wait3A_74, %dma_wait3A_75] : memref<2048x32x2048xf32, #tpu.memory_space<hbm>> -> memref<1x32x128xf32, #tpu.memory_space<hbm>>
    %dma_wait3A_77 = tpu.memref_squeeze %dma_wait3A_76 : memref<1x32x128xf32, #tpu.memory_space<hbm>> -> memref<32x128xf32, #tpu.memory_space<hbm>>
    %dma_wait3A_78 = arith.constant 0 : i32
    %dma_wait3A_79 = arith.constant 0 : i32
    %dma_wait3A_80 = tpu.memref_slice %arg6[%dma_wait3A_78, %dma_wait3A_79] : memref<32x2048xf32, #tpu.memory_space<vmem>> -> memref<32x128xf32, #tpu.memory_space<vmem>>
    tpu.wait_dma2 semaphore(%arg10 : memref<!tpu.dma_semaphore, #tpu.memory_space<semaphore_mem>>) src(%dma_wait3A_80 : memref<32x128xf32, #tpu.memory_space<vmem>>) dst(%dma_wait3A_77 : memref<32x128xf32, #tpu.memory_space<hbm>>)
    %dma_wait3A_81 = arith.constant 0 : i32
    %dma_wait3A_82 = arith.constant 0 : i32
    %dma_wait3A_83 = tpu.memref_slice %arg6[%dma_wait3A_81, %dma_wait3A_82] : memref<32x2048xf32, #tpu.memory_space<vmem>> -> memref<32x128xf32, #tpu.memory_space<vmem>>
    %dma_wait3A_84 = arith.constant 0 : i32
    %dma_wait3A_85 = arith.constant 0 : i32
    %dma_wait3A_86 = tpu.memref_slice %arg3[%mul3A_2, %dma_wait3A_84, %dma_wait3A_85] : memref<2048x32x2048xf32, #tpu.memory_space<hbm>> -> memref<1x32x128xf32, #tpu.memory_space<hbm>>
    %dma_wait3A_87 = tpu.memref_squeeze %dma_wait3A_86 : memref<1x32x128xf32, #tpu.memory_space<hbm>> -> memref<32x128xf32, #tpu.memory_space<hbm>>
    %dma_wait3A_88 = arith.constant 0 : i32
    %dma_wait3A_89 = arith.constant 0 : i32
    %dma_wait3A_90 = tpu.memref_slice %arg3[%mul3A_2, %dma_wait3A_88, %dma_wait3A_89] : memref<2048x32x2048xf32, #tpu.memory_space<hbm>> -> memref<1x32x128xf32, #tpu.memory_space<hbm>>
    %dma_wait3A_91 = tpu.memref_squeeze %dma_wait3A_90 : memref<1x32x128xf32, #tpu.memory_space<hbm>> -> memref<32x128xf32, #tpu.memory_space<hbm>>
    %dma_wait3A_92 = arith.constant 0 : i32
    %dma_wait3A_93 = arith.constant 0 : i32
    %dma_wait3A_94 = tpu.memref_slice %arg6[%dma_wait3A_92, %dma_wait3A_93] : memref<32x2048xf32, #tpu.memory_space<vmem>> -> memref<32x128xf32, #tpu.memory_space<vmem>>
    tpu.wait_dma2 semaphore(%arg10 : memref<!tpu.dma_semaphore, #tpu.memory_space<semaphore_mem>>) src(%dma_wait3A_94 : memref<32x128xf32, #tpu.memory_space<vmem>>) dst(%dma_wait3A_91 : memref<32x128xf32, #tpu.memory_space<hbm>>)
    %dma_wait3A_95 = arith.constant 0 : i32
    %dma_wait3A_96 = arith.constant 0 : i32
    %dma_wait3A_97 = tpu.memref_slice %arg6[%dma_wait3A_95, %dma_wait3A_96] : memref<32x2048xf32, #tpu.memory_space<vmem>> -> memref<32x128xf32, #tpu.memory_space<vmem>>
    %dma_wait3A_98 = arith.constant 0 : i32
    %dma_wait3A_99 = arith.constant 0 : i32
    %dma_wait3A_100 = tpu.memref_slice %arg3[%mul3A_2, %dma_wait3A_98, %dma_wait3A_99] : memref<2048x32x2048xf32, #tpu.memory_space<hbm>> -> memref<1x32x128xf32, #tpu.memory_space<hbm>>
    %dma_wait3A_101 = tpu.memref_squeeze %dma_wait3A_100 : memref<1x32x128xf32, #tpu.memory_space<hbm>> -> memref<32x128xf32, #tpu.memory_space<hbm>>
    %dma_wait3A_102 = arith.constant 0 : i32
    %dma_wait3A_103 = arith.constant 0 : i32
    %dma_wait3A_104 = tpu.memref_slice %arg3[%mul3A_2, %dma_wait3A_102, %dma_wait3A_103] : memref<2048x32x2048xf32, #tpu.memory_space<hbm>> -> memref<1x32x128xf32, #tpu.memory_space<hbm>>
    %dma_wait3A_105 = tpu.memref_squeeze %dma_wait3A_104 : memref<1x32x128xf32, #tpu.memory_space<hbm>> -> memref<32x128xf32, #tpu.memory_space<hbm>>
    %dma_wait3A_106 = arith.constant 0 : i32
    %dma_wait3A_107 = arith.constant 0 : i32
    %dma_wait3A_108 = tpu.memref_slice %arg6[%dma_wait3A_106, %dma_wait3A_107] : memref<32x2048xf32, #tpu.memory_space<vmem>> -> memref<32x128xf32, #tpu.memory_space<vmem>>
    tpu.wait_dma2 semaphore(%arg10 : memref<!tpu.dma_semaphore, #tpu.memory_space<semaphore_mem>>) src(%dma_wait3A_108 : memref<32x128xf32, #tpu.memory_space<vmem>>) dst(%dma_wait3A_105 : memref<32x128xf32, #tpu.memory_space<hbm>>)
    %dma_wait3A_109 = arith.constant 0 : i32
    %dma_wait3A_110 = arith.constant 0 : i32
    %dma_wait3A_111 = tpu.memref_slice %arg6[%dma_wait3A_109, %dma_wait3A_110] : memref<32x2048xf32, #tpu.memory_space<vmem>> -> memref<32x128xf32, #tpu.memory_space<vmem>>
    %dma_wait3A_112 = arith.constant 0 : i32
    %dma_wait3A_113 = arith.constant 0 : i32
    %dma_wait3A_114 = tpu.memref_slice %arg3[%mul3A_2, %dma_wait3A_112, %dma_wait3A_113] : memref<2048x32x2048xf32, #tpu.memory_space<hbm>> -> memref<1x32x128xf32, #tpu.memory_space<hbm>>
    %dma_wait3A_115 = tpu.memref_squeeze %dma_wait3A_114 : memref<1x32x128xf32, #tpu.memory_space<hbm>> -> memref<32x128xf32, #tpu.memory_space<hbm>>
    %dma_wait3A_116 = arith.constant 0 : i32
    %dma_wait3A_117 = arith.constant 0 : i32
    %dma_wait3A_118 = tpu.memref_slice %arg3[%mul3A_2, %dma_wait3A_116, %dma_wait3A_117] : memref<2048x32x2048xf32, #tpu.memory_space<hbm>> -> memref<1x32x128xf32, #tpu.memory_space<hbm>>
    %dma_wait3A_119 = tpu.memref_squeeze %dma_wait3A_118 : memref<1x32x128xf32, #tpu.memory_space<hbm>> -> memref<32x128xf32, #tpu.memory_space<hbm>>
    %dma_wait3A_120 = arith.constant 0 : i32
    %dma_wait3A_121 = arith.constant 0 : i32
    %dma_wait3A_122 = tpu.memref_slice %arg6[%dma_wait3A_120, %dma_wait3A_121] : memref<32x2048xf32, #tpu.memory_space<vmem>> -> memref<32x128xf32, #tpu.memory_space<vmem>>
    tpu.wait_dma2 semaphore(%arg10 : memref<!tpu.dma_semaphore, #tpu.memory_space<semaphore_mem>>) src(%dma_wait3A_122 : memref<32x128xf32, #tpu.memory_space<vmem>>) dst(%dma_wait3A_119 : memref<32x128xf32, #tpu.memory_space<hbm>>)
    %dma_wait3A_123 = arith.constant 0 : i32
    %dma_wait3A_124 = arith.constant 0 : i32
    %dma_wait3A_125 = tpu.memref_slice %arg6[%dma_wait3A_123, %dma_wait3A_124] : memref<32x2048xf32, #tpu.memory_space<vmem>> -> memref<32x128xf32, #tpu.memory_space<vmem>>
    %dma_wait3A_126 = arith.constant 0 : i32
    %dma_wait3A_127 = arith.constant 0 : i32
    %dma_wait3A_128 = tpu.memref_slice %arg3[%mul3A_2, %dma_wait3A_126, %dma_wait3A_127] : memref<2048x32x2048xf32, #tpu.memory_space<hbm>> -> memref<1x32x128xf32, #tpu.memory_space<hbm>>
    %dma_wait3A_129 = tpu.memref_squeeze %dma_wait3A_128 : memref<1x32x128xf32, #tpu.memory_space<hbm>> -> memref<32x128xf32, #tpu.memory_space<hbm>>
    %dma_wait3A_130 = arith.constant 0 : i32
    %dma_wait3A_131 = arith.constant 0 : i32
    %dma_wait3A_132 = tpu.memref_slice %arg3[%mul3A_2, %dma_wait3A_130, %dma_wait3A_131] : memref<2048x32x2048xf32, #tpu.memory_space<hbm>> -> memref<1x32x128xf32, #tpu.memory_space<hbm>>
    %dma_wait3A_133 = tpu.memref_squeeze %dma_wait3A_132 : memref<1x32x128xf32, #tpu.memory_space<hbm>> -> memref<32x128xf32, #tpu.memory_space<hbm>>
    %dma_wait3A_134 = arith.constant 0 : i32
    %dma_wait3A_135 = arith.constant 0 : i32
    %dma_wait3A_136 = tpu.memref_slice %arg6[%dma_wait3A_134, %dma_wait3A_135] : memref<32x2048xf32, #tpu.memory_space<vmem>> -> memref<32x128xf32, #tpu.memory_space<vmem>>
    tpu.wait_dma2 semaphore(%arg10 : memref<!tpu.dma_semaphore, #tpu.memory_space<semaphore_mem>>) src(%dma_wait3A_136 : memref<32x128xf32, #tpu.memory_space<vmem>>) dst(%dma_wait3A_133 : memref<32x128xf32, #tpu.memory_space<hbm>>)
    %dma_wait3A_137 = arith.constant 0 : i32
    %dma_wait3A_138 = arith.constant 0 : i32
    %dma_wait3A_139 = tpu.memref_slice %arg6[%dma_wait3A_137, %dma_wait3A_138] : memref<32x2048xf32, #tpu.memory_space<vmem>> -> memref<32x128xf32, #tpu.memory_space<vmem>>
    %dma_wait3A_140 = arith.constant 0 : i32
    %dma_wait3A_141 = arith.constant 0 : i32
    %dma_wait3A_142 = tpu.memref_slice %arg3[%mul3A_2, %dma_wait3A_140, %dma_wait3A_141] : memref<2048x32x2048xf32, #tpu.memory_space<hbm>> -> memref<1x32x128xf32, #tpu.memory_space<hbm>>
    %dma_wait3A_143 = tpu.memref_squeeze %dma_wait3A_142 : memref<1x32x128xf32, #tpu.memory_space<hbm>> -> memref<32x128xf32, #tpu.memory_space<hbm>>
    %dma_wait3A_144 = arith.constant 0 : i32
    %dma_wait3A_145 = arith.constant 0 : i32
    %dma_wait3A_146 = tpu.memref_slice %arg3[%mul3A_2, %dma_wait3A_144, %dma_wait3A_145] : memref<2048x32x2048xf32, #tpu.memory_space<hbm>> -> memref<1x32x128xf32, #tpu.memory_space<hbm>>
    %dma_wait3A_147 = tpu.memref_squeeze %dma_wait3A_146 : memref<1x32x128xf32, #tpu.memory_space<hbm>> -> memref<32x128xf32, #tpu.memory_space<hbm>>
    %dma_wait3A_148 = arith.constant 0 : i32
    %dma_wait3A_149 = arith.constant 0 : i32
    %dma_wait3A_150 = tpu.memref_slice %arg6[%dma_wait3A_148, %dma_wait3A_149] : memref<32x2048xf32, #tpu.memory_space<vmem>> -> memref<32x128xf32, #tpu.memory_space<vmem>>
    tpu.wait_dma2 semaphore(%arg10 : memref<!tpu.dma_semaphore, #tpu.memory_space<semaphore_mem>>) src(%dma_wait3A_150 : memref<32x128xf32, #tpu.memory_space<vmem>>) dst(%dma_wait3A_147 : memref<32x128xf32, #tpu.memory_space<hbm>>)
    %dma_wait3A_151 = arith.constant 0 : i32
    %dma_wait3A_152 = arith.constant 0 : i32
    %dma_wait3A_153 = tpu.memref_slice %arg6[%dma_wait3A_151, %dma_wait3A_152] : memref<32x2048xf32, #tpu.memory_space<vmem>> -> memref<32x128xf32, #tpu.memory_space<vmem>>
    %dma_wait3A_154 = arith.constant 0 : i32
    %dma_wait3A_155 = arith.constant 0 : i32
    %dma_wait3A_156 = tpu.memref_slice %arg3[%mul3A_2, %dma_wait3A_154, %dma_wait3A_155] : memref<2048x32x2048xf32, #tpu.memory_space<hbm>> -> memref<1x32x128xf32, #tpu.memory_space<hbm>>
    %dma_wait3A_157 = tpu.memref_squeeze %dma_wait3A_156 : memref<1x32x128xf32, #tpu.memory_space<hbm>> -> memref<32x128xf32, #tpu.memory_space<hbm>>
    %dma_wait3A_158 = arith.constant 0 : i32
    %dma_wait3A_159 = arith.constant 0 : i32
    %dma_wait3A_160 = tpu.memref_slice %arg3[%mul3A_2, %dma_wait3A_158, %dma_wait3A_159] : memref<2048x32x2048xf32, #tpu.memory_space<hbm>> -> memref<1x32x128xf32, #tpu.memory_space<hbm>>
    %dma_wait3A_161 = tpu.memref_squeeze %dma_wait3A_160 : memref<1x32x128xf32, #tpu.memory_space<hbm>> -> memref<32x128xf32, #tpu.memory_space<hbm>>
    %dma_wait3A_162 = arith.constant 0 : i32
    %dma_wait3A_163 = arith.constant 0 : i32
    %dma_wait3A_164 = tpu.memref_slice %arg6[%dma_wait3A_162, %dma_wait3A_163] : memref<32x2048xf32, #tpu.memory_space<vmem>> -> memref<32x128xf32, #tpu.memory_space<vmem>>
    tpu.wait_dma2 semaphore(%arg10 : memref<!tpu.dma_semaphore, #tpu.memory_space<semaphore_mem>>) src(%dma_wait3A_164 : memref<32x128xf32, #tpu.memory_space<vmem>>) dst(%dma_wait3A_161 : memref<32x128xf32, #tpu.memory_space<hbm>>)
    %dma_wait3A_165 = arith.constant 0 : i32
    %dma_wait3A_166 = arith.constant 0 : i32
    %dma_wait3A_167 = tpu.memref_slice %arg6[%dma_wait3A_165, %dma_wait3A_166] : memref<32x2048xf32, #tpu.memory_space<vmem>> -> memref<32x128xf32, #tpu.memory_space<vmem>>
    %dma_wait3A_168 = arith.constant 0 : i32
    %dma_wait3A_169 = arith.constant 0 : i32
    %dma_wait3A_170 = tpu.memref_slice %arg3[%mul3A_2, %dma_wait3A_168, %dma_wait3A_169] : memref<2048x32x2048xf32, #tpu.memory_space<hbm>> -> memref<1x32x128xf32, #tpu.memory_space<hbm>>
    %dma_wait3A_171 = tpu.memref_squeeze %dma_wait3A_170 : memref<1x32x128xf32, #tpu.memory_space<hbm>> -> memref<32x128xf32, #tpu.memory_space<hbm>>
    %dma_wait3A_172 = arith.constant 0 : i32
    %dma_wait3A_173 = arith.constant 0 : i32
    %dma_wait3A_174 = tpu.memref_slice %arg3[%mul3A_2, %dma_wait3A_172, %dma_wait3A_173] : memref<2048x32x2048xf32, #tpu.memory_space<hbm>> -> memref<1x32x128xf32, #tpu.memory_space<hbm>>
    %dma_wait3A_175 = tpu.memref_squeeze %dma_wait3A_174 : memref<1x32x128xf32, #tpu.memory_space<hbm>> -> memref<32x128xf32, #tpu.memory_space<hbm>>
    %dma_wait3A_176 = arith.constant 0 : i32
    %dma_wait3A_177 = arith.constant 0 : i32
    %dma_wait3A_178 = tpu.memref_slice %arg6[%dma_wait3A_176, %dma_wait3A_177] : memref<32x2048xf32, #tpu.memory_space<vmem>> -> memref<32x128xf32, #tpu.memory_space<vmem>>
    tpu.wait_dma2 semaphore(%arg10 : memref<!tpu.dma_semaphore, #tpu.memory_space<semaphore_mem>>) src(%dma_wait3A_178 : memref<32x128xf32, #tpu.memory_space<vmem>>) dst(%dma_wait3A_175 : memref<32x128xf32, #tpu.memory_space<hbm>>)
    %dma_wait3A_179 = arith.constant 0 : i32
    %dma_wait3A_180 = arith.constant 0 : i32
    %dma_wait3A_181 = tpu.memref_slice %arg6[%dma_wait3A_179, %dma_wait3A_180] : memref<32x2048xf32, #tpu.memory_space<vmem>> -> memref<32x128xf32, #tpu.memory_space<vmem>>
    %dma_wait3A_182 = arith.constant 0 : i32
    %dma_wait3A_183 = arith.constant 0 : i32
    %dma_wait3A_184 = tpu.memref_slice %arg3[%mul3A_2, %dma_wait3A_182, %dma_wait3A_183] : memref<2048x32x2048xf32, #tpu.memory_space<hbm>> -> memref<1x32x128xf32, #tpu.memory_space<hbm>>
    %dma_wait3A_185 = tpu.memref_squeeze %dma_wait3A_184 : memref<1x32x128xf32, #tpu.memory_space<hbm>> -> memref<32x128xf32, #tpu.memory_space<hbm>>
    %dma_wait3A_186 = arith.constant 0 : i32
    %dma_wait3A_187 = arith.constant 0 : i32
    %dma_wait3A_188 = tpu.memref_slice %arg3[%mul3A_2, %dma_wait3A_186, %dma_wait3A_187] : memref<2048x32x2048xf32, #tpu.memory_space<hbm>> -> memref<1x32x128xf32, #tpu.memory_space<hbm>>
    %dma_wait3A_189 = tpu.memref_squeeze %dma_wait3A_188 : memref<1x32x128xf32, #tpu.memory_space<hbm>> -> memref<32x128xf32, #tpu.memory_space<hbm>>
    %dma_wait3A_190 = arith.constant 0 : i32
    %dma_wait3A_191 = arith.constant 0 : i32
    %dma_wait3A_192 = tpu.memref_slice %arg6[%dma_wait3A_190, %dma_wait3A_191] : memref<32x2048xf32, #tpu.memory_space<vmem>> -> memref<32x128xf32, #tpu.memory_space<vmem>>
    tpu.wait_dma2 semaphore(%arg10 : memref<!tpu.dma_semaphore, #tpu.memory_space<semaphore_mem>>) src(%dma_wait3A_192 : memref<32x128xf32, #tpu.memory_space<vmem>>) dst(%dma_wait3A_189 : memref<32x128xf32, #tpu.memory_space<hbm>>)
    %dma_wait3A_193 = arith.constant 0 : i32
    %dma_wait3A_194 = arith.constant 0 : i32
    %dma_wait3A_195 = tpu.memref_slice %arg6[%dma_wait3A_193, %dma_wait3A_194] : memref<32x2048xf32, #tpu.memory_space<vmem>> -> memref<32x128xf32, #tpu.memory_space<vmem>>
    %dma_wait3A_196 = arith.constant 0 : i32
    %dma_wait3A_197 = arith.constant 0 : i32
    %dma_wait3A_198 = tpu.memref_slice %arg3[%mul3A_2, %dma_wait3A_196, %dma_wait3A_197] : memref<2048x32x2048xf32, #tpu.memory_space<hbm>> -> memref<1x32x128xf32, #tpu.memory_space<hbm>>
    %dma_wait3A_199 = tpu.memref_squeeze %dma_wait3A_198 : memref<1x32x128xf32, #tpu.memory_space<hbm>> -> memref<32x128xf32, #tpu.memory_space<hbm>>
    %dma_wait3A_200 = arith.constant 0 : i32
    %dma_wait3A_201 = arith.constant 0 : i32
    %dma_wait3A_202 = tpu.memref_slice %arg3[%mul3A_2, %dma_wait3A_200, %dma_wait3A_201] : memref<2048x32x2048xf32, #tpu.memory_space<hbm>> -> memref<1x32x128xf32, #tpu.memory_space<hbm>>
    %dma_wait3A_203 = tpu.memref_squeeze %dma_wait3A_202 : memref<1x32x128xf32, #tpu.memory_space<hbm>> -> memref<32x128xf32, #tpu.memory_space<hbm>>
    %dma_wait3A_204 = arith.constant 0 : i32
    %dma_wait3A_205 = arith.constant 0 : i32
    %dma_wait3A_206 = tpu.memref_slice %arg6[%dma_wait3A_204, %dma_wait3A_205] : memref<32x2048xf32, #tpu.memory_space<vmem>> -> memref<32x128xf32, #tpu.memory_space<vmem>>
    tpu.wait_dma2 semaphore(%arg10 : memref<!tpu.dma_semaphore, #tpu.memory_space<semaphore_mem>>) src(%dma_wait3A_206 : memref<32x128xf32, #tpu.memory_space<vmem>>) dst(%dma_wait3A_203 : memref<32x128xf32, #tpu.memory_space<hbm>>)
    %dma_wait3A_207 = arith.constant 0 : i32
    %dma_wait3A_208 = arith.constant 0 : i32
    %dma_wait3A_209 = tpu.memref_slice %arg6[%dma_wait3A_207, %dma_wait3A_208] : memref<32x2048xf32, #tpu.memory_space<vmem>> -> memref<32x128xf32, #tpu.memory_space<vmem>>
    %dma_wait3A_210 = arith.constant 0 : i32
    %dma_wait3A_211 = arith.constant 0 : i32
    %dma_wait3A_212 = tpu.memref_slice %arg3[%mul3A_2, %dma_wait3A_210, %dma_wait3A_211] : memref<2048x32x2048xf32, #tpu.memory_space<hbm>> -> memref<1x32x128xf32, #tpu.memory_space<hbm>>
    %dma_wait3A_213 = tpu.memref_squeeze %dma_wait3A_212 : memref<1x32x128xf32, #tpu.memory_space<hbm>> -> memref<32x128xf32, #tpu.memory_space<hbm>>
    %dma_wait3A_214 = arith.constant 0 : i32
    %dma_wait3A_215 = arith.constant 0 : i32
    %dma_wait3A_216 = tpu.memref_slice %arg3[%mul3A_2, %dma_wait3A_214, %dma_wait3A_215] : memref<2048x32x2048xf32, #tpu.memory_space<hbm>> -> memref<1x32x128xf32, #tpu.memory_space<hbm>>
    %dma_wait3A_217 = tpu.memref_squeeze %dma_wait3A_216 : memref<1x32x128xf32, #tpu.memory_space<hbm>> -> memref<32x128xf32, #tpu.memory_space<hbm>>
    %dma_wait3A_218 = arith.constant 0 : i32
    %dma_wait3A_219 = arith.constant 0 : i32
    %dma_wait3A_220 = tpu.memref_slice %arg6[%dma_wait3A_218, %dma_wait3A_219] : memref<32x2048xf32, #tpu.memory_space<vmem>> -> memref<32x128xf32, #tpu.memory_space<vmem>>
    tpu.wait_dma2 semaphore(%arg10 : memref<!tpu.dma_semaphore, #tpu.memory_space<semaphore_mem>>) src(%dma_wait3A_220 : memref<32x128xf32, #tpu.memory_space<vmem>>) dst(%dma_wait3A_217 : memref<32x128xf32, #tpu.memory_space<hbm>>)
    %dma_wait3A_221 = arith.constant 0 : i32
    %dma_wait3A_222 = arith.constant 0 : i32
    %dma_wait3A_223 = tpu.memref_slice %arg6[%dma_wait3A_221, %dma_wait3A_222] : memref<32x2048xf32, #tpu.memory_space<vmem>> -> memref<32x128xf32, #tpu.memory_space<vmem>>
    %dma_wait3A_224 = arith.constant 0 : i32
    %dma_wait3A_225 = arith.constant 0 : i32
    %dma_wait3A_226 = tpu.memref_slice %arg3[%mul3A_2, %dma_wait3A_224, %dma_wait3A_225] : memref<2048x32x2048xf32, #tpu.memory_space<hbm>> -> memref<1x32x128xf32, #tpu.memory_space<hbm>>
    %dma_wait3A_227 = tpu.memref_squeeze %dma_wait3A_226 : memref<1x32x128xf32, #tpu.memory_space<hbm>> -> memref<32x128xf32, #tpu.memory_space<hbm>>
    %dma_wait3A_228 = arith.constant 0 : i32
    %dma_wait3A_229 = arith.constant 0 : i32
    %dma_wait3A_230 = tpu.memref_slice %arg3[%mul3A_2, %dma_wait3A_228, %dma_wait3A_229] : memref<2048x32x2048xf32, #tpu.memory_space<hbm>> -> memref<1x32x128xf32, #tpu.memory_space<hbm>>
    %dma_wait3A_231 = tpu.memref_squeeze %dma_wait3A_230 : memref<1x32x128xf32, #tpu.memory_space<hbm>> -> memref<32x128xf32, #tpu.memory_space<hbm>>
    %dma_wait3A_232 = arith.constant 0 : i32
    %dma_wait3A_233 = arith.constant 0 : i32
    %dma_wait3A_234 = tpu.memref_slice %arg6[%dma_wait3A_232, %dma_wait3A_233] : memref<32x2048xf32, #tpu.memory_space<vmem>> -> memref<32x128xf32, #tpu.memory_space<vmem>>
    tpu.wait_dma2 semaphore(%arg10 : memref<!tpu.dma_semaphore, #tpu.memory_space<semaphore_mem>>) src(%dma_wait3A_234 : memref<32x128xf32, #tpu.memory_space<vmem>>) dst(%dma_wait3A_231 : memref<32x128xf32, #tpu.memory_space<hbm>>)
    %dma_wait3A_235 = arith.constant 0 : i32
    %dma_wait3A_236 = arith.constant 0 : i32
    %dma_wait3A_237 = tpu.memref_slice %arg6[%dma_wait3A_235, %dma_wait3A_236] : memref<32x2048xf32, #tpu.memory_space<vmem>> -> memref<32x128xf32, #tpu.memory_space<vmem>>
    %dma_wait3A_238 = arith.constant 0 : i32
    %dma_wait3A_239 = arith.constant 0 : i32
    %dma_wait3A_240 = tpu.memref_slice %arg3[%mul3A_2, %dma_wait3A_238, %dma_wait3A_239] : memref<2048x32x2048xf32, #tpu.memory_space<hbm>> -> memref<1x32x128xf32, #tpu.memory_space<hbm>>
    %dma_wait3A_241 = tpu.memref_squeeze %dma_wait3A_240 : memref<1x32x128xf32, #tpu.memory_space<hbm>> -> memref<32x128xf32, #tpu.memory_space<hbm>>
    %dma_wait3A_242 = arith.constant 0 : i32
    %dma_wait3A_243 = arith.constant 0 : i32
    %dma_wait3A_244 = tpu.memref_slice %arg3[%mul3A_2, %dma_wait3A_242, %dma_wait3A_243] : memref<2048x32x2048xf32, #tpu.memory_space<hbm>> -> memref<1x32x128xf32, #tpu.memory_space<hbm>>
    %dma_wait3A_245 = tpu.memref_squeeze %dma_wait3A_244 : memref<1x32x128xf32, #tpu.memory_space<hbm>> -> memref<32x128xf32, #tpu.memory_space<hbm>>
    %dma_wait3A_246 = arith.constant 0 : i32
    %dma_wait3A_247 = arith.constant 0 : i32
    %dma_wait3A_248 = tpu.memref_slice %arg6[%dma_wait3A_246, %dma_wait3A_247] : memref<32x2048xf32, #tpu.memory_space<vmem>> -> memref<32x128xf32, #tpu.memory_space<vmem>>
    tpu.wait_dma2 semaphore(%arg10 : memref<!tpu.dma_semaphore, #tpu.memory_space<semaphore_mem>>) src(%dma_wait3A_248 : memref<32x128xf32, #tpu.memory_space<vmem>>) dst(%dma_wait3A_245 : memref<32x128xf32, #tpu.memory_space<hbm>>)
    %dma_wait3A_249 = arith.constant 0 : i32
    %dma_wait3A_250 = arith.constant 0 : i32
    %dma_wait3A_251 = tpu.memref_slice %arg6[%dma_wait3A_249, %dma_wait3A_250] : memref<32x2048xf32, #tpu.memory_space<vmem>> -> memref<32x128xf32, #tpu.memory_space<vmem>>
    %dma_wait3A_252 = arith.constant 0 : i32
    %dma_wait3A_253 = arith.constant 0 : i32
    %dma_wait3A_254 = tpu.memref_slice %arg3[%mul3A_2, %dma_wait3A_252, %dma_wait3A_253] : memref<2048x32x2048xf32, #tpu.memory_space<hbm>> -> memref<1x32x128xf32, #tpu.memory_space<hbm>>
    %dma_wait3A_255 = tpu.memref_squeeze %dma_wait3A_254 : memref<1x32x128xf32, #tpu.memory_space<hbm>> -> memref<32x128xf32, #tpu.memory_space<hbm>>
    %dma_wait3A_256 = arith.constant 0 : i32
    %dma_wait3A_257 = arith.constant 0 : i32
    %dma_wait3A_258 = tpu.memref_slice %arg3[%mul3A_2, %dma_wait3A_256, %dma_wait3A_257] : memref<2048x32x2048xf32, #tpu.memory_space<hbm>> -> memref<1x32x128xf32, #tpu.memory_space<hbm>>
    %dma_wait3A_259 = tpu.memref_squeeze %dma_wait3A_258 : memref<1x32x128xf32, #tpu.memory_space<hbm>> -> memref<32x128xf32, #tpu.memory_space<hbm>>
    %dma_wait3A_260 = arith.constant 0 : i32
    %dma_wait3A_261 = arith.constant 0 : i32
    %dma_wait3A_262 = tpu.memref_slice %arg6[%dma_wait3A_260, %dma_wait3A_261] : memref<32x2048xf32, #tpu.memory_space<vmem>> -> memref<32x128xf32, #tpu.memory_space<vmem>>
    tpu.wait_dma2 semaphore(%arg10 : memref<!tpu.dma_semaphore, #tpu.memory_space<semaphore_mem>>) src(%dma_wait3A_262 : memref<32x128xf32, #tpu.memory_space<vmem>>) dst(%dma_wait3A_259 : memref<32x128xf32, #tpu.memory_space<hbm>>)
    %dma_wait3A_263 = arith.constant 0 : i32
    %dma_wait3A_264 = arith.constant 0 : i32
    %dma_wait3A_265 = tpu.memref_slice %arg6[%dma_wait3A_263, %dma_wait3A_264] : memref<32x2048xf32, #tpu.memory_space<vmem>> -> memref<32x128xf32, #tpu.memory_space<vmem>>
    %dma_wait3A_266 = arith.constant 0 : i32
    %dma_wait3A_267 = arith.constant 0 : i32
    %dma_wait3A_268 = tpu.memref_slice %arg3[%mul3A_2, %dma_wait3A_266, %dma_wait3A_267] : memref<2048x32x2048xf32, #tpu.memory_space<hbm>> -> memref<1x32x128xf32, #tpu.memory_space<hbm>>
    %dma_wait3A_269 = tpu.memref_squeeze %dma_wait3A_268 : memref<1x32x128xf32, #tpu.memory_space<hbm>> -> memref<32x128xf32, #tpu.memory_space<hbm>>
    %dma_wait3A_270 = arith.constant 0 : i32
    %dma_wait3A_271 = arith.constant 0 : i32
    %dma_wait3A_272 = tpu.memref_slice %arg3[%mul3A_2, %dma_wait3A_270, %dma_wait3A_271] : memref<2048x32x2048xf32, #tpu.memory_space<hbm>> -> memref<1x32x128xf32, #tpu.memory_space<hbm>>
    %dma_wait3A_273 = tpu.memref_squeeze %dma_wait3A_272 : memref<1x32x128xf32, #tpu.memory_space<hbm>> -> memref<32x128xf32, #tpu.memory_space<hbm>>
    %dma_wait3A_274 = arith.constant 0 : i32
    %dma_wait3A_275 = arith.constant 0 : i32
    %dma_wait3A_276 = tpu.memref_slice %arg6[%dma_wait3A_274, %dma_wait3A_275] : memref<32x2048xf32, #tpu.memory_space<vmem>> -> memref<32x128xf32, #tpu.memory_space<vmem>>
    tpu.wait_dma2 semaphore(%arg10 : memref<!tpu.dma_semaphore, #tpu.memory_space<semaphore_mem>>) src(%dma_wait3A_276 : memref<32x128xf32, #tpu.memory_space<vmem>>) dst(%dma_wait3A_273 : memref<32x128xf32, #tpu.memory_space<hbm>>)
    %dma_wait3A_277 = arith.constant 0 : i32
    %dma_wait3A_278 = arith.constant 0 : i32
    %dma_wait3A_279 = tpu.memref_slice %arg6[%dma_wait3A_277, %dma_wait3A_278] : memref<32x2048xf32, #tpu.memory_space<vmem>> -> memref<32x128xf32, #tpu.memory_space<vmem>>
    %dma_wait3A_280 = arith.constant 0 : i32
    %dma_wait3A_281 = arith.constant 0 : i32
    %dma_wait3A_282 = tpu.memref_slice %arg3[%mul3A_2, %dma_wait3A_280, %dma_wait3A_281] : memref<2048x32x2048xf32, #tpu.memory_space<hbm>> -> memref<1x32x128xf32, #tpu.memory_space<hbm>>
    %dma_wait3A_283 = tpu.memref_squeeze %dma_wait3A_282 : memref<1x32x128xf32, #tpu.memory_space<hbm>> -> memref<32x128xf32, #tpu.memory_space<hbm>>
    %dma_wait3A_284 = arith.constant 0 : i32
    %dma_wait3A_285 = arith.constant 0 : i32
    %dma_wait3A_286 = tpu.memref_slice %arg3[%mul3A_2, %dma_wait3A_284, %dma_wait3A_285] : memref<2048x32x2048xf32, #tpu.memory_space<hbm>> -> memref<1x32x128xf32, #tpu.memory_space<hbm>>
    %dma_wait3A_287 = tpu.memref_squeeze %dma_wait3A_286 : memref<1x32x128xf32, #tpu.memory_space<hbm>> -> memref<32x128xf32, #tpu.memory_space<hbm>>
    %dma_wait3A_288 = arith.constant 0 : i32
    %dma_wait3A_289 = arith.constant 0 : i32
    %dma_wait3A_290 = tpu.memref_slice %arg6[%dma_wait3A_288, %dma_wait3A_289] : memref<32x2048xf32, #tpu.memory_space<vmem>> -> memref<32x128xf32, #tpu.memory_space<vmem>>
    tpu.wait_dma2 semaphore(%arg10 : memref<!tpu.dma_semaphore, #tpu.memory_space<semaphore_mem>>) src(%dma_wait3A_290 : memref<32x128xf32, #tpu.memory_space<vmem>>) dst(%dma_wait3A_287 : memref<32x128xf32, #tpu.memory_space<hbm>>)
    %dma_wait3A_291 = arith.constant 0 : i32
    %dma_wait3A_292 = arith.constant 0 : i32
    %dma_wait3A_293 = tpu.memref_slice %arg6[%dma_wait3A_291, %dma_wait3A_292] : memref<32x2048xf32, #tpu.memory_space<vmem>> -> memref<32x128xf32, #tpu.memory_space<vmem>>
    %dma_wait3A_294 = arith.constant 0 : i32
    %dma_wait3A_295 = arith.constant 0 : i32
    %dma_wait3A_296 = tpu.memref_slice %arg3[%mul3A_2, %dma_wait3A_294, %dma_wait3A_295] : memref<2048x32x2048xf32, #tpu.memory_space<hbm>> -> memref<1x32x128xf32, #tpu.memory_space<hbm>>
    %dma_wait3A_297 = tpu.memref_squeeze %dma_wait3A_296 : memref<1x32x128xf32, #tpu.memory_space<hbm>> -> memref<32x128xf32, #tpu.memory_space<hbm>>
    %dma_wait3A_298 = arith.constant 0 : i32
    %dma_wait3A_299 = arith.constant 0 : i32
    %dma_wait3A_300 = tpu.memref_slice %arg3[%mul3A_2, %dma_wait3A_298, %dma_wait3A_299] : memref<2048x32x2048xf32, #tpu.memory_space<hbm>> -> memref<1x32x128xf32, #tpu.memory_space<hbm>>
    %dma_wait3A_301 = tpu.memref_squeeze %dma_wait3A_300 : memref<1x32x128xf32, #tpu.memory_space<hbm>> -> memref<32x128xf32, #tpu.memory_space<hbm>>
    %dma_wait3A_302 = arith.constant 0 : i32
    %dma_wait3A_303 = arith.constant 0 : i32
    %dma_wait3A_304 = tpu.memref_slice %arg6[%dma_wait3A_302, %dma_wait3A_303] : memref<32x2048xf32, #tpu.memory_space<vmem>> -> memref<32x128xf32, #tpu.memory_space<vmem>>
    tpu.wait_dma2 semaphore(%arg10 : memref<!tpu.dma_semaphore, #tpu.memory_space<semaphore_mem>>) src(%dma_wait3A_304 : memref<32x128xf32, #tpu.memory_space<vmem>>) dst(%dma_wait3A_301 : memref<32x128xf32, #tpu.memory_space<hbm>>)
    %dma_wait3A_305 = arith.constant 0 : i32
    %dma_wait3A_306 = arith.constant 0 : i32
    %dma_wait3A_307 = tpu.memref_slice %arg6[%dma_wait3A_305, %dma_wait3A_306] : memref<32x2048xf32, #tpu.memory_space<vmem>> -> memref<32x128xf32, #tpu.memory_space<vmem>>
    %dma_wait3A_308 = arith.constant 0 : i32
    %dma_wait3A_309 = arith.constant 0 : i32
    %dma_wait3A_310 = tpu.memref_slice %arg3[%mul3A_2, %dma_wait3A_308, %dma_wait3A_309] : memref<2048x32x2048xf32, #tpu.memory_space<hbm>> -> memref<1x32x128xf32, #tpu.memory_space<hbm>>
    %dma_wait3A_311 = tpu.memref_squeeze %dma_wait3A_310 : memref<1x32x128xf32, #tpu.memory_space<hbm>> -> memref<32x128xf32, #tpu.memory_space<hbm>>
    %dma_wait3A_312 = arith.constant 0 : i32
    %dma_wait3A_313 = arith.constant 0 : i32
    %dma_wait3A_314 = tpu.memref_slice %arg3[%mul3A_2, %dma_wait3A_312, %dma_wait3A_313] : memref<2048x32x2048xf32, #tpu.memory_space<hbm>> -> memref<1x32x128xf32, #tpu.memory_space<hbm>>
    %dma_wait3A_315 = tpu.memref_squeeze %dma_wait3A_314 : memref<1x32x128xf32, #tpu.memory_space<hbm>> -> memref<32x128xf32, #tpu.memory_space<hbm>>
    %dma_wait3A_316 = arith.constant 0 : i32
    %dma_wait3A_317 = arith.constant 0 : i32
    %dma_wait3A_318 = tpu.memref_slice %arg6[%dma_wait3A_316, %dma_wait3A_317] : memref<32x2048xf32, #tpu.memory_space<vmem>> -> memref<32x128xf32, #tpu.memory_space<vmem>>
    tpu.wait_dma2 semaphore(%arg10 : memref<!tpu.dma_semaphore, #tpu.memory_space<semaphore_mem>>) src(%dma_wait3A_318 : memref<32x128xf32, #tpu.memory_space<vmem>>) dst(%dma_wait3A_315 : memref<32x128xf32, #tpu.memory_space<hbm>>)
    %dma_wait3A_319 = arith.constant 0 : i32
    %dma_wait3A_320 = arith.constant 0 : i32
    %dma_wait3A_321 = tpu.memref_slice %arg6[%dma_wait3A_319, %dma_wait3A_320] : memref<32x2048xf32, #tpu.memory_space<vmem>> -> memref<32x128xf32, #tpu.memory_space<vmem>>
    %dma_wait3A_322 = arith.constant 0 : i32
    %dma_wait3A_323 = arith.constant 0 : i32
    %dma_wait3A_324 = tpu.memref_slice %arg3[%mul3A_2, %dma_wait3A_322, %dma_wait3A_323] : memref<2048x32x2048xf32, #tpu.memory_space<hbm>> -> memref<1x32x128xf32, #tpu.memory_space<hbm>>
    %dma_wait3A_325 = tpu.memref_squeeze %dma_wait3A_324 : memref<1x32x128xf32, #tpu.memory_space<hbm>> -> memref<32x128xf32, #tpu.memory_space<hbm>>
    %dma_wait3A_326 = arith.constant 0 : i32
    %dma_wait3A_327 = arith.constant 0 : i32
    %dma_wait3A_328 = tpu.memref_slice %arg3[%mul3A_2, %dma_wait3A_326, %dma_wait3A_327] : memref<2048x32x2048xf32, #tpu.memory_space<hbm>> -> memref<1x32x128xf32, #tpu.memory_space<hbm>>
    %dma_wait3A_329 = tpu.memref_squeeze %dma_wait3A_328 : memref<1x32x128xf32, #tpu.memory_space<hbm>> -> memref<32x128xf32, #tpu.memory_space<hbm>>
    %dma_wait3A_330 = arith.constant 0 : i32
    %dma_wait3A_331 = arith.constant 0 : i32
    %dma_wait3A_332 = tpu.memref_slice %arg6[%dma_wait3A_330, %dma_wait3A_331] : memref<32x2048xf32, #tpu.memory_space<vmem>> -> memref<32x128xf32, #tpu.memory_space<vmem>>
    tpu.wait_dma2 semaphore(%arg10 : memref<!tpu.dma_semaphore, #tpu.memory_space<semaphore_mem>>) src(%dma_wait3A_332 : memref<32x128xf32, #tpu.memory_space<vmem>>) dst(%dma_wait3A_329 : memref<32x128xf32, #tpu.memory_space<hbm>>)
    %dma_wait3A_333 = arith.constant 0 : i32
    %dma_wait3A_334 = arith.constant 0 : i32
    %dma_wait3A_335 = tpu.memref_slice %arg6[%dma_wait3A_333, %dma_wait3A_334] : memref<32x2048xf32, #tpu.memory_space<vmem>> -> memref<32x128xf32, #tpu.memory_space<vmem>>
    %dma_wait3A_336 = arith.constant 0 : i32
    %dma_wait3A_337 = arith.constant 0 : i32
    %dma_wait3A_338 = tpu.memref_slice %arg3[%mul3A_2, %dma_wait3A_336, %dma_wait3A_337] : memref<2048x32x2048xf32, #tpu.memory_space<hbm>> -> memref<1x32x128xf32, #tpu.memory_space<hbm>>
    %dma_wait3A_339 = tpu.memref_squeeze %dma_wait3A_338 : memref<1x32x128xf32, #tpu.memory_space<hbm>> -> memref<32x128xf32, #tpu.memory_space<hbm>>
    %dma_wait3A_340 = arith.constant 0 : i32
    %dma_wait3A_341 = arith.constant 0 : i32
    %dma_wait3A_342 = tpu.memref_slice %arg3[%mul3A_2, %dma_wait3A_340, %dma_wait3A_341] : memref<2048x32x2048xf32, #tpu.memory_space<hbm>> -> memref<1x32x128xf32, #tpu.memory_space<hbm>>
    %dma_wait3A_343 = tpu.memref_squeeze %dma_wait3A_342 : memref<1x32x128xf32, #tpu.memory_space<hbm>> -> memref<32x128xf32, #tpu.memory_space<hbm>>
    %dma_wait3A_344 = arith.constant 0 : i32
    %dma_wait3A_345 = arith.constant 0 : i32
    %dma_wait3A_346 = tpu.memref_slice %arg6[%dma_wait3A_344, %dma_wait3A_345] : memref<32x2048xf32, #tpu.memory_space<vmem>> -> memref<32x128xf32, #tpu.memory_space<vmem>>
    tpu.wait_dma2 semaphore(%arg10 : memref<!tpu.dma_semaphore, #tpu.memory_space<semaphore_mem>>) src(%dma_wait3A_346 : memref<32x128xf32, #tpu.memory_space<vmem>>) dst(%dma_wait3A_343 : memref<32x128xf32, #tpu.memory_space<hbm>>)
    %dma_wait3A_347 = arith.constant 0 : i32
    %dma_wait3A_348 = arith.constant 0 : i32
    %dma_wait3A_349 = tpu.memref_slice %arg6[%dma_wait3A_347, %dma_wait3A_348] : memref<32x2048xf32, #tpu.memory_space<vmem>> -> memref<32x128xf32, #tpu.memory_space<vmem>>
    %dma_wait3A_350 = arith.constant 0 : i32
    %dma_wait3A_351 = arith.constant 0 : i32
    %dma_wait3A_352 = tpu.memref_slice %arg3[%mul3A_2, %dma_wait3A_350, %dma_wait3A_351] : memref<2048x32x2048xf32, #tpu.memory_space<hbm>> -> memref<1x32x128xf32, #tpu.memory_space<hbm>>
    %dma_wait3A_353 = tpu.memref_squeeze %dma_wait3A_352 : memref<1x32x128xf32, #tpu.memory_space<hbm>> -> memref<32x128xf32, #tpu.memory_space<hbm>>
    %dma_wait3A_354 = arith.constant 0 : i32
    %dma_wait3A_355 = arith.constant 0 : i32
    %dma_wait3A_356 = tpu.memref_slice %arg3[%mul3A_2, %dma_wait3A_354, %dma_wait3A_355] : memref<2048x32x2048xf32, #tpu.memory_space<hbm>> -> memref<1x32x128xf32, #tpu.memory_space<hbm>>
    %dma_wait3A_357 = tpu.memref_squeeze %dma_wait3A_356 : memref<1x32x128xf32, #tpu.memory_space<hbm>> -> memref<32x128xf32, #tpu.memory_space<hbm>>
    %dma_wait3A_358 = arith.constant 0 : i32
    %dma_wait3A_359 = arith.constant 0 : i32
    %dma_wait3A_360 = tpu.memref_slice %arg6[%dma_wait3A_358, %dma_wait3A_359] : memref<32x2048xf32, #tpu.memory_space<vmem>> -> memref<32x128xf32, #tpu.memory_space<vmem>>
    tpu.wait_dma2 semaphore(%arg10 : memref<!tpu.dma_semaphore, #tpu.memory_space<semaphore_mem>>) src(%dma_wait3A_360 : memref<32x128xf32, #tpu.memory_space<vmem>>) dst(%dma_wait3A_357 : memref<32x128xf32, #tpu.memory_space<hbm>>)
    %dma_wait3A_361 = arith.constant 0 : i32
    %dma_wait3A_362 = arith.constant 0 : i32
    %dma_wait3A_363 = tpu.memref_slice %arg6[%dma_wait3A_361, %dma_wait3A_362] : memref<32x2048xf32, #tpu.memory_space<vmem>> -> memref<32x128xf32, #tpu.memory_space<vmem>>
    %dma_wait3A_364 = arith.constant 0 : i32
    %dma_wait3A_365 = arith.constant 0 : i32
    %dma_wait3A_366 = tpu.memref_slice %arg3[%mul3A_2, %dma_wait3A_364, %dma_wait3A_365] : memref<2048x32x2048xf32, #tpu.memory_space<hbm>> -> memref<1x32x128xf32, #tpu.memory_space<hbm>>
    %dma_wait3A_367 = tpu.memref_squeeze %dma_wait3A_366 : memref<1x32x128xf32, #tpu.memory_space<hbm>> -> memref<32x128xf32, #tpu.memory_space<hbm>>
    %dma_wait3A_368 = arith.constant 0 : i32
    %dma_wait3A_369 = arith.constant 0 : i32
    %dma_wait3A_370 = tpu.memref_slice %arg3[%mul3A_2, %dma_wait3A_368, %dma_wait3A_369] : memref<2048x32x2048xf32, #tpu.memory_space<hbm>> -> memref<1x32x128xf32, #tpu.memory_space<hbm>>
    %dma_wait3A_371 = tpu.memref_squeeze %dma_wait3A_370 : memref<1x32x128xf32, #tpu.memory_space<hbm>> -> memref<32x128xf32, #tpu.memory_space<hbm>>
    %dma_wait3A_372 = arith.constant 0 : i32
    %dma_wait3A_373 = arith.constant 0 : i32
    %dma_wait3A_374 = tpu.memref_slice %arg6[%dma_wait3A_372, %dma_wait3A_373] : memref<32x2048xf32, #tpu.memory_space<vmem>> -> memref<32x128xf32, #tpu.memory_space<vmem>>
    tpu.wait_dma2 semaphore(%arg10 : memref<!tpu.dma_semaphore, #tpu.memory_space<semaphore_mem>>) src(%dma_wait3A_374 : memref<32x128xf32, #tpu.memory_space<vmem>>) dst(%dma_wait3A_371 : memref<32x128xf32, #tpu.memory_space<hbm>>)
    %dma_wait3A_375 = arith.constant 0 : i32
    %dma_wait3A_376 = arith.constant 0 : i32
    %dma_wait3A_377 = tpu.memref_slice %arg6[%dma_wait3A_375, %dma_wait3A_376] : memref<32x2048xf32, #tpu.memory_space<vmem>> -> memref<32x128xf32, #tpu.memory_space<vmem>>
    %dma_wait3A_378 = arith.constant 0 : i32
    %dma_wait3A_379 = arith.constant 0 : i32
    %dma_wait3A_380 = tpu.memref_slice %arg3[%mul3A_2, %dma_wait3A_378, %dma_wait3A_379] : memref<2048x32x2048xf32, #tpu.memory_space<hbm>> -> memref<1x32x128xf32, #tpu.memory_space<hbm>>
    %dma_wait3A_381 = tpu.memref_squeeze %dma_wait3A_380 : memref<1x32x128xf32, #tpu.memory_space<hbm>> -> memref<32x128xf32, #tpu.memory_space<hbm>>
    %dma_wait3A_382 = arith.constant 0 : i32
    %dma_wait3A_383 = arith.constant 0 : i32
    %dma_wait3A_384 = tpu.memref_slice %arg3[%mul3A_2, %dma_wait3A_382, %dma_wait3A_383] : memref<2048x32x2048xf32, #tpu.memory_space<hbm>> -> memref<1x32x128xf32, #tpu.memory_space<hbm>>
    %dma_wait3A_385 = tpu.memref_squeeze %dma_wait3A_384 : memref<1x32x128xf32, #tpu.memory_space<hbm>> -> memref<32x128xf32, #tpu.memory_space<hbm>>
    %dma_wait3A_386 = arith.constant 0 : i32
    %dma_wait3A_387 = arith.constant 0 : i32
    %dma_wait3A_388 = tpu.memref_slice %arg6[%dma_wait3A_386, %dma_wait3A_387] : memref<32x2048xf32, #tpu.memory_space<vmem>> -> memref<32x128xf32, #tpu.memory_space<vmem>>
    tpu.wait_dma2 semaphore(%arg10 : memref<!tpu.dma_semaphore, #tpu.memory_space<semaphore_mem>>) src(%dma_wait3A_388 : memref<32x128xf32, #tpu.memory_space<vmem>>) dst(%dma_wait3A_385 : memref<32x128xf32, #tpu.memory_space<hbm>>)
    %dma_wait3A_389 = arith.constant 0 : i32
    %dma_wait3A_390 = tpu.memref_slice %arg3[%mul3A_2, %dma_wait3A_389, %multiple_of3A] : memref<2048x32x2048xf32, #tpu.memory_space<hbm>> -> memref<1x32x384xf32, #tpu.memory_space<hbm>>
    %dma_wait3A_391 = tpu.memref_squeeze %dma_wait3A_390 : memref<1x32x384xf32, #tpu.memory_space<hbm>> -> memref<32x384xf32, #tpu.memory_space<hbm>>
    %dma_wait3A_392 = arith.constant 0 : i32
    %dma_wait3A_393 = tpu.memref_slice %arg3[%mul3A_2, %dma_wait3A_392, %multiple_of3A] : memref<2048x32x2048xf32, #tpu.memory_space<hbm>> -> memref<1x32x384xf32, #tpu.memory_space<hbm>>
    %dma_wait3A_394 = tpu.memref_squeeze %dma_wait3A_393 : memref<1x32x384xf32, #tpu.memory_space<hbm>> -> memref<32x384xf32, #tpu.memory_space<hbm>>
    tpu.wait_dma2 semaphore(%arg9 : memref<!tpu.dma_semaphore, #tpu.memory_space<semaphore_mem>>) src(%arg7 : memref<32x384xf32, #tpu.memory_space<vmem>>) dst(%dma_wait3A_394 : memref<32x384xf32, #tpu.memory_space<hbm>>)
    %dma_wait3A_395 = arith.constant 0 : i32
    %dma_wait3A_396 = tpu.memref_slice %arg3[%mul3A_2, %dma_wait3A_395, %multiple_of3A] : memref<2048x32x2048xf32, #tpu.memory_space<hbm>> -> memref<1x32x384xf32, #tpu.memory_space<hbm>>
    %dma_wait3A_397 = tpu.memref_squeeze %dma_wait3A_396 : memref<1x32x384xf32, #tpu.memory_space<hbm>> -> memref<32x384xf32, #tpu.memory_space<hbm>>
    %dma_wait3A_398 = arith.constant 0 : i32
    %dma_wait3A_399 = tpu.memref_slice %arg3[%mul3A_2, %dma_wait3A_398, %multiple_of3A] : memref<2048x32x2048xf32, #tpu.memory_space<hbm>> -> memref<1x32x384xf32, #tpu.memory_space<hbm>>
    %dma_wait3A_400 = tpu.memref_squeeze %dma_wait3A_399 : memref<1x32x384xf32, #tpu.memory_space<hbm>> -> memref<32x384xf32, #tpu.memory_space<hbm>>
    tpu.wait_dma2 semaphore(%arg9 : memref<!tpu.dma_semaphore, #tpu.memory_space<semaphore_mem>>) src(%arg8 : memref<32x384xf32, #tpu.memory_space<vmem>>) dst(%dma_wait3A_400 : memref<32x384xf32, #tpu.memory_space<hbm>>)
    return
  }
}

</mosaic_0001>

<sc_bundles>
// kernel: _expand.3.cloned.1.call-start
scs
__scs_entry_jumppad:
0x0: {  	(pc) =	sbr.rel $0x88, $3  }
0x1: {  	(tag) =	ssettag $0x0;
	lr =	simm.s32 $0x1  }
0x2: {  	[smem:$0x3FA0] =	sst lr;
	_ =	strace $0xD0000000  }
0x3: {  	_ = 	snop  }
0x4: {  	_ = 	snop  }
0x5: {  	_ = 	snop  }
0x6: {  	_ = 	snop  }
0x7: {  	_ = 	snop  }
__scs_overlays_trampoline_lowered:
0x8: {  	[smem:$0x3FAF] =	sst s0  }
0x9: {  	[smem:$0x3FB0] =	sst s1  }
0xa: {  	[smem:$0x3FB1] =	sst s2  }
0xb: {  	[smem:$0x3FB2] =	sst s3  }
0xc: {  	[smem:$0x3FB3] =	sst s4  }
0xd: {  	[smem:$0x3FB4] =	sst s5  }
0xe: {  	[smem:$0x3FB5] =	sst s6  }
0xf: {  	[smem:$0x3FB6] =	sst s7  }
0x10: {  	[smem:$0x3FB7] =	sst s8  }
0x11: {  	[smem:$0x3FB8] =	sst s9;
	s0 =	simm.s32 @!p0 $0x0  }
0x12: {  	s1 =	sld [smem:$0x3F9E];
	s0 =	simm.s32 @p0 $0x1  }
0x13: {  	[smem:$0x3FB9] =	sst s0;
	s0 =	simm.s32 @!p1 $0x0  }
0x14: {  	s2 =	sld [smem:$0x3F9D];
	s0 =	simm.s32 @p1 $0x1  }
0x15: {  	[smem:$0x3FBA] =	sst s0;
	s0 =	simm.s32 @!p2 $0x0  }
0x16: {  	s3 =	sld [smem:$0x3FDB];
	s0 =	simm.s32 @p2 $0x1  }
0x17: {  	s4 =	simm.s32 $0x1BF5;
	[smem:$0x3FBC] =	sst s0  }
0x18: {  	s0 =	sld [smem:$0x3F9F];
	_ =	swait.ge [sflag:s4], $0x0  }
0x19: {  	s7 =	sld [smem:$0x3FA0]  }
0x1a: {  	s8 =	sadd.s32 $0xFFFFE003, lr  }
0x1b: {  	s9 =	sadd.s32 $0xFFFFFEF7, lr;
	s5 =	simm.s32 $0xFFFFFFFF;
	p2 =	slt.u32 s8, $0xFFFFF086  }
0x1c: {  	p1 =	slt.u32 s9, $0xF7A;
	s5 =	simm.s32 @!p2 $0x0  }
0x1d: {  	s5 =	simm.s32 @p1 $0x1;
	p0 =	seq.s32 s7, s2  }
0x1e: {  	s7 =	smul.u32 @!p0 $0xF7A, s2;
	p2 =	seq.s32 @!p0 s5, $0x0  }
0x1f: {  	s9 =	smul.u32 $0xF7A, s1;
	s8 =	simm.s32 @!p0 $0x1BF5;
	p2 =	por !p2, p0  }
0x20: {  	[sflag:s8] =	ssyncset.s32 @!p0 $0xFFFFF086;
	s6 =	sadd.s32 @!p0 s3, s7;
	s7 =	simm.s32 @!p0 $0x108  }
0x21: {  	s3 =	sadd.s32 s3, s9;
	s6 =	sadd.s32 @!p0 $0x88, s6;
	s7 =	simm.s32 @p2 $0x1082  }
0x22: {  	[simem:s7], [sflag:s8] =	dma.local @!p0 [hbm:s6], $0xF7A  }
0x23: {  	s9 =	sor.u32 $0xD0000000, s2;
	s6 =	simm.s32 $0x108;
	_ =	swait.ge @!p0 [sflag:s8], $0x0  }
0x24: {  	s3 =	sadd.s32 $0x88, s3;
	s6 =	simm.s32 @!p1 $0x1082;
	[sflag:s4] =	ssyncset.s32 $0xFFFFF086  }
0x25: {  	[simem:s6], [sflag:s4] =	dma.local [hbm:s3], $0xF7A  }
0x26: {  	[smem:$0x3FA0] =	sst s1;
	(tag) =	ssettag s2;
	_ =	strace s9  }
0x27: {  	s1 =	sld [smem:$0x3FB0]  }
0x28: {  	s2 =	sld [smem:$0x3FB1]  }
0x29: {  	s4 =	sld [smem:$0x3FB3]  }
0x2a: {  	p0 =	seq.s32 s5, $0x0;
	s5 =	sld [smem:$0x3FB4]  }
0x2b: {  	s6 =	sld [smem:$0x3FB5]  }
0x2c: {  	s7 =	sld [smem:$0x3FB6]  }
0x2d: {  	s3 =	simm.s32 $0x108;
	s8 =	sld [smem:$0x3FB7]  }
0x2e: {  	s3 =	simm.s32 @!p0 $0x1082;
	s9 =	sld [smem:$0x3FB8]  }
0x2f: {  	lr =	sadd.s32 s0, s3;
	s0 =	sld [smem:$0x3FAF]  }
0x30: {  	s3 =	sld [smem:$0x3FB2]  }
0x31: {  	[smem:$0x3FBB] =	sst s10  }
0x32: {  	s10 =	sld [smem:$0x3FB9];
	_ =	sdelay $0x3  }
0x33: {  	p0 =	seq.s32 s10, $0x1;
	s10 =	sld [smem:$0x3FBB];
	_ =	sdelay $0x3  }
0x34: {  	[smem:$0x3FBB] =	sst s10  }
0x35: {  	s10 =	sld [smem:$0x3FBA];
	_ =	sdelay $0x3  }
0x36: {  	p1 =	seq.s32 s10, $0x1;
	s10 =	sld [smem:$0x3FBB];
	_ =	sdelay $0x3  }
0x37: {  	[smem:$0x3FBB] =	sst s10  }
0x38: {  	s10 =	sld [smem:$0x3FBC]  }
0x39: {  	_ = 	snop;
	(pc) =	sbr.ind lr, $3  }
0x3a: {  	_ = 	snop  }
0x3b: {  	_ = 	snop  }
0x3c: {  	p2 =	seq.s32 s10, $0x1;
	s10 =	sld [smem:$0x3FBB]  }
0x3d: {  	_ =	shalt  }
0x3e: {  	_ =	shalt  }
0x3f: {  	_ =	shalt  }
0x40: {  	_ =	shalt  }
0x41: {  	_ =	shalt  }
0x42: {  	_ =	shalt  }
0x43: {  	_ =	shalt  }
0x44: {  	_ =	shalt  }
0x45: {  	_ =	shalt  }
0x46: {  	_ =	shalt  }
0x47: {  	_ =	shalt  }
0x48: {  	_ =	shalt  }
0x49: {  	_ =	shalt  }
0x4a: {  	_ =	shalt  }
0x4b: {  	_ =	shalt  }
0x4c: {  	_ =	shalt  }
0x4d: {  	_ =	shalt  }
0x4e: {  	_ =	shalt  }
0x4f: {  	_ =	shalt  }
0x50: {  	_ =	shalt  }
0x51: {  	_ =	shalt  }
0x52: {  	_ =	shalt  }
0x53: {  	_ =	shalt  }
0x54: {  	_ =	shalt  }
0x55: {  	_ =	shalt  }
0x56: {  	_ =	shalt  }
0x57: {  	_ =	shalt  }
0x58: {  	_ =	shalt  }
0x59: {  	_ =	shalt  }
0x5a: {  	_ =	shalt  }
0x5b: {  	_ =	shalt  }
0x5c: {  	_ =	shalt  }
0x5d: {  	_ =	shalt  }
0x5e: {  	_ =	shalt  }
0x5f: {  	_ =	shalt  }
0x60: {  	_ =	shalt  }
0x61: {  	_ =	shalt  }
0x62: {  	_ =	shalt  }
0x63: {  	_ =	shalt  }
0x64: {  	_ =	shalt  }
0x65: {  	_ =	shalt  }
0x66: {  	_ =	shalt  }
0x67: {  	_ =	shalt  }
0x68: {  	_ =	shalt  }
0x69: {  	_ =	shalt  }
0x6a: {  	_ =	shalt  }
0x6b: {  	_ =	shalt  }
0x6c: {  	_ =	shalt  }
0x6d: {  	_ =	shalt  }
0x6e: {  	_ =	shalt  }
0x6f: {  	_ =	shalt  }
0x70: {  	_ =	shalt  }
0x71: {  	_ =	shalt  }
0x72: {  	_ =	shalt  }
0x73: {  	_ =	shalt  }
0x74: {  	_ =	shalt  }
0x75: {  	_ =	shalt  }
0x76: {  	_ =	shalt  }
0x77: {  	_ =	shalt  }
0x78: {  	_ =	shalt  }
0x79: {  	_ =	shalt  }
0x7a: {  	_ =	shalt  }
0x7b: {  	_ =	shalt  }
0x7c: {  	_ =	shalt  }
0x7d: {  	_ =	shalt  }
0x7e: {  	_ =	shalt  }
0x7f: {  	_ =	shalt  }
0x80: {  	_ =	shalt  }
0x81: {  	_ =	shalt  }
0x82: {  	_ =	shalt  }
0x83: {  	_ =	shalt  }
0x84: {  	_ =	shalt  }
0x85: {  	_ =	shalt  }
0x86: {  	_ =	shalt  }
0x87: {  	_ =	shalt  }
.Lfunc_end0:
.L_simem_size_0:
called_computation_lowered:
.L_overlay_start_0:
0x88: {  	s2 =	sld [smem:$0x3FD9]  }
0x89: {  	s3 =	sld [smem:$0x3FFE];
	_ =	sdelay $0x1  }
0x8a: {  	s1 =	srdreg.scid  }
0x8b: {  	s0 =	sand.u32 $0x1, s1  }
0x8c: {  	s18 =	sshll.u32 s0, $0xA;
	s2 =	sadd.s32 s3, s2  }
0x8d: {  	s2 =	sadd.s32 s2, s18  }
0x8e: {  	[smem:$0x3FC7] =	sst s2  }
0x8f: {  	_ = 	snop  }
0x90: {  	s2 =	sld [smem:$0x3FC9]  }
0x91: {  	s19 =	sld [smem:$0x3FD0];
	(tm) =	ssettm $0x1  }
0x92: {  	s4 =	sld [smem:$0x3FFB];
	_ =	sdelay $0x3  }
0x93: {  	_ =	strace s4  }
0x94: {  	s4 =	sld [smem:$0x3FFC];
	_ =	sdelay $0x3  }
0x95: {  	_ =	strace s4  }
0x96: {  	s4 =	sld [smem:$0x3FFD];
	_ =	sdelay $0x3  }
0x97: {  	_ =	strace s4  }
0x98: {  	_ =	strace $0x8FFFFFFF  }
0x99: {  	s20 =	sld [smem:$0x3FDB];
	_ =	sdelay $0x1  }
0x9a: {  	s5 =	simm.s32 $_scs_section_size  }
0x9b: {  	s6 =	simm.s32 $_size__tile_overlayer_lowered;
	s7 =	simm.s32 $_tile_overlayer_lowered  }
0x9c: {  	s23 =	simm.s32 $0x1BFF;
	s22 =	sshll.u32 s7, $0x1;
	s4 =	sadd.s32 s5, s20  }
0x9d: {  	s8 =	simm.s32 $0x0;
	s21 =	sshll.u32 s6, $0x1;
	s6 =	sadd.s32 s22, s4  }
0x9e: {  	[timem:s8], [sflag:s23] =	dma.local [hbm:s6], s21  }
0x9f: {  	_ =	swait.ge [sflag:s23], s21  }
0xa0: {  	s5 =	ssub.s32 $0x0, s21;
	[sflag:s23] =	ssyncset.done $0x0  }
0xa1: {  	[sflag:s23] =	ssyncadd.s32 s5;
	_ =	sdelay $0x1  }
0xa2: {  	s24 =	simm.s32 $0x1B8B  }
0xa3: {  	_ =	swait.ge [sflag:s24], $0x1  }
0xa4: {  	[sflag:s24] =	ssyncset.done $0x0  }
0xa5: {  	s25 =	simm.s32 $0x1B8E;
	[sflag:s24] =	ssyncadd.s32 $0xFFFFFFFF  }
0xa6: {  	s26 =	simm.s32 $execute0_lowered;
	[smem:$0x3FD2] =	sst s25  }
0xa7: {  	s5 =	sshll.u32 s26, $0x1;
	_ =	strace $0x80000046;
	[dreg:$0x1] =	wrdreg $0xFFFFFFFF  }
0xa8: {  	s28 =	simm.s32 $_size_execute0_lowered;
	s4 =	sadd.s32 s4, s5;
	[dreg:$0x0] =	wrdreg $0x0  }
0xa9: {  	s5 =	sshll.u32 s28, $0x1;
	[dreg:$0x2] =	wrdreg s4  }
0xaa: {  	[dreg:$0x3] =	wrdreg s5  }
0xab: {  	[dreg:$0x4] =	wrdreg $0xC0  }
0xac: {  	_ =	task [dreg:s8], $0x5FFFF  }
0xad: {  	[dreg:$0x1] =	wrdreg $0xFFFFFFFF  }
0xae: {  	[dreg:$0x0] =	wrdreg $0x60  }
0xaf: {  	[dreg:$0x2] =	wrdreg s2  }
0xb0: {  	[dreg:$0x3] =	wrdreg s19  }
0xb1: {  	[dreg:$0x4] =	wrdreg $0x9  }
0xb2: {  	_ =	task.clear_ibuf [dreg:s8], $0x5FFFF;
	_ =	strace $0x90000046  }
0xb3: {  	s29 =	simm.s32 $0x9;
	_ =	strace $0x80000048  }
0xb4: {  	_ =	swait.ge [sflag:s29], $0x1  }
0xb5: {  	[sflag:s29] =	ssyncadd.s32 $0xFFFFFFFF  }
0xb6: {  	_ =	strace $0x90000048  }
0xb7: {  	_ =	sfence  }
0xb8: {  	s30 =	sld [smem:$0x0];
	_ =	sdelay $0x2  }
0xb9: {  	s31 =	sshll.u32 s1, $0xD;
	s1 =	sshrl.u32 s1, $0x2  }
0xba: {  	s3 =	sand.u32 $0x4000, s31;
	s1 =	sadd.s32 s1, s30  }
0xbb: {  	s0 =	sor.u32 s3, s0;
	s1 =	sshll.u32 s1, $0x11  }
0xbc: {  	s0 =	sor.u32 s1, s0  }
0xbd: {  	s0 =	sadd.s32 $0x8F2B, s0  }
0xbe: {  	[sflag:s0] =	ssyncadd.remote.s32 $0x1  }
0xbf: {  	_ =	sfence.sel $0xFFFF  }
0xc0: {  	[dreg:$0x0] =	wrdreg $0xFFFFFFFF;
	(pc) =	sbr.abs _section_cstart, $3  }
0xc1: {  	[dreg:$0x1] =	wrdreg $0xFFFFFFFF  }
0xc2: {  	_ =	task.clear_ibuf [dreg:s8], $0x2FFFF;
	_ =	strace $0x9FFFFFFF  }
0xc3: {  	(tm) =	ssettm $0x7FFFFFFF  }
tec
execute0_lowered:
.L_overlay_start_1:
0x0: {  	(tag) =	ssettag $0x1  }
0x1: {  	s10 =	rddreg [dreg:$0x1];
	s4 =	simm.s32 $0x0;
	s0 =	srdreg.scid  }
0x2: {  	s12 =	stileid.u32;
	s29 =	simm.s32 $0xBA00;
	s30 =	simm.s32 $0xFA00  }
0x3: {  	s31 =	simm.s32 $0x13A00;
	[smem:$0x7FF] =	sst s4;
	s0 =	sand.u32 $0x1, s0  }
0x4: {  	s1 =	sshll.u32 s12, $0x7;
	s8 =	sadd.s32 $0x180, s10;
	s9 =	sadd.s32 $0x200, s10  }
0x5: {  	s25 =	sadd.s32 $0x80, s10;
	s11 =	sadd.s32 $0x280, s10;
	s26 =	sadd.s32 $0x100, s10  }
0x6: {  	s13 =	sadd.s32 $0x300, s10;
	s14 =	sadd.s32 $0x380, s10;
	s15 =	sadd.s32 $0x400, s10  }
0x7: {  	s16 =	sadd.s32 $0x480, s10;
	s17 =	sadd.s32 $0x500, s10;
	s18 =	sadd.s32 $0x580, s10  }
0x8: {  	s19 =	sadd.s32 $0x600, s10;
	s20 =	sadd.s32 $0x680, s10;
	s21 =	sadd.s32 $0x700, s10  }
0x9: {  	p0 =	sgt.u32 s12, $0x1;
	p1 =	sgt.u32 s12, $0x2;
	s2 =	ssub.s32 $0x2, s0  }
0xa: {  	p5 =	sgt.u32 s12, $0x6;
	s0 =	sshll.u32 s0, $0x6;
	s5 =	sshrl.u32 s2, $0x1  }
0xb: {  	s2 =	ssub.s32 s2, s5;
	s5 =	sor.u32 s0, s1;
	s0 =	simm.s32 @!p5 $0x0  }
0xc: {  	p2 =	sgt.u32 s12, $0x3;
	s0 =	simm.s32 @p5 $0x1;
	p5 =	sgt.u32 s12, $0x7  }
0xd: {  	_ =	strace $0x80000047;
	[smem:$0x7F6] =	sst s0;
	s0 =	simm.s32 @!p5 $0x0  }
0xe: {  	p3 =	sgt.u32 s12, $0x4;
	s0 =	simm.s32 @p5 $0x1;
	p5 =	sgt.u32 s12, $0x8  }
0xf: {  	p4 =	sgt.u32 s12, $0x5;
	[smem:$0x7F7] =	sst s0;
	s0 =	simm.s32 @!p5 $0x0  }
0x10: {  	[dreg:$0x3] =	wrdreg s25;
	s0 =	simm.s32 @p5 $0x1;
	p5 =	sgt.u32 s12, $0x9  }
0x11: {  	s3 =	smax.u32 s1, $0x80;
	[smem:$0x7F8] =	sst s0;
	s0 =	simm.s32 @!p5 $0x0  }
0x12: {  	[dreg:$0x4] =	wrdreg s26;
	s0 =	simm.s32 @p5 $0x1;
	p5 =	sgt.u32 s12, $0xA  }
0x13: {  	s25 =	simm.s32 $0x2080;
	[smem:$0x7F9] =	sst s0;
	s0 =	simm.s32 @!p5 $0x0  }
0x14: {  	s26 =	simm.s32 $0x2;
	s0 =	simm.s32 @p5 $0x1;
	p5 =	sgt.u32 s12, $0xB  }
0x15: {  	s3 =	smin.u32 s3, $0x700;
	[smem:$0x7FA] =	sst s0;
	s0 =	simm.s32 @!p5 $0x0  }
0x16: {  	s6 =	sadd.s32 $0xFFFFFF80, s3;
	s0 =	simm.s32 @p5 $0x1;
	p5 =	sgt.u32 s12, $0xC  }
.Ltmp0:
0x17: {  	v0 =	vmov s5;
	[smem:$0x7FB] =	sst s0;
	s0 =	simm.s32 @!p5 $0x0;
	(pc) =	sbr.rel .LBB2_1-.Ltmp0, $4  }
0x18: {  	s3 =	simm.s32 $0x7A00;
	v0 =	vsub.s32 $0x0, v0;
	s0 =	simm.s32 @p5 $0x1;
	p5 =	sgt.u32 s12, $0xD  }
0x19: {  	s28 =	smax.u32 s2, $0x1;
	v0 =	vbroadcast v0, $0x0;
	[smem:$0x7FC] =	sst s0;
	s0 =	simm.s32 @!p5 $0x0  }
0x1a: {  	v1 =	vlaneseq.u32;
	s7 =	sadd.s32 s10, s6;
	[dreg:$0x5] =	wrdreg s28;
	s0 =	simm.s32 @p5 $0x1  }
0x1b: {  	s10 =	sadd.s32 $0x780, s10;
	s2 =	simm.s32 $0x0;
	v0 =	vor.u32 v1, v0;
	v1 =	vor.u32 $0x80, v1;
	[smem:$0x7FD] =	sst s0  }
.LBB2_65:
0x1c: {  	_ =	swait.ge [sflag:s26], $0x1000  }
0x1d: {  	[sflag:s26] =	ssyncset.done $0x0  }
0x1e: {  	[sflag:s26] =	ssyncadd.s32 $0xFFFFF000  }
0x1f: {  	_ =	swait.ge [sflag:s26], $0x1000  }
0x20: {  	[sflag:s26] =	ssyncset.done $0x0  }
0x21: {  	[sflag:s26] =	ssyncadd.s32 $0xFFFFF000  }
0x22: {  	_ =	swait.ge [sflag:s26], $0x1000  }
0x23: {  	[sflag:s26] =	ssyncset.done $0x0  }
0x24: {  	[sflag:s26] =	ssyncadd.s32 $0xFFFFF000  }
0x25: {  	_ =	swait.ge [sflag:s26], $0x1000  }
0x26: {  	[sflag:s26] =	ssyncset.done $0x0  }
0x27: {  	[sflag:s26] =	ssyncadd.s32 $0xFFFFF000  }
0x28: {  	_ =	swait.ge [sflag:s26], $0x1000  }
0x29: {  	[sflag:s26] =	ssyncset.done $0x0  }
0x2a: {  	[sflag:s26] =	ssyncadd.s32 $0xFFFFF000  }
0x2b: {  	_ =	swait.ge [sflag:s26], $0x1000  }
0x2c: {  	[sflag:s26] =	ssyncset.done $0x0  }
0x2d: {  	[sflag:s26] =	ssyncadd.s32 $0xFFFFF000  }
0x2e: {  	_ =	swait.ge [sflag:s26], $0x1000  }
0x2f: {  	[sflag:s26] =	ssyncset.done $0x0  }
0x30: {  	[sflag:s26] =	ssyncadd.s32 $0xFFFFF000  }
0x31: {  	_ =	swait.ge [sflag:s26], $0x1000  }
0x32: {  	[sflag:s26] =	ssyncset.done $0x0  }
0x33: {  	[sflag:s26] =	ssyncadd.s32 $0xFFFFF000  }
0x34: {  	_ =	swait.ge [sflag:s26], $0x1000  }
0x35: {  	[sflag:s26] =	ssyncset.done $0x0  }
0x36: {  	[sflag:s26] =	ssyncadd.s32 $0xFFFFF000  }
0x37: {  	_ =	swait.ge [sflag:s26], $0x1000  }
0x38: {  	[sflag:s26] =	ssyncset.done $0x0  }
0x39: {  	[sflag:s26] =	ssyncadd.s32 $0xFFFFF000  }
0x3a: {  	_ =	swait.ge [sflag:s26], $0x1000  }
0x3b: {  	[sflag:s26] =	ssyncset.done $0x0  }
0x3c: {  	[sflag:s26] =	ssyncadd.s32 $0xFFFFF000  }
0x3d: {  	_ =	swait.ge [sflag:s26], $0x1000  }
0x3e: {  	[sflag:s26] =	ssyncset.done $0x0  }
0x3f: {  	[sflag:s26] =	ssyncadd.s32 $0xFFFFF000  }
0x40: {  	_ =	swait.ge [sflag:s26], $0x1000  }
0x41: {  	[sflag:s26] =	ssyncset.done $0x0  }
0x42: {  	[sflag:s26] =	ssyncadd.s32 $0xFFFFF000  }
0x43: {  	_ =	swait.ge [sflag:s26], $0x1000  }
0x44: {  	[sflag:s26] =	ssyncset.done $0x0  }
0x45: {  	[sflag:s26] =	ssyncadd.s32 $0xFFFFF000  }
0x46: {  	_ =	swait.ge [sflag:s26], $0x1000  }
0x47: {  	[sflag:s26] =	ssyncset.done $0x0  }
0x48: {  	[sflag:s26] =	ssyncadd.s32 $0xFFFFF000  }
0x49: {  	_ =	swait.ge [sflag:s26], $0x1000  }
0x4a: {  	[sflag:s26] =	ssyncset.done $0x0  }
0x4b: {  	[sflag:s26] =	ssyncadd.s32 $0xFFFFF000  }
0x4c: {  	_ =	swait.ge [sflag:s26], $0x1000  }
0x4d: {  	[sflag:s26] =	ssyncset.done $0x0  }
0x4e: {  	[sflag:s26] =	ssyncadd.s32 $0xFFFFF000  }
0x4f: {  	_ =	swait.ge [sflag:s26], $0x1000  }
0x50: {  	[sflag:s26] =	ssyncset.done $0x0  }
0x51: {  	[sflag:s26] =	ssyncadd.s32 $0xFFFFF000  }
0x52: {  	_ =	swait.ge [sflag:s26], $0x1000  }
0x53: {  	[sflag:s26] =	ssyncset.done $0x0  }
0x54: {  	[sflag:s26] =	ssyncadd.s32 $0xFFFFF000  }
0x55: {  	_ =	swait.ge [sflag:s26], $0x1000  }
0x56: {  	[sflag:s26] =	ssyncset.done $0x0  }
0x57: {  	[sflag:s26] =	ssyncadd.s32 $0xFFFFF000  }
0x58: {  	_ =	swait.ge [sflag:s26], $0x1000  }
0x59: {  	[sflag:s26] =	ssyncset.done $0x0  }
0x5a: {  	[sflag:s26] =	ssyncadd.s32 $0xFFFFF000  }
0x5b: {  	_ =	swait.ge [sflag:s26], $0x1000  }
0x5c: {  	[sflag:s26] =	ssyncset.done $0x0  }
0x5d: {  	[sflag:s26] =	ssyncadd.s32 $0xFFFFF000  }
0x5e: {  	_ =	swait.ge [sflag:s26], $0x1000  }
0x5f: {  	[sflag:s26] =	ssyncset.done $0x0  }
0x60: {  	[sflag:s26] =	ssyncadd.s32 $0xFFFFF000  }
0x61: {  	_ =	swait.ge [sflag:s26], $0x1000  }
0x62: {  	[sflag:s26] =	ssyncset.done $0x0  }
0x63: {  	[sflag:s26] =	ssyncadd.s32 $0xFFFFF000  }
0x64: {  	_ =	swait.ge [sflag:s26], $0x1000  }
0x65: {  	[sflag:s26] =	ssyncset.done $0x0  }
0x66: {  	[sflag:s26] =	ssyncadd.s32 $0xFFFFF000  }
0x67: {  	_ =	swait.ge [sflag:s26], $0x1000  }
0x68: {  	[sflag:s26] =	ssyncset.done $0x0  }
0x69: {  	s1 =	simm.s32 $0x1;
	[sflag:s26] =	ssyncadd.s32 $0xFFFFF000  }
0x6a: {  	_ =	swait.ge [sflag:s1], $0x3000  }
0x6b: {  	[sflag:s1] =	ssyncset.done $0x0  }
0x6c: {  	[sflag:s1] =	ssyncadd.s32 $0xFFFFD000  }
0x6d: {  	_ =	swait.ge [sflag:s1], $0x3000  }
0x6e: {  	s2 =	rddreg [dreg:$0x6]  }
0x6f: {  	s0 =	rddreg [dreg:$0x5];
	s2 =	sadd.s32 $0x1, s2  }
0x70: {  	p5 =	sne.s32 s2, s0  }
.Ltmp1:
0x71: {  	_ = 	snop;
	(pc) =	sbr.rel @!p5 .LBB2_66-.Ltmp1, $3  }
0x72: {  	_ =	sdelay $0x1  }
0x73: {  	[sflag:s1] =	ssyncset.done $0x0  }
0x74: {  	[sflag:s1] =	ssyncadd.s32 $0xFFFFD000  }
.LBB2_1:
0x75: {  	[dreg:$0x6] =	wrdreg s2  }
0x76: {  	s0 =	rddreg [dreg:$0x0];
	s28 =	simm.s32 $0x3  }
0x77: {  	[tilespmem:s4], [sflag:$0x3] =	stream.linear.gather [hbm4b:s0+s4], $0x2080, $0x38;
	[tilespmem:$0x1A200] =	vst v63  }
0x78: {  	_ =	swait.ge [sflag:s28], $0x2080  }
0x79: {  	[sflag:s28] =	ssyncset.done $0x0  }
0x7a: {  	s0 =	simm.s32 $0x10;
	[sflag:s28] =	ssyncadd.s32 $0xFFFFDF80  }
0x7b: {  	s2 =	simm.s32 $0x84;
	s1 =	simm.s32 $0x0;
	v2 =	vld [tilespmem:s0+$0xFFFFFFF0]  }
.LBB2_2:
0x7c: {  	p5 =	sne.s32 s2, $0x8400;
	_ =	sdelay $0x2  }
0x7d: {  	s12 =	sshra.s32 s1, $0x2;
	s1 =	smov.u32 s2  }
0x7e: {  	[tilespmem:s12+$0x2080] =	vst v2  }
0x7f: {  	v2 =	vld [tilespmem:s0+$0x0];
	_ =	sdelay $0x1  }
.Ltmp2:
0x80: {  	(pc) =	sbr.rel @p5 .LBB2_2-.Ltmp2, $3  }
0x81: {  	_ =	sdelay $0x1  }
0x82: {  	s0 =	sadd.s32 $0x20, s0;
	[tilespmem:s12+$0x2090] =	vst v2  }
0x83: {  	s2 =	sadd.s32 $0x84, s2;
	v2 =	vld [tilespmem:s0+$0xFFFFFFF0]  }
0x84: {  	s28 =	simm.s32 $0x0  }
0x85: {  	v3 =	vadd.s32 s28, v0  }
0x86: {  	vm0 =	vgt.s32 v3, $0xFFFFFF80  }
0x87: {  	v3 =	vnsel vm0, $0xFFFFFF80, v3  }
0x88: {  	vm0 =	vlt.s32 v3, $0x80  }
0x89: {  	s1 =	sshra.s32 s1, $0x2;
	v3 =	vnsel vm0, $0x80, v3  }
0x8a: {  	[tilespmem:s1+$0x2080] =	vst v2;
	v2 =	vmul.u32 $0x21, v3  }
0x8b: {  	v3 =	vld [tilespmem:s0+$0x0]  }
0x8c: {  	v4 =	vadd.s32 $0x1080, v2;
	_ =	sdelay $0x3  }
0x8d: {  	[tilespmem:s1+$0x2090] =	vst v3  }
0x8e: {  	v3 =	vld.idx.msk [tilespmem:v4+s25+$0x0], $0xffff  }
0x8f: {  	v4 =	vadd.s32 $0x1081, v2;
	_ =	sdelay $0x1  }
0x90: {  	s22 =	sand.u32 $0x70, s28;
	s23 =	sand.u32 $0x3C00, s28  }
0x91: {  	s0 =	sor.u32 s22, s23  }
0x92: {  	[tilespmem:s0+$0x4200] =	vst v3  }
0x93: {  	v3 =	vld.idx.msk [tilespmem:v4+s25+$0x0], $0xffff  }
0x94: {  	v4 =	vadd.s32 $0x1082, v2;
	_ =	sdelay $0x3  }
0x95: {  	[tilespmem:s0+$0x4280] =	vst v3  }
0x96: {  	v3 =	vld.idx.msk [tilespmem:v4+s25+$0x0], $0xffff  }
0x97: {  	v4 =	vadd.s32 $0x1083, v2;
	_ =	sdelay $0x3  }
0x98: {  	[tilespmem:s0+$0x4300] =	vst v3  }
0x99: {  	v3 =	vld.idx.msk [tilespmem:v4+s25+$0x0], $0xffff  }
0x9a: {  	v4 =	vadd.s32 $0x1084, v2;
	_ =	sdelay $0x3  }
0x9b: {  	[tilespmem:s0+$0x4380] =	vst v3  }
0x9c: {  	v3 =	vld.idx.msk [tilespmem:v4+s25+$0x0], $0xffff  }
0x9d: {  	v4 =	vadd.s32 $0x1085, v2;
	_ =	sdelay $0x3  }
0x9e: {  	[tilespmem:s0+$0x4400] =	vst v3  }
0x9f: {  	v3 =	vld.idx.msk [tilespmem:v4+s25+$0x0], $0xffff  }
0xa0: {  	v4 =	vadd.s32 $0x1086, v2;
	_ =	sdelay $0x3  }
0xa1: {  	[tilespmem:s0+$0x4480] =	vst v3  }
0xa2: {  	v3 =	vld.idx.msk [tilespmem:v4+s25+$0x0], $0xffff  }
0xa3: {  	v4 =	vadd.s32 $0x1087, v2;
	_ =	sdelay $0x3  }
0xa4: {  	[tilespmem:s0+$0x4500] =	vst v3  }
0xa5: {  	v3 =	vld.idx.msk [tilespmem:v4+s25+$0x0], $0xffff  }
0xa6: {  	s24 =	sand.u32 $0x7, s28;
	v4 =	vadd.s32 $0x1088, v2  }
0xa7: {  	s1 =	sshll.u32 s24, $0x4  }
0xa8: {  	s1 =	sadd.s32 $0x0, s1  }
0xa9: {  	s1 =	sor.u32 $0x380, s1  }
0xaa: {  	[tilespmem:s1+$0x4200] =	vst v3  }
0xab: {  	v3 =	vld.idx.msk [tilespmem:v4+s25+$0x0], $0xffff  }
0xac: {  	v4 =	vadd.s32 $0x1089, v2;
	_ =	sdelay $0x3  }
0xad: {  	[tilespmem:s0+$0x8200] =	vst v3  }
0xae: {  	v3 =	vld.idx.msk [tilespmem:v4+s25+$0x0], $0xffff  }
0xaf: {  	v4 =	vadd.s32 $0x108A, v2;
	_ =	sdelay $0x3  }
0xb0: {  	[tilespmem:s0+$0x8280] =	vst v3  }
0xb1: {  	v3 =	vld.idx.msk [tilespmem:v4+s25+$0x0], $0xffff  }
0xb2: {  	v4 =	vadd.s32 $0x108B, v2;
	_ =	sdelay $0x3  }
0xb3: {  	[tilespmem:s0+$0x8300] =	vst v3  }
0xb4: {  	v3 =	vld.idx.msk [tilespmem:v4+s25+$0x0], $0xffff  }
0xb5: {  	v4 =	vadd.s32 $0x108C, v2;
	_ =	sdelay $0x3  }
0xb6: {  	[tilespmem:s0+$0x8380] =	vst v3  }
0xb7: {  	v3 =	vld.idx.msk [tilespmem:v4+s25+$0x0], $0xffff  }
0xb8: {  	v4 =	vadd.s32 $0x108D, v2;
	_ =	sdelay $0x3  }
0xb9: {  	[tilespmem:s0+$0x8400] =	vst v3  }
0xba: {  	v3 =	vld.idx.msk [tilespmem:v4+s25+$0x0], $0xffff  }
0xbb: {  	v4 =	vadd.s32 $0x108E, v2;
	_ =	sdelay $0x3  }
0xbc: {  	[tilespmem:s0+$0x8480] =	vst v3  }
0xbd: {  	v3 =	vld.idx.msk [tilespmem:v4+s25+$0x0], $0xffff  }
0xbe: {  	v4 =	vadd.s32 $0x108F, v2;
	_ =	sdelay $0x3  }
0xbf: {  	[tilespmem:s0+$0x8500] =	vst v3  }
0xc0: {  	v3 =	vld.idx.msk [tilespmem:v4+s25+$0x0], $0xffff  }
0xc1: {  	v4 =	vadd.s32 $0x1090, v2;
	_ =	sdelay $0x3  }
0xc2: {  	[tilespmem:s0+$0x8580] =	vst v3  }
0xc3: {  	v3 =	vld.idx.msk [tilespmem:v4+s25+$0x0], $0xffff  }
0xc4: {  	v4 =	vadd.s32 $0x1091, v2;
	_ =	sdelay $0x3  }
0xc5: {  	[tilespmem:s0+$0xC200] =	vst v3  }
0xc6: {  	v3 =	vld.idx.msk [tilespmem:v4+s25+$0x0], $0xffff  }
0xc7: {  	v4 =	vadd.s32 $0x1092, v2;
	_ =	sdelay $0x3  }
0xc8: {  	[tilespmem:s0+$0xC280] =	vst v3  }
0xc9: {  	v3 =	vld.idx.msk [tilespmem:v4+s25+$0x0], $0xffff  }
0xca: {  	v4 =	vadd.s32 $0x1093, v2;
	_ =	sdelay $0x3  }
0xcb: {  	[tilespmem:s0+$0xC300] =	vst v3  }
0xcc: {  	v3 =	vld.idx.msk [tilespmem:v4+s25+$0x0], $0xffff  }
0xcd: {  	v4 =	vadd.s32 $0x1094, v2;
	_ =	sdelay $0x3  }
0xce: {  	[tilespmem:s0+$0xC380] =	vst v3  }
0xcf: {  	v3 =	vld.idx.msk [tilespmem:v4+s25+$0x0], $0xffff  }
0xd0: {  	v4 =	vadd.s32 $0x1095, v2;
	_ =	sdelay $0x3  }
0xd1: {  	[tilespmem:s0+$0xC400] =	vst v3  }
0xd2: {  	v3 =	vld.idx.msk [tilespmem:v4+s25+$0x0], $0xffff  }
0xd3: {  	v4 =	vadd.s32 $0x1096, v2;
	_ =	sdelay $0x3  }
0xd4: {  	[tilespmem:s0+$0xC480] =	vst v3  }
0xd5: {  	v3 =	vld.idx.msk [tilespmem:v4+s25+$0x0], $0xffff  }
0xd6: {  	v4 =	vadd.s32 $0x1097, v2;
	_ =	sdelay $0x3  }
0xd7: {  	[tilespmem:s0+$0xC500] =	vst v3  }
0xd8: {  	v3 =	vld.idx.msk [tilespmem:v4+s25+$0x0], $0xffff  }
0xd9: {  	v4 =	vadd.s32 $0x1098, v2;
	_ =	sdelay $0x3  }
0xda: {  	[tilespmem:s0+$0xC580] =	vst v3  }
0xdb: {  	v3 =	vld.idx.msk [tilespmem:v4+s25+$0x0], $0xffff  }
0xdc: {  	v4 =	vadd.s32 $0x1099, v2;
	_ =	sdelay $0x3  }
0xdd: {  	[tilespmem:s0+$0x10200] =	vst v3  }
0xde: {  	v3 =	vld.idx.msk [tilespmem:v4+s25+$0x0], $0xffff  }
0xdf: {  	v4 =	vadd.s32 $0x109A, v2;
	_ =	sdelay $0x3  }
0xe0: {  	[tilespmem:s0+$0x10280] =	vst v3  }
0xe1: {  	v3 =	vld.idx.msk [tilespmem:v4+s25+$0x0], $0xffff  }
0xe2: {  	v4 =	vadd.s32 $0x109B, v2;
	_ =	sdelay $0x3  }
0xe3: {  	[tilespmem:s0+$0x10300] =	vst v3  }
0xe4: {  	v3 =	vld.idx.msk [tilespmem:v4+s25+$0x0], $0xffff  }
0xe5: {  	v4 =	vadd.s32 $0x109C, v2;
	_ =	sdelay $0x3  }
0xe6: {  	[tilespmem:s0+$0x10380] =	vst v3  }
0xe7: {  	v3 =	vld.idx.msk [tilespmem:v4+s25+$0x0], $0xffff  }
0xe8: {  	v4 =	vadd.s32 $0x109D, v2;
	_ =	sdelay $0x3  }
0xe9: {  	[tilespmem:s0+$0x10400] =	vst v3  }
0xea: {  	v3 =	vld.idx.msk [tilespmem:v4+s25+$0x0], $0xffff  }
0xeb: {  	v4 =	vadd.s32 $0x109E, v2;
	_ =	sdelay $0x3  }
0xec: {  	[tilespmem:s0+$0x10480] =	vst v3  }
0xed: {  	s2 =	simm.s32 $0x10;
	v3 =	vld.idx.msk [tilespmem:v4+s25+$0x0], $0xffff  }
0xee: {  	v5 =	vadd.s32 s2, v0;
	s23 =	simm.s32 $0x0;
	s24 =	simm.s32 $0x20;
	s1 =	simm.s32 $0x0;
	v4 =	vadd.s32 $0x109F, v2  }
.LBB2_4:
0xef: {  	p6 =	sne.s32 s24, $0x7F0;
	vm0 =	vgt.s32 v5, $0xFFFFFF80  }
0xf0: {  	v2 =	vnsel vm0, $0xFFFFFF80, v5  }
0xf1: {  	vm0 =	vlt.s32 v2, $0x80  }
0xf2: {  	v2 =	vnsel vm0, $0x80, v2;
	[tilespmem:s0+$0x10500] =	vst v3  }
0xf3: {  	v2 =	vmul.u32 $0x21, v2;
	v3 =	vld.idx.msk [tilespmem:v4+s25+$0x0], $0xffff;
	_ =	sdelay $0x1  }
0xf4: {  	v4 =	vadd.s32 $0x1080, v2;
	_ =	sdelay $0x3  }
0xf5: {  	[tilespmem:s0+$0x10580] =	vst v3  }
0xf6: {  	v3 =	vld.idx.msk [tilespmem:v4+s25+$0x0], $0xffff;
	_ =	sdelay $0x1  }
0xf7: {  	v4 =	vadd.s32 $0x1081, v2  }
0xf8: {  	s23 =	sadd.s32 $0x80, s23  }
0xf9: {  	s12 =	sand.u32 $0x3C00, s23;
	s0 =	sand.u32 $0x70, s2;
	s2 =	smov.u32 s24  }
0xfa: {  	s0 =	sor.u32 s0, s12  }
0xfb: {  	[tilespmem:s0+$0x4200] =	vst v3  }
0xfc: {  	v3 =	vld.idx.msk [tilespmem:v4+s25+$0x0], $0xffff;
	_ =	sdelay $0x1  }
0xfd: {  	v4 =	vadd.s32 $0x1082, v2;
	_ =	sdelay $0x3  }
0xfe: {  	[tilespmem:s0+$0x4280] =	vst v3  }
0xff: {  	v3 =	vld.idx.msk [tilespmem:v4+s25+$0x0], $0xffff;
	_ =	sdelay $0x1  }
0x100: {  	v4 =	vadd.s32 $0x1083, v2;
	_ =	sdelay $0x3  }
0x101: {  	[tilespmem:s0+$0x4300] =	vst v3  }
0x102: {  	v3 =	vld.idx.msk [tilespmem:v4+s25+$0x0], $0xffff;
	_ =	sdelay $0x1  }
0x103: {  	v4 =	vadd.s32 $0x1084, v2;
	_ =	sdelay $0x3  }
0x104: {  	[tilespmem:s0+$0x4380] =	vst v3  }
0x105: {  	v3 =	vld.idx.msk [tilespmem:v4+s25+$0x0], $0xffff;
	_ =	sdelay $0x1  }
0x106: {  	v4 =	vadd.s32 $0x1085, v2;
	_ =	sdelay $0x3  }
0x107: {  	[tilespmem:s0+$0x4400] =	vst v3  }
0x108: {  	v3 =	vld.idx.msk [tilespmem:v4+s25+$0x0], $0xffff;
	_ =	sdelay $0x1  }
0x109: {  	v4 =	vadd.s32 $0x1086, v2;
	_ =	sdelay $0x3  }
0x10a: {  	[tilespmem:s0+$0x4480] =	vst v3  }
0x10b: {  	v3 =	vld.idx.msk [tilespmem:v4+s25+$0x0], $0xffff;
	_ =	sdelay $0x1  }
0x10c: {  	v4 =	vadd.s32 $0x1087, v2;
	_ =	sdelay $0x3  }
0x10d: {  	[tilespmem:s0+$0x4500] =	vst v3  }
0x10e: {  	v3 =	vld.idx.msk [tilespmem:v4+s25+$0x0], $0xffff  }
0x10f: {  	s1 =	sadd.s32 $0x1, s1  }
0x110: {  	s12 =	sand.u32 $0x7, s1;
	v4 =	vadd.s32 $0x1088, v2  }
0x111: {  	s12 =	sshll.u32 s12, $0x4  }
0x112: {  	s12 =	sadd.s32 s12, s23  }
0x113: {  	s12 =	sor.u32 $0x380, s12  }
0x114: {  	[tilespmem:s12+$0x4200] =	vst v3  }
0x115: {  	v3 =	vld.idx.msk [tilespmem:v4+s25+$0x0], $0xffff;
	_ =	sdelay $0x1  }
0x116: {  	v4 =	vadd.s32 $0x1089, v2;
	_ =	sdelay $0x3  }
0x117: {  	[tilespmem:s0+$0x8200] =	vst v3  }
0x118: {  	v3 =	vld.idx.msk [tilespmem:v4+s25+$0x0], $0xffff;
	_ =	sdelay $0x1  }
0x119: {  	v4 =	vadd.s32 $0x108A, v2;
	_ =	sdelay $0x3  }
0x11a: {  	[tilespmem:s0+$0x8280] =	vst v3  }
0x11b: {  	v3 =	vld.idx.msk [tilespmem:v4+s25+$0x0], $0xffff;
	_ =	sdelay $0x1  }
0x11c: {  	v4 =	vadd.s32 $0x108B, v2;
	_ =	sdelay $0x3  }
0x11d: {  	[tilespmem:s0+$0x8300] =	vst v3  }
0x11e: {  	v3 =	vld.idx.msk [tilespmem:v4+s25+$0x0], $0xffff;
	_ =	sdelay $0x1  }
0x11f: {  	v4 =	vadd.s32 $0x108C, v2;
	_ =	sdelay $0x3  }
0x120: {  	[tilespmem:s0+$0x8380] =	vst v3  }
0x121: {  	v3 =	vld.idx.msk [tilespmem:v4+s25+$0x0], $0xffff;
	_ =	sdelay $0x1  }
0x122: {  	v4 =	vadd.s32 $0x108D, v2;
	_ =	sdelay $0x3  }
0x123: {  	[tilespmem:s0+$0x8400] =	vst v3  }
0x124: {  	v3 =	vld.idx.msk [tilespmem:v4+s25+$0x0], $0xffff;
	_ =	sdelay $0x1  }
0x125: {  	v4 =	vadd.s32 $0x108E, v2;
	_ =	sdelay $0x3  }
0x126: {  	[tilespmem:s0+$0x8480] =	vst v3  }
0x127: {  	v3 =	vld.idx.msk [tilespmem:v4+s25+$0x0], $0xffff;
	_ =	sdelay $0x1  }
0x128: {  	v4 =	vadd.s32 $0x108F, v2;
	_ =	sdelay $0x3  }
0x129: {  	[tilespmem:s0+$0x8500] =	vst v3  }
0x12a: {  	v3 =	vld.idx.msk [tilespmem:v4+s25+$0x0], $0xffff;
	_ =	sdelay $0x1  }
0x12b: {  	v4 =	vadd.s32 $0x1090, v2;
	_ =	sdelay $0x3  }
0x12c: {  	[tilespmem:s0+$0x8580] =	vst v3  }
0x12d: {  	v3 =	vld.idx.msk [tilespmem:v4+s25+$0x0], $0xffff;
	_ =	sdelay $0x1  }
0x12e: {  	v4 =	vadd.s32 $0x1091, v2;
	_ =	sdelay $0x3  }
0x12f: {  	[tilespmem:s0+$0xC200] =	vst v3  }
0x130: {  	v3 =	vld.idx.msk [tilespmem:v4+s25+$0x0], $0xffff;
	_ =	sdelay $0x1  }
0x131: {  	v4 =	vadd.s32 $0x1092, v2;
	_ =	sdelay $0x3  }
0x132: {  	[tilespmem:s0+$0xC280] =	vst v3  }
0x133: {  	v3 =	vld.idx.msk [tilespmem:v4+s25+$0x0], $0xffff;
	_ =	sdelay $0x1  }
0x134: {  	v4 =	vadd.s32 $0x1093, v2;
	_ =	sdelay $0x3  }
0x135: {  	[tilespmem:s0+$0xC300] =	vst v3  }
0x136: {  	v3 =	vld.idx.msk [tilespmem:v4+s25+$0x0], $0xffff;
	_ =	sdelay $0x1  }
0x137: {  	v4 =	vadd.s32 $0x1094, v2;
	_ =	sdelay $0x3  }
0x138: {  	[tilespmem:s0+$0xC380] =	vst v3  }
0x139: {  	v3 =	vld.idx.msk [tilespmem:v4+s25+$0x0], $0xffff;
	_ =	sdelay $0x1  }
0x13a: {  	v4 =	vadd.s32 $0x1095, v2;
	_ =	sdelay $0x3  }
0x13b: {  	[tilespmem:s0+$0xC400] =	vst v3  }
0x13c: {  	v3 =	vld.idx.msk [tilespmem:v4+s25+$0x0], $0xffff;
	_ =	sdelay $0x1  }
0x13d: {  	v4 =	vadd.s32 $0x1096, v2;
	_ =	sdelay $0x3  }
0x13e: {  	[tilespmem:s0+$0xC480] =	vst v3  }
0x13f: {  	v3 =	vld.idx.msk [tilespmem:v4+s25+$0x0], $0xffff;
	_ =	sdelay $0x1  }
0x140: {  	v4 =	vadd.s32 $0x1097, v2;
	_ =	sdelay $0x3  }
0x141: {  	[tilespmem:s0+$0xC500] =	vst v3  }
0x142: {  	v3 =	vld.idx.msk [tilespmem:v4+s25+$0x0], $0xffff;
	_ =	sdelay $0x1  }
0x143: {  	v4 =	vadd.s32 $0x1098, v2;
	_ =	sdelay $0x3  }
0x144: {  	[tilespmem:s0+$0xC580] =	vst v3  }
0x145: {  	v3 =	vld.idx.msk [tilespmem:v4+s25+$0x0], $0xffff;
	_ =	sdelay $0x1  }
0x146: {  	v4 =	vadd.s32 $0x1099, v2;
	_ =	sdelay $0x3  }
0x147: {  	[tilespmem:s0+$0x10200] =	vst v3  }
0x148: {  	v3 =	vld.idx.msk [tilespmem:v4+s25+$0x0], $0xffff;
	_ =	sdelay $0x1  }
0x149: {  	v4 =	vadd.s32 $0x109A, v2;
	_ =	sdelay $0x3  }
0x14a: {  	[tilespmem:s0+$0x10280] =	vst v3  }
0x14b: {  	v3 =	vld.idx.msk [tilespmem:v4+s25+$0x0], $0xffff;
	_ =	sdelay $0x1  }
0x14c: {  	v4 =	vadd.s32 $0x109B, v2;
	_ =	sdelay $0x3  }
0x14d: {  	[tilespmem:s0+$0x10300] =	vst v3  }
0x14e: {  	v3 =	vld.idx.msk [tilespmem:v4+s25+$0x0], $0xffff;
	_ =	sdelay $0x1  }
0x14f: {  	v4 =	vadd.s32 $0x109C, v2;
	_ =	sdelay $0x3  }
0x150: {  	[tilespmem:s0+$0x10380] =	vst v3  }
0x151: {  	v3 =	vld.idx.msk [tilespmem:v4+s25+$0x0], $0xffff;
	_ =	sdelay $0x1  }
0x152: {  	v4 =	vadd.s32 $0x109D, v2;
	_ =	sdelay $0x3  }
0x153: {  	[tilespmem:s0+$0x10400] =	vst v3  }
0x154: {  	v3 =	vld.idx.msk [tilespmem:v4+s25+$0x0], $0xffff;
	_ =	sdelay $0x1  }
0x155: {  	v4 =	vadd.s32 $0x109E, v2;
	_ =	sdelay $0x2  }
.Ltmp3:
0x156: {  	(pc) =	sbr.rel @p6 .LBB2_4-.Ltmp3, $3  }
0x157: {  	[tilespmem:s0+$0x10480] =	vst v3  }
0x158: {  	v3 =	vld.idx.msk [tilespmem:v4+s25+$0x0], $0xffff;
	_ =	sdelay $0x1  }
0x159: {  	s24 =	sadd.s32 $0x10, s24;
	v5 =	vadd.s32 s2, v0;
	v4 =	vadd.s32 $0x109F, v2  }
0x15a: {  	vm0 =	vgt.s32 v5, $0xFFFFFF80  }
0x15b: {  	v2 =	vnsel vm0, $0xFFFFFF80, v5  }
0x15c: {  	vm0 =	vlt.s32 v2, $0x80  }
0x15d: {  	v2 =	vnsel vm0, $0x80, v2  }
0x15e: {  	[tilespmem:s0+$0x10500] =	vst v3;
	v2 =	vmul.u32 $0x21, v2  }
0x15f: {  	v3 =	vld.idx.msk [tilespmem:v4+s25+$0x0], $0xffff  }
0x160: {  	v33 =	vadd.s32 $0x1080, v2;
	_ =	sdelay $0x3  }
0x161: {  	[tilespmem:s0+$0x10580] =	vst v3  }
0x162: {  	v3 =	vld.idx.msk [tilespmem:v33+s25+$0x0], $0xffff  }
0x163: {  	v34 =	vadd.s32 $0x1081, v2  }
0x164: {  	s12 =	sadd.s32 $0x80, s23  }
0x165: {  	s23 =	sand.u32 $0x70, s2;
	s24 =	sand.u32 $0x3C00, s12  }
0x166: {  	s0 =	sor.u32 s23, s24  }
0x167: {  	[tilespmem:s0+$0x4200] =	vst v3  }
0x168: {  	v3 =	vld.idx.msk [tilespmem:v34+s25+$0x0], $0xffff  }
0x169: {  	v35 =	vadd.s32 $0x1082, v2;
	_ =	sdelay $0x3  }
0x16a: {  	[tilespmem:s0+$0x4280] =	vst v3  }
0x16b: {  	v3 =	vld.idx.msk [tilespmem:v35+s25+$0x0], $0xffff  }
0x16c: {  	v36 =	vadd.s32 $0x1083, v2;
	_ =	sdelay $0x3  }
0x16d: {  	[tilespmem:s0+$0x4300] =	vst v3  }
0x16e: {  	v3 =	vld.idx.msk [tilespmem:v36+s25+$0x0], $0xffff  }
0x16f: {  	v37 =	vadd.s32 $0x1084, v2;
	_ =	sdelay $0x3  }
0x170: {  	[tilespmem:s0+$0x4380] =	vst v3  }
0x171: {  	v3 =	vld.idx.msk [tilespmem:v37+s25+$0x0], $0xffff  }
0x172: {  	v38 =	vadd.s32 $0x1085, v2;
	_ =	sdelay $0x3  }
0x173: {  	[tilespmem:s0+$0x4400] =	vst v3  }
0x174: {  	v3 =	vld.idx.msk [tilespmem:v38+s25+$0x0], $0xffff  }
0x175: {  	v39 =	vadd.s32 $0x1086, v2;
	_ =	sdelay $0x3  }
0x176: {  	[tilespmem:s0+$0x4480] =	vst v3  }
0x177: {  	v3 =	vld.idx.msk [tilespmem:v39+s25+$0x0], $0xffff  }
0x178: {  	v40 =	vadd.s32 $0x1087, v2;
	_ =	sdelay $0x3  }
0x179: {  	[tilespmem:s0+$0x4500] =	vst v3  }
0x17a: {  	s1 =	sadd.s32 $0x1, s1;
	v3 =	vld.idx.msk [tilespmem:v40+s25+$0x0], $0xffff  }
0x17b: {  	s1 =	sand.u32 $0x7, s1;
	v41 =	vadd.s32 $0x1088, v2  }
0x17c: {  	s1 =	sshll.u32 s1, $0x4  }
0x17d: {  	s1 =	sadd.s32 s1, s12  }
0x17e: {  	s1 =	sor.u32 $0x380, s1  }
0x17f: {  	[tilespmem:s1+$0x4200] =	vst v3  }
0x180: {  	v3 =	vld.idx.msk [tilespmem:v41+s25+$0x0], $0xffff  }
0x181: {  	v42 =	vadd.s32 $0x1089, v2;
	_ =	sdelay $0x3  }
0x182: {  	[tilespmem:s0+$0x8200] =	vst v3  }
0x183: {  	v3 =	vld.idx.msk [tilespmem:v42+s25+$0x0], $0xffff  }
0x184: {  	v43 =	vadd.s32 $0x108A, v2;
	_ =	sdelay $0x3  }
0x185: {  	[tilespmem:s0+$0x8280] =	vst v3  }
0x186: {  	v3 =	vld.idx.msk [tilespmem:v43+s25+$0x0], $0xffff  }
0x187: {  	v44 =	vadd.s32 $0x108B, v2;
	_ =	sdelay $0x3  }
0x188: {  	[tilespmem:s0+$0x8300] =	vst v3  }
0x189: {  	v3 =	vld.idx.msk [tilespmem:v44+s25+$0x0], $0xffff  }
0x18a: {  	v45 =	vadd.s32 $0x108C, v2;
	_ =	sdelay $0x3  }
0x18b: {  	[tilespmem:s0+$0x8380] =	vst v3  }
0x18c: {  	v3 =	vld.idx.msk [tilespmem:v45+s25+$0x0], $0xffff  }
0x18d: {  	v46 =	vadd.s32 $0x108D, v2;
	_ =	sdelay $0x3  }
0x18e: {  	[tilespmem:s0+$0x8400] =	vst v3  }
0x18f: {  	v3 =	vld.idx.msk [tilespmem:v46+s25+$0x0], $0xffff  }
0x190: {  	v47 =	vadd.s32 $0x108E, v2;
	_ =	sdelay $0x3  }
0x191: {  	[tilespmem:s0+$0x8480] =	vst v3  }
0x192: {  	v3 =	vld.idx.msk [tilespmem:v47+s25+$0x0], $0xffff  }
0x193: {  	v48 =	vadd.s32 $0x108F, v2;
	_ =	sdelay $0x3  }
0x194: {  	[tilespmem:s0+$0x8500] =	vst v3  }
0x195: {  	v3 =	vld.idx.msk [tilespmem:v48+s25+$0x0], $0xffff  }
0x196: {  	v49 =	vadd.s32 $0x1090, v2;
	_ =	sdelay $0x3  }
0x197: {  	[tilespmem:s0+$0x8580] =	vst v3  }
0x198: {  	v3 =	vld.idx.msk [tilespmem:v49+s25+$0x0], $0xffff  }
0x199: {  	v50 =	vadd.s32 $0x1091, v2;
	_ =	sdelay $0x3  }
0x19a: {  	[tilespmem:s0+$0xC200] =	vst v3  }
0x19b: {  	v3 =	vld.idx.msk [tilespmem:v50+s25+$0x0], $0xffff  }
0x19c: {  	v51 =	vadd.s32 $0x1092, v2;
	_ =	sdelay $0x3  }
0x19d: {  	[tilespmem:s0+$0xC280] =	vst v3  }
0x19e: {  	v3 =	vld.idx.msk [tilespmem:v51+s25+$0x0], $0xffff  }
0x19f: {  	v52 =	vadd.s32 $0x1093, v2;
	_ =	sdelay $0x3  }
0x1a0: {  	[tilespmem:s0+$0xC300] =	vst v3  }
0x1a1: {  	v3 =	vld.idx.msk [tilespmem:v52+s25+$0x0], $0xffff  }
0x1a2: {  	v53 =	vadd.s32 $0x1094, v2;
	_ =	sdelay $0x3  }
0x1a3: {  	[tilespmem:s0+$0xC380] =	vst v3  }
0x1a4: {  	v3 =	vld.idx.msk [tilespmem:v53+s25+$0x0], $0xffff  }
0x1a5: {  	v54 =	vadd.s32 $0x1095, v2;
	_ =	sdelay $0x3  }
0x1a6: {  	[tilespmem:s0+$0xC400] =	vst v3  }
0x1a7: {  	v3 =	vld.idx.msk [tilespmem:v54+s25+$0x0], $0xffff  }
0x1a8: {  	v55 =	vadd.s32 $0x1096, v2;
	_ =	sdelay $0x3  }
0x1a9: {  	[tilespmem:s0+$0xC480] =	vst v3  }
0x1aa: {  	v3 =	vld.idx.msk [tilespmem:v55+s25+$0x0], $0xffff  }
0x1ab: {  	v56 =	vadd.s32 $0x1097, v2;
	_ =	sdelay $0x3  }
0x1ac: {  	[tilespmem:s0+$0xC500] =	vst v3  }
0x1ad: {  	v3 =	vld.idx.msk [tilespmem:v56+s25+$0x0], $0xffff  }
0x1ae: {  	v57 =	vadd.s32 $0x1098, v2;
	_ =	sdelay $0x3  }
0x1af: {  	[tilespmem:s0+$0xC580] =	vst v3  }
0x1b0: {  	v3 =	vld.idx.msk [tilespmem:v57+s25+$0x0], $0xffff  }
0x1b1: {  	v58 =	vadd.s32 $0x1099, v2;
	_ =	sdelay $0x3  }
0x1b2: {  	[tilespmem:s0+$0x10200] =	vst v3  }
0x1b3: {  	v3 =	vld.idx.msk [tilespmem:v58+s25+$0x0], $0xffff  }
0x1b4: {  	v59 =	vadd.s32 $0x109A, v2;
	_ =	sdelay $0x3  }
0x1b5: {  	[tilespmem:s0+$0x10280] =	vst v3  }
0x1b6: {  	v3 =	vld.idx.msk [tilespmem:v59+s25+$0x0], $0xffff  }
0x1b7: {  	v60 =	vadd.s32 $0x109B, v2;
	_ =	sdelay $0x3  }
0x1b8: {  	[tilespmem:s0+$0x10300] =	vst v3  }
0x1b9: {  	v3 =	vld.idx.msk [tilespmem:v60+s25+$0x0], $0xffff  }
0x1ba: {  	v61 =	vadd.s32 $0x109C, v2;
	_ =	sdelay $0x3  }
0x1bb: {  	[tilespmem:s0+$0x10380] =	vst v3  }
0x1bc: {  	v3 =	vld.idx.msk [tilespmem:v61+s25+$0x0], $0xffff  }
0x1bd: {  	v62 =	vadd.s32 $0x109D, v2;
	_ =	sdelay $0x3  }
0x1be: {  	[tilespmem:s0+$0x10400] =	vst v3  }
0x1bf: {  	v3 =	vld.idx.msk [tilespmem:v62+s25+$0x0], $0xffff  }
0x1c0: {  	v63 =	vadd.s32 $0x109E, v2;
	_ =	sdelay $0x3  }
0x1c1: {  	[tilespmem:s0+$0x10480] =	vst v3  }
0x1c2: {  	v3 =	vld.idx.msk [tilespmem:v63+s25+$0x0], $0xffff  }
0x1c3: {  	v2 =	vadd.s32 $0x109F, v2;
	_ =	sdelay $0x3  }
0x1c4: {  	[tilespmem:s0+$0x10500] =	vst v3  }
0x1c5: {  	v2 =	vld.idx.msk [tilespmem:v2+s25+$0x0], $0xffff;
	_ =	sdelay $0x4  }
0x1c6: {  	[tilespmem:s0+$0x10580] =	vst v2  }
.LBB2_6:
0x1c7: {  	s0 =	sshll.u32 s28, $0x1  }
0x1c8: {  	s1 =	sadd.s32 $0x0, s6;
	s0 =	sor.u32 s5, s0  }
0x1c9: {  	s1 =	ssub.s32 s1, s0  }
0x1ca: {  	v2 =	vadd.s32 s1, v1  }
0x1cb: {  	vm0 =	vgt.s32 v2, $0x0  }
0x1cc: {  	v2 =	vnsel vm0, $0x0, v2  }
0x1cd: {  	v2 =	vmin.u32 v2, $0x100  }
0x1ce: {  	v2 =	vmul.u32 $0x21, v2  }
0x1cf: {  	p6 =	seq.s32 s28, $0x0  }
0x1d0: {  	s1 =	simm.s32 @!p6 $0x1  }
0x1d1: {  	_ =	swait.ge @!p6 [sflag:s1], $0x3000  }
0x1d2: {  	[sflag:s1] =	ssyncset.done @!p6 $0x0  }
0x1d3: {  	[sflag:s1] =	ssyncadd.s32 @!p6 $0xFFFFD000  }
0x1d4: {  	v3 =	vld.idx.msk [tilespmem:v2+s25+$0x0], $0xffff  }
0x1d5: {  	v4 =	vadd.s32 $0x1, v2  }
0x1d6: {  	s2 =	simm.s32 $0x0  }
0x1d7: {  	s23 =	sand.u32 $0x70, s2;
	s12 =	sand.u32 $0xC00, s2  }
0x1d8: {  	s1 =	sor.u32 s23, s12  }
0x1d9: {  	[tilespmem:s1+$0x14200] =	vst v3  }
0x1da: {  	v3 =	vld.idx.msk [tilespmem:v4+s25+$0x0], $0xffff  }
0x1db: {  	v4 =	vadd.s32 $0x2, v2;
	_ =	sdelay $0x3  }
0x1dc: {  	[tilespmem:s1+$0x14280] =	vst v3  }
0x1dd: {  	v3 =	vld.idx.msk [tilespmem:v4+s25+$0x0], $0xffff  }
0x1de: {  	v4 =	vadd.s32 $0x3, v2;
	_ =	sdelay $0x3  }
0x1df: {  	[tilespmem:s1+$0x14300] =	vst v3  }
0x1e0: {  	v3 =	vld.idx.msk [tilespmem:v4+s25+$0x0], $0xffff  }
0x1e1: {  	v4 =	vadd.s32 $0x4, v2;
	_ =	sdelay $0x3  }
0x1e2: {  	[tilespmem:s1+$0x14380] =	vst v3  }
0x1e3: {  	v3 =	vld.idx.msk [tilespmem:v4+s25+$0x0], $0xffff  }
0x1e4: {  	v4 =	vadd.s32 $0x5, v2;
	_ =	sdelay $0x3  }
0x1e5: {  	[tilespmem:s1+$0x14400] =	vst v3  }
0x1e6: {  	v3 =	vld.idx.msk [tilespmem:v4+s25+$0x0], $0xffff  }
0x1e7: {  	v4 =	vadd.s32 $0x6, v2;
	_ =	sdelay $0x3  }
0x1e8: {  	[tilespmem:s1+$0x14480] =	vst v3  }
0x1e9: {  	v3 =	vld.idx.msk [tilespmem:v4+s25+$0x0], $0xffff  }
0x1ea: {  	v4 =	vadd.s32 $0x7, v2;
	_ =	sdelay $0x3  }
0x1eb: {  	[tilespmem:s1+$0x14500] =	vst v3  }
0x1ec: {  	v3 =	vld.idx.msk [tilespmem:v4+s25+$0x0], $0xffff  }
0x1ed: {  	v4 =	vadd.s32 $0x8, v2;
	_ =	sdelay $0x1  }
0x1ee: {  	s24 =	sor.u32 s2, s2  }
0x1ef: {  	s12 =	sor.u32 $0x380, s24  }
0x1f0: {  	[tilespmem:s12+$0x14200] =	vst v3  }
0x1f1: {  	v3 =	vld.idx.msk [tilespmem:v4+s25+$0x0], $0xffff  }
0x1f2: {  	v4 =	vadd.s32 $0x9, v2;
	_ =	sdelay $0x3  }
0x1f3: {  	[tilespmem:s1+$0x14E00] =	vst v3  }
0x1f4: {  	v3 =	vld.idx.msk [tilespmem:v4+s25+$0x0], $0xffff  }
0x1f5: {  	v4 =	vadd.s32 $0xA, v2;
	_ =	sdelay $0x3  }
0x1f6: {  	[tilespmem:s1+$0x14E80] =	vst v3  }
0x1f7: {  	v3 =	vld.idx.msk [tilespmem:v4+s25+$0x0], $0xffff  }
0x1f8: {  	v4 =	vadd.s32 $0xB, v2;
	_ =	sdelay $0x3  }
0x1f9: {  	[tilespmem:s1+$0x14F00] =	vst v3  }
0x1fa: {  	v3 =	vld.idx.msk [tilespmem:v4+s25+$0x0], $0xffff  }
0x1fb: {  	v4 =	vadd.s32 $0xC, v2;
	_ =	sdelay $0x3  }
0x1fc: {  	[tilespmem:s1+$0x14F80] =	vst v3  }
0x1fd: {  	v3 =	vld.idx.msk [tilespmem:v4+s25+$0x0], $0xffff  }
0x1fe: {  	v4 =	vadd.s32 $0xD, v2;
	_ =	sdelay $0x3  }
0x1ff: {  	[tilespmem:s1+$0x15000] =	vst v3  }
0x200: {  	v3 =	vld.idx.msk [tilespmem:v4+s25+$0x0], $0xffff  }
0x201: {  	v4 =	vadd.s32 $0xE, v2;
	_ =	sdelay $0x3  }
0x202: {  	[tilespmem:s1+$0x15080] =	vst v3  }
0x203: {  	v3 =	vld.idx.msk [tilespmem:v4+s25+$0x0], $0xffff  }
0x204: {  	v4 =	vadd.s32 $0xF, v2;
	_ =	sdelay $0x3  }
0x205: {  	[tilespmem:s1+$0x15100] =	vst v3  }
0x206: {  	v3 =	vld.idx.msk [tilespmem:v4+s25+$0x0], $0xffff  }
0x207: {  	v4 =	vadd.s32 $0x10, v2;
	_ =	sdelay $0x3  }
0x208: {  	[tilespmem:s1+$0x15180] =	vst v3  }
0x209: {  	v3 =	vld.idx.msk [tilespmem:v4+s25+$0x0], $0xffff  }
0x20a: {  	v4 =	vadd.s32 $0x11, v2;
	_ =	sdelay $0x3  }
0x20b: {  	[tilespmem:s1+$0x15A00] =	vst v3  }
0x20c: {  	v3 =	vld.idx.msk [tilespmem:v4+s25+$0x0], $0xffff  }
0x20d: {  	v4 =	vadd.s32 $0x12, v2;
	_ =	sdelay $0x3  }
0x20e: {  	[tilespmem:s1+$0x15A80] =	vst v3  }
0x20f: {  	v3 =	vld.idx.msk [tilespmem:v4+s25+$0x0], $0xffff  }
0x210: {  	v4 =	vadd.s32 $0x13, v2;
	_ =	sdelay $0x3  }
0x211: {  	[tilespmem:s1+$0x15B00] =	vst v3  }
0x212: {  	v3 =	vld.idx.msk [tilespmem:v4+s25+$0x0], $0xffff  }
0x213: {  	v4 =	vadd.s32 $0x14, v2;
	_ =	sdelay $0x3  }
0x214: {  	[tilespmem:s1+$0x15B80] =	vst v3  }
0x215: {  	v3 =	vld.idx.msk [tilespmem:v4+s25+$0x0], $0xffff  }
0x216: {  	v4 =	vadd.s32 $0x15, v2;
	_ =	sdelay $0x3  }
0x217: {  	[tilespmem:s1+$0x15C00] =	vst v3  }
0x218: {  	v3 =	vld.idx.msk [tilespmem:v4+s25+$0x0], $0xffff  }
0x219: {  	v4 =	vadd.s32 $0x16, v2;
	_ =	sdelay $0x3  }
0x21a: {  	[tilespmem:s1+$0x15C80] =	vst v3  }
0x21b: {  	v3 =	vld.idx.msk [tilespmem:v4+s25+$0x0], $0xffff  }
0x21c: {  	v4 =	vadd.s32 $0x17, v2;
	_ =	sdelay $0x3  }
0x21d: {  	[tilespmem:s1+$0x15D00] =	vst v3  }
0x21e: {  	v3 =	vld.idx.msk [tilespmem:v4+s25+$0x0], $0xffff  }
0x21f: {  	v4 =	vadd.s32 $0x18, v2;
	_ =	sdelay $0x3  }
0x220: {  	[tilespmem:s1+$0x15D80] =	vst v3  }
0x221: {  	v3 =	vld.idx.msk [tilespmem:v4+s25+$0x0], $0xffff  }
0x222: {  	v4 =	vadd.s32 $0x19, v2;
	_ =	sdelay $0x3  }
0x223: {  	[tilespmem:s1+$0x16600] =	vst v3  }
0x224: {  	v3 =	vld.idx.msk [tilespmem:v4+s25+$0x0], $0xffff  }
0x225: {  	v4 =	vadd.s32 $0x1A, v2;
	_ =	sdelay $0x3  }
0x226: {  	[tilespmem:s1+$0x16680] =	vst v3  }
0x227: {  	v3 =	vld.idx.msk [tilespmem:v4+s25+$0x0], $0xffff  }
0x228: {  	v4 =	vadd.s32 $0x1B, v2;
	_ =	sdelay $0x3  }
0x229: {  	[tilespmem:s1+$0x16700] =	vst v3  }
0x22a: {  	v3 =	vld.idx.msk [tilespmem:v4+s25+$0x0], $0xffff  }
0x22b: {  	v4 =	vadd.s32 $0x1C, v2;
	_ =	sdelay $0x3  }
0x22c: {  	[tilespmem:s1+$0x16780] =	vst v3  }
0x22d: {  	v3 =	vld.idx.msk [tilespmem:v4+s25+$0x0], $0xffff  }
0x22e: {  	v4 =	vadd.s32 $0x1D, v2;
	_ =	sdelay $0x3  }
0x22f: {  	[tilespmem:s1+$0x16800] =	vst v3  }
0x230: {  	v3 =	vld.idx.msk [tilespmem:v4+s25+$0x0], $0xffff  }
0x231: {  	v4 =	vadd.s32 $0x1E, v2;
	_ =	sdelay $0x3  }
0x232: {  	[tilespmem:s1+$0x16880] =	vst v3  }
0x233: {  	v3 =	vld.idx.msk [tilespmem:v4+s25+$0x0], $0xffff  }
0x234: {  	s23 =	simm.s32 $0x10;
	s24 =	simm.s32 $0x20;
	s12 =	sadd.s32 $0x10, s6;
	v2 =	vadd.s32 $0x1F, v2  }
.LBB2_7:
0x235: {  	p5 =	sne.s32 s24, $0x170;
	s12 =	ssub.s32 s12, s0  }
0x236: {  	v4 =	vadd.s32 s12, v1  }
0x237: {  	vm0 =	vgt.s32 v4, $0x0  }
0x238: {  	v4 =	vnsel vm0, $0x0, v4;
	[tilespmem:s1+$0x16900] =	vst v3  }
0x239: {  	v3 =	vmin.u32 v4, $0x100;
	v4 =	vld.idx.msk [tilespmem:v2+s25+$0x0], $0xffff  }
0x23a: {  	v2 =	vmul.u32 $0x21, v3;
	_ =	sdelay $0x4  }
0x23b: {  	[tilespmem:s1+$0x16980] =	vst v4  }
0x23c: {  	v3 =	vld.idx.msk [tilespmem:v2+s25+$0x0], $0xffff;
	_ =	sdelay $0x1  }
0x23d: {  	v4 =	vadd.s32 $0x1, v2  }
0x23e: {  	s2 =	sadd.s32 $0x80, s2  }
0x23f: {  	s12 =	sand.u32 $0xC00, s2;
	s1 =	sand.u32 $0x70, s23  }
0x240: {  	s1 =	sor.u32 s1, s12  }
0x241: {  	[tilespmem:s1+$0x14200] =	vst v3  }
0x242: {  	v3 =	vld.idx.msk [tilespmem:v4+s25+$0x0], $0xffff;
	_ =	sdelay $0x1  }
0x243: {  	v4 =	vadd.s32 $0x2, v2;
	_ =	sdelay $0x3  }
0x244: {  	[tilespmem:s1+$0x14280] =	vst v3  }
0x245: {  	v3 =	vld.idx.msk [tilespmem:v4+s25+$0x0], $0xffff;
	_ =	sdelay $0x1  }
0x246: {  	v4 =	vadd.s32 $0x3, v2;
	_ =	sdelay $0x3  }
0x247: {  	[tilespmem:s1+$0x14300] =	vst v3  }
0x248: {  	v3 =	vld.idx.msk [tilespmem:v4+s25+$0x0], $0xffff;
	_ =	sdelay $0x1  }
0x249: {  	v4 =	vadd.s32 $0x4, v2;
	_ =	sdelay $0x3  }
0x24a: {  	[tilespmem:s1+$0x14380] =	vst v3  }
0x24b: {  	v3 =	vld.idx.msk [tilespmem:v4+s25+$0x0], $0xffff;
	_ =	sdelay $0x1  }
0x24c: {  	v4 =	vadd.s32 $0x5, v2;
	_ =	sdelay $0x3  }
0x24d: {  	[tilespmem:s1+$0x14400] =	vst v3  }
0x24e: {  	v3 =	vld.idx.msk [tilespmem:v4+s25+$0x0], $0xffff;
	_ =	sdelay $0x1  }
0x24f: {  	v4 =	vadd.s32 $0x6, v2;
	_ =	sdelay $0x3  }
0x250: {  	[tilespmem:s1+$0x14480] =	vst v3  }
0x251: {  	v3 =	vld.idx.msk [tilespmem:v4+s25+$0x0], $0xffff;
	_ =	sdelay $0x1  }
0x252: {  	v4 =	vadd.s32 $0x7, v2;
	_ =	sdelay $0x3  }
0x253: {  	[tilespmem:s1+$0x14500] =	vst v3  }
0x254: {  	v3 =	vld.idx.msk [tilespmem:v4+s25+$0x0], $0xffff;
	_ =	sdelay $0x1  }
0x255: {  	v4 =	vadd.s32 $0x8, v2;
	_ =	sdelay $0x1  }
0x256: {  	s12 =	sor.u32 s2, s23;
	s23 =	smov.u32 s24  }
0x257: {  	s12 =	sor.u32 $0x380, s12  }
0x258: {  	[tilespmem:s12+$0x14200] =	vst v3  }
0x259: {  	v3 =	vld.idx.msk [tilespmem:v4+s25+$0x0], $0xffff;
	_ =	sdelay $0x1  }
0x25a: {  	v4 =	vadd.s32 $0x9, v2;
	_ =	sdelay $0x3  }
0x25b: {  	[tilespmem:s1+$0x14E00] =	vst v3  }
0x25c: {  	v3 =	vld.idx.msk [tilespmem:v4+s25+$0x0], $0xffff;
	_ =	sdelay $0x1  }
0x25d: {  	v4 =	vadd.s32 $0xA, v2;
	_ =	sdelay $0x3  }
0x25e: {  	[tilespmem:s1+$0x14E80] =	vst v3  }
0x25f: {  	v3 =	vld.idx.msk [tilespmem:v4+s25+$0x0], $0xffff;
	_ =	sdelay $0x1  }
0x260: {  	v4 =	vadd.s32 $0xB, v2;
	_ =	sdelay $0x3  }
0x261: {  	[tilespmem:s1+$0x14F00] =	vst v3  }
0x262: {  	v3 =	vld.idx.msk [tilespmem:v4+s25+$0x0], $0xffff;
	_ =	sdelay $0x1  }
0x263: {  	v4 =	vadd.s32 $0xC, v2;
	_ =	sdelay $0x3  }
0x264: {  	[tilespmem:s1+$0x14F80] =	vst v3  }
0x265: {  	v3 =	vld.idx.msk [tilespmem:v4+s25+$0x0], $0xffff;
	_ =	sdelay $0x1  }
0x266: {  	v4 =	vadd.s32 $0xD, v2;
	_ =	sdelay $0x3  }
0x267: {  	[tilespmem:s1+$0x15000] =	vst v3  }
0x268: {  	v3 =	vld.idx.msk [tilespmem:v4+s25+$0x0], $0xffff;
	_ =	sdelay $0x1  }
0x269: {  	v4 =	vadd.s32 $0xE, v2;
	_ =	sdelay $0x3  }
0x26a: {  	[tilespmem:s1+$0x15080] =	vst v3  }
0x26b: {  	v3 =	vld.idx.msk [tilespmem:v4+s25+$0x0], $0xffff;
	_ =	sdelay $0x1  }
0x26c: {  	v4 =	vadd.s32 $0xF, v2;
	_ =	sdelay $0x3  }
0x26d: {  	[tilespmem:s1+$0x15100] =	vst v3  }
0x26e: {  	v3 =	vld.idx.msk [tilespmem:v4+s25+$0x0], $0xffff;
	_ =	sdelay $0x1  }
0x26f: {  	v4 =	vadd.s32 $0x10, v2;
	_ =	sdelay $0x3  }
0x270: {  	[tilespmem:s1+$0x15180] =	vst v3  }
0x271: {  	v3 =	vld.idx.msk [tilespmem:v4+s25+$0x0], $0xffff;
	_ =	sdelay $0x1  }
0x272: {  	v4 =	vadd.s32 $0x11, v2;
	_ =	sdelay $0x3  }
0x273: {  	[tilespmem:s1+$0x15A00] =	vst v3  }
0x274: {  	v3 =	vld.idx.msk [tilespmem:v4+s25+$0x0], $0xffff;
	_ =	sdelay $0x1  }
0x275: {  	v4 =	vadd.s32 $0x12, v2;
	_ =	sdelay $0x3  }
0x276: {  	[tilespmem:s1+$0x15A80] =	vst v3  }
0x277: {  	v3 =	vld.idx.msk [tilespmem:v4+s25+$0x0], $0xffff;
	_ =	sdelay $0x1  }
0x278: {  	v4 =	vadd.s32 $0x13, v2;
	_ =	sdelay $0x3  }
0x279: {  	[tilespmem:s1+$0x15B00] =	vst v3  }
0x27a: {  	v3 =	vld.idx.msk [tilespmem:v4+s25+$0x0], $0xffff;
	_ =	sdelay $0x1  }
0x27b: {  	v4 =	vadd.s32 $0x14, v2;
	_ =	sdelay $0x3  }
0x27c: {  	[tilespmem:s1+$0x15B80] =	vst v3  }
0x27d: {  	v3 =	vld.idx.msk [tilespmem:v4+s25+$0x0], $0xffff;
	_ =	sdelay $0x1  }
0x27e: {  	v4 =	vadd.s32 $0x15, v2;
	_ =	sdelay $0x3  }
0x27f: {  	[tilespmem:s1+$0x15C00] =	vst v3  }
0x280: {  	v3 =	vld.idx.msk [tilespmem:v4+s25+$0x0], $0xffff;
	_ =	sdelay $0x1  }
0x281: {  	v4 =	vadd.s32 $0x16, v2;
	_ =	sdelay $0x3  }
0x282: {  	[tilespmem:s1+$0x15C80] =	vst v3  }
0x283: {  	v3 =	vld.idx.msk [tilespmem:v4+s25+$0x0], $0xffff;
	_ =	sdelay $0x1  }
0x284: {  	v4 =	vadd.s32 $0x17, v2;
	_ =	sdelay $0x3  }
0x285: {  	[tilespmem:s1+$0x15D00] =	vst v3  }
0x286: {  	v3 =	vld.idx.msk [tilespmem:v4+s25+$0x0], $0xffff;
	_ =	sdelay $0x1  }
0x287: {  	v4 =	vadd.s32 $0x18, v2;
	_ =	sdelay $0x3  }
0x288: {  	[tilespmem:s1+$0x15D80] =	vst v3  }
0x289: {  	v3 =	vld.idx.msk [tilespmem:v4+s25+$0x0], $0xffff;
	_ =	sdelay $0x1  }
0x28a: {  	v4 =	vadd.s32 $0x19, v2;
	_ =	sdelay $0x3  }
0x28b: {  	[tilespmem:s1+$0x16600] =	vst v3  }
0x28c: {  	v3 =	vld.idx.msk [tilespmem:v4+s25+$0x0], $0xffff;
	_ =	sdelay $0x1  }
0x28d: {  	v4 =	vadd.s32 $0x1A, v2;
	_ =	sdelay $0x3  }
0x28e: {  	[tilespmem:s1+$0x16680] =	vst v3  }
0x28f: {  	v3 =	vld.idx.msk [tilespmem:v4+s25+$0x0], $0xffff;
	_ =	sdelay $0x1  }
0x290: {  	v4 =	vadd.s32 $0x1B, v2;
	_ =	sdelay $0x3  }
0x291: {  	[tilespmem:s1+$0x16700] =	vst v3  }
0x292: {  	v3 =	vld.idx.msk [tilespmem:v4+s25+$0x0], $0xffff;
	_ =	sdelay $0x1  }
0x293: {  	v4 =	vadd.s32 $0x1C, v2;
	_ =	sdelay $0x3  }
0x294: {  	[tilespmem:s1+$0x16780] =	vst v3  }
0x295: {  	v3 =	vld.idx.msk [tilespmem:v4+s25+$0x0], $0xffff;
	_ =	sdelay $0x1  }
0x296: {  	v4 =	vadd.s32 $0x1D, v2;
	_ =	sdelay $0x3  }
0x297: {  	[tilespmem:s1+$0x16800] =	vst v3  }
0x298: {  	v3 =	vld.idx.msk [tilespmem:v4+s25+$0x0], $0xffff;
	_ =	sdelay $0x1  }
0x299: {  	v4 =	vadd.s32 $0x1E, v2;
	_ =	sdelay $0x2  }
.Ltmp4:
0x29a: {  	(pc) =	sbr.rel @p5 .LBB2_7-.Ltmp4, $3  }
0x29b: {  	[tilespmem:s1+$0x16880] =	vst v3  }
0x29c: {  	v3 =	vld.idx.msk [tilespmem:v4+s25+$0x0], $0xffff;
	_ =	sdelay $0x1  }
0x29d: {  	s24 =	sadd.s32 $0x10, s24;
	s12 =	sadd.s32 s23, s6;
	v2 =	vadd.s32 $0x1F, v2  }
0x29e: {  	s12 =	ssub.s32 s12, s0  }
0x29f: {  	v4 =	vadd.s32 s12, v1  }
0x2a0: {  	vm0 =	vgt.s32 v4, $0x0  }
0x2a1: {  	v4 =	vnsel vm0, $0x0, v4  }
0x2a2: {  	[tilespmem:s1+$0x16900] =	vst v3;
	v3 =	vmin.u32 v4, $0x100  }
0x2a3: {  	v2 =	vld.idx.msk [tilespmem:v2+s25+$0x0], $0xffff;
	v3 =	vmul.u32 $0x21, v3;
	_ =	sdelay $0x4  }
0x2a4: {  	[tilespmem:s1+$0x16980] =	vst v2  }
0x2a5: {  	v2 =	vld.idx.msk [tilespmem:v3+s25+$0x0], $0xffff  }
0x2a6: {  	v34 =	vadd.s32 $0x1, v3  }
0x2a7: {  	s1 =	sadd.s32 $0x80, s2  }
0x2a8: {  	s22 =	sand.u32 $0x70, s23;
	s24 =	sand.u32 $0xC00, s1  }
0x2a9: {  	s2 =	sor.u32 s22, s24  }
0x2aa: {  	[tilespmem:s2+$0x14200] =	vst v2  }
0x2ab: {  	v2 =	vld.idx.msk [tilespmem:v34+s25+$0x0], $0xffff  }
0x2ac: {  	v35 =	vadd.s32 $0x2, v3;
	_ =	sdelay $0x3  }
0x2ad: {  	[tilespmem:s2+$0x14280] =	vst v2  }
0x2ae: {  	v2 =	vld.idx.msk [tilespmem:v35+s25+$0x0], $0xffff  }
0x2af: {  	v36 =	vadd.s32 $0x3, v3;
	_ =	sdelay $0x3  }
0x2b0: {  	[tilespmem:s2+$0x14300] =	vst v2  }
0x2b1: {  	v2 =	vld.idx.msk [tilespmem:v36+s25+$0x0], $0xffff  }
0x2b2: {  	v37 =	vadd.s32 $0x4, v3;
	_ =	sdelay $0x3  }
0x2b3: {  	[tilespmem:s2+$0x14380] =	vst v2  }
0x2b4: {  	v2 =	vld.idx.msk [tilespmem:v37+s25+$0x0], $0xffff  }
0x2b5: {  	v38 =	vadd.s32 $0x5, v3;
	_ =	sdelay $0x3  }
0x2b6: {  	[tilespmem:s2+$0x14400] =	vst v2  }
0x2b7: {  	v2 =	vld.idx.msk [tilespmem:v38+s25+$0x0], $0xffff  }
0x2b8: {  	v39 =	vadd.s32 $0x6, v3;
	_ =	sdelay $0x3  }
0x2b9: {  	[tilespmem:s2+$0x14480] =	vst v2  }
0x2ba: {  	v2 =	vld.idx.msk [tilespmem:v39+s25+$0x0], $0xffff  }
0x2bb: {  	v40 =	vadd.s32 $0x7, v3;
	_ =	sdelay $0x3  }
0x2bc: {  	[tilespmem:s2+$0x14500] =	vst v2  }
0x2bd: {  	v2 =	vld.idx.msk [tilespmem:v40+s25+$0x0], $0xffff  }
0x2be: {  	v41 =	vadd.s32 $0x8, v3;
	_ =	sdelay $0x1  }
0x2bf: {  	s1 =	sor.u32 s1, s23  }
0x2c0: {  	s1 =	sor.u32 $0x380, s1  }
0x2c1: {  	[tilespmem:s1+$0x14200] =	vst v2  }
0x2c2: {  	v2 =	vld.idx.msk [tilespmem:v41+s25+$0x0], $0xffff  }
0x2c3: {  	v42 =	vadd.s32 $0x9, v3;
	_ =	sdelay $0x3  }
0x2c4: {  	[tilespmem:s2+$0x14E00] =	vst v2  }
0x2c5: {  	v2 =	vld.idx.msk [tilespmem:v42+s25+$0x0], $0xffff  }
0x2c6: {  	v43 =	vadd.s32 $0xA, v3;
	_ =	sdelay $0x3  }
0x2c7: {  	[tilespmem:s2+$0x14E80] =	vst v2  }
0x2c8: {  	v2 =	vld.idx.msk [tilespmem:v43+s25+$0x0], $0xffff  }
0x2c9: {  	v44 =	vadd.s32 $0xB, v3;
	_ =	sdelay $0x3  }
0x2ca: {  	[tilespmem:s2+$0x14F00] =	vst v2  }
0x2cb: {  	v2 =	vld.idx.msk [tilespmem:v44+s25+$0x0], $0xffff  }
0x2cc: {  	v45 =	vadd.s32 $0xC, v3;
	_ =	sdelay $0x3  }
0x2cd: {  	[tilespmem:s2+$0x14F80] =	vst v2  }
0x2ce: {  	v2 =	vld.idx.msk [tilespmem:v45+s25+$0x0], $0xffff  }
0x2cf: {  	v46 =	vadd.s32 $0xD, v3;
	_ =	sdelay $0x3  }
0x2d0: {  	[tilespmem:s2+$0x15000] =	vst v2  }
0x2d1: {  	v2 =	vld.idx.msk [tilespmem:v46+s25+$0x0], $0xffff  }
0x2d2: {  	v47 =	vadd.s32 $0xE, v3;
	_ =	sdelay $0x3  }
0x2d3: {  	[tilespmem:s2+$0x15080] =	vst v2  }
0x2d4: {  	v2 =	vld.idx.msk [tilespmem:v47+s25+$0x0], $0xffff  }
0x2d5: {  	v48 =	vadd.s32 $0xF, v3;
	_ =	sdelay $0x3  }
0x2d6: {  	[tilespmem:s2+$0x15100] =	vst v2  }
0x2d7: {  	v2 =	vld.idx.msk [tilespmem:v48+s25+$0x0], $0xffff  }
0x2d8: {  	v49 =	vadd.s32 $0x10, v3;
	_ =	sdelay $0x3  }
0x2d9: {  	[tilespmem:s2+$0x15180] =	vst v2  }
0x2da: {  	v2 =	vld.idx.msk [tilespmem:v49+s25+$0x0], $0xffff  }
0x2db: {  	v50 =	vadd.s32 $0x11, v3;
	_ =	sdelay $0x3  }
0x2dc: {  	[tilespmem:s2+$0x15A00] =	vst v2  }
0x2dd: {  	v2 =	vld.idx.msk [tilespmem:v50+s25+$0x0], $0xffff  }
0x2de: {  	v51 =	vadd.s32 $0x12, v3;
	_ =	sdelay $0x3  }
0x2df: {  	[tilespmem:s2+$0x15A80] =	vst v2  }
0x2e0: {  	v2 =	vld.idx.msk [tilespmem:v51+s25+$0x0], $0xffff  }
0x2e1: {  	v52 =	vadd.s32 $0x13, v3;
	_ =	sdelay $0x3  }
0x2e2: {  	[tilespmem:s2+$0x15B00] =	vst v2  }
0x2e3: {  	v2 =	vld.idx.msk [tilespmem:v52+s25+$0x0], $0xffff  }
0x2e4: {  	v53 =	vadd.s32 $0x14, v3;
	_ =	sdelay $0x3  }
0x2e5: {  	[tilespmem:s2+$0x15B80] =	vst v2  }
0x2e6: {  	v2 =	vld.idx.msk [tilespmem:v53+s25+$0x0], $0xffff  }
0x2e7: {  	v54 =	vadd.s32 $0x15, v3;
	_ =	sdelay $0x3  }
0x2e8: {  	[tilespmem:s2+$0x15C00] =	vst v2  }
0x2e9: {  	v2 =	vld.idx.msk [tilespmem:v54+s25+$0x0], $0xffff  }
0x2ea: {  	v55 =	vadd.s32 $0x16, v3;
	_ =	sdelay $0x3  }
0x2eb: {  	[tilespmem:s2+$0x15C80] =	vst v2  }
0x2ec: {  	v2 =	vld.idx.msk [tilespmem:v55+s25+$0x0], $0xffff  }
0x2ed: {  	v56 =	vadd.s32 $0x17, v3;
	_ =	sdelay $0x3  }
0x2ee: {  	[tilespmem:s2+$0x15D00] =	vst v2  }
0x2ef: {  	v2 =	vld.idx.msk [tilespmem:v56+s25+$0x0], $0xffff  }
0x2f0: {  	v57 =	vadd.s32 $0x18, v3;
	_ =	sdelay $0x3  }
0x2f1: {  	[tilespmem:s2+$0x15D80] =	vst v2  }
0x2f2: {  	v2 =	vld.idx.msk [tilespmem:v57+s25+$0x0], $0xffff  }
0x2f3: {  	v58 =	vadd.s32 $0x19, v3;
	_ =	sdelay $0x3  }
0x2f4: {  	[tilespmem:s2+$0x16600] =	vst v2  }
0x2f5: {  	v2 =	vld.idx.msk [tilespmem:v58+s25+$0x0], $0xffff  }
0x2f6: {  	v59 =	vadd.s32 $0x1A, v3;
	_ =	sdelay $0x3  }
0x2f7: {  	[tilespmem:s2+$0x16680] =	vst v2  }
0x2f8: {  	v2 =	vld.idx.msk [tilespmem:v59+s25+$0x0], $0xffff  }
0x2f9: {  	v60 =	vadd.s32 $0x1B, v3;
	_ =	sdelay $0x3  }
0x2fa: {  	[tilespmem:s2+$0x16700] =	vst v2  }
0x2fb: {  	v2 =	vld.idx.msk [tilespmem:v60+s25+$0x0], $0xffff  }
0x2fc: {  	v61 =	vadd.s32 $0x1C, v3;
	_ =	sdelay $0x3  }
0x2fd: {  	[tilespmem:s2+$0x16780] =	vst v2  }
0x2fe: {  	v2 =	vld.idx.msk [tilespmem:v61+s25+$0x0], $0xffff  }
0x2ff: {  	v62 =	vadd.s32 $0x1D, v3;
	_ =	sdelay $0x3  }
0x300: {  	[tilespmem:s2+$0x16800] =	vst v2  }
0x301: {  	v2 =	vld.idx.msk [tilespmem:v62+s25+$0x0], $0xffff  }
0x302: {  	v63 =	vadd.s32 $0x1E, v3;
	_ =	sdelay $0x3  }
0x303: {  	[tilespmem:s2+$0x16880] =	vst v2  }
0x304: {  	v2 =	vld.idx.msk [tilespmem:v63+s25+$0x0], $0xffff  }
0x305: {  	v3 =	vadd.s32 $0x1F, v3;
	_ =	sdelay $0x3  }
0x306: {  	[tilespmem:s2+$0x16900] =	vst v2  }
0x307: {  	v2 =	vld.idx.msk [tilespmem:v3+s25+$0x0], $0xffff;
	_ =	sdelay $0x1  }
.Ltmp5:
0x308: {  	_ = 	snop;
	(pc) =	sbr.rel @p0 .LBB2_10-.Ltmp5, $4  }
0x309: {  	_ = 	snop  }
0x30a: {  	s23 =	simm.s32 $0xC00;
	s1 =	sshll.u32 s0, $0xD  }
0x30b: {  	s22 =	simm.s32 $0x4000;
	s24 =	simm.s32 $0x14200;
	s12 =	sadd.s32 s1, s7;
	[tilespmem:s2+$0x16980] =	vst v2  }
0x30c: {  	[hbm4b:s12+s23] =	stream.strided.scatter [tilespmem:s24], [sflag:$0x1], $0x3000, s22, s23, $0x38;
	[tilespmem:$0x1A200] =	vst v63  }
0x30d: {  	s2 =	sadd.s32 s1, s8;
	s12 =	simm.s32 $0x4E00  }
0x30e: {  	[hbm4b:s2+s4] =	stream.linear.scatter [tilespmem:s12], [sflag:$0x2], $0x400, $0x38;
	[tilespmem:$0x1A200] =	vst v63  }
0x30f: {  	s22 =	simm.s32 $0x8E00;
	s24 =	sadd.s32 $0x800, s2  }
0x310: {  	[hbm4b:s24+s4] =	stream.linear.scatter [tilespmem:s22], [sflag:$0x2], $0x400, $0x38;
	[tilespmem:$0x1A200] =	vst v63  }
.Ltmp6:
0x311: {  	_ = 	snop;
	(pc) =	sbr.rel .LBB2_11-.Ltmp6, $4  }
0x312: {  	s23 =	simm.s32 $0xCE00;
	s22 =	sadd.s32 $0x1000, s2  }
0x313: {  	[hbm4b:s22+s4] =	stream.linear.scatter [tilespmem:s23], [sflag:$0x2], $0x400, $0x38;
	[tilespmem:$0x1A200] =	vst v63  }
0x314: {  	s2 =	sadd.s32 $0x1800, s2;
	s24 =	simm.s32 $0x10E00  }
0x315: {  	[hbm4b:s2+s4] =	stream.linear.scatter [tilespmem:s24], [sflag:$0x2], $0x400, $0x38;
	[tilespmem:$0x1A200] =	vst v63  }
.LBB2_10:
0x316: {  	s2 =	rddreg [dreg:$0x1]  }
0x317: {  	s12 =	simm.s32 $0x4200;
	s2 =	sadd.s32 s2, s1  }
0x318: {  	[hbm4b:s2+s4] =	stream.linear.scatter [tilespmem:s12], [sflag:$0x2], $0x400, $0x38;
	[tilespmem:$0x1A200] =	vst v63  }
0x319: {  	s22 =	simm.s32 $0x8200;
	s24 =	sadd.s32 $0x800, s2  }
0x31a: {  	[hbm4b:s24+s4] =	stream.linear.scatter [tilespmem:s22], [sflag:$0x2], $0x400, $0x38;
	[tilespmem:$0x1A200] =	vst v63  }
.Ltmp7:
0x31b: {  	_ = 	snop;
	(pc) =	sbr.rel @p1 .LBB2_12-.Ltmp7, $4  }
0x31c: {  	s23 =	simm.s32 $0xC200;
	s22 =	sadd.s32 $0x1000, s2  }
0x31d: {  	[hbm4b:s22+s4] =	stream.linear.scatter [tilespmem:s23], [sflag:$0x2], $0x400, $0x38;
	[tilespmem:$0x1A200] =	vst v63  }
0x31e: {  	s2 =	sadd.s32 $0x1800, s2;
	s24 =	simm.s32 $0x10200  }
0x31f: {  	[hbm4b:s2+s4] =	stream.linear.scatter [tilespmem:s24], [sflag:$0x2], $0x400, $0x38;
	[tilespmem:$0x1A200] =	vst v63  }
.LBB2_11:
0x320: {  	s2 =	sadd.s32 s1, s9;
	s12 =	simm.s32 $0x5200  }
0x321: {  	[hbm4b:s2+s4] =	stream.linear.scatter [tilespmem:s12], [sflag:$0x2], $0x400, $0x38;
	[tilespmem:$0x1A200] =	vst v63  }
0x322: {  	s22 =	simm.s32 $0x9200;
	s24 =	sadd.s32 $0x800, s2  }
0x323: {  	[hbm4b:s24+s4] =	stream.linear.scatter [tilespmem:s22], [sflag:$0x2], $0x400, $0x38;
	[tilespmem:$0x1A200] =	vst v63  }
0x324: {  	s23 =	simm.s32 $0xD200;
	s22 =	sadd.s32 $0x1000, s2  }
0x325: {  	[hbm4b:s22+s4] =	stream.linear.scatter [tilespmem:s23], [sflag:$0x2], $0x400, $0x38;
	[tilespmem:$0x1A200] =	vst v63  }
0x326: {  	s2 =	sadd.s32 $0x1800, s2;
	s24 =	simm.s32 $0x11200  }
0x327: {  	[hbm4b:s2+s4] =	stream.linear.scatter [tilespmem:s24], [sflag:$0x2], $0x400, $0x38;
	[tilespmem:$0x1A200] =	vst v63  }
.LBB2_13:
0x328: {  	s2 =	sadd.s32 s1, s11;
	s12 =	simm.s32 $0x5600  }
0x329: {  	[hbm4b:s2+s4] =	stream.linear.scatter [tilespmem:s12], [sflag:$0x2], $0x400, $0x38;
	[tilespmem:$0x1A200] =	vst v63  }
0x32a: {  	s22 =	simm.s32 $0x9600;
	s24 =	sadd.s32 $0x800, s2  }
0x32b: {  	[hbm4b:s24+s4] =	stream.linear.scatter [tilespmem:s22], [sflag:$0x2], $0x400, $0x38;
	[tilespmem:$0x1A200] =	vst v63  }
0x32c: {  	s23 =	simm.s32 $0xD600;
	s22 =	sadd.s32 $0x1000, s2  }
0x32d: {  	[hbm4b:s22+s4] =	stream.linear.scatter [tilespmem:s23], [sflag:$0x2], $0x400, $0x38;
	[tilespmem:$0x1A200] =	vst v63  }
0x32e: {  	s2 =	sadd.s32 $0x1800, s2;
	s24 =	simm.s32 $0x11600  }
0x32f: {  	[hbm4b:s2+s4] =	stream.linear.scatter [tilespmem:s24], [sflag:$0x2], $0x400, $0x38;
	[tilespmem:$0x1A200] =	vst v63  }
.LBB2_15:
0x330: {  	s2 =	sadd.s32 s1, s13;
	s12 =	simm.s32 $0x5A00  }
0x331: {  	[hbm4b:s2+s4] =	stream.linear.scatter [tilespmem:s12], [sflag:$0x2], $0x400, $0x38;
	[tilespmem:$0x1A200] =	vst v63  }
0x332: {  	s22 =	simm.s32 $0x9A00;
	s24 =	sadd.s32 $0x800, s2  }
0x333: {  	[hbm4b:s24+s4] =	stream.linear.scatter [tilespmem:s22], [sflag:$0x2], $0x400, $0x38;
	[tilespmem:$0x1A200] =	vst v63  }
0x334: {  	s23 =	simm.s32 $0xDA00;
	s22 =	sadd.s32 $0x1000, s2  }
0x335: {  	[hbm4b:s22+s4] =	stream.linear.scatter [tilespmem:s23], [sflag:$0x2], $0x400, $0x38;
	[tilespmem:$0x1A200] =	vst v63  }
0x336: {  	s2 =	sadd.s32 $0x1800, s2;
	s24 =	simm.s32 $0x11A00  }
0x337: {  	[hbm4b:s2+s4] =	stream.linear.scatter [tilespmem:s24], [sflag:$0x2], $0x400, $0x38;
	[tilespmem:$0x1A200] =	vst v63  }
.LBB2_17:
0x338: {  	s2 =	sadd.s32 s1, s14;
	s12 =	simm.s32 $0x5E00  }
0x339: {  	[hbm4b:s2+s4] =	stream.linear.scatter [tilespmem:s12], [sflag:$0x2], $0x400, $0x38;
	[tilespmem:$0x1A200] =	vst v63  }
0x33a: {  	s22 =	simm.s32 $0x9E00;
	s24 =	sadd.s32 $0x800, s2  }
0x33b: {  	[hbm4b:s24+s4] =	stream.linear.scatter [tilespmem:s22], [sflag:$0x2], $0x400, $0x38;
	[tilespmem:$0x1A200] =	vst v63  }
0x33c: {  	s23 =	simm.s32 $0xDE00;
	s22 =	sadd.s32 $0x1000, s2  }
0x33d: {  	[hbm4b:s22+s4] =	stream.linear.scatter [tilespmem:s23], [sflag:$0x2], $0x400, $0x38;
	[tilespmem:$0x1A200] =	vst v63  }
0x33e: {  	s2 =	sadd.s32 $0x1800, s2;
	s24 =	simm.s32 $0x11E00  }
0x33f: {  	[hbm4b:s2+s4] =	stream.linear.scatter [tilespmem:s24], [sflag:$0x2], $0x400, $0x38;
	[tilespmem:$0x1A200] =	vst v63  }
.LBB2_19:
0x340: {  	s2 =	sadd.s32 s1, s15;
	s12 =	simm.s32 $0x6200  }
0x341: {  	[hbm4b:s2+s4] =	stream.linear.scatter [tilespmem:s12], [sflag:$0x2], $0x400, $0x38;
	[tilespmem:$0x1A200] =	vst v63  }
0x342: {  	s22 =	simm.s32 $0xA200;
	s24 =	sadd.s32 $0x800, s2  }
0x343: {  	[hbm4b:s24+s4] =	stream.linear.scatter [tilespmem:s22], [sflag:$0x2], $0x400, $0x38;
	[tilespmem:$0x1A200] =	vst v63  }
0x344: {  	s23 =	simm.s32 $0xE200;
	s22 =	sadd.s32 $0x1000, s2  }
0x345: {  	[hbm4b:s22+s4] =	stream.linear.scatter [tilespmem:s23], [sflag:$0x2], $0x400, $0x38;
	[tilespmem:$0x1A200] =	vst v63  }
0x346: {  	s2 =	sadd.s32 $0x1800, s2;
	s24 =	simm.s32 $0x12200  }
0x347: {  	[hbm4b:s2+s4] =	stream.linear.scatter [tilespmem:s24], [sflag:$0x2], $0x400, $0x38;
	[tilespmem:$0x1A200] =	vst v63  }
.LBB2_21:
0x348: {  	s2 =	sadd.s32 s1, s16;
	s12 =	simm.s32 $0x6600  }
0x349: {  	[hbm4b:s2+s4] =	stream.linear.scatter [tilespmem:s12], [sflag:$0x2], $0x400, $0x38;
	[tilespmem:$0x1A200] =	vst v63  }
0x34a: {  	s22 =	simm.s32 $0xA600;
	s24 =	sadd.s32 $0x800, s2  }
0x34b: {  	[hbm4b:s24+s4] =	stream.linear.scatter [tilespmem:s22], [sflag:$0x2], $0x400, $0x38;
	[tilespmem:$0x1A200] =	vst v63  }
0x34c: {  	s23 =	simm.s32 $0xE600;
	s22 =	sadd.s32 $0x1000, s2  }
0x34d: {  	[hbm4b:s22+s4] =	stream.linear.scatter [tilespmem:s23], [sflag:$0x2], $0x400, $0x38;
	[tilespmem:$0x1A200] =	vst v63  }
0x34e: {  	s2 =	sadd.s32 $0x1800, s2;
	s24 =	simm.s32 $0x12600  }
0x34f: {  	[hbm4b:s2+s4] =	stream.linear.scatter [tilespmem:s24], [sflag:$0x2], $0x400, $0x38;
	[tilespmem:$0x1A200] =	vst v63  }
.LBB2_23:
0x350: {  	s2 =	sadd.s32 s1, s17;
	s12 =	simm.s32 $0x6A00  }
0x351: {  	[hbm4b:s2+s4] =	stream.linear.scatter [tilespmem:s12], [sflag:$0x2], $0x400, $0x38;
	[tilespmem:$0x1A200] =	vst v63  }
0x352: {  	s22 =	simm.s32 $0xAA00;
	s24 =	sadd.s32 $0x800, s2  }
0x353: {  	[hbm4b:s24+s4] =	stream.linear.scatter [tilespmem:s22], [sflag:$0x2], $0x400, $0x38;
	[tilespmem:$0x1A200] =	vst v63  }
0x354: {  	s23 =	simm.s32 $0xEA00;
	s22 =	sadd.s32 $0x1000, s2  }
0x355: {  	[hbm4b:s22+s4] =	stream.linear.scatter [tilespmem:s23], [sflag:$0x2], $0x400, $0x38;
	[tilespmem:$0x1A200] =	vst v63  }
0x356: {  	s2 =	sadd.s32 $0x1800, s2;
	s24 =	simm.s32 $0x12A00  }
0x357: {  	[hbm4b:s2+s4] =	stream.linear.scatter [tilespmem:s24], [sflag:$0x2], $0x400, $0x38;
	[tilespmem:$0x1A200] =	vst v63  }
.LBB2_25:
0x358: {  	s2 =	sadd.s32 s1, s18;
	s12 =	simm.s32 $0x6E00  }
0x359: {  	[hbm4b:s2+s4] =	stream.linear.scatter [tilespmem:s12], [sflag:$0x2], $0x400, $0x38;
	[tilespmem:$0x1A200] =	vst v63  }
0x35a: {  	s22 =	simm.s32 $0xAE00;
	s24 =	sadd.s32 $0x800, s2  }
0x35b: {  	[hbm4b:s24+s4] =	stream.linear.scatter [tilespmem:s22], [sflag:$0x2], $0x400, $0x38;
	[tilespmem:$0x1A200] =	vst v63  }
0x35c: {  	s23 =	simm.s32 $0xEE00;
	s22 =	sadd.s32 $0x1000, s2  }
0x35d: {  	[hbm4b:s22+s4] =	stream.linear.scatter [tilespmem:s23], [sflag:$0x2], $0x400, $0x38;
	[tilespmem:$0x1A200] =	vst v63  }
0x35e: {  	s2 =	sadd.s32 $0x1800, s2;
	s24 =	simm.s32 $0x12E00  }
0x35f: {  	[hbm4b:s2+s4] =	stream.linear.scatter [tilespmem:s24], [sflag:$0x2], $0x400, $0x38;
	[tilespmem:$0x1A200] =	vst v63  }
.LBB2_27:
0x360: {  	s2 =	sadd.s32 s1, s19;
	s12 =	simm.s32 $0x7200  }
0x361: {  	[hbm4b:s2+s4] =	stream.linear.scatter [tilespmem:s12], [sflag:$0x2], $0x400, $0x38;
	[tilespmem:$0x1A200] =	vst v63  }
0x362: {  	s22 =	simm.s32 $0xB200;
	s24 =	sadd.s32 $0x800, s2  }
0x363: {  	[hbm4b:s24+s4] =	stream.linear.scatter [tilespmem:s22], [sflag:$0x2], $0x400, $0x38;
	[tilespmem:$0x1A200] =	vst v63  }
0x364: {  	s23 =	simm.s32 $0xF200;
	s22 =	sadd.s32 $0x1000, s2  }
0x365: {  	[hbm4b:s22+s4] =	stream.linear.scatter [tilespmem:s23], [sflag:$0x2], $0x400, $0x38;
	[tilespmem:$0x1A200] =	vst v63  }
0x366: {  	s2 =	sadd.s32 $0x1800, s2;
	s24 =	simm.s32 $0x13200  }
0x367: {  	[hbm4b:s2+s4] =	stream.linear.scatter [tilespmem:s24], [sflag:$0x2], $0x400, $0x38;
	[tilespmem:$0x1A200] =	vst v63  }
.LBB2_29:
0x368: {  	s2 =	sadd.s32 s1, s20;
	s12 =	simm.s32 $0x7600  }
0x369: {  	[hbm4b:s2+s4] =	stream.linear.scatter [tilespmem:s12], [sflag:$0x2], $0x400, $0x38;
	[tilespmem:$0x1A200] =	vst v63  }
0x36a: {  	s22 =	simm.s32 $0xB600;
	s24 =	sadd.s32 $0x800, s2  }
0x36b: {  	[hbm4b:s24+s4] =	stream.linear.scatter [tilespmem:s22], [sflag:$0x2], $0x400, $0x38;
	[tilespmem:$0x1A200] =	vst v63  }
0x36c: {  	s23 =	simm.s32 $0xF600;
	s22 =	sadd.s32 $0x1000, s2  }
0x36d: {  	[hbm4b:s22+s4] =	stream.linear.scatter [tilespmem:s23], [sflag:$0x2], $0x400, $0x38;
	[tilespmem:$0x1A200] =	vst v63  }
0x36e: {  	s2 =	sadd.s32 $0x1800, s2;
	s24 =	simm.s32 $0x13600  }
0x36f: {  	[hbm4b:s2+s4] =	stream.linear.scatter [tilespmem:s24], [sflag:$0x2], $0x400, $0x38;
	[tilespmem:$0x1A200] =	vst v63  }
.LBB2_31:
0x370: {  	s2 =	sadd.s32 s1, s21  }
0x371: {  	[hbm4b:s2+s4] =	stream.linear.scatter [tilespmem:s3], [sflag:$0x2], $0x400, $0x38;
	[tilespmem:$0x1A200] =	vst v63  }
0x372: {  	s12 =	sadd.s32 $0x800, s2  }
0x373: {  	[hbm4b:s12+s4] =	stream.linear.scatter [tilespmem:s29], [sflag:$0x2], $0x400, $0x38;
	[tilespmem:$0x1A200] =	vst v63  }
0x374: {  	s24 =	sadd.s32 $0x1000, s2  }
0x375: {  	[hbm4b:s24+s4] =	stream.linear.scatter [tilespmem:s30], [sflag:$0x2], $0x400, $0x38;
	[tilespmem:$0x1A200] =	vst v63  }
0x376: {  	s2 =	sadd.s32 $0x1800, s2  }
0x377: {  	[hbm4b:s2+s4] =	stream.linear.scatter [tilespmem:s31], [sflag:$0x2], $0x400, $0x38;
	[tilespmem:$0x1A200] =	vst v63  }
.LBB2_32:
0x378: {  	s2 =	simm.s32 $0x13E00;
	s23 =	simm.s32 $0xFE00  }
0x379: {  	s12 =	simm.s32 $0xBE00;
	s24 =	simm.s32 $0x7E00;
	s22 =	smov.u32 s10  }
.LBB2_35:
0x37a: {  	s1 =	sadd.s32 s1, s22  }
0x37b: {  	[hbm4b:s1+s4] =	stream.linear.scatter [tilespmem:s24], [sflag:$0x2], $0x400, $0x38;
	[tilespmem:$0x1A200] =	vst v63  }
0x37c: {  	s22 =	sadd.s32 $0x800, s1  }
0x37d: {  	[hbm4b:s22+s4] =	stream.linear.scatter [tilespmem:s12], [sflag:$0x2], $0x400, $0x38;
	[tilespmem:$0x1A200] =	vst v63  }
0x37e: {  	s24 =	sadd.s32 $0x1000, s1  }
0x37f: {  	[hbm4b:s24+s4] =	stream.linear.scatter [tilespmem:s23], [sflag:$0x2], $0x400, $0x38;
	[tilespmem:$0x1A200] =	vst v63  }
0x380: {  	s1 =	sadd.s32 $0x1800, s1  }
0x381: {  	[hbm4b:s1+s4] =	stream.linear.scatter [tilespmem:s2], [sflag:$0x2], $0x400, $0x38;
	[tilespmem:$0x1A200] =	vst v63  }
0x382: {  	s1 =	simm.s32 @!p6 $0x2  }
0x383: {  	_ =	swait.ge @!p6 [sflag:s1], $0x1000  }
0x384: {  	[sflag:s1] =	ssyncset.done @!p6 $0x0  }
0x385: {  	[sflag:s1] =	ssyncadd.s32 @!p6 $0xFFFFF000  }
0x386: {  	_ =	swait.ge @!p6 [sflag:s1], $0x1000  }
0x387: {  	[sflag:s1] =	ssyncset.done @!p6 $0x0  }
0x388: {  	[sflag:s1] =	ssyncadd.s32 @!p6 $0xFFFFF000  }
0x389: {  	_ =	swait.ge @!p6 [sflag:s1], $0x1000  }
0x38a: {  	[sflag:s1] =	ssyncset.done @!p6 $0x0  }
0x38b: {  	[sflag:s1] =	ssyncadd.s32 @!p6 $0xFFFFF000  }
0x38c: {  	_ =	swait.ge @!p6 [sflag:s1], $0x1000  }
0x38d: {  	[sflag:s1] =	ssyncset.done @!p6 $0x0  }
0x38e: {  	[sflag:s1] =	ssyncadd.s32 @!p6 $0xFFFFF000  }
0x38f: {  	_ =	swait.ge @!p6 [sflag:s1], $0x1000  }
0x390: {  	[sflag:s1] =	ssyncset.done @!p6 $0x0  }
0x391: {  	[sflag:s1] =	ssyncadd.s32 @!p6 $0xFFFFF000  }
0x392: {  	_ =	swait.ge @!p6 [sflag:s1], $0x1000  }
0x393: {  	[sflag:s1] =	ssyncset.done @!p6 $0x0  }
0x394: {  	[sflag:s1] =	ssyncadd.s32 @!p6 $0xFFFFF000  }
0x395: {  	_ =	swait.ge @!p6 [sflag:s1], $0x1000  }
0x396: {  	[sflag:s1] =	ssyncset.done @!p6 $0x0  }
0x397: {  	[sflag:s1] =	ssyncadd.s32 @!p6 $0xFFFFF000  }
0x398: {  	_ =	swait.ge @!p6 [sflag:s1], $0x1000  }
0x399: {  	[sflag:s1] =	ssyncset.done @!p6 $0x0  }
0x39a: {  	[sflag:s1] =	ssyncadd.s32 @!p6 $0xFFFFF000  }
0x39b: {  	_ =	swait.ge @!p6 [sflag:s1], $0x1000  }
0x39c: {  	[sflag:s1] =	ssyncset.done @!p6 $0x0  }
0x39d: {  	[sflag:s1] =	ssyncadd.s32 @!p6 $0xFFFFF000  }
0x39e: {  	_ =	swait.ge @!p6 [sflag:s1], $0x1000  }
0x39f: {  	[sflag:s1] =	ssyncset.done @!p6 $0x0  }
0x3a0: {  	s0 =	smov.u32 @p6 s5;
	[sflag:s1] =	ssyncadd.s32 @!p6 $0xFFFFF000  }
0x3a1: {  	s0 =	sor.u32 $0x1, s0;
	s12 =	sadd.s32 $0x0, s6;
	_ =	swait.ge @!p6 [sflag:s1], $0x1000  }
0x3a2: {  	s2 =	ssub.s32 s12, s0;
	[sflag:s1] =	ssyncset.done @!p6 $0x0  }
0x3a3: {  	v2 =	vadd.s32 s2, v1;
	[sflag:s1] =	ssyncadd.s32 @!p6 $0xFFFFF000  }
0x3a4: {  	vm0 =	vgt.s32 v2, $0x0;
	_ =	swait.ge @!p6 [sflag:s1], $0x1000  }
0x3a5: {  	v2 =	vnsel vm0, $0x0, v2;
	[sflag:s1] =	ssyncset.done @!p6 $0x0  }
0x3a6: {  	v2 =	vmin.u32 v2, $0x100;
	[sflag:s1] =	ssyncadd.s32 @!p6 $0xFFFFF000  }
0x3a7: {  	v2 =	vmul.u32 $0x21, v2;
	_ =	swait.ge @!p6 [sflag:s1], $0x1000  }
0x3a8: {  	[sflag:s1] =	ssyncset.done @!p6 $0x0  }
0x3a9: {  	[sflag:s1] =	ssyncadd.s32 @!p6 $0xFFFFF000;
	s1 =	simm.s32 @!p6 $0x1  }
0x3aa: {  	_ =	swait.ge @!p6 [sflag:s1], $0x3000  }
0x3ab: {  	[sflag:s1] =	ssyncset.done @!p6 $0x0  }
0x3ac: {  	[sflag:s1] =	ssyncadd.s32 @!p6 $0xFFFFD000  }
0x3ad: {  	v3 =	vld.idx.msk [tilespmem:v2+s25+$0x0], $0xffff  }
0x3ae: {  	v4 =	vadd.s32 $0x1, v2  }
0x3af: {  	s2 =	simm.s32 $0x0  }
0x3b0: {  	s22 =	sand.u32 $0x70, s2;
	s23 =	sand.u32 $0xC00, s2  }
0x3b1: {  	s1 =	sor.u32 s22, s23  }
0x3b2: {  	[tilespmem:s1+$0x17200] =	vst v3  }
0x3b3: {  	v3 =	vld.idx.msk [tilespmem:v4+s25+$0x0], $0xffff  }
0x3b4: {  	v4 =	vadd.s32 $0x2, v2;
	_ =	sdelay $0x3  }
0x3b5: {  	[tilespmem:s1+$0x17280] =	vst v3  }
0x3b6: {  	v3 =	vld.idx.msk [tilespmem:v4+s25+$0x0], $0xffff  }
0x3b7: {  	v4 =	vadd.s32 $0x3, v2;
	_ =	sdelay $0x3  }
0x3b8: {  	[tilespmem:s1+$0x17300] =	vst v3  }
0x3b9: {  	v3 =	vld.idx.msk [tilespmem:v4+s25+$0x0], $0xffff  }
0x3ba: {  	v4 =	vadd.s32 $0x4, v2;
	_ =	sdelay $0x3  }
0x3bb: {  	[tilespmem:s1+$0x17380] =	vst v3  }
0x3bc: {  	v3 =	vld.idx.msk [tilespmem:v4+s25+$0x0], $0xffff  }
0x3bd: {  	v4 =	vadd.s32 $0x5, v2;
	_ =	sdelay $0x3  }
0x3be: {  	[tilespmem:s1+$0x17400] =	vst v3  }
0x3bf: {  	v3 =	vld.idx.msk [tilespmem:v4+s25+$0x0], $0xffff  }
0x3c0: {  	v4 =	vadd.s32 $0x6, v2;
	_ =	sdelay $0x3  }
0x3c1: {  	[tilespmem:s1+$0x17480] =	vst v3  }
0x3c2: {  	v3 =	vld.idx.msk [tilespmem:v4+s25+$0x0], $0xffff  }
0x3c3: {  	v4 =	vadd.s32 $0x7, v2;
	_ =	sdelay $0x3  }
0x3c4: {  	[tilespmem:s1+$0x17500] =	vst v3  }
0x3c5: {  	v3 =	vld.idx.msk [tilespmem:v4+s25+$0x0], $0xffff  }
0x3c6: {  	v4 =	vadd.s32 $0x8, v2;
	_ =	sdelay $0x1  }
0x3c7: {  	s24 =	sor.u32 s2, s2  }
0x3c8: {  	s12 =	sor.u32 $0x380, s24  }
0x3c9: {  	[tilespmem:s12+$0x17200] =	vst v3  }
0x3ca: {  	v3 =	vld.idx.msk [tilespmem:v4+s25+$0x0], $0xffff  }
0x3cb: {  	v4 =	vadd.s32 $0x9, v2;
	_ =	sdelay $0x3  }
0x3cc: {  	[tilespmem:s1+$0x17E00] =	vst v3  }
0x3cd: {  	v3 =	vld.idx.msk [tilespmem:v4+s25+$0x0], $0xffff  }
0x3ce: {  	v4 =	vadd.s32 $0xA, v2;
	_ =	sdelay $0x3  }
0x3cf: {  	[tilespmem:s1+$0x17E80] =	vst v3  }
0x3d0: {  	v3 =	vld.idx.msk [tilespmem:v4+s25+$0x0], $0xffff  }
0x3d1: {  	v4 =	vadd.s32 $0xB, v2;
	_ =	sdelay $0x3  }
0x3d2: {  	[tilespmem:s1+$0x17F00] =	vst v3  }
0x3d3: {  	v3 =	vld.idx.msk [tilespmem:v4+s25+$0x0], $0xffff  }
0x3d4: {  	v4 =	vadd.s32 $0xC, v2;
	_ =	sdelay $0x3  }
0x3d5: {  	[tilespmem:s1+$0x17F80] =	vst v3  }
0x3d6: {  	v3 =	vld.idx.msk [tilespmem:v4+s25+$0x0], $0xffff  }
0x3d7: {  	v4 =	vadd.s32 $0xD, v2;
	_ =	sdelay $0x3  }
0x3d8: {  	[tilespmem:s1+$0x18000] =	vst v3  }
0x3d9: {  	v3 =	vld.idx.msk [tilespmem:v4+s25+$0x0], $0xffff  }
0x3da: {  	v4 =	vadd.s32 $0xE, v2;
	_ =	sdelay $0x3  }
0x3db: {  	[tilespmem:s1+$0x18080] =	vst v3  }
0x3dc: {  	v3 =	vld.idx.msk [tilespmem:v4+s25+$0x0], $0xffff  }
0x3dd: {  	v4 =	vadd.s32 $0xF, v2;
	_ =	sdelay $0x3  }
0x3de: {  	[tilespmem:s1+$0x18100] =	vst v3  }
0x3df: {  	v3 =	vld.idx.msk [tilespmem:v4+s25+$0x0], $0xffff  }
0x3e0: {  	v4 =	vadd.s32 $0x10, v2;
	_ =	sdelay $0x3  }
0x3e1: {  	[tilespmem:s1+$0x18180] =	vst v3  }
0x3e2: {  	v3 =	vld.idx.msk [tilespmem:v4+s25+$0x0], $0xffff  }
0x3e3: {  	v4 =	vadd.s32 $0x11, v2;
	_ =	sdelay $0x3  }
0x3e4: {  	[tilespmem:s1+$0x18A00] =	vst v3  }
0x3e5: {  	v3 =	vld.idx.msk [tilespmem:v4+s25+$0x0], $0xffff  }
0x3e6: {  	v4 =	vadd.s32 $0x12, v2;
	_ =	sdelay $0x3  }
0x3e7: {  	[tilespmem:s1+$0x18A80] =	vst v3  }
0x3e8: {  	v3 =	vld.idx.msk [tilespmem:v4+s25+$0x0], $0xffff  }
0x3e9: {  	v4 =	vadd.s32 $0x13, v2;
	_ =	sdelay $0x3  }
0x3ea: {  	[tilespmem:s1+$0x18B00] =	vst v3  }
0x3eb: {  	v3 =	vld.idx.msk [tilespmem:v4+s25+$0x0], $0xffff  }
0x3ec: {  	v4 =	vadd.s32 $0x14, v2;
	_ =	sdelay $0x3  }
0x3ed: {  	[tilespmem:s1+$0x18B80] =	vst v3  }
0x3ee: {  	v3 =	vld.idx.msk [tilespmem:v4+s25+$0x0], $0xffff  }
0x3ef: {  	v4 =	vadd.s32 $0x15, v2;
	_ =	sdelay $0x3  }
0x3f0: {  	[tilespmem:s1+$0x18C00] =	vst v3  }
0x3f1: {  	v3 =	vld.idx.msk [tilespmem:v4+s25+$0x0], $0xffff  }
0x3f2: {  	v4 =	vadd.s32 $0x16, v2;
	_ =	sdelay $0x3  }
0x3f3: {  	[tilespmem:s1+$0x18C80] =	vst v3  }
0x3f4: {  	v3 =	vld.idx.msk [tilespmem:v4+s25+$0x0], $0xffff  }
0x3f5: {  	v4 =	vadd.s32 $0x17, v2;
	_ =	sdelay $0x3  }
0x3f6: {  	[tilespmem:s1+$0x18D00] =	vst v3  }
0x3f7: {  	v3 =	vld.idx.msk [tilespmem:v4+s25+$0x0], $0xffff  }
0x3f8: {  	v4 =	vadd.s32 $0x18, v2;
	_ =	sdelay $0x3  }
0x3f9: {  	[tilespmem:s1+$0x18D80] =	vst v3  }
0x3fa: {  	v3 =	vld.idx.msk [tilespmem:v4+s25+$0x0], $0xffff  }
0x3fb: {  	v4 =	vadd.s32 $0x19, v2;
	_ =	sdelay $0x3  }
0x3fc: {  	[tilespmem:s1+$0x19600] =	vst v3  }
0x3fd: {  	v3 =	vld.idx.msk [tilespmem:v4+s25+$0x0], $0xffff  }
0x3fe: {  	v4 =	vadd.s32 $0x1A, v2;
	_ =	sdelay $0x3  }
0x3ff: {  	[tilespmem:s1+$0x19680] =	vst v3  }
0x400: {  	v3 =	vld.idx.msk [tilespmem:v4+s25+$0x0], $0xffff  }
0x401: {  	v4 =	vadd.s32 $0x1B, v2;
	_ =	sdelay $0x3  }
0x402: {  	[tilespmem:s1+$0x19700] =	vst v3  }
0x403: {  	v3 =	vld.idx.msk [tilespmem:v4+s25+$0x0], $0xffff  }
0x404: {  	v4 =	vadd.s32 $0x1C, v2;
	_ =	sdelay $0x3  }
0x405: {  	[tilespmem:s1+$0x19780] =	vst v3  }
0x406: {  	v3 =	vld.idx.msk [tilespmem:v4+s25+$0x0], $0xffff  }
0x407: {  	v4 =	vadd.s32 $0x1D, v2;
	_ =	sdelay $0x3  }
0x408: {  	[tilespmem:s1+$0x19800] =	vst v3  }
0x409: {  	v3 =	vld.idx.msk [tilespmem:v4+s25+$0x0], $0xffff  }
0x40a: {  	v4 =	vadd.s32 $0x1E, v2;
	_ =	sdelay $0x3  }
0x40b: {  	[tilespmem:s1+$0x19880] =	vst v3  }
0x40c: {  	v3 =	vld.idx.msk [tilespmem:v4+s25+$0x0], $0xffff  }
0x40d: {  	s24 =	simm.s32 $0x20;
	s23 =	simm.s32 $0x10;
	s12 =	sadd.s32 $0x10, s6;
	v2 =	vadd.s32 $0x1F, v2  }
.LBB2_36:
0x40e: {  	p5 =	sne.s32 s24, $0x170;
	s12 =	ssub.s32 s12, s0  }
0x40f: {  	v4 =	vadd.s32 s12, v1  }
0x410: {  	vm0 =	vgt.s32 v4, $0x0  }
0x411: {  	v4 =	vnsel vm0, $0x0, v4;
	[tilespmem:s1+$0x19900] =	vst v3  }
0x412: {  	v3 =	vmin.u32 v4, $0x100;
	v4 =	vld.idx.msk [tilespmem:v2+s25+$0x0], $0xffff  }
0x413: {  	v2 =	vmul.u32 $0x21, v3;
	_ =	sdelay $0x4  }
0x414: {  	[tilespmem:s1+$0x19980] =	vst v4  }
0x415: {  	v3 =	vld.idx.msk [tilespmem:v2+s25+$0x0], $0xffff;
	_ =	sdelay $0x1  }
0x416: {  	v4 =	vadd.s32 $0x1, v2  }
0x417: {  	s2 =	sadd.s32 $0x80, s2  }
0x418: {  	s12 =	sand.u32 $0xC00, s2;
	s1 =	sand.u32 $0x70, s23  }
0x419: {  	s1 =	sor.u32 s1, s12  }
0x41a: {  	[tilespmem:s1+$0x17200] =	vst v3  }
0x41b: {  	v3 =	vld.idx.msk [tilespmem:v4+s25+$0x0], $0xffff;
	_ =	sdelay $0x1  }
0x41c: {  	v4 =	vadd.s32 $0x2, v2;
	_ =	sdelay $0x3  }
0x41d: {  	[tilespmem:s1+$0x17280] =	vst v3  }
0x41e: {  	v3 =	vld.idx.msk [tilespmem:v4+s25+$0x0], $0xffff;
	_ =	sdelay $0x1  }
0x41f: {  	v4 =	vadd.s32 $0x3, v2;
	_ =	sdelay $0x3  }
0x420: {  	[tilespmem:s1+$0x17300] =	vst v3  }
0x421: {  	v3 =	vld.idx.msk [tilespmem:v4+s25+$0x0], $0xffff;
	_ =	sdelay $0x1  }
0x422: {  	v4 =	vadd.s32 $0x4, v2;
	_ =	sdelay $0x3  }
0x423: {  	[tilespmem:s1+$0x17380] =	vst v3  }
0x424: {  	v3 =	vld.idx.msk [tilespmem:v4+s25+$0x0], $0xffff;
	_ =	sdelay $0x1  }
0x425: {  	v4 =	vadd.s32 $0x5, v2;
	_ =	sdelay $0x3  }
0x426: {  	[tilespmem:s1+$0x17400] =	vst v3  }
0x427: {  	v3 =	vld.idx.msk [tilespmem:v4+s25+$0x0], $0xffff;
	_ =	sdelay $0x1  }
0x428: {  	v4 =	vadd.s32 $0x6, v2;
	_ =	sdelay $0x3  }
0x429: {  	[tilespmem:s1+$0x17480] =	vst v3  }
0x42a: {  	v3 =	vld.idx.msk [tilespmem:v4+s25+$0x0], $0xffff;
	_ =	sdelay $0x1  }
0x42b: {  	v4 =	vadd.s32 $0x7, v2;
	_ =	sdelay $0x3  }
0x42c: {  	[tilespmem:s1+$0x17500] =	vst v3  }
0x42d: {  	v3 =	vld.idx.msk [tilespmem:v4+s25+$0x0], $0xffff;
	_ =	sdelay $0x1  }
0x42e: {  	v4 =	vadd.s32 $0x8, v2;
	_ =	sdelay $0x1  }
0x42f: {  	s12 =	sor.u32 s2, s23;
	s23 =	smov.u32 s24  }
0x430: {  	s12 =	sor.u32 $0x380, s12  }
0x431: {  	[tilespmem:s12+$0x17200] =	vst v3  }
0x432: {  	v3 =	vld.idx.msk [tilespmem:v4+s25+$0x0], $0xffff;
	_ =	sdelay $0x1  }
0x433: {  	v4 =	vadd.s32 $0x9, v2;
	_ =	sdelay $0x3  }
0x434: {  	[tilespmem:s1+$0x17E00] =	vst v3  }
0x435: {  	v3 =	vld.idx.msk [tilespmem:v4+s25+$0x0], $0xffff;
	_ =	sdelay $0x1  }
0x436: {  	v4 =	vadd.s32 $0xA, v2;
	_ =	sdelay $0x3  }
0x437: {  	[tilespmem:s1+$0x17E80] =	vst v3  }
0x438: {  	v3 =	vld.idx.msk [tilespmem:v4+s25+$0x0], $0xffff;
	_ =	sdelay $0x1  }
0x439: {  	v4 =	vadd.s32 $0xB, v2;
	_ =	sdelay $0x3  }
0x43a: {  	[tilespmem:s1+$0x17F00] =	vst v3  }
0x43b: {  	v3 =	vld.idx.msk [tilespmem:v4+s25+$0x0], $0xffff;
	_ =	sdelay $0x1  }
0x43c: {  	v4 =	vadd.s32 $0xC, v2;
	_ =	sdelay $0x3  }
0x43d: {  	[tilespmem:s1+$0x17F80] =	vst v3  }
0x43e: {  	v3 =	vld.idx.msk [tilespmem:v4+s25+$0x0], $0xffff;
	_ =	sdelay $0x1  }
0x43f: {  	v4 =	vadd.s32 $0xD, v2;
	_ =	sdelay $0x3  }
0x440: {  	[tilespmem:s1+$0x18000] =	vst v3  }
0x441: {  	v3 =	vld.idx.msk [tilespmem:v4+s25+$0x0], $0xffff;
	_ =	sdelay $0x1  }
0x442: {  	v4 =	vadd.s32 $0xE, v2;
	_ =	sdelay $0x3  }
0x443: {  	[tilespmem:s1+$0x18080] =	vst v3  }
0x444: {  	v3 =	vld.idx.msk [tilespmem:v4+s25+$0x0], $0xffff;
	_ =	sdelay $0x1  }
0x445: {  	v4 =	vadd.s32 $0xF, v2;
	_ =	sdelay $0x3  }
0x446: {  	[tilespmem:s1+$0x18100] =	vst v3  }
0x447: {  	v3 =	vld.idx.msk [tilespmem:v4+s25+$0x0], $0xffff;
	_ =	sdelay $0x1  }
0x448: {  	v4 =	vadd.s32 $0x10, v2;
	_ =	sdelay $0x3  }
0x449: {  	[tilespmem:s1+$0x18180] =	vst v3  }
0x44a: {  	v3 =	vld.idx.msk [tilespmem:v4+s25+$0x0], $0xffff;
	_ =	sdelay $0x1  }
0x44b: {  	v4 =	vadd.s32 $0x11, v2;
	_ =	sdelay $0x3  }
0x44c: {  	[tilespmem:s1+$0x18A00] =	vst v3  }
0x44d: {  	v3 =	vld.idx.msk [tilespmem:v4+s25+$0x0], $0xffff;
	_ =	sdelay $0x1  }
0x44e: {  	v4 =	vadd.s32 $0x12, v2;
	_ =	sdelay $0x3  }
0x44f: {  	[tilespmem:s1+$0x18A80] =	vst v3  }
0x450: {  	v3 =	vld.idx.msk [tilespmem:v4+s25+$0x0], $0xffff;
	_ =	sdelay $0x1  }
0x451: {  	v4 =	vadd.s32 $0x13, v2;
	_ =	sdelay $0x3  }
0x452: {  	[tilespmem:s1+$0x18B00] =	vst v3  }
0x453: {  	v3 =	vld.idx.msk [tilespmem:v4+s25+$0x0], $0xffff;
	_ =	sdelay $0x1  }
0x454: {  	v4 =	vadd.s32 $0x14, v2;
	_ =	sdelay $0x3  }
0x455: {  	[tilespmem:s1+$0x18B80] =	vst v3  }
0x456: {  	v3 =	vld.idx.msk [tilespmem:v4+s25+$0x0], $0xffff;
	_ =	sdelay $0x1  }
0x457: {  	v4 =	vadd.s32 $0x15, v2;
	_ =	sdelay $0x3  }
0x458: {  	[tilespmem:s1+$0x18C00] =	vst v3  }
0x459: {  	v3 =	vld.idx.msk [tilespmem:v4+s25+$0x0], $0xffff;
	_ =	sdelay $0x1  }
0x45a: {  	v4 =	vadd.s32 $0x16, v2;
	_ =	sdelay $0x3  }
0x45b: {  	[tilespmem:s1+$0x18C80] =	vst v3  }
0x45c: {  	v3 =	vld.idx.msk [tilespmem:v4+s25+$0x0], $0xffff;
	_ =	sdelay $0x1  }
0x45d: {  	v4 =	vadd.s32 $0x17, v2;
	_ =	sdelay $0x3  }
0x45e: {  	[tilespmem:s1+$0x18D00] =	vst v3  }
0x45f: {  	v3 =	vld.idx.msk [tilespmem:v4+s25+$0x0], $0xffff;
	_ =	sdelay $0x1  }
0x460: {  	v4 =	vadd.s32 $0x18, v2;
	_ =	sdelay $0x3  }
0x461: {  	[tilespmem:s1+$0x18D80] =	vst v3  }
0x462: {  	v3 =	vld.idx.msk [tilespmem:v4+s25+$0x0], $0xffff;
	_ =	sdelay $0x1  }
0x463: {  	v4 =	vadd.s32 $0x19, v2;
	_ =	sdelay $0x3  }
0x464: {  	[tilespmem:s1+$0x19600] =	vst v3  }
0x465: {  	v3 =	vld.idx.msk [tilespmem:v4+s25+$0x0], $0xffff;
	_ =	sdelay $0x1  }
0x466: {  	v4 =	vadd.s32 $0x1A, v2;
	_ =	sdelay $0x3  }
0x467: {  	[tilespmem:s1+$0x19680] =	vst v3  }
0x468: {  	v3 =	vld.idx.msk [tilespmem:v4+s25+$0x0], $0xffff;
	_ =	sdelay $0x1  }
0x469: {  	v4 =	vadd.s32 $0x1B, v2;
	_ =	sdelay $0x3  }
0x46a: {  	[tilespmem:s1+$0x19700] =	vst v3  }
0x46b: {  	v3 =	vld.idx.msk [tilespmem:v4+s25+$0x0], $0xffff;
	_ =	sdelay $0x1  }
0x46c: {  	v4 =	vadd.s32 $0x1C, v2;
	_ =	sdelay $0x3  }
0x46d: {  	[tilespmem:s1+$0x19780] =	vst v3  }
0x46e: {  	v3 =	vld.idx.msk [tilespmem:v4+s25+$0x0], $0xffff;
	_ =	sdelay $0x1  }
0x46f: {  	v4 =	vadd.s32 $0x1D, v2;
	_ =	sdelay $0x3  }
0x470: {  	[tilespmem:s1+$0x19800] =	vst v3  }
0x471: {  	v3 =	vld.idx.msk [tilespmem:v4+s25+$0x0], $0xffff;
	_ =	sdelay $0x1  }
0x472: {  	v4 =	vadd.s32 $0x1E, v2;
	_ =	sdelay $0x2  }
.Ltmp8:
0x473: {  	(pc) =	sbr.rel @p5 .LBB2_36-.Ltmp8, $3  }
0x474: {  	[tilespmem:s1+$0x19880] =	vst v3  }
0x475: {  	v3 =	vld.idx.msk [tilespmem:v4+s25+$0x0], $0xffff;
	_ =	sdelay $0x1  }
0x476: {  	s24 =	sadd.s32 $0x10, s24;
	s12 =	sadd.s32 s23, s6;
	v2 =	vadd.s32 $0x1F, v2  }
0x477: {  	s12 =	ssub.s32 s12, s0  }
0x478: {  	v4 =	vadd.s32 s12, v1  }
0x479: {  	vm0 =	vgt.s32 v4, $0x0  }
0x47a: {  	v4 =	vnsel vm0, $0x0, v4  }
0x47b: {  	[tilespmem:s1+$0x19900] =	vst v3;
	v3 =	vmin.u32 v4, $0x100  }
0x47c: {  	v2 =	vld.idx.msk [tilespmem:v2+s25+$0x0], $0xffff;
	v3 =	vmul.u32 $0x21, v3;
	_ =	sdelay $0x4  }
0x47d: {  	[tilespmem:s1+$0x19980] =	vst v2  }
0x47e: {  	v2 =	vld.idx.msk [tilespmem:v3+s25+$0x0], $0xffff  }
0x47f: {  	v34 =	vadd.s32 $0x1, v3  }
0x480: {  	s2 =	sadd.s32 $0x80, s2  }
0x481: {  	s22 =	sand.u32 $0x70, s23;
	s24 =	sand.u32 $0xC00, s2  }
0x482: {  	s1 =	sor.u32 s22, s24  }
0x483: {  	[tilespmem:s1+$0x17200] =	vst v2  }
0x484: {  	v2 =	vld.idx.msk [tilespmem:v34+s25+$0x0], $0xffff  }
0x485: {  	v35 =	vadd.s32 $0x2, v3;
	_ =	sdelay $0x3  }
0x486: {  	[tilespmem:s1+$0x17280] =	vst v2  }
0x487: {  	v2 =	vld.idx.msk [tilespmem:v35+s25+$0x0], $0xffff  }
0x488: {  	v36 =	vadd.s32 $0x3, v3;
	_ =	sdelay $0x3  }
0x489: {  	[tilespmem:s1+$0x17300] =	vst v2  }
0x48a: {  	v2 =	vld.idx.msk [tilespmem:v36+s25+$0x0], $0xffff  }
0x48b: {  	v37 =	vadd.s32 $0x4, v3;
	_ =	sdelay $0x3  }
0x48c: {  	[tilespmem:s1+$0x17380] =	vst v2  }
0x48d: {  	v2 =	vld.idx.msk [tilespmem:v37+s25+$0x0], $0xffff  }
0x48e: {  	v38 =	vadd.s32 $0x5, v3;
	_ =	sdelay $0x3  }
0x48f: {  	[tilespmem:s1+$0x17400] =	vst v2  }
0x490: {  	v2 =	vld.idx.msk [tilespmem:v38+s25+$0x0], $0xffff  }
0x491: {  	v39 =	vadd.s32 $0x6, v3;
	_ =	sdelay $0x3  }
0x492: {  	[tilespmem:s1+$0x17480] =	vst v2  }
0x493: {  	v2 =	vld.idx.msk [tilespmem:v39+s25+$0x0], $0xffff  }
0x494: {  	v40 =	vadd.s32 $0x7, v3;
	_ =	sdelay $0x3  }
0x495: {  	[tilespmem:s1+$0x17500] =	vst v2  }
0x496: {  	v2 =	vld.idx.msk [tilespmem:v40+s25+$0x0], $0xffff  }
0x497: {  	v41 =	vadd.s32 $0x8, v3;
	_ =	sdelay $0x1  }
0x498: {  	s2 =	sor.u32 s2, s23  }
0x499: {  	s2 =	sor.u32 $0x380, s2  }
0x49a: {  	[tilespmem:s2+$0x17200] =	vst v2  }
0x49b: {  	v2 =	vld.idx.msk [tilespmem:v41+s25+$0x0], $0xffff  }
0x49c: {  	v42 =	vadd.s32 $0x9, v3;
	_ =	sdelay $0x3  }
0x49d: {  	[tilespmem:s1+$0x17E00] =	vst v2  }
0x49e: {  	v2 =	vld.idx.msk [tilespmem:v42+s25+$0x0], $0xffff  }
0x49f: {  	v43 =	vadd.s32 $0xA, v3;
	_ =	sdelay $0x3  }
0x4a0: {  	[tilespmem:s1+$0x17E80] =	vst v2  }
0x4a1: {  	v2 =	vld.idx.msk [tilespmem:v43+s25+$0x0], $0xffff  }
0x4a2: {  	v44 =	vadd.s32 $0xB, v3;
	_ =	sdelay $0x3  }
0x4a3: {  	[tilespmem:s1+$0x17F00] =	vst v2  }
0x4a4: {  	v2 =	vld.idx.msk [tilespmem:v44+s25+$0x0], $0xffff  }
0x4a5: {  	v45 =	vadd.s32 $0xC, v3;
	_ =	sdelay $0x3  }
0x4a6: {  	[tilespmem:s1+$0x17F80] =	vst v2  }
0x4a7: {  	v2 =	vld.idx.msk [tilespmem:v45+s25+$0x0], $0xffff  }
0x4a8: {  	v46 =	vadd.s32 $0xD, v3;
	_ =	sdelay $0x3  }
0x4a9: {  	[tilespmem:s1+$0x18000] =	vst v2  }
0x4aa: {  	v2 =	vld.idx.msk [tilespmem:v46+s25+$0x0], $0xffff  }
0x4ab: {  	v47 =	vadd.s32 $0xE, v3;
	_ =	sdelay $0x3  }
0x4ac: {  	[tilespmem:s1+$0x18080] =	vst v2  }
0x4ad: {  	v2 =	vld.idx.msk [tilespmem:v47+s25+$0x0], $0xffff  }
0x4ae: {  	v48 =	vadd.s32 $0xF, v3;
	_ =	sdelay $0x3  }
0x4af: {  	[tilespmem:s1+$0x18100] =	vst v2  }
0x4b0: {  	v2 =	vld.idx.msk [tilespmem:v48+s25+$0x0], $0xffff  }
0x4b1: {  	v49 =	vadd.s32 $0x10, v3;
	_ =	sdelay $0x3  }
0x4b2: {  	[tilespmem:s1+$0x18180] =	vst v2  }
0x4b3: {  	v2 =	vld.idx.msk [tilespmem:v49+s25+$0x0], $0xffff  }
0x4b4: {  	v50 =	vadd.s32 $0x11, v3;
	_ =	sdelay $0x3  }
0x4b5: {  	[tilespmem:s1+$0x18A00] =	vst v2  }
0x4b6: {  	v2 =	vld.idx.msk [tilespmem:v50+s25+$0x0], $0xffff  }
0x4b7: {  	v51 =	vadd.s32 $0x12, v3;
	_ =	sdelay $0x3  }
0x4b8: {  	[tilespmem:s1+$0x18A80] =	vst v2  }
0x4b9: {  	v2 =	vld.idx.msk [tilespmem:v51+s25+$0x0], $0xffff  }
0x4ba: {  	v52 =	vadd.s32 $0x13, v3;
	_ =	sdelay $0x3  }
0x4bb: {  	[tilespmem:s1+$0x18B00] =	vst v2  }
0x4bc: {  	v2 =	vld.idx.msk [tilespmem:v52+s25+$0x0], $0xffff  }
0x4bd: {  	v53 =	vadd.s32 $0x14, v3;
	_ =	sdelay $0x3  }
0x4be: {  	[tilespmem:s1+$0x18B80] =	vst v2  }
0x4bf: {  	v2 =	vld.idx.msk [tilespmem:v53+s25+$0x0], $0xffff  }
0x4c0: {  	v54 =	vadd.s32 $0x15, v3;
	_ =	sdelay $0x3  }
0x4c1: {  	[tilespmem:s1+$0x18C00] =	vst v2  }
0x4c2: {  	v2 =	vld.idx.msk [tilespmem:v54+s25+$0x0], $0xffff  }
0x4c3: {  	v55 =	vadd.s32 $0x16, v3;
	_ =	sdelay $0x3  }
0x4c4: {  	[tilespmem:s1+$0x18C80] =	vst v2  }
0x4c5: {  	v2 =	vld.idx.msk [tilespmem:v55+s25+$0x0], $0xffff  }
0x4c6: {  	v56 =	vadd.s32 $0x17, v3;
	_ =	sdelay $0x3  }
0x4c7: {  	[tilespmem:s1+$0x18D00] =	vst v2  }
0x4c8: {  	v2 =	vld.idx.msk [tilespmem:v56+s25+$0x0], $0xffff  }
0x4c9: {  	v57 =	vadd.s32 $0x18, v3;
	_ =	sdelay $0x3  }
0x4ca: {  	[tilespmem:s1+$0x18D80] =	vst v2  }
0x4cb: {  	v2 =	vld.idx.msk [tilespmem:v57+s25+$0x0], $0xffff  }
0x4cc: {  	v58 =	vadd.s32 $0x19, v3;
	_ =	sdelay $0x3  }
0x4cd: {  	[tilespmem:s1+$0x19600] =	vst v2  }
0x4ce: {  	v2 =	vld.idx.msk [tilespmem:v58+s25+$0x0], $0xffff  }
0x4cf: {  	v59 =	vadd.s32 $0x1A, v3;
	_ =	sdelay $0x3  }
0x4d0: {  	[tilespmem:s1+$0x19680] =	vst v2  }
0x4d1: {  	v2 =	vld.idx.msk [tilespmem:v59+s25+$0x0], $0xffff  }
0x4d2: {  	v60 =	vadd.s32 $0x1B, v3;
	_ =	sdelay $0x3  }
0x4d3: {  	[tilespmem:s1+$0x19700] =	vst v2  }
0x4d4: {  	v2 =	vld.idx.msk [tilespmem:v60+s25+$0x0], $0xffff  }
0x4d5: {  	v61 =	vadd.s32 $0x1C, v3;
	_ =	sdelay $0x3  }
0x4d6: {  	[tilespmem:s1+$0x19780] =	vst v2  }
0x4d7: {  	v2 =	vld.idx.msk [tilespmem:v61+s25+$0x0], $0xffff  }
0x4d8: {  	v62 =	vadd.s32 $0x1D, v3;
	_ =	sdelay $0x3  }
0x4d9: {  	[tilespmem:s1+$0x19800] =	vst v2  }
0x4da: {  	v2 =	vld.idx.msk [tilespmem:v62+s25+$0x0], $0xffff  }
0x4db: {  	v63 =	vadd.s32 $0x1E, v3;
	_ =	sdelay $0x3  }
0x4dc: {  	[tilespmem:s1+$0x19880] =	vst v2  }
0x4dd: {  	v2 =	vld.idx.msk [tilespmem:v63+s25+$0x0], $0xffff  }
0x4de: {  	v3 =	vadd.s32 $0x1F, v3;
	_ =	sdelay $0x3  }
0x4df: {  	[tilespmem:s1+$0x19900] =	vst v2  }
0x4e0: {  	v2 =	vld.idx.msk [tilespmem:v3+s25+$0x0], $0xffff;
	_ =	sdelay $0x1  }
.Ltmp9:
0x4e1: {  	_ = 	snop;
	(pc) =	sbr.rel @p0 .LBB2_39-.Ltmp9, $4  }
0x4e2: {  	s0 =	sshll.u32 s0, $0xD  }
0x4e3: {  	s12 =	sadd.s32 s0, s7  }
0x4e4: {  	s23 =	simm.s32 $0xC00;
	s24 =	simm.s32 $0x4000;
	s22 =	simm.s32 $0x17200;
	[tilespmem:s1+$0x19980] =	vst v2  }
0x4e5: {  	[hbm4b:s12+s23] =	stream.strided.scatter [tilespmem:s22], [sflag:$0x1], $0x3000, s24, s23, $0x38;
	[tilespmem:$0x1A200] =	vst v63  }
0x4e6: {  	s1 =	sadd.s32 s0, s8;
	s2 =	simm.s32 $0x4E00  }
0x4e7: {  	[hbm4b:s1+s4] =	stream.linear.scatter [tilespmem:s2], [sflag:$0x2], $0x400, $0x38;
	[tilespmem:$0x1A200] =	vst v63  }
0x4e8: {  	s12 =	simm.s32 $0x8E00;
	s24 =	sadd.s32 $0x800, s1  }
0x4e9: {  	[hbm4b:s24+s4] =	stream.linear.scatter [tilespmem:s12], [sflag:$0x2], $0x400, $0x38;
	[tilespmem:$0x1A200] =	vst v63  }
.Ltmp10:
0x4ea: {  	_ = 	snop;
	(pc) =	sbr.rel .LBB2_40-.Ltmp10, $4  }
0x4eb: {  	s23 =	simm.s32 $0xCE00;
	s22 =	sadd.s32 $0x1000, s1  }
0x4ec: {  	[hbm4b:s22+s4] =	stream.linear.scatter [tilespmem:s23], [sflag:$0x2], $0x400, $0x38;
	[tilespmem:$0x1A200] =	vst v63  }
0x4ed: {  	s1 =	sadd.s32 $0x1800, s1;
	s24 =	simm.s32 $0x10E00  }
0x4ee: {  	[hbm4b:s1+s4] =	stream.linear.scatter [tilespmem:s24], [sflag:$0x2], $0x400, $0x38;
	[tilespmem:$0x1A200] =	vst v63  }
.LBB2_39:
0x4ef: {  	s1 =	rddreg [dreg:$0x1]  }
0x4f0: {  	s2 =	simm.s32 $0x4200;
	s1 =	sadd.s32 s1, s0  }
0x4f1: {  	[hbm4b:s1+s4] =	stream.linear.scatter [tilespmem:s2], [sflag:$0x2], $0x400, $0x38;
	[tilespmem:$0x1A200] =	vst v63  }
0x4f2: {  	s12 =	simm.s32 $0x8200;
	s24 =	sadd.s32 $0x800, s1  }
0x4f3: {  	[hbm4b:s24+s4] =	stream.linear.scatter [tilespmem:s12], [sflag:$0x2], $0x400, $0x38;
	[tilespmem:$0x1A200] =	vst v63  }
.Ltmp11:
0x4f4: {  	_ = 	snop;
	(pc) =	sbr.rel @p1 .LBB2_41-.Ltmp11, $4  }
0x4f5: {  	s23 =	simm.s32 $0xC200;
	s22 =	sadd.s32 $0x1000, s1  }
0x4f6: {  	[hbm4b:s22+s4] =	stream.linear.scatter [tilespmem:s23], [sflag:$0x2], $0x400, $0x38;
	[tilespmem:$0x1A200] =	vst v63  }
0x4f7: {  	s1 =	sadd.s32 $0x1800, s1;
	s24 =	simm.s32 $0x10200  }
0x4f8: {  	[hbm4b:s1+s4] =	stream.linear.scatter [tilespmem:s24], [sflag:$0x2], $0x400, $0x38;
	[tilespmem:$0x1A200] =	vst v63  }
.LBB2_40:
0x4f9: {  	s1 =	sadd.s32 s0, s9;
	s2 =	simm.s32 $0x5200  }
0x4fa: {  	[hbm4b:s1+s4] =	stream.linear.scatter [tilespmem:s2], [sflag:$0x2], $0x400, $0x38;
	[tilespmem:$0x1A200] =	vst v63  }
0x4fb: {  	s12 =	simm.s32 $0x9200;
	s24 =	sadd.s32 $0x800, s1  }
0x4fc: {  	[hbm4b:s24+s4] =	stream.linear.scatter [tilespmem:s12], [sflag:$0x2], $0x400, $0x38;
	[tilespmem:$0x1A200] =	vst v63  }
0x4fd: {  	s23 =	simm.s32 $0xD200;
	s22 =	sadd.s32 $0x1000, s1  }
0x4fe: {  	[hbm4b:s22+s4] =	stream.linear.scatter [tilespmem:s23], [sflag:$0x2], $0x400, $0x38;
	[tilespmem:$0x1A200] =	vst v63  }
0x4ff: {  	s1 =	sadd.s32 $0x1800, s1;
	s24 =	simm.s32 $0x11200  }
0x500: {  	[hbm4b:s1+s4] =	stream.linear.scatter [tilespmem:s24], [sflag:$0x2], $0x400, $0x38;
	[tilespmem:$0x1A200] =	vst v63  }
.LBB2_42:
0x501: {  	s1 =	sadd.s32 s0, s11;
	s2 =	simm.s32 $0x5600  }
0x502: {  	[hbm4b:s1+s4] =	stream.linear.scatter [tilespmem:s2], [sflag:$0x2], $0x400, $0x38;
	[tilespmem:$0x1A200] =	vst v63  }
0x503: {  	s12 =	simm.s32 $0x9600;
	s24 =	sadd.s32 $0x800, s1  }
0x504: {  	[hbm4b:s24+s4] =	stream.linear.scatter [tilespmem:s12], [sflag:$0x2], $0x400, $0x38;
	[tilespmem:$0x1A200] =	vst v63  }
0x505: {  	s23 =	simm.s32 $0xD600;
	s22 =	sadd.s32 $0x1000, s1  }
0x506: {  	[hbm4b:s22+s4] =	stream.linear.scatter [tilespmem:s23], [sflag:$0x2], $0x400, $0x38;
	[tilespmem:$0x1A200] =	vst v63  }
0x507: {  	s1 =	sadd.s32 $0x1800, s1;
	s24 =	simm.s32 $0x11600  }
0x508: {  	[hbm4b:s1+s4] =	stream.linear.scatter [tilespmem:s24], [sflag:$0x2], $0x400, $0x38;
	[tilespmem:$0x1A200] =	vst v63  }
.LBB2_44:
0x509: {  	s1 =	sadd.s32 s0, s13;
	s2 =	simm.s32 $0x5A00  }
0x50a: {  	[hbm4b:s1+s4] =	stream.linear.scatter [tilespmem:s2], [sflag:$0x2], $0x400, $0x38;
	[tilespmem:$0x1A200] =	vst v63  }
0x50b: {  	s12 =	simm.s32 $0x9A00;
	s24 =	sadd.s32 $0x800, s1  }
0x50c: {  	[hbm4b:s24+s4] =	stream.linear.scatter [tilespmem:s12], [sflag:$0x2], $0x400, $0x38;
	[tilespmem:$0x1A200] =	vst v63  }
0x50d: {  	s23 =	simm.s32 $0xDA00;
	s22 =	sadd.s32 $0x1000, s1  }
0x50e: {  	[hbm4b:s22+s4] =	stream.linear.scatter [tilespmem:s23], [sflag:$0x2], $0x400, $0x38;
	[tilespmem:$0x1A200] =	vst v63  }
0x50f: {  	s1 =	sadd.s32 $0x1800, s1;
	s24 =	simm.s32 $0x11A00  }
0x510: {  	[hbm4b:s1+s4] =	stream.linear.scatter [tilespmem:s24], [sflag:$0x2], $0x400, $0x38;
	[tilespmem:$0x1A200] =	vst v63  }
.LBB2_46:
0x511: {  	s1 =	sadd.s32 s0, s14;
	s2 =	simm.s32 $0x5E00  }
0x512: {  	[hbm4b:s1+s4] =	stream.linear.scatter [tilespmem:s2], [sflag:$0x2], $0x400, $0x38;
	[tilespmem:$0x1A200] =	vst v63  }
0x513: {  	s12 =	simm.s32 $0x9E00;
	s24 =	sadd.s32 $0x800, s1  }
0x514: {  	[hbm4b:s24+s4] =	stream.linear.scatter [tilespmem:s12], [sflag:$0x2], $0x400, $0x38;
	[tilespmem:$0x1A200] =	vst v63  }
0x515: {  	s23 =	simm.s32 $0xDE00;
	s22 =	sadd.s32 $0x1000, s1  }
0x516: {  	[hbm4b:s22+s4] =	stream.linear.scatter [tilespmem:s23], [sflag:$0x2], $0x400, $0x38;
	[tilespmem:$0x1A200] =	vst v63  }
0x517: {  	s1 =	sadd.s32 $0x1800, s1;
	s24 =	simm.s32 $0x11E00  }
0x518: {  	[hbm4b:s1+s4] =	stream.linear.scatter [tilespmem:s24], [sflag:$0x2], $0x400, $0x38;
	[tilespmem:$0x1A200] =	vst v63  }
.LBB2_48:
0x519: {  	s1 =	sadd.s32 s0, s15;
	s2 =	simm.s32 $0x6200  }
0x51a: {  	[hbm4b:s1+s4] =	stream.linear.scatter [tilespmem:s2], [sflag:$0x2], $0x400, $0x38;
	[tilespmem:$0x1A200] =	vst v63  }
0x51b: {  	s12 =	simm.s32 $0xA200;
	s24 =	sadd.s32 $0x800, s1  }
0x51c: {  	[hbm4b:s24+s4] =	stream.linear.scatter [tilespmem:s12], [sflag:$0x2], $0x400, $0x38;
	[tilespmem:$0x1A200] =	vst v63  }
0x51d: {  	s23 =	simm.s32 $0xE200;
	s22 =	sadd.s32 $0x1000, s1  }
0x51e: {  	[hbm4b:s22+s4] =	stream.linear.scatter [tilespmem:s23], [sflag:$0x2], $0x400, $0x38;
	[tilespmem:$0x1A200] =	vst v63  }
0x51f: {  	s1 =	sadd.s32 $0x1800, s1;
	s24 =	simm.s32 $0x12200  }
0x520: {  	[hbm4b:s1+s4] =	stream.linear.scatter [tilespmem:s24], [sflag:$0x2], $0x400, $0x38;
	[tilespmem:$0x1A200] =	vst v63  }
.LBB2_50:
0x521: {  	s1 =	sadd.s32 s0, s16;
	s2 =	simm.s32 $0x6600  }
0x522: {  	[hbm4b:s1+s4] =	stream.linear.scatter [tilespmem:s2], [sflag:$0x2], $0x400, $0x38;
	[tilespmem:$0x1A200] =	vst v63  }
0x523: {  	s12 =	simm.s32 $0xA600;
	s24 =	sadd.s32 $0x800, s1  }
0x524: {  	[hbm4b:s24+s4] =	stream.linear.scatter [tilespmem:s12], [sflag:$0x2], $0x400, $0x38;
	[tilespmem:$0x1A200] =	vst v63  }
0x525: {  	s23 =	simm.s32 $0xE600;
	s22 =	sadd.s32 $0x1000, s1  }
0x526: {  	[hbm4b:s22+s4] =	stream.linear.scatter [tilespmem:s23], [sflag:$0x2], $0x400, $0x38;
	[tilespmem:$0x1A200] =	vst v63  }
0x527: {  	s1 =	sadd.s32 $0x1800, s1;
	s24 =	simm.s32 $0x12600  }
0x528: {  	[hbm4b:s1+s4] =	stream.linear.scatter [tilespmem:s24], [sflag:$0x2], $0x400, $0x38;
	[tilespmem:$0x1A200] =	vst v63  }
.LBB2_52:
0x529: {  	s1 =	sadd.s32 s0, s17;
	s2 =	simm.s32 $0x6A00  }
0x52a: {  	[hbm4b:s1+s4] =	stream.linear.scatter [tilespmem:s2], [sflag:$0x2], $0x400, $0x38;
	[tilespmem:$0x1A200] =	vst v63  }
0x52b: {  	s12 =	simm.s32 $0xAA00;
	s24 =	sadd.s32 $0x800, s1  }
0x52c: {  	[hbm4b:s24+s4] =	stream.linear.scatter [tilespmem:s12], [sflag:$0x2], $0x400, $0x38;
	[tilespmem:$0x1A200] =	vst v63  }
0x52d: {  	s23 =	simm.s32 $0xEA00;
	s22 =	sadd.s32 $0x1000, s1  }
0x52e: {  	[hbm4b:s22+s4] =	stream.linear.scatter [tilespmem:s23], [sflag:$0x2], $0x400, $0x38;
	[tilespmem:$0x1A200] =	vst v63  }
0x52f: {  	s1 =	sadd.s32 $0x1800, s1;
	s24 =	simm.s32 $0x12A00  }
0x530: {  	[hbm4b:s1+s4] =	stream.linear.scatter [tilespmem:s24], [sflag:$0x2], $0x400, $0x38;
	[tilespmem:$0x1A200] =	vst v63  }
.LBB2_54:
0x531: {  	s1 =	sadd.s32 s0, s18;
	s2 =	simm.s32 $0x6E00  }
0x532: {  	[hbm4b:s1+s4] =	stream.linear.scatter [tilespmem:s2], [sflag:$0x2], $0x400, $0x38;
	[tilespmem:$0x1A200] =	vst v63  }
0x533: {  	s12 =	simm.s32 $0xAE00;
	s24 =	sadd.s32 $0x800, s1  }
0x534: {  	[hbm4b:s24+s4] =	stream.linear.scatter [tilespmem:s12], [sflag:$0x2], $0x400, $0x38;
	[tilespmem:$0x1A200] =	vst v63  }
0x535: {  	s23 =	simm.s32 $0xEE00;
	s22 =	sadd.s32 $0x1000, s1  }
0x536: {  	[hbm4b:s22+s4] =	stream.linear.scatter [tilespmem:s23], [sflag:$0x2], $0x400, $0x38;
	[tilespmem:$0x1A200] =	vst v63  }
0x537: {  	s1 =	sadd.s32 $0x1800, s1;
	s24 =	simm.s32 $0x12E00  }
0x538: {  	[hbm4b:s1+s4] =	stream.linear.scatter [tilespmem:s24], [sflag:$0x2], $0x400, $0x38;
	[tilespmem:$0x1A200] =	vst v63  }
.LBB2_56:
0x539: {  	s1 =	sadd.s32 s0, s19;
	s2 =	simm.s32 $0x7200  }
0x53a: {  	[hbm4b:s1+s4] =	stream.linear.scatter [tilespmem:s2], [sflag:$0x2], $0x400, $0x38;
	[tilespmem:$0x1A200] =	vst v63  }
0x53b: {  	s12 =	simm.s32 $0xB200;
	s24 =	sadd.s32 $0x800, s1  }
0x53c: {  	[hbm4b:s24+s4] =	stream.linear.scatter [tilespmem:s12], [sflag:$0x2], $0x400, $0x38;
	[tilespmem:$0x1A200] =	vst v63  }
0x53d: {  	s23 =	simm.s32 $0xF200;
	s22 =	sadd.s32 $0x1000, s1  }
0x53e: {  	[hbm4b:s22+s4] =	stream.linear.scatter [tilespmem:s23], [sflag:$0x2], $0x400, $0x38;
	[tilespmem:$0x1A200] =	vst v63  }
0x53f: {  	s1 =	sadd.s32 $0x1800, s1;
	s24 =	simm.s32 $0x13200  }
0x540: {  	[hbm4b:s1+s4] =	stream.linear.scatter [tilespmem:s24], [sflag:$0x2], $0x400, $0x38;
	[tilespmem:$0x1A200] =	vst v63  }
.LBB2_58:
0x541: {  	s1 =	sadd.s32 s0, s20;
	s2 =	simm.s32 $0x7600  }
0x542: {  	[hbm4b:s1+s4] =	stream.linear.scatter [tilespmem:s2], [sflag:$0x2], $0x400, $0x38;
	[tilespmem:$0x1A200] =	vst v63  }
0x543: {  	s12 =	simm.s32 $0xB600;
	s24 =	sadd.s32 $0x800, s1  }
0x544: {  	[hbm4b:s24+s4] =	stream.linear.scatter [tilespmem:s12], [sflag:$0x2], $0x400, $0x38;
	[tilespmem:$0x1A200] =	vst v63  }
0x545: {  	s23 =	simm.s32 $0xF600;
	s22 =	sadd.s32 $0x1000, s1  }
0x546: {  	[hbm4b:s22+s4] =	stream.linear.scatter [tilespmem:s23], [sflag:$0x2], $0x400, $0x38;
	[tilespmem:$0x1A200] =	vst v63  }
0x547: {  	s1 =	sadd.s32 $0x1800, s1;
	s24 =	simm.s32 $0x13600  }
0x548: {  	[hbm4b:s1+s4] =	stream.linear.scatter [tilespmem:s24], [sflag:$0x2], $0x400, $0x38;
	[tilespmem:$0x1A200] =	vst v63  }
.LBB2_60:
0x549: {  	s1 =	sadd.s32 s0, s21  }
0x54a: {  	[hbm4b:s1+s4] =	stream.linear.scatter [tilespmem:s3], [sflag:$0x2], $0x400, $0x38;
	[tilespmem:$0x1A200] =	vst v63  }
0x54b: {  	s2 =	sadd.s32 $0x800, s1  }
0x54c: {  	[hbm4b:s2+s4] =	stream.linear.scatter [tilespmem:s29], [sflag:$0x2], $0x400, $0x38;
	[tilespmem:$0x1A200] =	vst v63  }
0x54d: {  	s24 =	sadd.s32 $0x1000, s1  }
0x54e: {  	[hbm4b:s24+s4] =	stream.linear.scatter [tilespmem:s30], [sflag:$0x2], $0x400, $0x38;
	[tilespmem:$0x1A200] =	vst v63  }
0x54f: {  	s1 =	sadd.s32 $0x1800, s1  }
0x550: {  	[hbm4b:s1+s4] =	stream.linear.scatter [tilespmem:s31], [sflag:$0x2], $0x400, $0x38;
	[tilespmem:$0x1A200] =	vst v63  }
.LBB2_61:
0x551: {  	s1 =	simm.s32 $0x13E00;
	s2 =	simm.s32 $0xFE00  }
0x552: {  	s12 =	simm.s32 $0xBE00;
	s23 =	simm.s32 $0x7E00;
	s22 =	smov.u32 s10  }
.LBB2_64:
0x553: {  	s0 =	sadd.s32 s0, s22  }
0x554: {  	[hbm4b:s0+s4] =	stream.linear.scatter [tilespmem:s23], [sflag:$0x2], $0x400, $0x38;
	[tilespmem:$0x1A200] =	vst v63  }
0x555: {  	s22 =	sadd.s32 $0x800, s0  }
0x556: {  	[hbm4b:s22+s4] =	stream.linear.scatter [tilespmem:s12], [sflag:$0x2], $0x400, $0x38;
	[tilespmem:$0x1A200] =	vst v63  }
0x557: {  	s24 =	sadd.s32 $0x1000, s0  }
0x558: {  	[hbm4b:s24+s4] =	stream.linear.scatter [tilespmem:s2], [sflag:$0x2], $0x400, $0x38;
	[tilespmem:$0x1A200] =	vst v63  }
0x559: {  	s0 =	sadd.s32 $0x1800, s0  }
0x55a: {  	[hbm4b:s0+s4] =	stream.linear.scatter [tilespmem:s1], [sflag:$0x2], $0x400, $0x38;
	[tilespmem:$0x1A200] =	vst v63  }
0x55b: {  	s0 =	simm.s32 @!p6 $0x2  }
0x55c: {  	_ =	swait.ge @!p6 [sflag:s0], $0x1000  }
0x55d: {  	[sflag:s0] =	ssyncset.done @!p6 $0x0  }
0x55e: {  	[sflag:s0] =	ssyncadd.s32 @!p6 $0xFFFFF000  }
0x55f: {  	_ =	swait.ge @!p6 [sflag:s0], $0x1000  }
0x560: {  	[sflag:s0] =	ssyncset.done @!p6 $0x0  }
0x561: {  	[sflag:s0] =	ssyncadd.s32 @!p6 $0xFFFFF000  }
0x562: {  	_ =	swait.ge @!p6 [sflag:s0], $0x1000  }
0x563: {  	[sflag:s0] =	ssyncset.done @!p6 $0x0  }
0x564: {  	[sflag:s0] =	ssyncadd.s32 @!p6 $0xFFFFF000  }
0x565: {  	_ =	swait.ge @!p6 [sflag:s0], $0x1000  }
0x566: {  	[sflag:s0] =	ssyncset.done @!p6 $0x0  }
0x567: {  	[sflag:s0] =	ssyncadd.s32 @!p6 $0xFFFFF000  }
0x568: {  	_ =	swait.ge @!p6 [sflag:s0], $0x1000  }
0x569: {  	[sflag:s0] =	ssyncset.done @!p6 $0x0  }
0x56a: {  	[sflag:s0] =	ssyncadd.s32 @!p6 $0xFFFFF000  }
0x56b: {  	_ =	swait.ge @!p6 [sflag:s0], $0x1000  }
0x56c: {  	[sflag:s0] =	ssyncset.done @!p6 $0x0  }
0x56d: {  	[sflag:s0] =	ssyncadd.s32 @!p6 $0xFFFFF000  }
0x56e: {  	_ =	swait.ge @!p6 [sflag:s0], $0x1000  }
0x56f: {  	[sflag:s0] =	ssyncset.done @!p6 $0x0  }
0x570: {  	[sflag:s0] =	ssyncadd.s32 @!p6 $0xFFFFF000  }
0x571: {  	_ =	swait.ge @!p6 [sflag:s0], $0x1000  }
0x572: {  	[sflag:s0] =	ssyncset.done @!p6 $0x0  }
0x573: {  	[sflag:s0] =	ssyncadd.s32 @!p6 $0xFFFFF000  }
0x574: {  	_ =	swait.ge @!p6 [sflag:s0], $0x1000  }
0x575: {  	[sflag:s0] =	ssyncset.done @!p6 $0x0  }
0x576: {  	[sflag:s0] =	ssyncadd.s32 @!p6 $0xFFFFF000  }
0x577: {  	_ =	swait.ge @!p6 [sflag:s0], $0x1000  }
0x578: {  	[sflag:s0] =	ssyncset.done @!p6 $0x0  }
0x579: {  	[sflag:s0] =	ssyncadd.s32 @!p6 $0xFFFFF000  }
0x57a: {  	_ =	swait.ge @!p6 [sflag:s0], $0x1000  }
0x57b: {  	[sflag:s0] =	ssyncset.done @!p6 $0x0  }
0x57c: {  	s28 =	sadd.s32 $0x1, s28;
	[sflag:s0] =	ssyncadd.s32 @!p6 $0xFFFFF000  }
0x57d: {  	p5 =	sne.s32 s28, $0x20;
	_ =	swait.ge @!p6 [sflag:s0], $0x1000  }
.Ltmp12:
0x57e: {  	[sflag:s0] =	ssyncset.done @!p6 $0x0;
	(pc) =	sbr.rel @p5 .LBB2_6-.Ltmp12, $4  }
.Ltmp13:
0x57f: {  	[sflag:s0] =	ssyncadd.s32 @!p6 $0xFFFFF000;
	(pc) =	sbr.rel @!p5 .LBB2_65-.Ltmp13, $4  }
0x580: {  	_ =	swait.ge @!p6 [sflag:s0], $0x1000  }
0x581: {  	[sflag:s0] =	ssyncset.done @!p6 $0x0  }
0x582: {  	[sflag:s0] =	ssyncadd.s32 @!p6 $0xFFFFF000  }
0x583: {  	_ = 	snop  }
.LBB2_12:
0x584: {  	s2 =	rddreg [dreg:$0x3]  }
0x585: {  	s12 =	simm.s32 $0x4600;
	s2 =	sadd.s32 s1, s2  }
0x586: {  	[hbm4b:s2+s4] =	stream.linear.scatter [tilespmem:s12], [sflag:$0x2], $0x400, $0x38;
	[tilespmem:$0x1A200] =	vst v63  }
0x587: {  	s22 =	simm.s32 $0x8600;
	s24 =	sadd.s32 $0x800, s2  }
0x588: {  	[hbm4b:s24+s4] =	stream.linear.scatter [tilespmem:s22], [sflag:$0x2], $0x400, $0x38;
	[tilespmem:$0x1A200] =	vst v63  }
.Ltmp14:
0x589: {  	_ = 	snop;
	(pc) =	sbr.rel @!p2 .LBB2_13-.Ltmp14, $4  }
0x58a: {  	s23 =	simm.s32 $0xC600;
	s22 =	sadd.s32 $0x1000, s2  }
0x58b: {  	[hbm4b:s22+s4] =	stream.linear.scatter [tilespmem:s23], [sflag:$0x2], $0x400, $0x38;
	[tilespmem:$0x1A200] =	vst v63  }
0x58c: {  	s2 =	sadd.s32 $0x1800, s2;
	s24 =	simm.s32 $0x10600  }
0x58d: {  	[hbm4b:s2+s4] =	stream.linear.scatter [tilespmem:s24], [sflag:$0x2], $0x400, $0x38;
	[tilespmem:$0x1A200] =	vst v63  }
0x58e: {  	s2 =	rddreg [dreg:$0x4]  }
0x58f: {  	s12 =	simm.s32 $0x4A00;
	s2 =	sadd.s32 s1, s2  }
0x590: {  	[hbm4b:s2+s4] =	stream.linear.scatter [tilespmem:s12], [sflag:$0x2], $0x400, $0x38;
	[tilespmem:$0x1A200] =	vst v63  }
0x591: {  	s22 =	simm.s32 $0x8A00;
	s24 =	sadd.s32 $0x800, s2  }
0x592: {  	[hbm4b:s24+s4] =	stream.linear.scatter [tilespmem:s22], [sflag:$0x2], $0x400, $0x38;
	[tilespmem:$0x1A200] =	vst v63  }
.Ltmp15:
0x593: {  	_ = 	snop;
	(pc) =	sbr.rel @!p3 .LBB2_15-.Ltmp15, $4  }
0x594: {  	s23 =	simm.s32 $0xCA00;
	s22 =	sadd.s32 $0x1000, s2  }
0x595: {  	[hbm4b:s22+s4] =	stream.linear.scatter [tilespmem:s23], [sflag:$0x2], $0x400, $0x38;
	[tilespmem:$0x1A200] =	vst v63  }
0x596: {  	s2 =	sadd.s32 $0x1800, s2;
	s24 =	simm.s32 $0x10A00  }
0x597: {  	[hbm4b:s2+s4] =	stream.linear.scatter [tilespmem:s24], [sflag:$0x2], $0x400, $0x38;
	[tilespmem:$0x1A200] =	vst v63  }
0x598: {  	s2 =	sadd.s32 s1, s8;
	s12 =	simm.s32 $0x4E00  }
0x599: {  	[hbm4b:s2+s4] =	stream.linear.scatter [tilespmem:s12], [sflag:$0x2], $0x400, $0x38;
	[tilespmem:$0x1A200] =	vst v63  }
0x59a: {  	s22 =	simm.s32 $0x8E00;
	s24 =	sadd.s32 $0x800, s2  }
0x59b: {  	[hbm4b:s24+s4] =	stream.linear.scatter [tilespmem:s22], [sflag:$0x2], $0x400, $0x38;
	[tilespmem:$0x1A200] =	vst v63  }
.Ltmp16:
0x59c: {  	_ = 	snop;
	(pc) =	sbr.rel @!p4 .LBB2_17-.Ltmp16, $4  }
0x59d: {  	s23 =	simm.s32 $0xCE00;
	s22 =	sadd.s32 $0x1000, s2  }
0x59e: {  	[hbm4b:s22+s4] =	stream.linear.scatter [tilespmem:s23], [sflag:$0x2], $0x400, $0x38;
	[tilespmem:$0x1A200] =	vst v63  }
0x59f: {  	s2 =	sadd.s32 $0x1800, s2;
	s24 =	simm.s32 $0x10E00  }
0x5a0: {  	[hbm4b:s2+s4] =	stream.linear.scatter [tilespmem:s24], [sflag:$0x2], $0x400, $0x38;
	[tilespmem:$0x1A200] =	vst v63  }
0x5a1: {  	s2 =	sadd.s32 s1, s9;
	s12 =	simm.s32 $0x5200  }
0x5a2: {  	[hbm4b:s2+s4] =	stream.linear.scatter [tilespmem:s12], [sflag:$0x2], $0x400, $0x38;
	[tilespmem:$0x1A200] =	vst v63  }
0x5a3: {  	s22 =	simm.s32 $0x9200;
	s24 =	sadd.s32 $0x800, s2  }
0x5a4: {  	[hbm4b:s24+s4] =	stream.linear.scatter [tilespmem:s22], [sflag:$0x2], $0x400, $0x38;
	[tilespmem:$0x1A200] =	vst v63  }
0x5a5: {  	s23 =	sadd.s32 $0x1000, s2;
	s24 =	simm.s32 $0xD200  }
0x5a6: {  	[hbm4b:s23+s4] =	stream.linear.scatter [tilespmem:s24], [sflag:$0x2], $0x400, $0x38;
	[tilespmem:$0x1A200] =	vst v63  }
0x5a7: {  	s24 =	sld [smem:$0x7F6];
	_ =	sdelay $0x2  }
0x5a8: {  	p5 =	seq.s32 s24, $0x1  }
.Ltmp17:
0x5a9: {  	_ = 	snop;
	(pc) =	sbr.rel @!p5 .LBB2_19-.Ltmp17, $3  }
0x5aa: {  	_ =	sdelay $0x1  }
0x5ab: {  	s2 =	sadd.s32 $0x1800, s2;
	s23 =	simm.s32 $0x11200  }
0x5ac: {  	[hbm4b:s2+s4] =	stream.linear.scatter [tilespmem:s23], [sflag:$0x2], $0x400, $0x38;
	[tilespmem:$0x1A200] =	vst v63  }
0x5ad: {  	s2 =	sadd.s32 s1, s11;
	s12 =	simm.s32 $0x5600  }
0x5ae: {  	[hbm4b:s2+s4] =	stream.linear.scatter [tilespmem:s12], [sflag:$0x2], $0x400, $0x38;
	[tilespmem:$0x1A200] =	vst v63  }
0x5af: {  	s22 =	simm.s32 $0x9600;
	s24 =	sadd.s32 $0x800, s2  }
0x5b0: {  	[hbm4b:s24+s4] =	stream.linear.scatter [tilespmem:s22], [sflag:$0x2], $0x400, $0x38;
	[tilespmem:$0x1A200] =	vst v63  }
0x5b1: {  	s23 =	sadd.s32 $0x1000, s2;
	s24 =	simm.s32 $0xD600  }
0x5b2: {  	[hbm4b:s23+s4] =	stream.linear.scatter [tilespmem:s24], [sflag:$0x2], $0x400, $0x38;
	[tilespmem:$0x1A200] =	vst v63  }
0x5b3: {  	s24 =	sld [smem:$0x7F7];
	_ =	sdelay $0x2  }
0x5b4: {  	p5 =	seq.s32 s24, $0x1  }
.Ltmp18:
0x5b5: {  	_ = 	snop;
	(pc) =	sbr.rel @!p5 .LBB2_21-.Ltmp18, $3  }
0x5b6: {  	_ =	sdelay $0x1  }
0x5b7: {  	s2 =	sadd.s32 $0x1800, s2;
	s23 =	simm.s32 $0x11600  }
0x5b8: {  	[hbm4b:s2+s4] =	stream.linear.scatter [tilespmem:s23], [sflag:$0x2], $0x400, $0x38;
	[tilespmem:$0x1A200] =	vst v63  }
0x5b9: {  	s2 =	sadd.s32 s1, s13;
	s12 =	simm.s32 $0x5A00  }
0x5ba: {  	[hbm4b:s2+s4] =	stream.linear.scatter [tilespmem:s12], [sflag:$0x2], $0x400, $0x38;
	[tilespmem:$0x1A200] =	vst v63  }
0x5bb: {  	s22 =	simm.s32 $0x9A00;
	s24 =	sadd.s32 $0x800, s2  }
0x5bc: {  	[hbm4b:s24+s4] =	stream.linear.scatter [tilespmem:s22], [sflag:$0x2], $0x400, $0x38;
	[tilespmem:$0x1A200] =	vst v63  }
0x5bd: {  	s23 =	sadd.s32 $0x1000, s2;
	s24 =	simm.s32 $0xDA00  }
0x5be: {  	[hbm4b:s23+s4] =	stream.linear.scatter [tilespmem:s24], [sflag:$0x2], $0x400, $0x38;
	[tilespmem:$0x1A200] =	vst v63  }
0x5bf: {  	s24 =	sld [smem:$0x7F8];
	_ =	sdelay $0x2  }
0x5c0: {  	p5 =	seq.s32 s24, $0x1  }
.Ltmp19:
0x5c1: {  	_ = 	snop;
	(pc) =	sbr.rel @!p5 .LBB2_23-.Ltmp19, $3  }
0x5c2: {  	_ =	sdelay $0x1  }
0x5c3: {  	s2 =	sadd.s32 $0x1800, s2;
	s23 =	simm.s32 $0x11A00  }
0x5c4: {  	[hbm4b:s2+s4] =	stream.linear.scatter [tilespmem:s23], [sflag:$0x2], $0x400, $0x38;
	[tilespmem:$0x1A200] =	vst v63  }
0x5c5: {  	s2 =	sadd.s32 s1, s14;
	s12 =	simm.s32 $0x5E00  }
0x5c6: {  	[hbm4b:s2+s4] =	stream.linear.scatter [tilespmem:s12], [sflag:$0x2], $0x400, $0x38;
	[tilespmem:$0x1A200] =	vst v63  }
0x5c7: {  	s22 =	simm.s32 $0x9E00;
	s24 =	sadd.s32 $0x800, s2  }
0x5c8: {  	[hbm4b:s24+s4] =	stream.linear.scatter [tilespmem:s22], [sflag:$0x2], $0x400, $0x38;
	[tilespmem:$0x1A200] =	vst v63  }
0x5c9: {  	s23 =	sadd.s32 $0x1000, s2;
	s24 =	simm.s32 $0xDE00  }
0x5ca: {  	[hbm4b:s23+s4] =	stream.linear.scatter [tilespmem:s24], [sflag:$0x2], $0x400, $0x38;
	[tilespmem:$0x1A200] =	vst v63  }
0x5cb: {  	s24 =	sld [smem:$0x7F9];
	_ =	sdelay $0x2  }
0x5cc: {  	p5 =	seq.s32 s24, $0x1  }
.Ltmp20:
0x5cd: {  	_ = 	snop;
	(pc) =	sbr.rel @!p5 .LBB2_25-.Ltmp20, $3  }
0x5ce: {  	_ =	sdelay $0x1  }
0x5cf: {  	s2 =	sadd.s32 $0x1800, s2;
	s23 =	simm.s32 $0x11E00  }
0x5d0: {  	[hbm4b:s2+s4] =	stream.linear.scatter [tilespmem:s23], [sflag:$0x2], $0x400, $0x38;
	[tilespmem:$0x1A200] =	vst v63  }
0x5d1: {  	s2 =	sadd.s32 s1, s15;
	s12 =	simm.s32 $0x6200  }
0x5d2: {  	[hbm4b:s2+s4] =	stream.linear.scatter [tilespmem:s12], [sflag:$0x2], $0x400, $0x38;
	[tilespmem:$0x1A200] =	vst v63  }
0x5d3: {  	s22 =	simm.s32 $0xA200;
	s24 =	sadd.s32 $0x800, s2  }
0x5d4: {  	[hbm4b:s24+s4] =	stream.linear.scatter [tilespmem:s22], [sflag:$0x2], $0x400, $0x38;
	[tilespmem:$0x1A200] =	vst v63  }
0x5d5: {  	s23 =	sadd.s32 $0x1000, s2;
	s24 =	simm.s32 $0xE200  }
0x5d6: {  	[hbm4b:s23+s4] =	stream.linear.scatter [tilespmem:s24], [sflag:$0x2], $0x400, $0x38;
	[tilespmem:$0x1A200] =	vst v63  }
0x5d7: {  	s24 =	sld [smem:$0x7FA];
	_ =	sdelay $0x2  }
0x5d8: {  	p5 =	seq.s32 s24, $0x1  }
.Ltmp21:
0x5d9: {  	_ = 	snop;
	(pc) =	sbr.rel @!p5 .LBB2_27-.Ltmp21, $3  }
0x5da: {  	_ =	sdelay $0x1  }
0x5db: {  	s2 =	sadd.s32 $0x1800, s2;
	s23 =	simm.s32 $0x12200  }
0x5dc: {  	[hbm4b:s2+s4] =	stream.linear.scatter [tilespmem:s23], [sflag:$0x2], $0x400, $0x38;
	[tilespmem:$0x1A200] =	vst v63  }
0x5dd: {  	s2 =	sadd.s32 s1, s16;
	s12 =	simm.s32 $0x6600  }
0x5de: {  	[hbm4b:s2+s4] =	stream.linear.scatter [tilespmem:s12], [sflag:$0x2], $0x400, $0x38;
	[tilespmem:$0x1A200] =	vst v63  }
0x5df: {  	s22 =	simm.s32 $0xA600;
	s24 =	sadd.s32 $0x800, s2  }
0x5e0: {  	[hbm4b:s24+s4] =	stream.linear.scatter [tilespmem:s22], [sflag:$0x2], $0x400, $0x38;
	[tilespmem:$0x1A200] =	vst v63  }
0x5e1: {  	s23 =	sadd.s32 $0x1000, s2;
	s24 =	simm.s32 $0xE600  }
0x5e2: {  	[hbm4b:s23+s4] =	stream.linear.scatter [tilespmem:s24], [sflag:$0x2], $0x400, $0x38;
	[tilespmem:$0x1A200] =	vst v63  }
0x5e3: {  	s24 =	sld [smem:$0x7FB];
	_ =	sdelay $0x2  }
0x5e4: {  	p5 =	seq.s32 s24, $0x1  }
.Ltmp22:
0x5e5: {  	_ = 	snop;
	(pc) =	sbr.rel @!p5 .LBB2_29-.Ltmp22, $3  }
0x5e6: {  	_ =	sdelay $0x1  }
0x5e7: {  	s2 =	sadd.s32 $0x1800, s2;
	s23 =	simm.s32 $0x12600  }
0x5e8: {  	[hbm4b:s2+s4] =	stream.linear.scatter [tilespmem:s23], [sflag:$0x2], $0x400, $0x38;
	[tilespmem:$0x1A200] =	vst v63  }
0x5e9: {  	s2 =	sadd.s32 s1, s17;
	s12 =	simm.s32 $0x6A00  }
0x5ea: {  	[hbm4b:s2+s4] =	stream.linear.scatter [tilespmem:s12], [sflag:$0x2], $0x400, $0x38;
	[tilespmem:$0x1A200] =	vst v63  }
0x5eb: {  	s22 =	simm.s32 $0xAA00;
	s24 =	sadd.s32 $0x800, s2  }
0x5ec: {  	[hbm4b:s24+s4] =	stream.linear.scatter [tilespmem:s22], [sflag:$0x2], $0x400, $0x38;
	[tilespmem:$0x1A200] =	vst v63  }
0x5ed: {  	s23 =	sadd.s32 $0x1000, s2;
	s24 =	simm.s32 $0xEA00  }
0x5ee: {  	[hbm4b:s23+s4] =	stream.linear.scatter [tilespmem:s24], [sflag:$0x2], $0x400, $0x38;
	[tilespmem:$0x1A200] =	vst v63  }
0x5ef: {  	s24 =	sld [smem:$0x7FC];
	_ =	sdelay $0x2  }
0x5f0: {  	p5 =	seq.s32 s24, $0x1  }
.Ltmp23:
0x5f1: {  	_ = 	snop;
	(pc) =	sbr.rel @!p5 .LBB2_31-.Ltmp23, $3  }
0x5f2: {  	_ =	sdelay $0x1  }
0x5f3: {  	s2 =	sadd.s32 $0x1800, s2;
	s23 =	simm.s32 $0x12A00  }
0x5f4: {  	[hbm4b:s2+s4] =	stream.linear.scatter [tilespmem:s23], [sflag:$0x2], $0x400, $0x38;
	[tilespmem:$0x1A200] =	vst v63  }
0x5f5: {  	s2 =	sadd.s32 s1, s18;
	s12 =	simm.s32 $0x6E00  }
0x5f6: {  	[hbm4b:s2+s4] =	stream.linear.scatter [tilespmem:s12], [sflag:$0x2], $0x400, $0x38;
	[tilespmem:$0x1A200] =	vst v63  }
0x5f7: {  	s22 =	simm.s32 $0xAE00;
	s24 =	sadd.s32 $0x800, s2  }
0x5f8: {  	[hbm4b:s24+s4] =	stream.linear.scatter [tilespmem:s22], [sflag:$0x2], $0x400, $0x38;
	[tilespmem:$0x1A200] =	vst v63  }
0x5f9: {  	s23 =	sadd.s32 $0x1000, s2;
	s24 =	simm.s32 $0xEE00  }
0x5fa: {  	[hbm4b:s23+s4] =	stream.linear.scatter [tilespmem:s24], [sflag:$0x2], $0x400, $0x38;
	[tilespmem:$0x1A200] =	vst v63  }
0x5fb: {  	s24 =	sld [smem:$0x7FD];
	_ =	sdelay $0x2  }
0x5fc: {  	p5 =	seq.s32 s24, $0x1  }
.Ltmp24:
0x5fd: {  	_ = 	snop;
	(pc) =	sbr.rel @!p5 .LBB2_32-.Ltmp24, $3  }
0x5fe: {  	_ =	sdelay $0x1  }
0x5ff: {  	s2 =	sadd.s32 $0x1800, s2;
	s23 =	simm.s32 $0x12E00  }
0x600: {  	[hbm4b:s2+s4] =	stream.linear.scatter [tilespmem:s23], [sflag:$0x2], $0x400, $0x38;
	[tilespmem:$0x1A200] =	vst v63  }
.Ltmp25:
0x601: {  	(pc) =	sbr.rel .LBB2_35-.Ltmp25, $3  }
0x602: {  	_ =	sdelay $0x1  }
0x603: {  	s2 =	simm.s32 $0x13200;
	s23 =	simm.s32 $0xF200  }
0x604: {  	s12 =	simm.s32 $0xB200;
	s24 =	simm.s32 $0x7200;
	s22 =	smov.u32 s19  }
.LBB2_41:
0x605: {  	s1 =	rddreg [dreg:$0x3]  }
0x606: {  	s2 =	simm.s32 $0x4600;
	s1 =	sadd.s32 s0, s1  }
0x607: {  	[hbm4b:s1+s4] =	stream.linear.scatter [tilespmem:s2], [sflag:$0x2], $0x400, $0x38;
	[tilespmem:$0x1A200] =	vst v63  }
0x608: {  	s12 =	simm.s32 $0x8600;
	s24 =	sadd.s32 $0x800, s1  }
0x609: {  	[hbm4b:s24+s4] =	stream.linear.scatter [tilespmem:s12], [sflag:$0x2], $0x400, $0x38;
	[tilespmem:$0x1A200] =	vst v63  }
.Ltmp26:
0x60a: {  	_ = 	snop;
	(pc) =	sbr.rel @!p2 .LBB2_42-.Ltmp26, $4  }
0x60b: {  	s23 =	simm.s32 $0xC600;
	s22 =	sadd.s32 $0x1000, s1  }
0x60c: {  	[hbm4b:s22+s4] =	stream.linear.scatter [tilespmem:s23], [sflag:$0x2], $0x400, $0x38;
	[tilespmem:$0x1A200] =	vst v63  }
0x60d: {  	s1 =	sadd.s32 $0x1800, s1;
	s24 =	simm.s32 $0x10600  }
0x60e: {  	[hbm4b:s1+s4] =	stream.linear.scatter [tilespmem:s24], [sflag:$0x2], $0x400, $0x38;
	[tilespmem:$0x1A200] =	vst v63  }
0x60f: {  	s1 =	rddreg [dreg:$0x4]  }
0x610: {  	s2 =	simm.s32 $0x4A00;
	s1 =	sadd.s32 s0, s1  }
0x611: {  	[hbm4b:s1+s4] =	stream.linear.scatter [tilespmem:s2], [sflag:$0x2], $0x400, $0x38;
	[tilespmem:$0x1A200] =	vst v63  }
0x612: {  	s12 =	simm.s32 $0x8A00;
	s24 =	sadd.s32 $0x800, s1  }
0x613: {  	[hbm4b:s24+s4] =	stream.linear.scatter [tilespmem:s12], [sflag:$0x2], $0x400, $0x38;
	[tilespmem:$0x1A200] =	vst v63  }
.Ltmp27:
0x614: {  	_ = 	snop;
	(pc) =	sbr.rel @!p3 .LBB2_44-.Ltmp27, $4  }
0x615: {  	s23 =	simm.s32 $0xCA00;
	s22 =	sadd.s32 $0x1000, s1  }
0x616: {  	[hbm4b:s22+s4] =	stream.linear.scatter [tilespmem:s23], [sflag:$0x2], $0x400, $0x38;
	[tilespmem:$0x1A200] =	vst v63  }
0x617: {  	s1 =	sadd.s32 $0x1800, s1;
	s24 =	simm.s32 $0x10A00  }
0x618: {  	[hbm4b:s1+s4] =	stream.linear.scatter [tilespmem:s24], [sflag:$0x2], $0x400, $0x38;
	[tilespmem:$0x1A200] =	vst v63  }
0x619: {  	s1 =	sadd.s32 s0, s8;
	s2 =	simm.s32 $0x4E00  }
0x61a: {  	[hbm4b:s1+s4] =	stream.linear.scatter [tilespmem:s2], [sflag:$0x2], $0x400, $0x38;
	[tilespmem:$0x1A200] =	vst v63  }
0x61b: {  	s12 =	simm.s32 $0x8E00;
	s24 =	sadd.s32 $0x800, s1  }
0x61c: {  	[hbm4b:s24+s4] =	stream.linear.scatter [tilespmem:s12], [sflag:$0x2], $0x400, $0x38;
	[tilespmem:$0x1A200] =	vst v63  }
.Ltmp28:
0x61d: {  	_ = 	snop;
	(pc) =	sbr.rel @!p4 .LBB2_46-.Ltmp28, $4  }
0x61e: {  	s23 =	simm.s32 $0xCE00;
	s22 =	sadd.s32 $0x1000, s1  }
0x61f: {  	[hbm4b:s22+s4] =	stream.linear.scatter [tilespmem:s23], [sflag:$0x2], $0x400, $0x38;
	[tilespmem:$0x1A200] =	vst v63  }
0x620: {  	s1 =	sadd.s32 $0x1800, s1;
	s24 =	simm.s32 $0x10E00  }
0x621: {  	[hbm4b:s1+s4] =	stream.linear.scatter [tilespmem:s24], [sflag:$0x2], $0x400, $0x38;
	[tilespmem:$0x1A200] =	vst v63  }
0x622: {  	s1 =	sadd.s32 s0, s9;
	s2 =	simm.s32 $0x5200  }
0x623: {  	[hbm4b:s1+s4] =	stream.linear.scatter [tilespmem:s2], [sflag:$0x2], $0x400, $0x38;
	[tilespmem:$0x1A200] =	vst v63  }
0x624: {  	s12 =	simm.s32 $0x9200;
	s24 =	sadd.s32 $0x800, s1  }
0x625: {  	[hbm4b:s24+s4] =	stream.linear.scatter [tilespmem:s12], [sflag:$0x2], $0x400, $0x38;
	[tilespmem:$0x1A200] =	vst v63  }
0x626: {  	s24 =	sld [smem:$0x7F6];
	_ =	sdelay $0x2  }
0x627: {  	p5 =	seq.s32 s24, $0x1  }
.Ltmp29:
0x628: {  	_ = 	snop;
	(pc) =	sbr.rel @!p5 .LBB2_48-.Ltmp29, $4  }
0x629: {  	s22 =	simm.s32 $0xD200;
	s12 =	sadd.s32 $0x1000, s1  }
0x62a: {  	[hbm4b:s12+s4] =	stream.linear.scatter [tilespmem:s22], [sflag:$0x2], $0x400, $0x38;
	[tilespmem:$0x1A200] =	vst v63  }
0x62b: {  	s23 =	simm.s32 $0x11200;
	s1 =	sadd.s32 $0x1800, s1  }
0x62c: {  	[hbm4b:s1+s4] =	stream.linear.scatter [tilespmem:s23], [sflag:$0x2], $0x400, $0x38;
	[tilespmem:$0x1A200] =	vst v63  }
0x62d: {  	s1 =	sadd.s32 s0, s11;
	s2 =	simm.s32 $0x5600  }
0x62e: {  	[hbm4b:s1+s4] =	stream.linear.scatter [tilespmem:s2], [sflag:$0x2], $0x400, $0x38;
	[tilespmem:$0x1A200] =	vst v63  }
0x62f: {  	s12 =	simm.s32 $0x9600;
	s24 =	sadd.s32 $0x800, s1  }
0x630: {  	[hbm4b:s24+s4] =	stream.linear.scatter [tilespmem:s12], [sflag:$0x2], $0x400, $0x38;
	[tilespmem:$0x1A200] =	vst v63  }
0x631: {  	s24 =	sld [smem:$0x7F7];
	_ =	sdelay $0x2  }
0x632: {  	p5 =	seq.s32 s24, $0x1  }
.Ltmp30:
0x633: {  	_ = 	snop;
	(pc) =	sbr.rel @!p5 .LBB2_50-.Ltmp30, $4  }
0x634: {  	s22 =	simm.s32 $0xD600;
	s12 =	sadd.s32 $0x1000, s1  }
0x635: {  	[hbm4b:s12+s4] =	stream.linear.scatter [tilespmem:s22], [sflag:$0x2], $0x400, $0x38;
	[tilespmem:$0x1A200] =	vst v63  }
0x636: {  	s23 =	simm.s32 $0x11600;
	s1 =	sadd.s32 $0x1800, s1  }
0x637: {  	[hbm4b:s1+s4] =	stream.linear.scatter [tilespmem:s23], [sflag:$0x2], $0x400, $0x38;
	[tilespmem:$0x1A200] =	vst v63  }
0x638: {  	s1 =	sadd.s32 s0, s13;
	s2 =	simm.s32 $0x5A00  }
0x639: {  	[hbm4b:s1+s4] =	stream.linear.scatter [tilespmem:s2], [sflag:$0x2], $0x400, $0x38;
	[tilespmem:$0x1A200] =	vst v63  }
0x63a: {  	s12 =	simm.s32 $0x9A00;
	s24 =	sadd.s32 $0x800, s1  }
0x63b: {  	[hbm4b:s24+s4] =	stream.linear.scatter [tilespmem:s12], [sflag:$0x2], $0x400, $0x38;
	[tilespmem:$0x1A200] =	vst v63  }
0x63c: {  	s24 =	sld [smem:$0x7F8];
	_ =	sdelay $0x2  }
0x63d: {  	p5 =	seq.s32 s24, $0x1  }
.Ltmp31:
0x63e: {  	_ = 	snop;
	(pc) =	sbr.rel @!p5 .LBB2_52-.Ltmp31, $4  }
0x63f: {  	s22 =	simm.s32 $0xDA00;
	s12 =	sadd.s32 $0x1000, s1  }
0x640: {  	[hbm4b:s12+s4] =	stream.linear.scatter [tilespmem:s22], [sflag:$0x2], $0x400, $0x38;
	[tilespmem:$0x1A200] =	vst v63  }
0x641: {  	s23 =	simm.s32 $0x11A00;
	s1 =	sadd.s32 $0x1800, s1  }
0x642: {  	[hbm4b:s1+s4] =	stream.linear.scatter [tilespmem:s23], [sflag:$0x2], $0x400, $0x38;
	[tilespmem:$0x1A200] =	vst v63  }
0x643: {  	s1 =	sadd.s32 s0, s14;
	s2 =	simm.s32 $0x5E00  }
0x644: {  	[hbm4b:s1+s4] =	stream.linear.scatter [tilespmem:s2], [sflag:$0x2], $0x400, $0x38;
	[tilespmem:$0x1A200] =	vst v63  }
0x645: {  	s12 =	simm.s32 $0x9E00;
	s24 =	sadd.s32 $0x800, s1  }
0x646: {  	[hbm4b:s24+s4] =	stream.linear.scatter [tilespmem:s12], [sflag:$0x2], $0x400, $0x38;
	[tilespmem:$0x1A200] =	vst v63  }
0x647: {  	s24 =	sld [smem:$0x7F9];
	_ =	sdelay $0x2  }
0x648: {  	p5 =	seq.s32 s24, $0x1  }
.Ltmp32:
0x649: {  	_ = 	snop;
	(pc) =	sbr.rel @!p5 .LBB2_54-.Ltmp32, $4  }
0x64a: {  	s22 =	simm.s32 $0xDE00;
	s12 =	sadd.s32 $0x1000, s1  }
0x64b: {  	[hbm4b:s12+s4] =	stream.linear.scatter [tilespmem:s22], [sflag:$0x2], $0x400, $0x38;
	[tilespmem:$0x1A200] =	vst v63  }
0x64c: {  	s23 =	simm.s32 $0x11E00;
	s1 =	sadd.s32 $0x1800, s1  }
0x64d: {  	[hbm4b:s1+s4] =	stream.linear.scatter [tilespmem:s23], [sflag:$0x2], $0x400, $0x38;
	[tilespmem:$0x1A200] =	vst v63  }
0x64e: {  	s1 =	sadd.s32 s0, s15;
	s2 =	simm.s32 $0x6200  }
0x64f: {  	[hbm4b:s1+s4] =	stream.linear.scatter [tilespmem:s2], [sflag:$0x2], $0x400, $0x38;
	[tilespmem:$0x1A200] =	vst v63  }
0x650: {  	s12 =	simm.s32 $0xA200;
	s24 =	sadd.s32 $0x800, s1  }
0x651: {  	[hbm4b:s24+s4] =	stream.linear.scatter [tilespmem:s12], [sflag:$0x2], $0x400, $0x38;
	[tilespmem:$0x1A200] =	vst v63  }
0x652: {  	s24 =	sld [smem:$0x7FA];
	_ =	sdelay $0x2  }
0x653: {  	p5 =	seq.s32 s24, $0x1  }
.Ltmp33:
0x654: {  	_ = 	snop;
	(pc) =	sbr.rel @!p5 .LBB2_56-.Ltmp33, $4  }
0x655: {  	s22 =	simm.s32 $0xE200;
	s12 =	sadd.s32 $0x1000, s1  }
0x656: {  	[hbm4b:s12+s4] =	stream.linear.scatter [tilespmem:s22], [sflag:$0x2], $0x400, $0x38;
	[tilespmem:$0x1A200] =	vst v63  }
0x657: {  	s23 =	simm.s32 $0x12200;
	s1 =	sadd.s32 $0x1800, s1  }
0x658: {  	[hbm4b:s1+s4] =	stream.linear.scatter [tilespmem:s23], [sflag:$0x2], $0x400, $0x38;
	[tilespmem:$0x1A200] =	vst v63  }
0x659: {  	s1 =	sadd.s32 s0, s16;
	s2 =	simm.s32 $0x6600  }
0x65a: {  	[hbm4b:s1+s4] =	stream.linear.scatter [tilespmem:s2], [sflag:$0x2], $0x400, $0x38;
	[tilespmem:$0x1A200] =	vst v63  }
0x65b: {  	s12 =	simm.s32 $0xA600;
	s24 =	sadd.s32 $0x800, s1  }
0x65c: {  	[hbm4b:s24+s4] =	stream.linear.scatter [tilespmem:s12], [sflag:$0x2], $0x400, $0x38;
	[tilespmem:$0x1A200] =	vst v63  }
0x65d: {  	s24 =	sld [smem:$0x7FB];
	_ =	sdelay $0x2  }
0x65e: {  	p5 =	seq.s32 s24, $0x1  }
.Ltmp34:
0x65f: {  	_ = 	snop;
	(pc) =	sbr.rel @!p5 .LBB2_58-.Ltmp34, $4  }
0x660: {  	s22 =	simm.s32 $0xE600;
	s12 =	sadd.s32 $0x1000, s1  }
0x661: {  	[hbm4b:s12+s4] =	stream.linear.scatter [tilespmem:s22], [sflag:$0x2], $0x400, $0x38;
	[tilespmem:$0x1A200] =	vst v63  }
0x662: {  	s23 =	simm.s32 $0x12600;
	s1 =	sadd.s32 $0x1800, s1  }
0x663: {  	[hbm4b:s1+s4] =	stream.linear.scatter [tilespmem:s23], [sflag:$0x2], $0x400, $0x38;
	[tilespmem:$0x1A200] =	vst v63  }
0x664: {  	s1 =	sadd.s32 s0, s17;
	s2 =	simm.s32 $0x6A00  }
0x665: {  	[hbm4b:s1+s4] =	stream.linear.scatter [tilespmem:s2], [sflag:$0x2], $0x400, $0x38;
	[tilespmem:$0x1A200] =	vst v63  }
0x666: {  	s12 =	simm.s32 $0xAA00;
	s24 =	sadd.s32 $0x800, s1  }
0x667: {  	[hbm4b:s24+s4] =	stream.linear.scatter [tilespmem:s12], [sflag:$0x2], $0x400, $0x38;
	[tilespmem:$0x1A200] =	vst v63  }
0x668: {  	s24 =	sld [smem:$0x7FC];
	_ =	sdelay $0x2  }
0x669: {  	p5 =	seq.s32 s24, $0x1  }
.Ltmp35:
0x66a: {  	_ = 	snop;
	(pc) =	sbr.rel @!p5 .LBB2_60-.Ltmp35, $4  }
0x66b: {  	s22 =	simm.s32 $0xEA00;
	s12 =	sadd.s32 $0x1000, s1  }
0x66c: {  	[hbm4b:s12+s4] =	stream.linear.scatter [tilespmem:s22], [sflag:$0x2], $0x400, $0x38;
	[tilespmem:$0x1A200] =	vst v63  }
0x66d: {  	s23 =	simm.s32 $0x12A00;
	s1 =	sadd.s32 $0x1800, s1  }
0x66e: {  	[hbm4b:s1+s4] =	stream.linear.scatter [tilespmem:s23], [sflag:$0x2], $0x400, $0x38;
	[tilespmem:$0x1A200] =	vst v63  }
0x66f: {  	s1 =	sadd.s32 s0, s18;
	s2 =	simm.s32 $0x6E00  }
0x670: {  	[hbm4b:s1+s4] =	stream.linear.scatter [tilespmem:s2], [sflag:$0x2], $0x400, $0x38;
	[tilespmem:$0x1A200] =	vst v63  }
0x671: {  	s12 =	simm.s32 $0xAE00;
	s24 =	sadd.s32 $0x800, s1  }
0x672: {  	[hbm4b:s24+s4] =	stream.linear.scatter [tilespmem:s12], [sflag:$0x2], $0x400, $0x38;
	[tilespmem:$0x1A200] =	vst v63  }
0x673: {  	s24 =	sld [smem:$0x7FD];
	_ =	sdelay $0x2  }
0x674: {  	p5 =	seq.s32 s24, $0x1  }
.Ltmp36:
0x675: {  	_ = 	snop;
	(pc) =	sbr.rel @!p5 .LBB2_61-.Ltmp36, $4  }
0x676: {  	s22 =	simm.s32 $0xEE00;
	s12 =	sadd.s32 $0x1000, s1  }
0x677: {  	[hbm4b:s12+s4] =	stream.linear.scatter [tilespmem:s22], [sflag:$0x2], $0x400, $0x38;
	[tilespmem:$0x1A200] =	vst v63  }
0x678: {  	s23 =	simm.s32 $0x12E00;
	s1 =	sadd.s32 $0x1800, s1  }
0x679: {  	[hbm4b:s1+s4] =	stream.linear.scatter [tilespmem:s23], [sflag:$0x2], $0x400, $0x38;
	[tilespmem:$0x1A200] =	vst v63  }
.Ltmp37:
0x67a: {  	(pc) =	sbr.rel .LBB2_64-.Ltmp37, $3  }
0x67b: {  	_ =	sdelay $0x1  }
0x67c: {  	s1 =	simm.s32 $0x13200;
	s2 =	simm.s32 $0xF200  }
0x67d: {  	s12 =	simm.s32 $0xB200;
	s23 =	simm.s32 $0x7200;
	s22 =	smov.u32 s19  }
.LBB2_66:
0x67e: {  	_ =	sfence.sel $0x180000  }
0x67f: {  	[bflag:$0x0] =	sbarrier.arrive $0xFFFF  }
0x680: {  	_ =	strace $0x90000047  }
0x681: {  	s0 =	stileid.u32;
	[bflag:$0x2] =	sbarrier.arrive $0xFFFF  }
0x682: {  	p0 =	sne.s32 s0, $0x0;
	s0 =	rddreg [dreg:$0x2]  }
0x683: {  	s0 =	sadd.s32 @!p0 $0x100000, s0  }
0x684: {  	[sflag:s0] =	ssyncadd.tile.s32 @!p0 $0x1;
	_ =	shalt  }
.Lfunc_end2:
_tile_overlayer_lowered:
.L_overlay_start_2:
0x685: {  	(tag) =	ssettag $0x2  }
0x686: {  	s0 =	rddreg [dreg:$0x0];
	s2 =	stileid.u32  }
0x687: {  	s1 =	rddreg [dreg:$0x1];
	p0 =	sne.s32 s2, $0x0  }
0x688: {  	s3 =	rddreg [dreg:$0x2];
	[bflag:$0x3] =	sbarrier.arrive $0xFFFF;
	s2 =	simm.s32 @!p0 $0x1C03  }
0x689: {  	[timem:s3], [sflag:s2] =	dma.local @!p0 [hbm:s0], s1  }
0x68a: {  	s0 =	simm.s32 @!p0 $0x3  }
0x68b: {  	_ =	swait.ge @!p0 [sflag:s0], s1  }
0x68c: {  	s1 =	ssub.s32 @!p0 $0x0, s1;
	[sflag:s0] =	ssyncset.done @!p0 $0x0  }
0x68d: {  	[sflag:s0] =	ssyncadd.s32 @!p0 s1  }
0x68e: {  	[bflag:$0x3] =	sbarrier.arrive $0xFFFF  }
0x68f: {  	_ =	shalt  }

</sc_bundles>
